<compile_context>
chip_gen: v7x
topology: tpu7x:2x2x1
jax: 0.10.2.dev20260603
libtpu: 0.0.44.dev20260713+nightly
codegen_flags: <defaults>
</compile_context>

<pallas_src>
import functools

import jax
import jax.numpy as jnp
from jax import lax
from jax.experimental import pallas as pl
from jax.experimental.pallas import tpu as pltpu
from jax.experimental.pallas import tpu_sc as plsc

C = 10
NC = 2
NS = 16
NW = NC * NS
ROWS_W = 1024 // NW
RCH = 8
CCH = 512
NCOL = 1024 // CCH
NRC = ROWS_W // RCH

_mesh = plsc.VectorSubcoreMesh(core_axis_name="c", subcore_axis_name="s")


@functools.partial(
    pl.kernel,
    out_type=jax.ShapeDtypeStruct((C, 1024, 1024), jnp.float32),
    mesh=_mesh,
    scratch_types=[
        [pltpu.VMEM((RCH, CCH), jnp.int32)] * 2,
        [pltpu.VMEM((RCH, CCH), jnp.int32)] * 2,
        [pltpu.VMEM((C, RCH, CCH), jnp.float32)] * 2,
        [pltpu.SemaphoreType.DMA] * 2,
        [pltpu.SemaphoreType.DMA] * 2,
    ],
    compiler_params=pltpu.CompilerParams(
        needs_layout_passes=False, disable_bounds_checks=True
    ),
)
def _onehot_sc(x_hbm, zeros_hbm, out_hbm, xins, vbs, obs, insems, outsems):
    wid = lax.axis_index("s") * NC + lax.axis_index("c")
    base_row = wid * ROWS_W

    iota16 = lax.iota(jnp.int32, 16)
    ones = jnp.full((16,), 1.0, jnp.float32)
    zeros = jnp.zeros((16,), jnp.float32)

    def in_slice(i):
        rc = i // NCOL
        cc = i % NCOL
        return x_hbm.at[
            pl.ds(base_row + rc * RCH, RCH), pl.ds(cc * CCH, CCH)
        ]

    def out_slice(i):
        rc = i // NCOL
        cc = i % NCOL
        return out_hbm.at[
            :, pl.ds(base_row + rc * RCH, RCH), pl.ds(cc * CCH, CCH)
        ]

    def start_in(i, b):
        pltpu.make_async_copy(in_slice(i), xins[b], insems[b]).start()

    def wait_in(i, b):
        pltpu.make_async_copy(in_slice(i), xins[b], insems[b]).wait()

    def start_out(i, b):
        pltpu.make_async_copy(obs[b], out_slice(i), outsems[b]).start()

    def wait_out(i, b):
        pltpu.make_async_copy(obs[b], out_slice(i), outsems[b]).wait()

    def ones_pass(b):
        xf = xins[b]
        vb = vbs[b]
        of = obs[b]
        for r in range(RCH):
            row_vec = jnp.full((16,), r, jnp.int32)

            @plsc.parallel_loop(0, CCH // 16, 1, unroll=4, carry=iota16)
            def _sc(j, colv):
                vals = xf[r, pl.ds(j * 16, 16)]
                vb[r, pl.ds(j * 16, 16)] = vals
                plsc.store_scatter(of, [vals, row_vec, colv], ones)
                return colv + 16

    def clean_pass(b):
        vb = vbs[b]
        of = obs[b]
        for r in range(RCH):
            row_vec = jnp.full((16,), r, jnp.int32)

            @plsc.parallel_loop(0, CCH // 16, 1, unroll=4, carry=iota16)
            def _sc(j, colv):
                vals = vb[r, pl.ds(j * 16, 16)]
                plsc.store_scatter(of, [vals, row_vec, colv], zeros)
                return colv + 16

    NCHUNK = NRC * NCOL

    start_in(0, 0)
    start_in(1, 1)
    pltpu.make_async_copy(zeros_hbm, obs[0], outsems[0]).start()
    pltpu.make_async_copy(zeros_hbm, obs[1], outsems[1]).start()

    for b in range(2):
        pltpu.make_async_copy(zeros_hbm, obs[b], outsems[b]).wait()
        wait_in(b, b)
        ones_pass(b)
        start_out(b, b)
        start_in(b + 2, b)

    @pl.loop(1, NRC)
    def _steady(rc):
        for b in range(2):
            i = rc * NCOL + b
            wait_out(i - 2, b)
            clean_pass(b)
            wait_in(i, b)
            ones_pass(b)
            start_out(i, b)
            start_in(jnp.minimum(i + 2, NCHUNK - 1), b)

    wait_in(NCHUNK - 1, 0)
    wait_in(NCHUNK - 1, 1)
    wait_out(NCHUNK - 2, 0)
    wait_out(NCHUNK - 1, 1)


def kernel(x):
    x2d = x.reshape(1024, 1024)
    zeros_stage = jnp.zeros((C, RCH, CCH), jnp.float32)
    out_cm = _onehot_sc(x2d, zeros_stage)
    return out_cm.transpose(1, 2, 0)

# --- scband reference (transcript-rebuilt; emitter-appended) ---
"""Pipeline reference for scband-prior-calculation-78030965834061 (READ-ONLY COPY).

The authoritative reference and input builder live on the scoring server;
editing this copy changes nothing except your own understanding.
"""

import jax, jax.numpy as jnp
import numpy as np


def setup_inputs(seed: int = 0) -> dict:
    key = jax.random.key(seed)
    x = jax.random.randint(key, (1, 1024, 1024), 0, 10, dtype=jnp.int32)
    return {"x": x}


def reference(x):
    # Faithful to PriorCalculation.forward: everything after the first
    # `return x` in the torch code is dead code.
    if x.ndim == 3:
        x = x[0]
    # F.one_hot(x, num_classes=10).float()
    out = jax.nn.one_hot(x, 10, dtype=jnp.float32)
    return out

if __name__ == "__main__":
    import jax
    _d = setup_inputs()
    print(jax.jit(kernel)(*tuple(_d.values())))

</pallas_src>

<mosaic_0001>
#map = affine_map<(d0, d1) -> (0, 0)>
#map1 = affine_map<(d0, d1) -> (0, 0, 0)>
module attributes {stable_mosaic.version = 14 : i64} {
  func.func @_onehot_sc(%arg0: i32, %arg1: i32, %arg2: memref<1024x1024xi32, #tpu.memory_space<hbm>>, %arg3: memref<10x8x512xf32, #tpu.memory_space<hbm>>, %arg4: memref<10x1024x1024xf32, #tpu.memory_space<hbm>>, %arg5: memref<8x512xi32, #tpu.memory_space<vmem>>, %arg6: memref<8x512xi32, #tpu.memory_space<vmem>>, %arg7: memref<8x512xi32, #tpu.memory_space<vmem>>, %arg8: memref<8x512xi32, #tpu.memory_space<vmem>>, %arg9: memref<10x8x512xf32, #tpu.memory_space<vmem>>, %arg10: memref<10x8x512xf32, #tpu.memory_space<vmem>>, %arg11: memref<!tpu.dma_semaphore, #tpu.memory_space<semaphore_mem>>, %arg12: memref<!tpu.dma_semaphore, #tpu.memory_space<semaphore_mem>>, %arg13: memref<!tpu.dma_semaphore, #tpu.memory_space<semaphore_mem>>, %arg14: memref<!tpu.dma_semaphore, #tpu.memory_space<semaphore_mem>>) attributes {dimension_semantics = [#tpu.dimension_semantics<core_parallel>, #tpu.dimension_semantics<subcore_parallel>], iteration_bounds = array<i64: 2, 16>, scalar_prefetch = 0 : i64, scratch_operands = 10 : i64, tpu.core_type = #tpu.core_type<sc_vector_subcore>, window_params = [{transform_indices = #map}, {transform_indices = #map1}, {transform_indices = #map1}]} {
    %mul3A = arith.constant 2 : i32
    %mul3A_0 = arith.muli %arg1, %mul3A : i32
    %add3A = arith.addi %mul3A_0, %arg0 : i32
    %mul3A_1 = arith.constant 32 : i32
    %mul3A_2 = arith.muli %add3A, %mul3A_1 : i32
    %iota3A = tpu.iota {dimensions = array<i32: 0>} : vector<16xi32>
    %broadcast_in_dim3A = arith.constant 1.000000e+00 : f32
    %broadcast_in_dim3A_3 = vector.broadcast %broadcast_in_dim3A : f32 to vector<16xf32>
    %broadcast_in_dim3A_4 = arith.constant 0.000000e+00 : f32
    %broadcast_in_dim3A_5 = vector.broadcast %broadcast_in_dim3A_4 : f32 to vector<16xf32>
    %add3A_6 = arith.constant 0 : i32
    %add3A_7 = arith.addi %mul3A_2, %add3A_6 : i32
    %dma_start3A = arith.constant 0 : i32
    %dma_start3A_8 = tpu.memref_slice %arg2[%add3A_7, %dma_start3A] : memref<1024x1024xi32, #tpu.memory_space<hbm>> -> memref<8x512xi32, #tpu.memory_space<hbm>>
    %dma_start3A_9 = arith.constant 0 : i32
    %dma_start3A_10 = tpu.memref_slice %arg2[%add3A_7, %dma_start3A_9] : memref<1024x1024xi32, #tpu.memory_space<hbm>> -> memref<8x512xi32, #tpu.memory_space<hbm>>
    tpu.enqueue_dma source(%dma_start3A_10 : memref<8x512xi32, #tpu.memory_space<hbm>>) target(%arg5 : memref<8x512xi32, #tpu.memory_space<vmem>>) target_semaphore(%arg11 : memref<!tpu.dma_semaphore, #tpu.memory_space<semaphore_mem>>)
    %add3A_11 = arith.constant 0 : i32
    %add3A_12 = arith.addi %mul3A_2, %add3A_11 : i32
    %dma_start3A_13 = arith.constant 512 : i32
    %dma_start3A_14 = tpu.memref_slice %arg2[%add3A_12, %dma_start3A_13] : memref<1024x1024xi32, #tpu.memory_space<hbm>> -> memref<8x512xi32, #tpu.memory_space<hbm>>
    %dma_start3A_15 = arith.constant 512 : i32
    %dma_start3A_16 = tpu.memref_slice %arg2[%add3A_12, %dma_start3A_15] : memref<1024x1024xi32, #tpu.memory_space<hbm>> -> memref<8x512xi32, #tpu.memory_space<hbm>>
    tpu.enqueue_dma source(%dma_start3A_16 : memref<8x512xi32, #tpu.memory_space<hbm>>) target(%arg6 : memref<8x512xi32, #tpu.memory_space<vmem>>) target_semaphore(%arg12 : memref<!tpu.dma_semaphore, #tpu.memory_space<semaphore_mem>>)
    tpu.enqueue_dma source(%arg3 : memref<10x8x512xf32, #tpu.memory_space<hbm>>) target(%arg9 : memref<10x8x512xf32, #tpu.memory_space<vmem>>) target_semaphore(%arg13 : memref<!tpu.dma_semaphore, #tpu.memory_space<semaphore_mem>>)
    tpu.enqueue_dma source(%arg3 : memref<10x8x512xf32, #tpu.memory_space<hbm>>) target(%arg10 : memref<10x8x512xf32, #tpu.memory_space<vmem>>) target_semaphore(%arg14 : memref<!tpu.dma_semaphore, #tpu.memory_space<semaphore_mem>>)
    tpu.wait_dma2 semaphore(%arg13 : memref<!tpu.dma_semaphore, #tpu.memory_space<semaphore_mem>>) src(%arg3 : memref<10x8x512xf32, #tpu.memory_space<hbm>>) dst(%arg9 : memref<10x8x512xf32, #tpu.memory_space<vmem>>)
    %add3A_17 = arith.constant 0 : i32
    %add3A_18 = arith.addi %mul3A_2, %add3A_17 : i32
    %dma_wait3A = arith.constant 0 : i32
    %dma_wait3A_19 = tpu.memref_slice %arg2[%add3A_18, %dma_wait3A] : memref<1024x1024xi32, #tpu.memory_space<hbm>> -> memref<8x512xi32, #tpu.memory_space<hbm>>
    %dma_wait3A_20 = arith.constant 0 : i32
    %dma_wait3A_21 = tpu.memref_slice %arg2[%add3A_18, %dma_wait3A_20] : memref<1024x1024xi32, #tpu.memory_space<hbm>> -> memref<8x512xi32, #tpu.memory_space<hbm>>
    tpu.wait_dma2 semaphore(%arg11 : memref<!tpu.dma_semaphore, #tpu.memory_space<semaphore_mem>>) src(%dma_wait3A_21 : memref<8x512xi32, #tpu.memory_space<hbm>>) dst(%arg5 : memref<8x512xi32, #tpu.memory_space<vmem>>)
    %broadcast_in_dim3A_22 = arith.constant 0 : i32
    %broadcast_in_dim3A_23 = vector.broadcast %broadcast_in_dim3A_22 : i32 to vector<16xi32>
    %parallel_loop3A = arith.constant 0 : i32
    %parallel_loop3A_24 = arith.constant 32 : i32
    %parallel_loop3A_25 = arith.constant 1 : i32
    %parallel_loop3A_26 = scf.for %parallel_loop3A_183 = %parallel_loop3A to %parallel_loop3A_24 step %parallel_loop3A_25 iter_args(%parallel_loop3A_184 = %iota3A) -> (vector<16xi32>)  : i32 {
      %parallel_loop3A_185 = arith.constant 16 : i32
      %parallel_loop3A_186 = arith.muli %parallel_loop3A_183, %parallel_loop3A_185 : i32
      %parallel_loop3A_187 = arith.constant 0 : i32
      %parallel_loop3A_188 = arith.index_cast %parallel_loop3A_187 : i32 to index
      %parallel_loop3A_189 = arith.index_cast %parallel_loop3A_186 : i32 to index
      %parallel_loop3A_190 = tpu.vector_load %arg5[%parallel_loop3A_188, %parallel_loop3A_189] {strides = array<i32>} : memref<8x512xi32, #tpu.memory_space<vmem>>, vector<16xi32>,
      %parallel_loop3A_191 = arith.constant 16 : i32
      %parallel_loop3A_192 = arith.muli %parallel_loop3A_183, %parallel_loop3A_191 : i32
      %parallel_loop3A_193 = arith.constant 0 : i32
      %parallel_loop3A_194 = arith.index_cast %parallel_loop3A_193 : i32 to index
      %parallel_loop3A_195 = arith.index_cast %parallel_loop3A_192 : i32 to index
      %parallel_loop3A_196 = tpu.vector_load %arg7[%parallel_loop3A_194, %parallel_loop3A_195] {strides = array<i32>} : memref<8x512xi32, #tpu.memory_space<vmem>>, vector<16xi32>,
      tpu.vector_store %arg7[%parallel_loop3A_194, %parallel_loop3A_195], %parallel_loop3A_190 {strides = array<i32>} : memref<8x512xi32, #tpu.memory_space<vmem>>, vector<16xi32>,
      tpu.vector_store_idx %arg9[%parallel_loop3A_190, %broadcast_in_dim3A_23, %parallel_loop3A_184], %broadcast_in_dim3A_3 : memref<10x8x512xf32, #tpu.memory_space<vmem>>[vector<16xi32>, vector<16xi32>, vector<16xi32>], vector<16xf32>,
      %parallel_loop3A_197 = arith.constant 16 : i32
      %parallel_loop3A_198 = vector.broadcast %parallel_loop3A_197 : i32 to vector<16xi32>
      %parallel_loop3A_199 = arith.addi %parallel_loop3A_184, %parallel_loop3A_198 : vector<16xi32>
      scf.yield %parallel_loop3A_199 : vector<16xi32>
    } {sc.loop_unroll_factor = 4 : i64, sc.parallel_access}
    %broadcast_in_dim3A_27 = arith.constant 1 : i32
    %broadcast_in_dim3A_28 = vector.broadcast %broadcast_in_dim3A_27 : i32 to vector<16xi32>
    %parallel_loop3A_29 = arith.constant 0 : i32
    %parallel_loop3A_30 = arith.constant 32 : i32
    %parallel_loop3A_31 = arith.constant 1 : i32
    %parallel_loop3A_32 = scf.for %parallel_loop3A_183 = %parallel_loop3A_29 to %parallel_loop3A_30 step %parallel_loop3A_31 iter_args(%parallel_loop3A_184 = %iota3A) -> (vector<16xi32>)  : i32 {
      %parallel_loop3A_185 = arith.constant 16 : i32
      %parallel_loop3A_186 = arith.muli %parallel_loop3A_183, %parallel_loop3A_185 : i32
      %parallel_loop3A_187 = arith.constant 1 : i32
      %parallel_loop3A_188 = arith.index_cast %parallel_loop3A_187 : i32 to index
      %parallel_loop3A_189 = arith.index_cast %parallel_loop3A_186 : i32 to index
      %parallel_loop3A_190 = tpu.vector_load %arg5[%parallel_loop3A_188, %parallel_loop3A_189] {strides = array<i32>} : memref<8x512xi32, #tpu.memory_space<vmem>>, vector<16xi32>,
      %parallel_loop3A_191 = arith.constant 16 : i32
      %parallel_loop3A_192 = arith.muli %parallel_loop3A_183, %parallel_loop3A_191 : i32
      %parallel_loop3A_193 = arith.constant 1 : i32
      %parallel_loop3A_194 = arith.index_cast %parallel_loop3A_193 : i32 to index
      %parallel_loop3A_195 = arith.index_cast %parallel_loop3A_192 : i32 to index
      %parallel_loop3A_196 = tpu.vector_load %arg7[%parallel_loop3A_194, %parallel_loop3A_195] {strides = array<i32>} : memref<8x512xi32, #tpu.memory_space<vmem>>, vector<16xi32>,
      tpu.vector_store %arg7[%parallel_loop3A_194, %parallel_loop3A_195], %parallel_loop3A_190 {strides = array<i32>} : memref<8x512xi32, #tpu.memory_space<vmem>>, vector<16xi32>,
      tpu.vector_store_idx %arg9[%parallel_loop3A_190, %broadcast_in_dim3A_28, %parallel_loop3A_184], %broadcast_in_dim3A_3 : memref<10x8x512xf32, #tpu.memory_space<vmem>>[vector<16xi32>, vector<16xi32>, vector<16xi32>], vector<16xf32>,
      %parallel_loop3A_197 = arith.constant 16 : i32
      %parallel_loop3A_198 = vector.broadcast %parallel_loop3A_197 : i32 to vector<16xi32>
      %parallel_loop3A_199 = arith.addi %parallel_loop3A_184, %parallel_loop3A_198 : vector<16xi32>
      scf.yield %parallel_loop3A_199 : vector<16xi32>
    } {sc.loop_unroll_factor = 4 : i64, sc.parallel_access}
    %broadcast_in_dim3A_33 = arith.constant 2 : i32
    %broadcast_in_dim3A_34 = vector.broadcast %broadcast_in_dim3A_33 : i32 to vector<16xi32>
    %parallel_loop3A_35 = arith.constant 0 : i32
    %parallel_loop3A_36 = arith.constant 32 : i32
    %parallel_loop3A_37 = arith.constant 1 : i32
    %parallel_loop3A_38 = scf.for %parallel_loop3A_183 = %parallel_loop3A_35 to %parallel_loop3A_36 step %parallel_loop3A_37 iter_args(%parallel_loop3A_184 = %iota3A) -> (vector<16xi32>)  : i32 {
      %parallel_loop3A_185 = arith.constant 16 : i32
      %parallel_loop3A_186 = arith.muli %parallel_loop3A_183, %parallel_loop3A_185 : i32
      %parallel_loop3A_187 = arith.constant 2 : i32
      %parallel_loop3A_188 = arith.index_cast %parallel_loop3A_187 : i32 to index
      %parallel_loop3A_189 = arith.index_cast %parallel_loop3A_186 : i32 to index
      %parallel_loop3A_190 = tpu.vector_load %arg5[%parallel_loop3A_188, %parallel_loop3A_189] {strides = array<i32>} : memref<8x512xi32, #tpu.memory_space<vmem>>, vector<16xi32>,
      %parallel_loop3A_191 = arith.constant 16 : i32
      %parallel_loop3A_192 = arith.muli %parallel_loop3A_183, %parallel_loop3A_191 : i32
      %parallel_loop3A_193 = arith.constant 2 : i32
      %parallel_loop3A_194 = arith.index_cast %parallel_loop3A_193 : i32 to index
      %parallel_loop3A_195 = arith.index_cast %parallel_loop3A_192 : i32 to index
      %parallel_loop3A_196 = tpu.vector_load %arg7[%parallel_loop3A_194, %parallel_loop3A_195] {strides = array<i32>} : memref<8x512xi32, #tpu.memory_space<vmem>>, vector<16xi32>,
      tpu.vector_store %arg7[%parallel_loop3A_194, %parallel_loop3A_195], %parallel_loop3A_190 {strides = array<i32>} : memref<8x512xi32, #tpu.memory_space<vmem>>, vector<16xi32>,
      tpu.vector_store_idx %arg9[%parallel_loop3A_190, %broadcast_in_dim3A_34, %parallel_loop3A_184], %broadcast_in_dim3A_3 : memref<10x8x512xf32, #tpu.memory_space<vmem>>[vector<16xi32>, vector<16xi32>, vector<16xi32>], vector<16xf32>,
      %parallel_loop3A_197 = arith.constant 16 : i32
      %parallel_loop3A_198 = vector.broadcast %parallel_loop3A_197 : i32 to vector<16xi32>
      %parallel_loop3A_199 = arith.addi %parallel_loop3A_184, %parallel_loop3A_198 : vector<16xi32>
      scf.yield %parallel_loop3A_199 : vector<16xi32>
    } {sc.loop_unroll_factor = 4 : i64, sc.parallel_access}
    %broadcast_in_dim3A_39 = arith.constant 3 : i32
    %broadcast_in_dim3A_40 = vector.broadcast %broadcast_in_dim3A_39 : i32 to vector<16xi32>
    %parallel_loop3A_41 = arith.constant 0 : i32
    %parallel_loop3A_42 = arith.constant 32 : i32
    %parallel_loop3A_43 = arith.constant 1 : i32
    %parallel_loop3A_44 = scf.for %parallel_loop3A_183 = %parallel_loop3A_41 to %parallel_loop3A_42 step %parallel_loop3A_43 iter_args(%parallel_loop3A_184 = %iota3A) -> (vector<16xi32>)  : i32 {
      %parallel_loop3A_185 = arith.constant 16 : i32
      %parallel_loop3A_186 = arith.muli %parallel_loop3A_183, %parallel_loop3A_185 : i32
      %parallel_loop3A_187 = arith.constant 3 : i32
      %parallel_loop3A_188 = arith.index_cast %parallel_loop3A_187 : i32 to index
      %parallel_loop3A_189 = arith.index_cast %parallel_loop3A_186 : i32 to index
      %parallel_loop3A_190 = tpu.vector_load %arg5[%parallel_loop3A_188, %parallel_loop3A_189] {strides = array<i32>} : memref<8x512xi32, #tpu.memory_space<vmem>>, vector<16xi32>,
      %parallel_loop3A_191 = arith.constant 16 : i32
      %parallel_loop3A_192 = arith.muli %parallel_loop3A_183, %parallel_loop3A_191 : i32
      %parallel_loop3A_193 = arith.constant 3 : i32
      %parallel_loop3A_194 = arith.index_cast %parallel_loop3A_193 : i32 to index
      %parallel_loop3A_195 = arith.index_cast %parallel_loop3A_192 : i32 to index
      %parallel_loop3A_196 = tpu.vector_load %arg7[%parallel_loop3A_194, %parallel_loop3A_195] {strides = array<i32>} : memref<8x512xi32, #tpu.memory_space<vmem>>, vector<16xi32>,
      tpu.vector_store %arg7[%parallel_loop3A_194, %parallel_loop3A_195], %parallel_loop3A_190 {strides = array<i32>} : memref<8x512xi32, #tpu.memory_space<vmem>>, vector<16xi32>,
      tpu.vector_store_idx %arg9[%parallel_loop3A_190, %broadcast_in_dim3A_40, %parallel_loop3A_184], %broadcast_in_dim3A_3 : memref<10x8x512xf32, #tpu.memory_space<vmem>>[vector<16xi32>, vector<16xi32>, vector<16xi32>], vector<16xf32>,
      %parallel_loop3A_197 = arith.constant 16 : i32
      %parallel_loop3A_198 = vector.broadcast %parallel_loop3A_197 : i32 to vector<16xi32>
      %parallel_loop3A_199 = arith.addi %parallel_loop3A_184, %parallel_loop3A_198 : vector<16xi32>
      scf.yield %parallel_loop3A_199 : vector<16xi32>
    } {sc.loop_unroll_factor = 4 : i64, sc.parallel_access}
    %broadcast_in_dim3A_45 = arith.constant 4 : i32
    %broadcast_in_dim3A_46 = vector.broadcast %broadcast_in_dim3A_45 : i32 to vector<16xi32>
    %parallel_loop3A_47 = arith.constant 0 : i32
    %parallel_loop3A_48 = arith.constant 32 : i32
    %parallel_loop3A_49 = arith.constant 1 : i32
    %parallel_loop3A_50 = scf.for %parallel_loop3A_183 = %parallel_loop3A_47 to %parallel_loop3A_48 step %parallel_loop3A_49 iter_args(%parallel_loop3A_184 = %iota3A) -> (vector<16xi32>)  : i32 {
      %parallel_loop3A_185 = arith.constant 16 : i32
      %parallel_loop3A_186 = arith.muli %parallel_loop3A_183, %parallel_loop3A_185 : i32
      %parallel_loop3A_187 = arith.constant 4 : i32
      %parallel_loop3A_188 = arith.index_cast %parallel_loop3A_187 : i32 to index
      %parallel_loop3A_189 = arith.index_cast %parallel_loop3A_186 : i32 to index
      %parallel_loop3A_190 = tpu.vector_load %arg5[%parallel_loop3A_188, %parallel_loop3A_189] {strides = array<i32>} : memref<8x512xi32, #tpu.memory_space<vmem>>, vector<16xi32>,
      %parallel_loop3A_191 = arith.constant 16 : i32
      %parallel_loop3A_192 = arith.muli %parallel_loop3A_183, %parallel_loop3A_191 : i32
      %parallel_loop3A_193 = arith.constant 4 : i32
      %parallel_loop3A_194 = arith.index_cast %parallel_loop3A_193 : i32 to index
      %parallel_loop3A_195 = arith.index_cast %parallel_loop3A_192 : i32 to index
      %parallel_loop3A_196 = tpu.vector_load %arg7[%parallel_loop3A_194, %parallel_loop3A_195] {strides = array<i32>} : memref<8x512xi32, #tpu.memory_space<vmem>>, vector<16xi32>,
      tpu.vector_store %arg7[%parallel_loop3A_194, %parallel_loop3A_195], %parallel_loop3A_190 {strides = array<i32>} : memref<8x512xi32, #tpu.memory_space<vmem>>, vector<16xi32>,
      tpu.vector_store_idx %arg9[%parallel_loop3A_190, %broadcast_in_dim3A_46, %parallel_loop3A_184], %broadcast_in_dim3A_3 : memref<10x8x512xf32, #tpu.memory_space<vmem>>[vector<16xi32>, vector<16xi32>, vector<16xi32>], vector<16xf32>,
      %parallel_loop3A_197 = arith.constant 16 : i32
      %parallel_loop3A_198 = vector.broadcast %parallel_loop3A_197 : i32 to vector<16xi32>
      %parallel_loop3A_199 = arith.addi %parallel_loop3A_184, %parallel_loop3A_198 : vector<16xi32>
      scf.yield %parallel_loop3A_199 : vector<16xi32>
    } {sc.loop_unroll_factor = 4 : i64, sc.parallel_access}
    %broadcast_in_dim3A_51 = arith.constant 5 : i32
    %broadcast_in_dim3A_52 = vector.broadcast %broadcast_in_dim3A_51 : i32 to vector<16xi32>
    %parallel_loop3A_53 = arith.constant 0 : i32
    %parallel_loop3A_54 = arith.constant 32 : i32
    %parallel_loop3A_55 = arith.constant 1 : i32
    %parallel_loop3A_56 = scf.for %parallel_loop3A_183 = %parallel_loop3A_53 to %parallel_loop3A_54 step %parallel_loop3A_55 iter_args(%parallel_loop3A_184 = %iota3A) -> (vector<16xi32>)  : i32 {
      %parallel_loop3A_185 = arith.constant 16 : i32
      %parallel_loop3A_186 = arith.muli %parallel_loop3A_183, %parallel_loop3A_185 : i32
      %parallel_loop3A_187 = arith.constant 5 : i32
      %parallel_loop3A_188 = arith.index_cast %parallel_loop3A_187 : i32 to index
      %parallel_loop3A_189 = arith.index_cast %parallel_loop3A_186 : i32 to index
      %parallel_loop3A_190 = tpu.vector_load %arg5[%parallel_loop3A_188, %parallel_loop3A_189] {strides = array<i32>} : memref<8x512xi32, #tpu.memory_space<vmem>>, vector<16xi32>,
      %parallel_loop3A_191 = arith.constant 16 : i32
      %parallel_loop3A_192 = arith.muli %parallel_loop3A_183, %parallel_loop3A_191 : i32
      %parallel_loop3A_193 = arith.constant 5 : i32
      %parallel_loop3A_194 = arith.index_cast %parallel_loop3A_193 : i32 to index
      %parallel_loop3A_195 = arith.index_cast %parallel_loop3A_192 : i32 to index
      %parallel_loop3A_196 = tpu.vector_load %arg7[%parallel_loop3A_194, %parallel_loop3A_195] {strides = array<i32>} : memref<8x512xi32, #tpu.memory_space<vmem>>, vector<16xi32>,
      tpu.vector_store %arg7[%parallel_loop3A_194, %parallel_loop3A_195], %parallel_loop3A_190 {strides = array<i32>} : memref<8x512xi32, #tpu.memory_space<vmem>>, vector<16xi32>,
      tpu.vector_store_idx %arg9[%parallel_loop3A_190, %broadcast_in_dim3A_52, %parallel_loop3A_184], %broadcast_in_dim3A_3 : memref<10x8x512xf32, #tpu.memory_space<vmem>>[vector<16xi32>, vector<16xi32>, vector<16xi32>], vector<16xf32>,
      %parallel_loop3A_197 = arith.constant 16 : i32
      %parallel_loop3A_198 = vector.broadcast %parallel_loop3A_197 : i32 to vector<16xi32>
      %parallel_loop3A_199 = arith.addi %parallel_loop3A_184, %parallel_loop3A_198 : vector<16xi32>
      scf.yield %parallel_loop3A_199 : vector<16xi32>
    } {sc.loop_unroll_factor = 4 : i64, sc.parallel_access}
    %broadcast_in_dim3A_57 = arith.constant 6 : i32
    %broadcast_in_dim3A_58 = vector.broadcast %broadcast_in_dim3A_57 : i32 to vector<16xi32>
    %parallel_loop3A_59 = arith.constant 0 : i32
    %parallel_loop3A_60 = arith.constant 32 : i32
    %parallel_loop3A_61 = arith.constant 1 : i32
    %parallel_loop3A_62 = scf.for %parallel_loop3A_183 = %parallel_loop3A_59 to %parallel_loop3A_60 step %parallel_loop3A_61 iter_args(%parallel_loop3A_184 = %iota3A) -> (vector<16xi32>)  : i32 {
      %parallel_loop3A_185 = arith.constant 16 : i32
      %parallel_loop3A_186 = arith.muli %parallel_loop3A_183, %parallel_loop3A_185 : i32
      %parallel_loop3A_187 = arith.constant 6 : i32
      %parallel_loop3A_188 = arith.index_cast %parallel_loop3A_187 : i32 to index
      %parallel_loop3A_189 = arith.index_cast %parallel_loop3A_186 : i32 to index
      %parallel_loop3A_190 = tpu.vector_load %arg5[%parallel_loop3A_188, %parallel_loop3A_189] {strides = array<i32>} : memref<8x512xi32, #tpu.memory_space<vmem>>, vector<16xi32>,
      %parallel_loop3A_191 = arith.constant 16 : i32
      %parallel_loop3A_192 = arith.muli %parallel_loop3A_183, %parallel_loop3A_191 : i32
      %parallel_loop3A_193 = arith.constant 6 : i32
      %parallel_loop3A_194 = arith.index_cast %parallel_loop3A_193 : i32 to index
      %parallel_loop3A_195 = arith.index_cast %parallel_loop3A_192 : i32 to index
      %parallel_loop3A_196 = tpu.vector_load %arg7[%parallel_loop3A_194, %parallel_loop3A_195] {strides = array<i32>} : memref<8x512xi32, #tpu.memory_space<vmem>>, vector<16xi32>,
      tpu.vector_store %arg7[%parallel_loop3A_194, %parallel_loop3A_195], %parallel_loop3A_190 {strides = array<i32>} : memref<8x512xi32, #tpu.memory_space<vmem>>, vector<16xi32>,
      tpu.vector_store_idx %arg9[%parallel_loop3A_190, %broadcast_in_dim3A_58, %parallel_loop3A_184], %broadcast_in_dim3A_3 : memref<10x8x512xf32, #tpu.memory_space<vmem>>[vector<16xi32>, vector<16xi32>, vector<16xi32>], vector<16xf32>,
      %parallel_loop3A_197 = arith.constant 16 : i32
      %parallel_loop3A_198 = vector.broadcast %parallel_loop3A_197 : i32 to vector<16xi32>
      %parallel_loop3A_199 = arith.addi %parallel_loop3A_184, %parallel_loop3A_198 : vector<16xi32>
      scf.yield %parallel_loop3A_199 : vector<16xi32>
    } {sc.loop_unroll_factor = 4 : i64, sc.parallel_access}
    %broadcast_in_dim3A_63 = arith.constant 7 : i32
    %broadcast_in_dim3A_64 = vector.broadcast %broadcast_in_dim3A_63 : i32 to vector<16xi32>
    %parallel_loop3A_65 = arith.constant 0 : i32
    %parallel_loop3A_66 = arith.constant 32 : i32
    %parallel_loop3A_67 = arith.constant 1 : i32
    %parallel_loop3A_68 = scf.for %parallel_loop3A_183 = %parallel_loop3A_65 to %parallel_loop3A_66 step %parallel_loop3A_67 iter_args(%parallel_loop3A_184 = %iota3A) -> (vector<16xi32>)  : i32 {
      %parallel_loop3A_185 = arith.constant 16 : i32
      %parallel_loop3A_186 = arith.muli %parallel_loop3A_183, %parallel_loop3A_185 : i32
      %parallel_loop3A_187 = arith.constant 7 : i32
      %parallel_loop3A_188 = arith.index_cast %parallel_loop3A_187 : i32 to index
      %parallel_loop3A_189 = arith.index_cast %parallel_loop3A_186 : i32 to index
      %parallel_loop3A_190 = tpu.vector_load %arg5[%parallel_loop3A_188, %parallel_loop3A_189] {strides = array<i32>} : memref<8x512xi32, #tpu.memory_space<vmem>>, vector<16xi32>,
      %parallel_loop3A_191 = arith.constant 16 : i32
      %parallel_loop3A_192 = arith.muli %parallel_loop3A_183, %parallel_loop3A_191 : i32
      %parallel_loop3A_193 = arith.constant 7 : i32
      %parallel_loop3A_194 = arith.index_cast %parallel_loop3A_193 : i32 to index
      %parallel_loop3A_195 = arith.index_cast %parallel_loop3A_192 : i32 to index
      %parallel_loop3A_196 = tpu.vector_load %arg7[%parallel_loop3A_194, %parallel_loop3A_195] {strides = array<i32>} : memref<8x512xi32, #tpu.memory_space<vmem>>, vector<16xi32>,
      tpu.vector_store %arg7[%parallel_loop3A_194, %parallel_loop3A_195], %parallel_loop3A_190 {strides = array<i32>} : memref<8x512xi32, #tpu.memory_space<vmem>>, vector<16xi32>,
      tpu.vector_store_idx %arg9[%parallel_loop3A_190, %broadcast_in_dim3A_64, %parallel_loop3A_184], %broadcast_in_dim3A_3 : memref<10x8x512xf32, #tpu.memory_space<vmem>>[vector<16xi32>, vector<16xi32>, vector<16xi32>], vector<16xf32>,
      %parallel_loop3A_197 = arith.constant 16 : i32
      %parallel_loop3A_198 = vector.broadcast %parallel_loop3A_197 : i32 to vector<16xi32>
      %parallel_loop3A_199 = arith.addi %parallel_loop3A_184, %parallel_loop3A_198 : vector<16xi32>
      scf.yield %parallel_loop3A_199 : vector<16xi32>
    } {sc.loop_unroll_factor = 4 : i64, sc.parallel_access}
    %add3A_69 = arith.constant 0 : i32
    %add3A_70 = arith.addi %mul3A_2, %add3A_69 : i32
    %dma_start3A_71 = arith.constant 0 : i32
    %dma_start3A_72 = arith.constant 0 : i32
    %dma_start3A_73 = tpu.memref_slice %arg4[%dma_start3A_71, %add3A_70, %dma_start3A_72] : memref<10x1024x1024xf32, #tpu.memory_space<hbm>> -> memref<10x8x512xf32, #tpu.memory_space<hbm>>
    %dma_start3A_74 = arith.constant 0 : i32
    %dma_start3A_75 = arith.constant 0 : i32
    %dma_start3A_76 = tpu.memref_slice %arg4[%dma_start3A_74, %add3A_70, %dma_start3A_75] : memref<10x1024x1024xf32, #tpu.memory_space<hbm>> -> memref<10x8x512xf32, #tpu.memory_space<hbm>>
    tpu.enqueue_dma source(%arg9 : memref<10x8x512xf32, #tpu.memory_space<vmem>>) target(%dma_start3A_76 : memref<10x8x512xf32, #tpu.memory_space<hbm>>) target_semaphore(%arg13 : memref<!tpu.dma_semaphore, #tpu.memory_space<semaphore_mem>>)
    %add3A_77 = arith.constant 8 : i32
    %add3A_78 = arith.addi %mul3A_2, %add3A_77 : i32
    %dma_start3A_79 = arith.constant 0 : i32
    %dma_start3A_80 = tpu.memref_slice %arg2[%add3A_78, %dma_start3A_79] : memref<1024x1024xi32, #tpu.memory_space<hbm>> -> memref<8x512xi32, #tpu.memory_space<hbm>>
    %dma_start3A_81 = arith.constant 0 : i32
    %dma_start3A_82 = tpu.memref_slice %arg2[%add3A_78, %dma_start3A_81] : memref<1024x1024xi32, #tpu.memory_space<hbm>> -> memref<8x512xi32, #tpu.memory_space<hbm>>
    tpu.enqueue_dma source(%dma_start3A_82 : memref<8x512xi32, #tpu.memory_space<hbm>>) target(%arg5 : memref<8x512xi32, #tpu.memory_space<vmem>>) target_semaphore(%arg11 : memref<!tpu.dma_semaphore, #tpu.memory_space<semaphore_mem>>)
    tpu.wait_dma2 semaphore(%arg14 : memref<!tpu.dma_semaphore, #tpu.memory_space<semaphore_mem>>) src(%arg3 : memref<10x8x512xf32, #tpu.memory_space<hbm>>) dst(%arg10 : memref<10x8x512xf32, #tpu.memory_space<vmem>>)
    %add3A_83 = arith.constant 0 : i32
    %add3A_84 = arith.addi %mul3A_2, %add3A_83 : i32
    %dma_wait3A_85 = arith.constant 512 : i32
    %dma_wait3A_86 = tpu.memref_slice %arg2[%add3A_84, %dma_wait3A_85] : memref<1024x1024xi32, #tpu.memory_space<hbm>> -> memref<8x512xi32, #tpu.memory_space<hbm>>
    %dma_wait3A_87 = arith.constant 512 : i32
    %dma_wait3A_88 = tpu.memref_slice %arg2[%add3A_84, %dma_wait3A_87] : memref<1024x1024xi32, #tpu.memory_space<hbm>> -> memref<8x512xi32, #tpu.memory_space<hbm>>
    tpu.wait_dma2 semaphore(%arg12 : memref<!tpu.dma_semaphore, #tpu.memory_space<semaphore_mem>>) src(%dma_wait3A_88 : memref<8x512xi32, #tpu.memory_space<hbm>>) dst(%arg6 : memref<8x512xi32, #tpu.memory_space<vmem>>)
    %broadcast_in_dim3A_89 = arith.constant 0 : i32
    %broadcast_in_dim3A_90 = vector.broadcast %broadcast_in_dim3A_89 : i32 to vector<16xi32>
    %parallel_loop3A_91 = arith.constant 0 : i32
    %parallel_loop3A_92 = arith.constant 32 : i32
    %parallel_loop3A_93 = arith.constant 1 : i32
    %parallel_loop3A_94 = scf.for %parallel_loop3A_183 = %parallel_loop3A_91 to %parallel_loop3A_92 step %parallel_loop3A_93 iter_args(%parallel_loop3A_184 = %iota3A) -> (vector<16xi32>)  : i32 {
      %parallel_loop3A_185 = arith.constant 16 : i32
      %parallel_loop3A_186 = arith.muli %parallel_loop3A_183, %parallel_loop3A_185 : i32
      %parallel_loop3A_187 = arith.constant 0 : i32
      %parallel_loop3A_188 = arith.index_cast %parallel_loop3A_187 : i32 to index
      %parallel_loop3A_189 = arith.index_cast %parallel_loop3A_186 : i32 to index
      %parallel_loop3A_190 = tpu.vector_load %arg6[%parallel_loop3A_188, %parallel_loop3A_189] {strides = array<i32>} : memref<8x512xi32, #tpu.memory_space<vmem>>, vector<16xi32>,
      %parallel_loop3A_191 = arith.constant 16 : i32
      %parallel_loop3A_192 = arith.muli %parallel_loop3A_183, %parallel_loop3A_191 : i32
      %parallel_loop3A_193 = arith.constant 0 : i32
      %parallel_loop3A_194 = arith.index_cast %parallel_loop3A_193 : i32 to index
      %parallel_loop3A_195 = arith.index_cast %parallel_loop3A_192 : i32 to index
      %parallel_loop3A_196 = tpu.vector_load %arg8[%parallel_loop3A_194, %parallel_loop3A_195] {strides = array<i32>} : memref<8x512xi32, #tpu.memory_space<vmem>>, vector<16xi32>,
      tpu.vector_store %arg8[%parallel_loop3A_194, %parallel_loop3A_195], %parallel_loop3A_190 {strides = array<i32>} : memref<8x512xi32, #tpu.memory_space<vmem>>, vector<16xi32>,
      tpu.vector_store_idx %arg10[%parallel_loop3A_190, %broadcast_in_dim3A_90, %parallel_loop3A_184], %broadcast_in_dim3A_3 : memref<10x8x512xf32, #tpu.memory_space<vmem>>[vector<16xi32>, vector<16xi32>, vector<16xi32>], vector<16xf32>,
      %parallel_loop3A_197 = arith.constant 16 : i32
      %parallel_loop3A_198 = vector.broadcast %parallel_loop3A_197 : i32 to vector<16xi32>
      %parallel_loop3A_199 = arith.addi %parallel_loop3A_184, %parallel_loop3A_198 : vector<16xi32>
      scf.yield %parallel_loop3A_199 : vector<16xi32>
    } {sc.loop_unroll_factor = 4 : i64, sc.parallel_access}
    %broadcast_in_dim3A_95 = arith.constant 1 : i32
    %broadcast_in_dim3A_96 = vector.broadcast %broadcast_in_dim3A_95 : i32 to vector<16xi32>
    %parallel_loop3A_97 = arith.constant 0 : i32
    %parallel_loop3A_98 = arith.constant 32 : i32
    %parallel_loop3A_99 = arith.constant 1 : i32
    %parallel_loop3A_100 = scf.for %parallel_loop3A_183 = %parallel_loop3A_97 to %parallel_loop3A_98 step %parallel_loop3A_99 iter_args(%parallel_loop3A_184 = %iota3A) -> (vector<16xi32>)  : i32 {
      %parallel_loop3A_185 = arith.constant 16 : i32
      %parallel_loop3A_186 = arith.muli %parallel_loop3A_183, %parallel_loop3A_185 : i32
      %parallel_loop3A_187 = arith.constant 1 : i32
      %parallel_loop3A_188 = arith.index_cast %parallel_loop3A_187 : i32 to index
      %parallel_loop3A_189 = arith.index_cast %parallel_loop3A_186 : i32 to index
      %parallel_loop3A_190 = tpu.vector_load %arg6[%parallel_loop3A_188, %parallel_loop3A_189] {strides = array<i32>} : memref<8x512xi32, #tpu.memory_space<vmem>>, vector<16xi32>,
      %parallel_loop3A_191 = arith.constant 16 : i32
      %parallel_loop3A_192 = arith.muli %parallel_loop3A_183, %parallel_loop3A_191 : i32
      %parallel_loop3A_193 = arith.constant 1 : i32
      %parallel_loop3A_194 = arith.index_cast %parallel_loop3A_193 : i32 to index
      %parallel_loop3A_195 = arith.index_cast %parallel_loop3A_192 : i32 to index
      %parallel_loop3A_196 = tpu.vector_load %arg8[%parallel_loop3A_194, %parallel_loop3A_195] {strides = array<i32>} : memref<8x512xi32, #tpu.memory_space<vmem>>, vector<16xi32>,
      tpu.vector_store %arg8[%parallel_loop3A_194, %parallel_loop3A_195], %parallel_loop3A_190 {strides = array<i32>} : memref<8x512xi32, #tpu.memory_space<vmem>>, vector<16xi32>,
      tpu.vector_store_idx %arg10[%parallel_loop3A_190, %broadcast_in_dim3A_96, %parallel_loop3A_184], %broadcast_in_dim3A_3 : memref<10x8x512xf32, #tpu.memory_space<vmem>>[vector<16xi32>, vector<16xi32>, vector<16xi32>], vector<16xf32>,
      %parallel_loop3A_197 = arith.constant 16 : i32
      %parallel_loop3A_198 = vector.broadcast %parallel_loop3A_197 : i32 to vector<16xi32>
      %parallel_loop3A_199 = arith.addi %parallel_loop3A_184, %parallel_loop3A_198 : vector<16xi32>
      scf.yield %parallel_loop3A_199 : vector<16xi32>
    } {sc.loop_unroll_factor = 4 : i64, sc.parallel_access}
    %broadcast_in_dim3A_101 = arith.constant 2 : i32
    %broadcast_in_dim3A_102 = vector.broadcast %broadcast_in_dim3A_101 : i32 to vector<16xi32>
    %parallel_loop3A_103 = arith.constant 0 : i32
    %parallel_loop3A_104 = arith.constant 32 : i32
    %parallel_loop3A_105 = arith.constant 1 : i32
    %parallel_loop3A_106 = scf.for %parallel_loop3A_183 = %parallel_loop3A_103 to %parallel_loop3A_104 step %parallel_loop3A_105 iter_args(%parallel_loop3A_184 = %iota3A) -> (vector<16xi32>)  : i32 {
      %parallel_loop3A_185 = arith.constant 16 : i32
      %parallel_loop3A_186 = arith.muli %parallel_loop3A_183, %parallel_loop3A_185 : i32
      %parallel_loop3A_187 = arith.constant 2 : i32
      %parallel_loop3A_188 = arith.index_cast %parallel_loop3A_187 : i32 to index
      %parallel_loop3A_189 = arith.index_cast %parallel_loop3A_186 : i32 to index
      %parallel_loop3A_190 = tpu.vector_load %arg6[%parallel_loop3A_188, %parallel_loop3A_189] {strides = array<i32>} : memref<8x512xi32, #tpu.memory_space<vmem>>, vector<16xi32>,
      %parallel_loop3A_191 = arith.constant 16 : i32
      %parallel_loop3A_192 = arith.muli %parallel_loop3A_183, %parallel_loop3A_191 : i32
      %parallel_loop3A_193 = arith.constant 2 : i32
      %parallel_loop3A_194 = arith.index_cast %parallel_loop3A_193 : i32 to index
      %parallel_loop3A_195 = arith.index_cast %parallel_loop3A_192 : i32 to index
      %parallel_loop3A_196 = tpu.vector_load %arg8[%parallel_loop3A_194, %parallel_loop3A_195] {strides = array<i32>} : memref<8x512xi32, #tpu.memory_space<vmem>>, vector<16xi32>,
      tpu.vector_store %arg8[%parallel_loop3A_194, %parallel_loop3A_195], %parallel_loop3A_190 {strides = array<i32>} : memref<8x512xi32, #tpu.memory_space<vmem>>, vector<16xi32>,
      tpu.vector_store_idx %arg10[%parallel_loop3A_190, %broadcast_in_dim3A_102, %parallel_loop3A_184], %broadcast_in_dim3A_3 : memref<10x8x512xf32, #tpu.memory_space<vmem>>[vector<16xi32>, vector<16xi32>, vector<16xi32>], vector<16xf32>,
      %parallel_loop3A_197 = arith.constant 16 : i32
      %parallel_loop3A_198 = vector.broadcast %parallel_loop3A_197 : i32 to vector<16xi32>
      %parallel_loop3A_199 = arith.addi %parallel_loop3A_184, %parallel_loop3A_198 : vector<16xi32>
      scf.yield %parallel_loop3A_199 : vector<16xi32>
    } {sc.loop_unroll_factor = 4 : i64, sc.parallel_access}
    %broadcast_in_dim3A_107 = arith.constant 3 : i32
    %broadcast_in_dim3A_108 = vector.broadcast %broadcast_in_dim3A_107 : i32 to vector<16xi32>
    %parallel_loop3A_109 = arith.constant 0 : i32
    %parallel_loop3A_110 = arith.constant 32 : i32
    %parallel_loop3A_111 = arith.constant 1 : i32
    %parallel_loop3A_112 = scf.for %parallel_loop3A_183 = %parallel_loop3A_109 to %parallel_loop3A_110 step %parallel_loop3A_111 iter_args(%parallel_loop3A_184 = %iota3A) -> (vector<16xi32>)  : i32 {
      %parallel_loop3A_185 = arith.constant 16 : i32
      %parallel_loop3A_186 = arith.muli %parallel_loop3A_183, %parallel_loop3A_185 : i32
      %parallel_loop3A_187 = arith.constant 3 : i32
      %parallel_loop3A_188 = arith.index_cast %parallel_loop3A_187 : i32 to index
      %parallel_loop3A_189 = arith.index_cast %parallel_loop3A_186 : i32 to index
      %parallel_loop3A_190 = tpu.vector_load %arg6[%parallel_loop3A_188, %parallel_loop3A_189] {strides = array<i32>} : memref<8x512xi32, #tpu.memory_space<vmem>>, vector<16xi32>,
      %parallel_loop3A_191 = arith.constant 16 : i32
      %parallel_loop3A_192 = arith.muli %parallel_loop3A_183, %parallel_loop3A_191 : i32
      %parallel_loop3A_193 = arith.constant 3 : i32
      %parallel_loop3A_194 = arith.index_cast %parallel_loop3A_193 : i32 to index
      %parallel_loop3A_195 = arith.index_cast %parallel_loop3A_192 : i32 to index
      %parallel_loop3A_196 = tpu.vector_load %arg8[%parallel_loop3A_194, %parallel_loop3A_195] {strides = array<i32>} : memref<8x512xi32, #tpu.memory_space<vmem>>, vector<16xi32>,
      tpu.vector_store %arg8[%parallel_loop3A_194, %parallel_loop3A_195], %parallel_loop3A_190 {strides = array<i32>} : memref<8x512xi32, #tpu.memory_space<vmem>>, vector<16xi32>,
      tpu.vector_store_idx %arg10[%parallel_loop3A_190, %broadcast_in_dim3A_108, %parallel_loop3A_184], %broadcast_in_dim3A_3 : memref<10x8x512xf32, #tpu.memory_space<vmem>>[vector<16xi32>, vector<16xi32>, vector<16xi32>], vector<16xf32>,
      %parallel_loop3A_197 = arith.constant 16 : i32
      %parallel_loop3A_198 = vector.broadcast %parallel_loop3A_197 : i32 to vector<16xi32>
      %parallel_loop3A_199 = arith.addi %parallel_loop3A_184, %parallel_loop3A_198 : vector<16xi32>
      scf.yield %parallel_loop3A_199 : vector<16xi32>
    } {sc.loop_unroll_factor = 4 : i64, sc.parallel_access}
    %broadcast_in_dim3A_113 = arith.constant 4 : i32
    %broadcast_in_dim3A_114 = vector.broadcast %broadcast_in_dim3A_113 : i32 to vector<16xi32>
    %parallel_loop3A_115 = arith.constant 0 : i32
    %parallel_loop3A_116 = arith.constant 32 : i32
    %parallel_loop3A_117 = arith.constant 1 : i32
    %parallel_loop3A_118 = scf.for %parallel_loop3A_183 = %parallel_loop3A_115 to %parallel_loop3A_116 step %parallel_loop3A_117 iter_args(%parallel_loop3A_184 = %iota3A) -> (vector<16xi32>)  : i32 {
      %parallel_loop3A_185 = arith.constant 16 : i32
      %parallel_loop3A_186 = arith.muli %parallel_loop3A_183, %parallel_loop3A_185 : i32
      %parallel_loop3A_187 = arith.constant 4 : i32
      %parallel_loop3A_188 = arith.index_cast %parallel_loop3A_187 : i32 to index
      %parallel_loop3A_189 = arith.index_cast %parallel_loop3A_186 : i32 to index
      %parallel_loop3A_190 = tpu.vector_load %arg6[%parallel_loop3A_188, %parallel_loop3A_189] {strides = array<i32>} : memref<8x512xi32, #tpu.memory_space<vmem>>, vector<16xi32>,
      %parallel_loop3A_191 = arith.constant 16 : i32
      %parallel_loop3A_192 = arith.muli %parallel_loop3A_183, %parallel_loop3A_191 : i32
      %parallel_loop3A_193 = arith.constant 4 : i32
      %parallel_loop3A_194 = arith.index_cast %parallel_loop3A_193 : i32 to index
      %parallel_loop3A_195 = arith.index_cast %parallel_loop3A_192 : i32 to index
      %parallel_loop3A_196 = tpu.vector_load %arg8[%parallel_loop3A_194, %parallel_loop3A_195] {strides = array<i32>} : memref<8x512xi32, #tpu.memory_space<vmem>>, vector<16xi32>,
      tpu.vector_store %arg8[%parallel_loop3A_194, %parallel_loop3A_195], %parallel_loop3A_190 {strides = array<i32>} : memref<8x512xi32, #tpu.memory_space<vmem>>, vector<16xi32>,
      tpu.vector_store_idx %arg10[%parallel_loop3A_190, %broadcast_in_dim3A_114, %parallel_loop3A_184], %broadcast_in_dim3A_3 : memref<10x8x512xf32, #tpu.memory_space<vmem>>[vector<16xi32>, vector<16xi32>, vector<16xi32>], vector<16xf32>,
      %parallel_loop3A_197 = arith.constant 16 : i32
      %parallel_loop3A_198 = vector.broadcast %parallel_loop3A_197 : i32 to vector<16xi32>
      %parallel_loop3A_199 = arith.addi %parallel_loop3A_184, %parallel_loop3A_198 : vector<16xi32>
      scf.yield %parallel_loop3A_199 : vector<16xi32>
    } {sc.loop_unroll_factor = 4 : i64, sc.parallel_access}
    %broadcast_in_dim3A_119 = arith.constant 5 : i32
    %broadcast_in_dim3A_120 = vector.broadcast %broadcast_in_dim3A_119 : i32 to vector<16xi32>
    %parallel_loop3A_121 = arith.constant 0 : i32
    %parallel_loop3A_122 = arith.constant 32 : i32
    %parallel_loop3A_123 = arith.constant 1 : i32
    %parallel_loop3A_124 = scf.for %parallel_loop3A_183 = %parallel_loop3A_121 to %parallel_loop3A_122 step %parallel_loop3A_123 iter_args(%parallel_loop3A_184 = %iota3A) -> (vector<16xi32>)  : i32 {
      %parallel_loop3A_185 = arith.constant 16 : i32
      %parallel_loop3A_186 = arith.muli %parallel_loop3A_183, %parallel_loop3A_185 : i32
      %parallel_loop3A_187 = arith.constant 5 : i32
      %parallel_loop3A_188 = arith.index_cast %parallel_loop3A_187 : i32 to index
      %parallel_loop3A_189 = arith.index_cast %parallel_loop3A_186 : i32 to index
      %parallel_loop3A_190 = tpu.vector_load %arg6[%parallel_loop3A_188, %parallel_loop3A_189] {strides = array<i32>} : memref<8x512xi32, #tpu.memory_space<vmem>>, vector<16xi32>,
      %parallel_loop3A_191 = arith.constant 16 : i32
      %parallel_loop3A_192 = arith.muli %parallel_loop3A_183, %parallel_loop3A_191 : i32
      %parallel_loop3A_193 = arith.constant 5 : i32
      %parallel_loop3A_194 = arith.index_cast %parallel_loop3A_193 : i32 to index
      %parallel_loop3A_195 = arith.index_cast %parallel_loop3A_192 : i32 to index
      %parallel_loop3A_196 = tpu.vector_load %arg8[%parallel_loop3A_194, %parallel_loop3A_195] {strides = array<i32>} : memref<8x512xi32, #tpu.memory_space<vmem>>, vector<16xi32>,
      tpu.vector_store %arg8[%parallel_loop3A_194, %parallel_loop3A_195], %parallel_loop3A_190 {strides = array<i32>} : memref<8x512xi32, #tpu.memory_space<vmem>>, vector<16xi32>,
      tpu.vector_store_idx %arg10[%parallel_loop3A_190, %broadcast_in_dim3A_120, %parallel_loop3A_184], %broadcast_in_dim3A_3 : memref<10x8x512xf32, #tpu.memory_space<vmem>>[vector<16xi32>, vector<16xi32>, vector<16xi32>], vector<16xf32>,
      %parallel_loop3A_197 = arith.constant 16 : i32
      %parallel_loop3A_198 = vector.broadcast %parallel_loop3A_197 : i32 to vector<16xi32>
      %parallel_loop3A_199 = arith.addi %parallel_loop3A_184, %parallel_loop3A_198 : vector<16xi32>
      scf.yield %parallel_loop3A_199 : vector<16xi32>
    } {sc.loop_unroll_factor = 4 : i64, sc.parallel_access}
    %broadcast_in_dim3A_125 = arith.constant 6 : i32
    %broadcast_in_dim3A_126 = vector.broadcast %broadcast_in_dim3A_125 : i32 to vector<16xi32>
    %parallel_loop3A_127 = arith.constant 0 : i32
    %parallel_loop3A_128 = arith.constant 32 : i32
    %parallel_loop3A_129 = arith.constant 1 : i32
    %parallel_loop3A_130 = scf.for %parallel_loop3A_183 = %parallel_loop3A_127 to %parallel_loop3A_128 step %parallel_loop3A_129 iter_args(%parallel_loop3A_184 = %iota3A) -> (vector<16xi32>)  : i32 {
      %parallel_loop3A_185 = arith.constant 16 : i32
      %parallel_loop3A_186 = arith.muli %parallel_loop3A_183, %parallel_loop3A_185 : i32
      %parallel_loop3A_187 = arith.constant 6 : i32
      %parallel_loop3A_188 = arith.index_cast %parallel_loop3A_187 : i32 to index
      %parallel_loop3A_189 = arith.index_cast %parallel_loop3A_186 : i32 to index
      %parallel_loop3A_190 = tpu.vector_load %arg6[%parallel_loop3A_188, %parallel_loop3A_189] {strides = array<i32>} : memref<8x512xi32, #tpu.memory_space<vmem>>, vector<16xi32>,
      %parallel_loop3A_191 = arith.constant 16 : i32
      %parallel_loop3A_192 = arith.muli %parallel_loop3A_183, %parallel_loop3A_191 : i32
      %parallel_loop3A_193 = arith.constant 6 : i32
      %parallel_loop3A_194 = arith.index_cast %parallel_loop3A_193 : i32 to index
      %parallel_loop3A_195 = arith.index_cast %parallel_loop3A_192 : i32 to index
      %parallel_loop3A_196 = tpu.vector_load %arg8[%parallel_loop3A_194, %parallel_loop3A_195] {strides = array<i32>} : memref<8x512xi32, #tpu.memory_space<vmem>>, vector<16xi32>,
      tpu.vector_store %arg8[%parallel_loop3A_194, %parallel_loop3A_195], %parallel_loop3A_190 {strides = array<i32>} : memref<8x512xi32, #tpu.memory_space<vmem>>, vector<16xi32>,
      tpu.vector_store_idx %arg10[%parallel_loop3A_190, %broadcast_in_dim3A_126, %parallel_loop3A_184], %broadcast_in_dim3A_3 : memref<10x8x512xf32, #tpu.memory_space<vmem>>[vector<16xi32>, vector<16xi32>, vector<16xi32>], vector<16xf32>,
      %parallel_loop3A_197 = arith.constant 16 : i32
      %parallel_loop3A_198 = vector.broadcast %parallel_loop3A_197 : i32 to vector<16xi32>
      %parallel_loop3A_199 = arith.addi %parallel_loop3A_184, %parallel_loop3A_198 : vector<16xi32>
      scf.yield %parallel_loop3A_199 : vector<16xi32>
    } {sc.loop_unroll_factor = 4 : i64, sc.parallel_access}
    %broadcast_in_dim3A_131 = arith.constant 7 : i32
    %broadcast_in_dim3A_132 = vector.broadcast %broadcast_in_dim3A_131 : i32 to vector<16xi32>
    %parallel_loop3A_133 = arith.constant 0 : i32
    %parallel_loop3A_134 = arith.constant 32 : i32
    %parallel_loop3A_135 = arith.constant 1 : i32
    %parallel_loop3A_136 = scf.for %parallel_loop3A_183 = %parallel_loop3A_133 to %parallel_loop3A_134 step %parallel_loop3A_135 iter_args(%parallel_loop3A_184 = %iota3A) -> (vector<16xi32>)  : i32 {
      %parallel_loop3A_185 = arith.constant 16 : i32
      %parallel_loop3A_186 = arith.muli %parallel_loop3A_183, %parallel_loop3A_185 : i32
      %parallel_loop3A_187 = arith.constant 7 : i32
      %parallel_loop3A_188 = arith.index_cast %parallel_loop3A_187 : i32 to index
      %parallel_loop3A_189 = arith.index_cast %parallel_loop3A_186 : i32 to index
      %parallel_loop3A_190 = tpu.vector_load %arg6[%parallel_loop3A_188, %parallel_loop3A_189] {strides = array<i32>} : memref<8x512xi32, #tpu.memory_space<vmem>>, vector<16xi32>,
      %parallel_loop3A_191 = arith.constant 16 : i32
      %parallel_loop3A_192 = arith.muli %parallel_loop3A_183, %parallel_loop3A_191 : i32
      %parallel_loop3A_193 = arith.constant 7 : i32
      %parallel_loop3A_194 = arith.index_cast %parallel_loop3A_193 : i32 to index
      %parallel_loop3A_195 = arith.index_cast %parallel_loop3A_192 : i32 to index
      %parallel_loop3A_196 = tpu.vector_load %arg8[%parallel_loop3A_194, %parallel_loop3A_195] {strides = array<i32>} : memref<8x512xi32, #tpu.memory_space<vmem>>, vector<16xi32>,
      tpu.vector_store %arg8[%parallel_loop3A_194, %parallel_loop3A_195], %parallel_loop3A_190 {strides = array<i32>} : memref<8x512xi32, #tpu.memory_space<vmem>>, vector<16xi32>,
      tpu.vector_store_idx %arg10[%parallel_loop3A_190, %broadcast_in_dim3A_132, %parallel_loop3A_184], %broadcast_in_dim3A_3 : memref<10x8x512xf32, #tpu.memory_space<vmem>>[vector<16xi32>, vector<16xi32>, vector<16xi32>], vector<16xf32>,
      %parallel_loop3A_197 = arith.constant 16 : i32
      %parallel_loop3A_198 = vector.broadcast %parallel_loop3A_197 : i32 to vector<16xi32>
      %parallel_loop3A_199 = arith.addi %parallel_loop3A_184, %parallel_loop3A_198 : vector<16xi32>
      scf.yield %parallel_loop3A_199 : vector<16xi32>
    } {sc.loop_unroll_factor = 4 : i64, sc.parallel_access}
    %add3A_137 = arith.constant 0 : i32
    %add3A_138 = arith.addi %mul3A_2, %add3A_137 : i32
    %dma_start3A_139 = arith.constant 0 : i32
    %dma_start3A_140 = arith.constant 512 : i32
    %dma_start3A_141 = tpu.memref_slice %arg4[%dma_start3A_139, %add3A_138, %dma_start3A_140] : memref<10x1024x1024xf32, #tpu.memory_space<hbm>> -> memref<10x8x512xf32, #tpu.memory_space<hbm>>
    %dma_start3A_142 = arith.constant 0 : i32
    %dma_start3A_143 = arith.constant 512 : i32
    %dma_start3A_144 = tpu.memref_slice %arg4[%dma_start3A_142, %add3A_138, %dma_start3A_143] : memref<10x1024x1024xf32, #tpu.memory_space<hbm>> -> memref<10x8x512xf32, #tpu.memory_space<hbm>>
    tpu.enqueue_dma source(%arg10 : memref<10x8x512xf32, #tpu.memory_space<vmem>>) target(%dma_start3A_144 : memref<10x8x512xf32, #tpu.memory_space<hbm>>) target_semaphore(%arg14 : memref<!tpu.dma_semaphore, #tpu.memory_space<semaphore_mem>>)
    %add3A_145 = arith.constant 8 : i32
    %add3A_146 = arith.addi %mul3A_2, %add3A_145 : i32
    %dma_start3A_147 = arith.constant 512 : i32
    %dma_start3A_148 = tpu.memref_slice %arg2[%add3A_146, %dma_start3A_147] : memref<1024x1024xi32, #tpu.memory_space<hbm>> -> memref<8x512xi32, #tpu.memory_space<hbm>>
    %dma_start3A_149 = arith.constant 512 : i32
    %dma_start3A_150 = tpu.memref_slice %arg2[%add3A_146, %dma_start3A_149] : memref<1024x1024xi32, #tpu.memory_space<hbm>> -> memref<8x512xi32, #tpu.memory_space<hbm>>
    tpu.enqueue_dma source(%dma_start3A_150 : memref<8x512xi32, #tpu.memory_space<hbm>>) target(%arg6 : memref<8x512xi32, #tpu.memory_space<vmem>>) target_semaphore(%arg12 : memref<!tpu.dma_semaphore, #tpu.memory_space<semaphore_mem>>)
    %scan3A = arith.constant 0 : i32
    %scan3A_151 = arith.constant 3 : i32
    %scan3A_152 = arith.addi %scan3A, %scan3A_151 : i32
    %scan3A_153 = arith.constant 1 : i32
    scf.for %scan3A_183 = %scan3A to %scan3A_152 step %scan3A_153  : i32 {
      %mul3A_184 = arith.constant 1 : i32
      %mul3A_185 = arith.muli %scan3A_183, %mul3A_184 : i32
      %add3A_186 = arith.constant 1 : i32
      %add3A_187 = arith.addi %add3A_186, %mul3A_185 : i32
      %mul3A_188 = arith.constant 2 : i32
      %mul3A_189 = arith.muli %add3A_187, %mul3A_188 : i32
      %add3A_190 = arith.constant 0 : i32
      %add3A_191 = arith.addi %mul3A_189, %add3A_190 : i32
      %sub3A = arith.constant 2 : i32
      %sub3A_192 = arith.subi %add3A_191, %sub3A : i32
      %jit3A = arith.constant 2 : i32
      %div3A = arith.divsi %sub3A_192, %jit3A : i32
      %sign3A = arith.constant 0 : i32
      %sign3A_193 = arith.cmpi sgt, %sub3A_192, %sign3A : i32
      %sign3A_194 = arith.extui %sign3A_193 : i1 to i32
      %sign3A_195 = arith.constant 0 : i32
      %sign3A_196 = arith.cmpi slt, %sub3A_192, %sign3A_195 : i32
      %sign3A_197 = arith.extui %sign3A_196 : i1 to i32
      %sign3A_198 = arith.subi %sign3A_194, %sign3A_197 : i32
      %sign3A_199 = arith.constant 0 : i32
      %sign3A_200 = arith.cmpi sgt, %jit3A, %sign3A_199 : i32
      %sign3A_201 = arith.extui %sign3A_200 : i1 to i32
      %sign3A_202 = arith.constant 0 : i32
      %sign3A_203 = arith.cmpi slt, %jit3A, %sign3A_202 : i32
      %sign3A_204 = arith.extui %sign3A_203 : i1 to i32
      %sign3A_205 = arith.subi %sign3A_201, %sign3A_204 : i32
      %ne3A = arith.cmpi ne, %sign3A_198, %sign3A_205 : i32
      %rem3A = arith.remsi %sub3A_192, %jit3A : i32
      %ne3A_206 = arith.constant 0 : i32
      %ne3A_207 = arith.cmpi ne, %rem3A, %ne3A_206 : i32
      %and3A = arith.andi %ne3A, %ne3A_207 : i1
      %sub3A_208 = arith.constant 1 : i32
      %sub3A_209 = arith.subi %div3A, %sub3A_208 : i32
      %select_n3A = arith.select %and3A, %sub3A_209, %div3A : i32
      %jit3A_210 = arith.constant 2 : i32
      %eq3A = arith.constant 0 : i32
      %eq3A_211 = arith.cmpi eq, %jit3A_210, %eq3A : i32
      %jit3A_212 = arith.constant 1 : i32
      %select_n3A_213 = arith.select %eq3A_211, %jit3A_212, %jit3A_210 : i32
      %rem3A_214 = arith.remsi %sub3A_192, %select_n3A_213 : i32
      %ne3A_215 = arith.constant 0 : i32
      %ne3A_216 = arith.cmpi ne, %rem3A_214, %ne3A_215 : i32
      %lt3A = arith.constant 0 : i32
      %lt3A_217 = arith.cmpi slt, %rem3A_214, %lt3A : i32
      %lt3A_218 = arith.constant 0 : i32
      %lt3A_219 = arith.cmpi slt, %select_n3A_213, %lt3A_218 : i32
      %ne3A_220 = arith.xori %lt3A_217, %lt3A_219 : i1
      %and3A_221 = arith.andi %ne3A_220, %ne3A_216 : i1
      %add3A_222 = arith.addi %rem3A_214, %select_n3A_213 : i32
      %select_n3A_223 = arith.select %and3A_221, %add3A_222, %rem3A_214 : i32
      %mul3A_224 = arith.constant 8 : i32
      %mul3A_225 = arith.muli %select_n3A, %mul3A_224 : i32
      %add3A_226 = arith.addi %mul3A_2, %mul3A_225 : i32
      %mul3A_227 = arith.constant 512 : i32
      %mul3A_228 = arith.muli %select_n3A_223, %mul3A_227 : i32
      %dma_wait3A_229 = arith.constant 0 : i32
      %dma_wait3A_230 = tpu.memref_slice %arg4[%dma_wait3A_229, %add3A_226, %mul3A_228] : memref<10x1024x1024xf32, #tpu.memory_space<hbm>> -> memref<10x8x512xf32, #tpu.memory_space<hbm>>
      %dma_wait3A_231 = arith.constant 0 : i32
      %dma_wait3A_232 = tpu.memref_slice %arg4[%dma_wait3A_231, %add3A_226, %mul3A_228] : memref<10x1024x1024xf32, #tpu.memory_space<hbm>> -> memref<10x8x512xf32, #tpu.memory_space<hbm>>
      tpu.wait_dma2 semaphore(%arg13 : memref<!tpu.dma_semaphore, #tpu.memory_space<semaphore_mem>>) src(%arg9 : memref<10x8x512xf32, #tpu.memory_space<vmem>>) dst(%dma_wait3A_232 : memref<10x8x512xf32, #tpu.memory_space<hbm>>)
      %broadcast_in_dim3A_233 = arith.constant 0 : i32
      %broadcast_in_dim3A_234 = vector.broadcast %broadcast_in_dim3A_233 : i32 to vector<16xi32>
      %parallel_loop3A_235 = arith.constant 0 : i32
      %parallel_loop3A_236 = arith.constant 32 : i32
      %parallel_loop3A_237 = arith.constant 1 : i32
      %parallel_loop3A_238 = scf.for %parallel_loop3A_773 = %parallel_loop3A_235 to %parallel_loop3A_236 step %parallel_loop3A_237 iter_args(%parallel_loop3A_774 = %iota3A) -> (vector<16xi32>)  : i32 {
        %parallel_loop3A_775 = arith.constant 16 : i32
        %parallel_loop3A_776 = arith.muli %parallel_loop3A_773, %parallel_loop3A_775 : i32
        %parallel_loop3A_777 = arith.constant 0 : i32
        %parallel_loop3A_778 = arith.index_cast %parallel_loop3A_777 : i32 to index
        %parallel_loop3A_779 = arith.index_cast %parallel_loop3A_776 : i32 to index
        %parallel_loop3A_780 = tpu.vector_load %arg7[%parallel_loop3A_778, %parallel_loop3A_779] {strides = array<i32>} : memref<8x512xi32, #tpu.memory_space<vmem>>, vector<16xi32>,
        tpu.vector_store_idx %arg9[%parallel_loop3A_780, %broadcast_in_dim3A_234, %parallel_loop3A_774], %broadcast_in_dim3A_5 : memref<10x8x512xf32, #tpu.memory_space<vmem>>[vector<16xi32>, vector<16xi32>, vector<16xi32>], vector<16xf32>,
        %parallel_loop3A_781 = arith.constant 16 : i32
        %parallel_loop3A_782 = vector.broadcast %parallel_loop3A_781 : i32 to vector<16xi32>
        %parallel_loop3A_783 = arith.addi %parallel_loop3A_774, %parallel_loop3A_782 : vector<16xi32>
        scf.yield %parallel_loop3A_783 : vector<16xi32>
      } {sc.loop_unroll_factor = 4 : i64, sc.parallel_access}
      %broadcast_in_dim3A_239 = arith.constant 1 : i32
      %broadcast_in_dim3A_240 = vector.broadcast %broadcast_in_dim3A_239 : i32 to vector<16xi32>
      %parallel_loop3A_241 = arith.constant 0 : i32
      %parallel_loop3A_242 = arith.constant 32 : i32
      %parallel_loop3A_243 = arith.constant 1 : i32
      %parallel_loop3A_244 = scf.for %parallel_loop3A_773 = %parallel_loop3A_241 to %parallel_loop3A_242 step %parallel_loop3A_243 iter_args(%parallel_loop3A_774 = %iota3A) -> (vector<16xi32>)  : i32 {
        %parallel_loop3A_775 = arith.constant 16 : i32
        %parallel_loop3A_776 = arith.muli %parallel_loop3A_773, %parallel_loop3A_775 : i32
        %parallel_loop3A_777 = arith.constant 1 : i32
        %parallel_loop3A_778 = arith.index_cast %parallel_loop3A_777 : i32 to index
        %parallel_loop3A_779 = arith.index_cast %parallel_loop3A_776 : i32 to index
        %parallel_loop3A_780 = tpu.vector_load %arg7[%parallel_loop3A_778, %parallel_loop3A_779] {strides = array<i32>} : memref<8x512xi32, #tpu.memory_space<vmem>>, vector<16xi32>,
        tpu.vector_store_idx %arg9[%parallel_loop3A_780, %broadcast_in_dim3A_240, %parallel_loop3A_774], %broadcast_in_dim3A_5 : memref<10x8x512xf32, #tpu.memory_space<vmem>>[vector<16xi32>, vector<16xi32>, vector<16xi32>], vector<16xf32>,
        %parallel_loop3A_781 = arith.constant 16 : i32
        %parallel_loop3A_782 = vector.broadcast %parallel_loop3A_781 : i32 to vector<16xi32>
        %parallel_loop3A_783 = arith.addi %parallel_loop3A_774, %parallel_loop3A_782 : vector<16xi32>
        scf.yield %parallel_loop3A_783 : vector<16xi32>
      } {sc.loop_unroll_factor = 4 : i64, sc.parallel_access}
      %broadcast_in_dim3A_245 = arith.constant 2 : i32
      %broadcast_in_dim3A_246 = vector.broadcast %broadcast_in_dim3A_245 : i32 to vector<16xi32>
      %parallel_loop3A_247 = arith.constant 0 : i32
      %parallel_loop3A_248 = arith.constant 32 : i32
      %parallel_loop3A_249 = arith.constant 1 : i32
      %parallel_loop3A_250 = scf.for %parallel_loop3A_773 = %parallel_loop3A_247 to %parallel_loop3A_248 step %parallel_loop3A_249 iter_args(%parallel_loop3A_774 = %iota3A) -> (vector<16xi32>)  : i32 {
        %parallel_loop3A_775 = arith.constant 16 : i32
        %parallel_loop3A_776 = arith.muli %parallel_loop3A_773, %parallel_loop3A_775 : i32
        %parallel_loop3A_777 = arith.constant 2 : i32
        %parallel_loop3A_778 = arith.index_cast %parallel_loop3A_777 : i32 to index
        %parallel_loop3A_779 = arith.index_cast %parallel_loop3A_776 : i32 to index
        %parallel_loop3A_780 = tpu.vector_load %arg7[%parallel_loop3A_778, %parallel_loop3A_779] {strides = array<i32>} : memref<8x512xi32, #tpu.memory_space<vmem>>, vector<16xi32>,
        tpu.vector_store_idx %arg9[%parallel_loop3A_780, %broadcast_in_dim3A_246, %parallel_loop3A_774], %broadcast_in_dim3A_5 : memref<10x8x512xf32, #tpu.memory_space<vmem>>[vector<16xi32>, vector<16xi32>, vector<16xi32>], vector<16xf32>,
        %parallel_loop3A_781 = arith.constant 16 : i32
        %parallel_loop3A_782 = vector.broadcast %parallel_loop3A_781 : i32 to vector<16xi32>
        %parallel_loop3A_783 = arith.addi %parallel_loop3A_774, %parallel_loop3A_782 : vector<16xi32>
        scf.yield %parallel_loop3A_783 : vector<16xi32>
      } {sc.loop_unroll_factor = 4 : i64, sc.parallel_access}
      %broadcast_in_dim3A_251 = arith.constant 3 : i32
      %broadcast_in_dim3A_252 = vector.broadcast %broadcast_in_dim3A_251 : i32 to vector<16xi32>
      %parallel_loop3A_253 = arith.constant 0 : i32
      %parallel_loop3A_254 = arith.constant 32 : i32
      %parallel_loop3A_255 = arith.constant 1 : i32
      %parallel_loop3A_256 = scf.for %parallel_loop3A_773 = %parallel_loop3A_253 to %parallel_loop3A_254 step %parallel_loop3A_255 iter_args(%parallel_loop3A_774 = %iota3A) -> (vector<16xi32>)  : i32 {
        %parallel_loop3A_775 = arith.constant 16 : i32
        %parallel_loop3A_776 = arith.muli %parallel_loop3A_773, %parallel_loop3A_775 : i32
        %parallel_loop3A_777 = arith.constant 3 : i32
        %parallel_loop3A_778 = arith.index_cast %parallel_loop3A_777 : i32 to index
        %parallel_loop3A_779 = arith.index_cast %parallel_loop3A_776 : i32 to index
        %parallel_loop3A_780 = tpu.vector_load %arg7[%parallel_loop3A_778, %parallel_loop3A_779] {strides = array<i32>} : memref<8x512xi32, #tpu.memory_space<vmem>>, vector<16xi32>,
        tpu.vector_store_idx %arg9[%parallel_loop3A_780, %broadcast_in_dim3A_252, %parallel_loop3A_774], %broadcast_in_dim3A_5 : memref<10x8x512xf32, #tpu.memory_space<vmem>>[vector<16xi32>, vector<16xi32>, vector<16xi32>], vector<16xf32>,
        %parallel_loop3A_781 = arith.constant 16 : i32
        %parallel_loop3A_782 = vector.broadcast %parallel_loop3A_781 : i32 to vector<16xi32>
        %parallel_loop3A_783 = arith.addi %parallel_loop3A_774, %parallel_loop3A_782 : vector<16xi32>
        scf.yield %parallel_loop3A_783 : vector<16xi32>
      } {sc.loop_unroll_factor = 4 : i64, sc.parallel_access}
      %broadcast_in_dim3A_257 = arith.constant 4 : i32
      %broadcast_in_dim3A_258 = vector.broadcast %broadcast_in_dim3A_257 : i32 to vector<16xi32>
      %parallel_loop3A_259 = arith.constant 0 : i32
      %parallel_loop3A_260 = arith.constant 32 : i32
      %parallel_loop3A_261 = arith.constant 1 : i32
      %parallel_loop3A_262 = scf.for %parallel_loop3A_773 = %parallel_loop3A_259 to %parallel_loop3A_260 step %parallel_loop3A_261 iter_args(%parallel_loop3A_774 = %iota3A) -> (vector<16xi32>)  : i32 {
        %parallel_loop3A_775 = arith.constant 16 : i32
        %parallel_loop3A_776 = arith.muli %parallel_loop3A_773, %parallel_loop3A_775 : i32
        %parallel_loop3A_777 = arith.constant 4 : i32
        %parallel_loop3A_778 = arith.index_cast %parallel_loop3A_777 : i32 to index
        %parallel_loop3A_779 = arith.index_cast %parallel_loop3A_776 : i32 to index
        %parallel_loop3A_780 = tpu.vector_load %arg7[%parallel_loop3A_778, %parallel_loop3A_779] {strides = array<i32>} : memref<8x512xi32, #tpu.memory_space<vmem>>, vector<16xi32>,
        tpu.vector_store_idx %arg9[%parallel_loop3A_780, %broadcast_in_dim3A_258, %parallel_loop3A_774], %broadcast_in_dim3A_5 : memref<10x8x512xf32, #tpu.memory_space<vmem>>[vector<16xi32>, vector<16xi32>, vector<16xi32>], vector<16xf32>,
        %parallel_loop3A_781 = arith.constant 16 : i32
        %parallel_loop3A_782 = vector.broadcast %parallel_loop3A_781 : i32 to vector<16xi32>
        %parallel_loop3A_783 = arith.addi %parallel_loop3A_774, %parallel_loop3A_782 : vector<16xi32>
        scf.yield %parallel_loop3A_783 : vector<16xi32>
      } {sc.loop_unroll_factor = 4 : i64, sc.parallel_access}
      %broadcast_in_dim3A_263 = arith.constant 5 : i32
      %broadcast_in_dim3A_264 = vector.broadcast %broadcast_in_dim3A_263 : i32 to vector<16xi32>
      %parallel_loop3A_265 = arith.constant 0 : i32
      %parallel_loop3A_266 = arith.constant 32 : i32
      %parallel_loop3A_267 = arith.constant 1 : i32
      %parallel_loop3A_268 = scf.for %parallel_loop3A_773 = %parallel_loop3A_265 to %parallel_loop3A_266 step %parallel_loop3A_267 iter_args(%parallel_loop3A_774 = %iota3A) -> (vector<16xi32>)  : i32 {
        %parallel_loop3A_775 = arith.constant 16 : i32
        %parallel_loop3A_776 = arith.muli %parallel_loop3A_773, %parallel_loop3A_775 : i32
        %parallel_loop3A_777 = arith.constant 5 : i32
        %parallel_loop3A_778 = arith.index_cast %parallel_loop3A_777 : i32 to index
        %parallel_loop3A_779 = arith.index_cast %parallel_loop3A_776 : i32 to index
        %parallel_loop3A_780 = tpu.vector_load %arg7[%parallel_loop3A_778, %parallel_loop3A_779] {strides = array<i32>} : memref<8x512xi32, #tpu.memory_space<vmem>>, vector<16xi32>,
        tpu.vector_store_idx %arg9[%parallel_loop3A_780, %broadcast_in_dim3A_264, %parallel_loop3A_774], %broadcast_in_dim3A_5 : memref<10x8x512xf32, #tpu.memory_space<vmem>>[vector<16xi32>, vector<16xi32>, vector<16xi32>], vector<16xf32>,
        %parallel_loop3A_781 = arith.constant 16 : i32
        %parallel_loop3A_782 = vector.broadcast %parallel_loop3A_781 : i32 to vector<16xi32>
        %parallel_loop3A_783 = arith.addi %parallel_loop3A_774, %parallel_loop3A_782 : vector<16xi32>
        scf.yield %parallel_loop3A_783 : vector<16xi32>
      } {sc.loop_unroll_factor = 4 : i64, sc.parallel_access}
      %broadcast_in_dim3A_269 = arith.constant 6 : i32
      %broadcast_in_dim3A_270 = vector.broadcast %broadcast_in_dim3A_269 : i32 to vector<16xi32>
      %parallel_loop3A_271 = arith.constant 0 : i32
      %parallel_loop3A_272 = arith.constant 32 : i32
      %parallel_loop3A_273 = arith.constant 1 : i32
      %parallel_loop3A_274 = scf.for %parallel_loop3A_773 = %parallel_loop3A_271 to %parallel_loop3A_272 step %parallel_loop3A_273 iter_args(%parallel_loop3A_774 = %iota3A) -> (vector<16xi32>)  : i32 {
        %parallel_loop3A_775 = arith.constant 16 : i32
        %parallel_loop3A_776 = arith.muli %parallel_loop3A_773, %parallel_loop3A_775 : i32
        %parallel_loop3A_777 = arith.constant 6 : i32
        %parallel_loop3A_778 = arith.index_cast %parallel_loop3A_777 : i32 to index
        %parallel_loop3A_779 = arith.index_cast %parallel_loop3A_776 : i32 to index
        %parallel_loop3A_780 = tpu.vector_load %arg7[%parallel_loop3A_778, %parallel_loop3A_779] {strides = array<i32>} : memref<8x512xi32, #tpu.memory_space<vmem>>, vector<16xi32>,
        tpu.vector_store_idx %arg9[%parallel_loop3A_780, %broadcast_in_dim3A_270, %parallel_loop3A_774], %broadcast_in_dim3A_5 : memref<10x8x512xf32, #tpu.memory_space<vmem>>[vector<16xi32>, vector<16xi32>, vector<16xi32>], vector<16xf32>,
        %parallel_loop3A_781 = arith.constant 16 : i32
        %parallel_loop3A_782 = vector.broadcast %parallel_loop3A_781 : i32 to vector<16xi32>
        %parallel_loop3A_783 = arith.addi %parallel_loop3A_774, %parallel_loop3A_782 : vector<16xi32>
        scf.yield %parallel_loop3A_783 : vector<16xi32>
      } {sc.loop_unroll_factor = 4 : i64, sc.parallel_access}
      %broadcast_in_dim3A_275 = arith.constant 7 : i32
      %broadcast_in_dim3A_276 = vector.broadcast %broadcast_in_dim3A_275 : i32 to vector<16xi32>
      %parallel_loop3A_277 = arith.constant 0 : i32
      %parallel_loop3A_278 = arith.constant 32 : i32
      %parallel_loop3A_279 = arith.constant 1 : i32
      %parallel_loop3A_280 = scf.for %parallel_loop3A_773 = %parallel_loop3A_277 to %parallel_loop3A_278 step %parallel_loop3A_279 iter_args(%parallel_loop3A_774 = %iota3A) -> (vector<16xi32>)  : i32 {
        %parallel_loop3A_775 = arith.constant 16 : i32
        %parallel_loop3A_776 = arith.muli %parallel_loop3A_773, %parallel_loop3A_775 : i32
        %parallel_loop3A_777 = arith.constant 7 : i32
        %parallel_loop3A_778 = arith.index_cast %parallel_loop3A_777 : i32 to index
        %parallel_loop3A_779 = arith.index_cast %parallel_loop3A_776 : i32 to index
        %parallel_loop3A_780 = tpu.vector_load %arg7[%parallel_loop3A_778, %parallel_loop3A_779] {strides = array<i32>} : memref<8x512xi32, #tpu.memory_space<vmem>>, vector<16xi32>,
        tpu.vector_store_idx %arg9[%parallel_loop3A_780, %broadcast_in_dim3A_276, %parallel_loop3A_774], %broadcast_in_dim3A_5 : memref<10x8x512xf32, #tpu.memory_space<vmem>>[vector<16xi32>, vector<16xi32>, vector<16xi32>], vector<16xf32>,
        %parallel_loop3A_781 = arith.constant 16 : i32
        %parallel_loop3A_782 = vector.broadcast %parallel_loop3A_781 : i32 to vector<16xi32>
        %parallel_loop3A_783 = arith.addi %parallel_loop3A_774, %parallel_loop3A_782 : vector<16xi32>
        scf.yield %parallel_loop3A_783 : vector<16xi32>
      } {sc.loop_unroll_factor = 4 : i64, sc.parallel_access}
      %jit3A_281 = arith.constant 2 : i32
      %div3A_282 = arith.divsi %add3A_191, %jit3A_281 : i32
      %sign3A_283 = arith.constant 0 : i32
      %sign3A_284 = arith.cmpi sgt, %add3A_191, %sign3A_283 : i32
      %sign3A_285 = arith.extui %sign3A_284 : i1 to i32
      %sign3A_286 = arith.constant 0 : i32
      %sign3A_287 = arith.cmpi slt, %add3A_191, %sign3A_286 : i32
      %sign3A_288 = arith.extui %sign3A_287 : i1 to i32
      %sign3A_289 = arith.subi %sign3A_285, %sign3A_288 : i32
      %sign3A_290 = arith.constant 0 : i32
      %sign3A_291 = arith.cmpi sgt, %jit3A_281, %sign3A_290 : i32
      %sign3A_292 = arith.extui %sign3A_291 : i1 to i32
      %sign3A_293 = arith.constant 0 : i32
      %sign3A_294 = arith.cmpi slt, %jit3A_281, %sign3A_293 : i32
      %sign3A_295 = arith.extui %sign3A_294 : i1 to i32
      %sign3A_296 = arith.subi %sign3A_292, %sign3A_295 : i32
      %ne3A_297 = arith.cmpi ne, %sign3A_289, %sign3A_296 : i32
      %rem3A_298 = arith.remsi %add3A_191, %jit3A_281 : i32
      %ne3A_299 = arith.constant 0 : i32
      %ne3A_300 = arith.cmpi ne, %rem3A_298, %ne3A_299 : i32
      %and3A_301 = arith.andi %ne3A_297, %ne3A_300 : i1
      %sub3A_302 = arith.constant 1 : i32
      %sub3A_303 = arith.subi %div3A_282, %sub3A_302 : i32
      %select_n3A_304 = arith.select %and3A_301, %sub3A_303, %div3A_282 : i32
      %jit3A_305 = arith.constant 2 : i32
      %eq3A_306 = arith.constant 0 : i32
      %eq3A_307 = arith.cmpi eq, %jit3A_305, %eq3A_306 : i32
      %jit3A_308 = arith.constant 1 : i32
      %select_n3A_309 = arith.select %eq3A_307, %jit3A_308, %jit3A_305 : i32
      %rem3A_310 = arith.remsi %add3A_191, %select_n3A_309 : i32
      %ne3A_311 = arith.constant 0 : i32
      %ne3A_312 = arith.cmpi ne, %rem3A_310, %ne3A_311 : i32
      %lt3A_313 = arith.constant 0 : i32
      %lt3A_314 = arith.cmpi slt, %rem3A_310, %lt3A_313 : i32
      %lt3A_315 = arith.constant 0 : i32
      %lt3A_316 = arith.cmpi slt, %select_n3A_309, %lt3A_315 : i32
      %ne3A_317 = arith.xori %lt3A_314, %lt3A_316 : i1
      %and3A_318 = arith.andi %ne3A_317, %ne3A_312 : i1
      %add3A_319 = arith.addi %rem3A_310, %select_n3A_309 : i32
      %select_n3A_320 = arith.select %and3A_318, %add3A_319, %rem3A_310 : i32
      %mul3A_321 = arith.constant 8 : i32
      %mul3A_322 = arith.muli %select_n3A_304, %mul3A_321 : i32
      %add3A_323 = arith.addi %mul3A_2, %mul3A_322 : i32
      %mul3A_324 = arith.constant 512 : i32
      %mul3A_325 = arith.muli %select_n3A_320, %mul3A_324 : i32
      %dma_wait3A_326 = tpu.memref_slice %arg2[%add3A_323, %mul3A_325] : memref<1024x1024xi32, #tpu.memory_space<hbm>> -> memref<8x512xi32, #tpu.memory_space<hbm>>
      %dma_wait3A_327 = tpu.memref_slice %arg2[%add3A_323, %mul3A_325] : memref<1024x1024xi32, #tpu.memory_space<hbm>> -> memref<8x512xi32, #tpu.memory_space<hbm>>
      tpu.wait_dma2 semaphore(%arg11 : memref<!tpu.dma_semaphore, #tpu.memory_space<semaphore_mem>>) src(%dma_wait3A_327 : memref<8x512xi32, #tpu.memory_space<hbm>>) dst(%arg5 : memref<8x512xi32, #tpu.memory_space<vmem>>)
      %broadcast_in_dim3A_328 = arith.constant 0 : i32
      %broadcast_in_dim3A_329 = vector.broadcast %broadcast_in_dim3A_328 : i32 to vector<16xi32>
      %parallel_loop3A_330 = arith.constant 0 : i32
      %parallel_loop3A_331 = arith.constant 32 : i32
      %parallel_loop3A_332 = arith.constant 1 : i32
      %parallel_loop3A_333 = scf.for %parallel_loop3A_773 = %parallel_loop3A_330 to %parallel_loop3A_331 step %parallel_loop3A_332 iter_args(%parallel_loop3A_774 = %iota3A) -> (vector<16xi32>)  : i32 {
        %parallel_loop3A_775 = arith.constant 16 : i32
        %parallel_loop3A_776 = arith.muli %parallel_loop3A_773, %parallel_loop3A_775 : i32
        %parallel_loop3A_777 = arith.constant 0 : i32
        %parallel_loop3A_778 = arith.index_cast %parallel_loop3A_777 : i32 to index
        %parallel_loop3A_779 = arith.index_cast %parallel_loop3A_776 : i32 to index
        %parallel_loop3A_780 = tpu.vector_load %arg5[%parallel_loop3A_778, %parallel_loop3A_779] {strides = array<i32>} : memref<8x512xi32, #tpu.memory_space<vmem>>, vector<16xi32>,
        %parallel_loop3A_781 = arith.constant 16 : i32
        %parallel_loop3A_782 = arith.muli %parallel_loop3A_773, %parallel_loop3A_781 : i32
        %parallel_loop3A_783 = arith.constant 0 : i32
        %parallel_loop3A_784 = arith.index_cast %parallel_loop3A_783 : i32 to index
        %parallel_loop3A_785 = arith.index_cast %parallel_loop3A_782 : i32 to index
        %parallel_loop3A_786 = tpu.vector_load %arg7[%parallel_loop3A_784, %parallel_loop3A_785] {strides = array<i32>} : memref<8x512xi32, #tpu.memory_space<vmem>>, vector<16xi32>,
        tpu.vector_store %arg7[%parallel_loop3A_784, %parallel_loop3A_785], %parallel_loop3A_780 {strides = array<i32>} : memref<8x512xi32, #tpu.memory_space<vmem>>, vector<16xi32>,
        tpu.vector_store_idx %arg9[%parallel_loop3A_780, %broadcast_in_dim3A_329, %parallel_loop3A_774], %broadcast_in_dim3A_3 : memref<10x8x512xf32, #tpu.memory_space<vmem>>[vector<16xi32>, vector<16xi32>, vector<16xi32>], vector<16xf32>,
        %parallel_loop3A_787 = arith.constant 16 : i32
        %parallel_loop3A_788 = vector.broadcast %parallel_loop3A_787 : i32 to vector<16xi32>
        %parallel_loop3A_789 = arith.addi %parallel_loop3A_774, %parallel_loop3A_788 : vector<16xi32>
        scf.yield %parallel_loop3A_789 : vector<16xi32>
      } {sc.loop_unroll_factor = 4 : i64, sc.parallel_access}
      %broadcast_in_dim3A_334 = arith.constant 1 : i32
      %broadcast_in_dim3A_335 = vector.broadcast %broadcast_in_dim3A_334 : i32 to vector<16xi32>
      %parallel_loop3A_336 = arith.constant 0 : i32
      %parallel_loop3A_337 = arith.constant 32 : i32
      %parallel_loop3A_338 = arith.constant 1 : i32
      %parallel_loop3A_339 = scf.for %parallel_loop3A_773 = %parallel_loop3A_336 to %parallel_loop3A_337 step %parallel_loop3A_338 iter_args(%parallel_loop3A_774 = %iota3A) -> (vector<16xi32>)  : i32 {
        %parallel_loop3A_775 = arith.constant 16 : i32
        %parallel_loop3A_776 = arith.muli %parallel_loop3A_773, %parallel_loop3A_775 : i32
        %parallel_loop3A_777 = arith.constant 1 : i32
        %parallel_loop3A_778 = arith.index_cast %parallel_loop3A_777 : i32 to index
        %parallel_loop3A_779 = arith.index_cast %parallel_loop3A_776 : i32 to index
        %parallel_loop3A_780 = tpu.vector_load %arg5[%parallel_loop3A_778, %parallel_loop3A_779] {strides = array<i32>} : memref<8x512xi32, #tpu.memory_space<vmem>>, vector<16xi32>,
        %parallel_loop3A_781 = arith.constant 16 : i32
        %parallel_loop3A_782 = arith.muli %parallel_loop3A_773, %parallel_loop3A_781 : i32
        %parallel_loop3A_783 = arith.constant 1 : i32
        %parallel_loop3A_784 = arith.index_cast %parallel_loop3A_783 : i32 to index
        %parallel_loop3A_785 = arith.index_cast %parallel_loop3A_782 : i32 to index
        %parallel_loop3A_786 = tpu.vector_load %arg7[%parallel_loop3A_784, %parallel_loop3A_785] {strides = array<i32>} : memref<8x512xi32, #tpu.memory_space<vmem>>, vector<16xi32>,
        tpu.vector_store %arg7[%parallel_loop3A_784, %parallel_loop3A_785], %parallel_loop3A_780 {strides = array<i32>} : memref<8x512xi32, #tpu.memory_space<vmem>>, vector<16xi32>,
        tpu.vector_store_idx %arg9[%parallel_loop3A_780, %broadcast_in_dim3A_335, %parallel_loop3A_774], %broadcast_in_dim3A_3 : memref<10x8x512xf32, #tpu.memory_space<vmem>>[vector<16xi32>, vector<16xi32>, vector<16xi32>], vector<16xf32>,
        %parallel_loop3A_787 = arith.constant 16 : i32
        %parallel_loop3A_788 = vector.broadcast %parallel_loop3A_787 : i32 to vector<16xi32>
        %parallel_loop3A_789 = arith.addi %parallel_loop3A_774, %parallel_loop3A_788 : vector<16xi32>
        scf.yield %parallel_loop3A_789 : vector<16xi32>
      } {sc.loop_unroll_factor = 4 : i64, sc.parallel_access}
      %broadcast_in_dim3A_340 = arith.constant 2 : i32
      %broadcast_in_dim3A_341 = vector.broadcast %broadcast_in_dim3A_340 : i32 to vector<16xi32>
      %parallel_loop3A_342 = arith.constant 0 : i32
      %parallel_loop3A_343 = arith.constant 32 : i32
      %parallel_loop3A_344 = arith.constant 1 : i32
      %parallel_loop3A_345 = scf.for %parallel_loop3A_773 = %parallel_loop3A_342 to %parallel_loop3A_343 step %parallel_loop3A_344 iter_args(%parallel_loop3A_774 = %iota3A) -> (vector<16xi32>)  : i32 {
        %parallel_loop3A_775 = arith.constant 16 : i32
        %parallel_loop3A_776 = arith.muli %parallel_loop3A_773, %parallel_loop3A_775 : i32
        %parallel_loop3A_777 = arith.constant 2 : i32
        %parallel_loop3A_778 = arith.index_cast %parallel_loop3A_777 : i32 to index
        %parallel_loop3A_779 = arith.index_cast %parallel_loop3A_776 : i32 to index
        %parallel_loop3A_780 = tpu.vector_load %arg5[%parallel_loop3A_778, %parallel_loop3A_779] {strides = array<i32>} : memref<8x512xi32, #tpu.memory_space<vmem>>, vector<16xi32>,
        %parallel_loop3A_781 = arith.constant 16 : i32
        %parallel_loop3A_782 = arith.muli %parallel_loop3A_773, %parallel_loop3A_781 : i32
        %parallel_loop3A_783 = arith.constant 2 : i32
        %parallel_loop3A_784 = arith.index_cast %parallel_loop3A_783 : i32 to index
        %parallel_loop3A_785 = arith.index_cast %parallel_loop3A_782 : i32 to index
        %parallel_loop3A_786 = tpu.vector_load %arg7[%parallel_loop3A_784, %parallel_loop3A_785] {strides = array<i32>} : memref<8x512xi32, #tpu.memory_space<vmem>>, vector<16xi32>,
        tpu.vector_store %arg7[%parallel_loop3A_784, %parallel_loop3A_785], %parallel_loop3A_780 {strides = array<i32>} : memref<8x512xi32, #tpu.memory_space<vmem>>, vector<16xi32>,
        tpu.vector_store_idx %arg9[%parallel_loop3A_780, %broadcast_in_dim3A_341, %parallel_loop3A_774], %broadcast_in_dim3A_3 : memref<10x8x512xf32, #tpu.memory_space<vmem>>[vector<16xi32>, vector<16xi32>, vector<16xi32>], vector<16xf32>,
        %parallel_loop3A_787 = arith.constant 16 : i32
        %parallel_loop3A_788 = vector.broadcast %parallel_loop3A_787 : i32 to vector<16xi32>
        %parallel_loop3A_789 = arith.addi %parallel_loop3A_774, %parallel_loop3A_788 : vector<16xi32>
        scf.yield %parallel_loop3A_789 : vector<16xi32>
      } {sc.loop_unroll_factor = 4 : i64, sc.parallel_access}
      %broadcast_in_dim3A_346 = arith.constant 3 : i32
      %broadcast_in_dim3A_347 = vector.broadcast %broadcast_in_dim3A_346 : i32 to vector<16xi32>
      %parallel_loop3A_348 = arith.constant 0 : i32
      %parallel_loop3A_349 = arith.constant 32 : i32
      %parallel_loop3A_350 = arith.constant 1 : i32
      %parallel_loop3A_351 = scf.for %parallel_loop3A_773 = %parallel_loop3A_348 to %parallel_loop3A_349 step %parallel_loop3A_350 iter_args(%parallel_loop3A_774 = %iota3A) -> (vector<16xi32>)  : i32 {
        %parallel_loop3A_775 = arith.constant 16 : i32
        %parallel_loop3A_776 = arith.muli %parallel_loop3A_773, %parallel_loop3A_775 : i32
        %parallel_loop3A_777 = arith.constant 3 : i32
        %parallel_loop3A_778 = arith.index_cast %parallel_loop3A_777 : i32 to index
        %parallel_loop3A_779 = arith.index_cast %parallel_loop3A_776 : i32 to index
        %parallel_loop3A_780 = tpu.vector_load %arg5[%parallel_loop3A_778, %parallel_loop3A_779] {strides = array<i32>} : memref<8x512xi32, #tpu.memory_space<vmem>>, vector<16xi32>,
        %parallel_loop3A_781 = arith.constant 16 : i32
        %parallel_loop3A_782 = arith.muli %parallel_loop3A_773, %parallel_loop3A_781 : i32
        %parallel_loop3A_783 = arith.constant 3 : i32
        %parallel_loop3A_784 = arith.index_cast %parallel_loop3A_783 : i32 to index
        %parallel_loop3A_785 = arith.index_cast %parallel_loop3A_782 : i32 to index
        %parallel_loop3A_786 = tpu.vector_load %arg7[%parallel_loop3A_784, %parallel_loop3A_785] {strides = array<i32>} : memref<8x512xi32, #tpu.memory_space<vmem>>, vector<16xi32>,
        tpu.vector_store %arg7[%parallel_loop3A_784, %parallel_loop3A_785], %parallel_loop3A_780 {strides = array<i32>} : memref<8x512xi32, #tpu.memory_space<vmem>>, vector<16xi32>,
        tpu.vector_store_idx %arg9[%parallel_loop3A_780, %broadcast_in_dim3A_347, %parallel_loop3A_774], %broadcast_in_dim3A_3 : memref<10x8x512xf32, #tpu.memory_space<vmem>>[vector<16xi32>, vector<16xi32>, vector<16xi32>], vector<16xf32>,
        %parallel_loop3A_787 = arith.constant 16 : i32
        %parallel_loop3A_788 = vector.broadcast %parallel_loop3A_787 : i32 to vector<16xi32>
        %parallel_loop3A_789 = arith.addi %parallel_loop3A_774, %parallel_loop3A_788 : vector<16xi32>
        scf.yield %parallel_loop3A_789 : vector<16xi32>
      } {sc.loop_unroll_factor = 4 : i64, sc.parallel_access}
      %broadcast_in_dim3A_352 = arith.constant 4 : i32
      %broadcast_in_dim3A_353 = vector.broadcast %broadcast_in_dim3A_352 : i32 to vector<16xi32>
      %parallel_loop3A_354 = arith.constant 0 : i32
      %parallel_loop3A_355 = arith.constant 32 : i32
      %parallel_loop3A_356 = arith.constant 1 : i32
      %parallel_loop3A_357 = scf.for %parallel_loop3A_773 = %parallel_loop3A_354 to %parallel_loop3A_355 step %parallel_loop3A_356 iter_args(%parallel_loop3A_774 = %iota3A) -> (vector<16xi32>)  : i32 {
        %parallel_loop3A_775 = arith.constant 16 : i32
        %parallel_loop3A_776 = arith.muli %parallel_loop3A_773, %parallel_loop3A_775 : i32
        %parallel_loop3A_777 = arith.constant 4 : i32
        %parallel_loop3A_778 = arith.index_cast %parallel_loop3A_777 : i32 to index
        %parallel_loop3A_779 = arith.index_cast %parallel_loop3A_776 : i32 to index
        %parallel_loop3A_780 = tpu.vector_load %arg5[%parallel_loop3A_778, %parallel_loop3A_779] {strides = array<i32>} : memref<8x512xi32, #tpu.memory_space<vmem>>, vector<16xi32>,
        %parallel_loop3A_781 = arith.constant 16 : i32
        %parallel_loop3A_782 = arith.muli %parallel_loop3A_773, %parallel_loop3A_781 : i32
        %parallel_loop3A_783 = arith.constant 4 : i32
        %parallel_loop3A_784 = arith.index_cast %parallel_loop3A_783 : i32 to index
        %parallel_loop3A_785 = arith.index_cast %parallel_loop3A_782 : i32 to index
        %parallel_loop3A_786 = tpu.vector_load %arg7[%parallel_loop3A_784, %parallel_loop3A_785] {strides = array<i32>} : memref<8x512xi32, #tpu.memory_space<vmem>>, vector<16xi32>,
        tpu.vector_store %arg7[%parallel_loop3A_784, %parallel_loop3A_785], %parallel_loop3A_780 {strides = array<i32>} : memref<8x512xi32, #tpu.memory_space<vmem>>, vector<16xi32>,
        tpu.vector_store_idx %arg9[%parallel_loop3A_780, %broadcast_in_dim3A_353, %parallel_loop3A_774], %broadcast_in_dim3A_3 : memref<10x8x512xf32, #tpu.memory_space<vmem>>[vector<16xi32>, vector<16xi32>, vector<16xi32>], vector<16xf32>,
        %parallel_loop3A_787 = arith.constant 16 : i32
        %parallel_loop3A_788 = vector.broadcast %parallel_loop3A_787 : i32 to vector<16xi32>
        %parallel_loop3A_789 = arith.addi %parallel_loop3A_774, %parallel_loop3A_788 : vector<16xi32>
        scf.yield %parallel_loop3A_789 : vector<16xi32>
      } {sc.loop_unroll_factor = 4 : i64, sc.parallel_access}
      %broadcast_in_dim3A_358 = arith.constant 5 : i32
      %broadcast_in_dim3A_359 = vector.broadcast %broadcast_in_dim3A_358 : i32 to vector<16xi32>
      %parallel_loop3A_360 = arith.constant 0 : i32
      %parallel_loop3A_361 = arith.constant 32 : i32
      %parallel_loop3A_362 = arith.constant 1 : i32
      %parallel_loop3A_363 = scf.for %parallel_loop3A_773 = %parallel_loop3A_360 to %parallel_loop3A_361 step %parallel_loop3A_362 iter_args(%parallel_loop3A_774 = %iota3A) -> (vector<16xi32>)  : i32 {
        %parallel_loop3A_775 = arith.constant 16 : i32
        %parallel_loop3A_776 = arith.muli %parallel_loop3A_773, %parallel_loop3A_775 : i32
        %parallel_loop3A_777 = arith.constant 5 : i32
        %parallel_loop3A_778 = arith.index_cast %parallel_loop3A_777 : i32 to index
        %parallel_loop3A_779 = arith.index_cast %parallel_loop3A_776 : i32 to index
        %parallel_loop3A_780 = tpu.vector_load %arg5[%parallel_loop3A_778, %parallel_loop3A_779] {strides = array<i32>} : memref<8x512xi32, #tpu.memory_space<vmem>>, vector<16xi32>,
        %parallel_loop3A_781 = arith.constant 16 : i32
        %parallel_loop3A_782 = arith.muli %parallel_loop3A_773, %parallel_loop3A_781 : i32
        %parallel_loop3A_783 = arith.constant 5 : i32
        %parallel_loop3A_784 = arith.index_cast %parallel_loop3A_783 : i32 to index
        %parallel_loop3A_785 = arith.index_cast %parallel_loop3A_782 : i32 to index
        %parallel_loop3A_786 = tpu.vector_load %arg7[%parallel_loop3A_784, %parallel_loop3A_785] {strides = array<i32>} : memref<8x512xi32, #tpu.memory_space<vmem>>, vector<16xi32>,
        tpu.vector_store %arg7[%parallel_loop3A_784, %parallel_loop3A_785], %parallel_loop3A_780 {strides = array<i32>} : memref<8x512xi32, #tpu.memory_space<vmem>>, vector<16xi32>,
        tpu.vector_store_idx %arg9[%parallel_loop3A_780, %broadcast_in_dim3A_359, %parallel_loop3A_774], %broadcast_in_dim3A_3 : memref<10x8x512xf32, #tpu.memory_space<vmem>>[vector<16xi32>, vector<16xi32>, vector<16xi32>], vector<16xf32>,
        %parallel_loop3A_787 = arith.constant 16 : i32
        %parallel_loop3A_788 = vector.broadcast %parallel_loop3A_787 : i32 to vector<16xi32>
        %parallel_loop3A_789 = arith.addi %parallel_loop3A_774, %parallel_loop3A_788 : vector<16xi32>
        scf.yield %parallel_loop3A_789 : vector<16xi32>
      } {sc.loop_unroll_factor = 4 : i64, sc.parallel_access}
      %broadcast_in_dim3A_364 = arith.constant 6 : i32
      %broadcast_in_dim3A_365 = vector.broadcast %broadcast_in_dim3A_364 : i32 to vector<16xi32>
      %parallel_loop3A_366 = arith.constant 0 : i32
      %parallel_loop3A_367 = arith.constant 32 : i32
      %parallel_loop3A_368 = arith.constant 1 : i32
      %parallel_loop3A_369 = scf.for %parallel_loop3A_773 = %parallel_loop3A_366 to %parallel_loop3A_367 step %parallel_loop3A_368 iter_args(%parallel_loop3A_774 = %iota3A) -> (vector<16xi32>)  : i32 {
        %parallel_loop3A_775 = arith.constant 16 : i32
        %parallel_loop3A_776 = arith.muli %parallel_loop3A_773, %parallel_loop3A_775 : i32
        %parallel_loop3A_777 = arith.constant 6 : i32
        %parallel_loop3A_778 = arith.index_cast %parallel_loop3A_777 : i32 to index
        %parallel_loop3A_779 = arith.index_cast %parallel_loop3A_776 : i32 to index
        %parallel_loop3A_780 = tpu.vector_load %arg5[%parallel_loop3A_778, %parallel_loop3A_779] {strides = array<i32>} : memref<8x512xi32, #tpu.memory_space<vmem>>, vector<16xi32>,
        %parallel_loop3A_781 = arith.constant 16 : i32
        %parallel_loop3A_782 = arith.muli %parallel_loop3A_773, %parallel_loop3A_781 : i32
        %parallel_loop3A_783 = arith.constant 6 : i32
        %parallel_loop3A_784 = arith.index_cast %parallel_loop3A_783 : i32 to index
        %parallel_loop3A_785 = arith.index_cast %parallel_loop3A_782 : i32 to index
        %parallel_loop3A_786 = tpu.vector_load %arg7[%parallel_loop3A_784, %parallel_loop3A_785] {strides = array<i32>} : memref<8x512xi32, #tpu.memory_space<vmem>>, vector<16xi32>,
        tpu.vector_store %arg7[%parallel_loop3A_784, %parallel_loop3A_785], %parallel_loop3A_780 {strides = array<i32>} : memref<8x512xi32, #tpu.memory_space<vmem>>, vector<16xi32>,
        tpu.vector_store_idx %arg9[%parallel_loop3A_780, %broadcast_in_dim3A_365, %parallel_loop3A_774], %broadcast_in_dim3A_3 : memref<10x8x512xf32, #tpu.memory_space<vmem>>[vector<16xi32>, vector<16xi32>, vector<16xi32>], vector<16xf32>,
        %parallel_loop3A_787 = arith.constant 16 : i32
        %parallel_loop3A_788 = vector.broadcast %parallel_loop3A_787 : i32 to vector<16xi32>
        %parallel_loop3A_789 = arith.addi %parallel_loop3A_774, %parallel_loop3A_788 : vector<16xi32>
        scf.yield %parallel_loop3A_789 : vector<16xi32>
      } {sc.loop_unroll_factor = 4 : i64, sc.parallel_access}
      %broadcast_in_dim3A_370 = arith.constant 7 : i32
      %broadcast_in_dim3A_371 = vector.broadcast %broadcast_in_dim3A_370 : i32 to vector<16xi32>
      %parallel_loop3A_372 = arith.constant 0 : i32
      %parallel_loop3A_373 = arith.constant 32 : i32
      %parallel_loop3A_374 = arith.constant 1 : i32
      %parallel_loop3A_375 = scf.for %parallel_loop3A_773 = %parallel_loop3A_372 to %parallel_loop3A_373 step %parallel_loop3A_374 iter_args(%parallel_loop3A_774 = %iota3A) -> (vector<16xi32>)  : i32 {
        %parallel_loop3A_775 = arith.constant 16 : i32
        %parallel_loop3A_776 = arith.muli %parallel_loop3A_773, %parallel_loop3A_775 : i32
        %parallel_loop3A_777 = arith.constant 7 : i32
        %parallel_loop3A_778 = arith.index_cast %parallel_loop3A_777 : i32 to index
        %parallel_loop3A_779 = arith.index_cast %parallel_loop3A_776 : i32 to index
        %parallel_loop3A_780 = tpu.vector_load %arg5[%parallel_loop3A_778, %parallel_loop3A_779] {strides = array<i32>} : memref<8x512xi32, #tpu.memory_space<vmem>>, vector<16xi32>,
        %parallel_loop3A_781 = arith.constant 16 : i32
        %parallel_loop3A_782 = arith.muli %parallel_loop3A_773, %parallel_loop3A_781 : i32
        %parallel_loop3A_783 = arith.constant 7 : i32
        %parallel_loop3A_784 = arith.index_cast %parallel_loop3A_783 : i32 to index
        %parallel_loop3A_785 = arith.index_cast %parallel_loop3A_782 : i32 to index
        %parallel_loop3A_786 = tpu.vector_load %arg7[%parallel_loop3A_784, %parallel_loop3A_785] {strides = array<i32>} : memref<8x512xi32, #tpu.memory_space<vmem>>, vector<16xi32>,
        tpu.vector_store %arg7[%parallel_loop3A_784, %parallel_loop3A_785], %parallel_loop3A_780 {strides = array<i32>} : memref<8x512xi32, #tpu.memory_space<vmem>>, vector<16xi32>,
        tpu.vector_store_idx %arg9[%parallel_loop3A_780, %broadcast_in_dim3A_371, %parallel_loop3A_774], %broadcast_in_dim3A_3 : memref<10x8x512xf32, #tpu.memory_space<vmem>>[vector<16xi32>, vector<16xi32>, vector<16xi32>], vector<16xf32>,
        %parallel_loop3A_787 = arith.constant 16 : i32
        %parallel_loop3A_788 = vector.broadcast %parallel_loop3A_787 : i32 to vector<16xi32>
        %parallel_loop3A_789 = arith.addi %parallel_loop3A_774, %parallel_loop3A_788 : vector<16xi32>
        scf.yield %parallel_loop3A_789 : vector<16xi32>
      } {sc.loop_unroll_factor = 4 : i64, sc.parallel_access}
      %jit3A_376 = arith.constant 2 : i32
      %div3A_377 = arith.divsi %add3A_191, %jit3A_376 : i32
      %sign3A_378 = arith.constant 0 : i32
      %sign3A_379 = arith.cmpi sgt, %add3A_191, %sign3A_378 : i32
      %sign3A_380 = arith.extui %sign3A_379 : i1 to i32
      %sign3A_381 = arith.constant 0 : i32
      %sign3A_382 = arith.cmpi slt, %add3A_191, %sign3A_381 : i32
      %sign3A_383 = arith.extui %sign3A_382 : i1 to i32
      %sign3A_384 = arith.subi %sign3A_380, %sign3A_383 : i32
      %sign3A_385 = arith.constant 0 : i32
      %sign3A_386 = arith.cmpi sgt, %jit3A_376, %sign3A_385 : i32
      %sign3A_387 = arith.extui %sign3A_386 : i1 to i32
      %sign3A_388 = arith.constant 0 : i32
      %sign3A_389 = arith.cmpi slt, %jit3A_376, %sign3A_388 : i32
      %sign3A_390 = arith.extui %sign3A_389 : i1 to i32
      %sign3A_391 = arith.subi %sign3A_387, %sign3A_390 : i32
      %ne3A_392 = arith.cmpi ne, %sign3A_384, %sign3A_391 : i32
      %rem3A_393 = arith.remsi %add3A_191, %jit3A_376 : i32
      %ne3A_394 = arith.constant 0 : i32
      %ne3A_395 = arith.cmpi ne, %rem3A_393, %ne3A_394 : i32
      %and3A_396 = arith.andi %ne3A_392, %ne3A_395 : i1
      %sub3A_397 = arith.constant 1 : i32
      %sub3A_398 = arith.subi %div3A_377, %sub3A_397 : i32
      %select_n3A_399 = arith.select %and3A_396, %sub3A_398, %div3A_377 : i32
      %jit3A_400 = arith.constant 2 : i32
      %eq3A_401 = arith.constant 0 : i32
      %eq3A_402 = arith.cmpi eq, %jit3A_400, %eq3A_401 : i32
      %jit3A_403 = arith.constant 1 : i32
      %select_n3A_404 = arith.select %eq3A_402, %jit3A_403, %jit3A_400 : i32
      %rem3A_405 = arith.remsi %add3A_191, %select_n3A_404 : i32
      %ne3A_406 = arith.constant 0 : i32
      %ne3A_407 = arith.cmpi ne, %rem3A_405, %ne3A_406 : i32
      %lt3A_408 = arith.constant 0 : i32
      %lt3A_409 = arith.cmpi slt, %rem3A_405, %lt3A_408 : i32
      %lt3A_410 = arith.constant 0 : i32
      %lt3A_411 = arith.cmpi slt, %select_n3A_404, %lt3A_410 : i32
      %ne3A_412 = arith.xori %lt3A_409, %lt3A_411 : i1
      %and3A_413 = arith.andi %ne3A_412, %ne3A_407 : i1
      %add3A_414 = arith.addi %rem3A_405, %select_n3A_404 : i32
      %select_n3A_415 = arith.select %and3A_413, %add3A_414, %rem3A_405 : i32
      %mul3A_416 = arith.constant 8 : i32
      %mul3A_417 = arith.muli %select_n3A_399, %mul3A_416 : i32
      %add3A_418 = arith.addi %mul3A_2, %mul3A_417 : i32
      %mul3A_419 = arith.constant 512 : i32
      %mul3A_420 = arith.muli %select_n3A_415, %mul3A_419 : i32
      %dma_start3A_421 = arith.constant 0 : i32
      %dma_start3A_422 = tpu.memref_slice %arg4[%dma_start3A_421, %add3A_418, %mul3A_420] : memref<10x1024x1024xf32, #tpu.memory_space<hbm>> -> memref<10x8x512xf32, #tpu.memory_space<hbm>>
      %dma_start3A_423 = arith.constant 0 : i32
      %dma_start3A_424 = tpu.memref_slice %arg4[%dma_start3A_423, %add3A_418, %mul3A_420] : memref<10x1024x1024xf32, #tpu.memory_space<hbm>> -> memref<10x8x512xf32, #tpu.memory_space<hbm>>
      tpu.enqueue_dma source(%arg9 : memref<10x8x512xf32, #tpu.memory_space<vmem>>) target(%dma_start3A_424 : memref<10x8x512xf32, #tpu.memory_space<hbm>>) target_semaphore(%arg13 : memref<!tpu.dma_semaphore, #tpu.memory_space<semaphore_mem>>)
      %add3A_425 = arith.constant 2 : i32
      %add3A_426 = arith.addi %add3A_191, %add3A_425 : i32
      %min3A = arith.constant 7 : i32
      %min3A_427 = arith.minsi %add3A_426, %min3A : i32
      %jit3A_428 = arith.constant 2 : i32
      %div3A_429 = arith.divsi %min3A_427, %jit3A_428 : i32
      %sign3A_430 = arith.constant 0 : i32
      %sign3A_431 = arith.cmpi sgt, %min3A_427, %sign3A_430 : i32
      %sign3A_432 = arith.extui %sign3A_431 : i1 to i32
      %sign3A_433 = arith.constant 0 : i32
      %sign3A_434 = arith.cmpi slt, %min3A_427, %sign3A_433 : i32
      %sign3A_435 = arith.extui %sign3A_434 : i1 to i32
      %sign3A_436 = arith.subi %sign3A_432, %sign3A_435 : i32
      %sign3A_437 = arith.constant 0 : i32
      %sign3A_438 = arith.cmpi sgt, %jit3A_428, %sign3A_437 : i32
      %sign3A_439 = arith.extui %sign3A_438 : i1 to i32
      %sign3A_440 = arith.constant 0 : i32
      %sign3A_441 = arith.cmpi slt, %jit3A_428, %sign3A_440 : i32
      %sign3A_442 = arith.extui %sign3A_441 : i1 to i32
      %sign3A_443 = arith.subi %sign3A_439, %sign3A_442 : i32
      %ne3A_444 = arith.cmpi ne, %sign3A_436, %sign3A_443 : i32
      %rem3A_445 = arith.remsi %min3A_427, %jit3A_428 : i32
      %ne3A_446 = arith.constant 0 : i32
      %ne3A_447 = arith.cmpi ne, %rem3A_445, %ne3A_446 : i32
      %and3A_448 = arith.andi %ne3A_444, %ne3A_447 : i1
      %sub3A_449 = arith.constant 1 : i32
      %sub3A_450 = arith.subi %div3A_429, %sub3A_449 : i32
      %select_n3A_451 = arith.select %and3A_448, %sub3A_450, %div3A_429 : i32
      %jit3A_452 = arith.constant 2 : i32
      %eq3A_453 = arith.constant 0 : i32
      %eq3A_454 = arith.cmpi eq, %jit3A_452, %eq3A_453 : i32
      %jit3A_455 = arith.constant 1 : i32
      %select_n3A_456 = arith.select %eq3A_454, %jit3A_455, %jit3A_452 : i32
      %rem3A_457 = arith.remsi %min3A_427, %select_n3A_456 : i32
      %ne3A_458 = arith.constant 0 : i32
      %ne3A_459 = arith.cmpi ne, %rem3A_457, %ne3A_458 : i32
      %lt3A_460 = arith.constant 0 : i32
      %lt3A_461 = arith.cmpi slt, %rem3A_457, %lt3A_460 : i32
      %lt3A_462 = arith.constant 0 : i32
      %lt3A_463 = arith.cmpi slt, %select_n3A_456, %lt3A_462 : i32
      %ne3A_464 = arith.xori %lt3A_461, %lt3A_463 : i1
      %and3A_465 = arith.andi %ne3A_464, %ne3A_459 : i1
      %add3A_466 = arith.addi %rem3A_457, %select_n3A_456 : i32
      %select_n3A_467 = arith.select %and3A_465, %add3A_466, %rem3A_457 : i32
      %mul3A_468 = arith.constant 8 : i32
      %mul3A_469 = arith.muli %select_n3A_451, %mul3A_468 : i32
      %add3A_470 = arith.addi %mul3A_2, %mul3A_469 : i32
      %mul3A_471 = arith.constant 512 : i32
      %mul3A_472 = arith.muli %select_n3A_467, %mul3A_471 : i32
      %dma_start3A_473 = tpu.memref_slice %arg2[%add3A_470, %mul3A_472] : memref<1024x1024xi32, #tpu.memory_space<hbm>> -> memref<8x512xi32, #tpu.memory_space<hbm>>
      %dma_start3A_474 = tpu.memref_slice %arg2[%add3A_470, %mul3A_472] : memref<1024x1024xi32, #tpu.memory_space<hbm>> -> memref<8x512xi32, #tpu.memory_space<hbm>>
      tpu.enqueue_dma source(%dma_start3A_474 : memref<8x512xi32, #tpu.memory_space<hbm>>) target(%arg5 : memref<8x512xi32, #tpu.memory_space<vmem>>) target_semaphore(%arg11 : memref<!tpu.dma_semaphore, #tpu.memory_space<semaphore_mem>>)
      %mul3A_475 = arith.constant 2 : i32
      %mul3A_476 = arith.muli %add3A_187, %mul3A_475 : i32
      %add3A_477 = arith.constant 1 : i32
      %add3A_478 = arith.addi %mul3A_476, %add3A_477 : i32
      %sub3A_479 = arith.constant 2 : i32
      %sub3A_480 = arith.subi %add3A_478, %sub3A_479 : i32
      %jit3A_481 = arith.constant 2 : i32
      %div3A_482 = arith.divsi %sub3A_480, %jit3A_481 : i32
      %sign3A_483 = arith.constant 0 : i32
      %sign3A_484 = arith.cmpi sgt, %sub3A_480, %sign3A_483 : i32
      %sign3A_485 = arith.extui %sign3A_484 : i1 to i32
      %sign3A_486 = arith.constant 0 : i32
      %sign3A_487 = arith.cmpi slt, %sub3A_480, %sign3A_486 : i32
      %sign3A_488 = arith.extui %sign3A_487 : i1 to i32
      %sign3A_489 = arith.subi %sign3A_485, %sign3A_488 : i32
      %sign3A_490 = arith.constant 0 : i32
      %sign3A_491 = arith.cmpi sgt, %jit3A_481, %sign3A_490 : i32
      %sign3A_492 = arith.extui %sign3A_491 : i1 to i32
      %sign3A_493 = arith.constant 0 : i32
      %sign3A_494 = arith.cmpi slt, %jit3A_481, %sign3A_493 : i32
      %sign3A_495 = arith.extui %sign3A_494 : i1 to i32
      %sign3A_496 = arith.subi %sign3A_492, %sign3A_495 : i32
      %ne3A_497 = arith.cmpi ne, %sign3A_489, %sign3A_496 : i32
      %rem3A_498 = arith.remsi %sub3A_480, %jit3A_481 : i32
      %ne3A_499 = arith.constant 0 : i32
      %ne3A_500 = arith.cmpi ne, %rem3A_498, %ne3A_499 : i32
      %and3A_501 = arith.andi %ne3A_497, %ne3A_500 : i1
      %sub3A_502 = arith.constant 1 : i32
      %sub3A_503 = arith.subi %div3A_482, %sub3A_502 : i32
      %select_n3A_504 = arith.select %and3A_501, %sub3A_503, %div3A_482 : i32
      %jit3A_505 = arith.constant 2 : i32
      %eq3A_506 = arith.constant 0 : i32
      %eq3A_507 = arith.cmpi eq, %jit3A_505, %eq3A_506 : i32
      %jit3A_508 = arith.constant 1 : i32
      %select_n3A_509 = arith.select %eq3A_507, %jit3A_508, %jit3A_505 : i32
      %rem3A_510 = arith.remsi %sub3A_480, %select_n3A_509 : i32
      %ne3A_511 = arith.constant 0 : i32
      %ne3A_512 = arith.cmpi ne, %rem3A_510, %ne3A_511 : i32
      %lt3A_513 = arith.constant 0 : i32
      %lt3A_514 = arith.cmpi slt, %rem3A_510, %lt3A_513 : i32
      %lt3A_515 = arith.constant 0 : i32
      %lt3A_516 = arith.cmpi slt, %select_n3A_509, %lt3A_515 : i32
      %ne3A_517 = arith.xori %lt3A_514, %lt3A_516 : i1
      %and3A_518 = arith.andi %ne3A_517, %ne3A_512 : i1
      %add3A_519 = arith.addi %rem3A_510, %select_n3A_509 : i32
      %select_n3A_520 = arith.select %and3A_518, %add3A_519, %rem3A_510 : i32
      %mul3A_521 = arith.constant 8 : i32
      %mul3A_522 = arith.muli %select_n3A_504, %mul3A_521 : i32
      %add3A_523 = arith.addi %mul3A_2, %mul3A_522 : i32
      %mul3A_524 = arith.constant 512 : i32
      %mul3A_525 = arith.muli %select_n3A_520, %mul3A_524 : i32
      %dma_wait3A_526 = arith.constant 0 : i32
      %dma_wait3A_527 = tpu.memref_slice %arg4[%dma_wait3A_526, %add3A_523, %mul3A_525] : memref<10x1024x1024xf32, #tpu.memory_space<hbm>> -> memref<10x8x512xf32, #tpu.memory_space<hbm>>
      %dma_wait3A_528 = arith.constant 0 : i32
      %dma_wait3A_529 = tpu.memref_slice %arg4[%dma_wait3A_528, %add3A_523, %mul3A_525] : memref<10x1024x1024xf32, #tpu.memory_space<hbm>> -> memref<10x8x512xf32, #tpu.memory_space<hbm>>
      tpu.wait_dma2 semaphore(%arg14 : memref<!tpu.dma_semaphore, #tpu.memory_space<semaphore_mem>>) src(%arg10 : memref<10x8x512xf32, #tpu.memory_space<vmem>>) dst(%dma_wait3A_529 : memref<10x8x512xf32, #tpu.memory_space<hbm>>)
      %broadcast_in_dim3A_530 = arith.constant 0 : i32
      %broadcast_in_dim3A_531 = vector.broadcast %broadcast_in_dim3A_530 : i32 to vector<16xi32>
      %parallel_loop3A_532 = arith.constant 0 : i32
      %parallel_loop3A_533 = arith.constant 32 : i32
      %parallel_loop3A_534 = arith.constant 1 : i32
      %parallel_loop3A_535 = scf.for %parallel_loop3A_773 = %parallel_loop3A_532 to %parallel_loop3A_533 step %parallel_loop3A_534 iter_args(%parallel_loop3A_774 = %iota3A) -> (vector<16xi32>)  : i32 {
        %parallel_loop3A_775 = arith.constant 16 : i32
        %parallel_loop3A_776 = arith.muli %parallel_loop3A_773, %parallel_loop3A_775 : i32
        %parallel_loop3A_777 = arith.constant 0 : i32
        %parallel_loop3A_778 = arith.index_cast %parallel_loop3A_777 : i32 to index
        %parallel_loop3A_779 = arith.index_cast %parallel_loop3A_776 : i32 to index
        %parallel_loop3A_780 = tpu.vector_load %arg8[%parallel_loop3A_778, %parallel_loop3A_779] {strides = array<i32>} : memref<8x512xi32, #tpu.memory_space<vmem>>, vector<16xi32>,
        tpu.vector_store_idx %arg10[%parallel_loop3A_780, %broadcast_in_dim3A_531, %parallel_loop3A_774], %broadcast_in_dim3A_5 : memref<10x8x512xf32, #tpu.memory_space<vmem>>[vector<16xi32>, vector<16xi32>, vector<16xi32>], vector<16xf32>,
        %parallel_loop3A_781 = arith.constant 16 : i32
        %parallel_loop3A_782 = vector.broadcast %parallel_loop3A_781 : i32 to vector<16xi32>
        %parallel_loop3A_783 = arith.addi %parallel_loop3A_774, %parallel_loop3A_782 : vector<16xi32>
        scf.yield %parallel_loop3A_783 : vector<16xi32>
      } {sc.loop_unroll_factor = 4 : i64, sc.parallel_access}
      %broadcast_in_dim3A_536 = arith.constant 1 : i32
      %broadcast_in_dim3A_537 = vector.broadcast %broadcast_in_dim3A_536 : i32 to vector<16xi32>
      %parallel_loop3A_538 = arith.constant 0 : i32
      %parallel_loop3A_539 = arith.constant 32 : i32
      %parallel_loop3A_540 = arith.constant 1 : i32
      %parallel_loop3A_541 = scf.for %parallel_loop3A_773 = %parallel_loop3A_538 to %parallel_loop3A_539 step %parallel_loop3A_540 iter_args(%parallel_loop3A_774 = %iota3A) -> (vector<16xi32>)  : i32 {
        %parallel_loop3A_775 = arith.constant 16 : i32
        %parallel_loop3A_776 = arith.muli %parallel_loop3A_773, %parallel_loop3A_775 : i32
        %parallel_loop3A_777 = arith.constant 1 : i32
        %parallel_loop3A_778 = arith.index_cast %parallel_loop3A_777 : i32 to index
        %parallel_loop3A_779 = arith.index_cast %parallel_loop3A_776 : i32 to index
        %parallel_loop3A_780 = tpu.vector_load %arg8[%parallel_loop3A_778, %parallel_loop3A_779] {strides = array<i32>} : memref<8x512xi32, #tpu.memory_space<vmem>>, vector<16xi32>,
        tpu.vector_store_idx %arg10[%parallel_loop3A_780, %broadcast_in_dim3A_537, %parallel_loop3A_774], %broadcast_in_dim3A_5 : memref<10x8x512xf32, #tpu.memory_space<vmem>>[vector<16xi32>, vector<16xi32>, vector<16xi32>], vector<16xf32>,
        %parallel_loop3A_781 = arith.constant 16 : i32
        %parallel_loop3A_782 = vector.broadcast %parallel_loop3A_781 : i32 to vector<16xi32>
        %parallel_loop3A_783 = arith.addi %parallel_loop3A_774, %parallel_loop3A_782 : vector<16xi32>
        scf.yield %parallel_loop3A_783 : vector<16xi32>
      } {sc.loop_unroll_factor = 4 : i64, sc.parallel_access}
      %broadcast_in_dim3A_542 = arith.constant 2 : i32
      %broadcast_in_dim3A_543 = vector.broadcast %broadcast_in_dim3A_542 : i32 to vector<16xi32>
      %parallel_loop3A_544 = arith.constant 0 : i32
      %parallel_loop3A_545 = arith.constant 32 : i32
      %parallel_loop3A_546 = arith.constant 1 : i32
      %parallel_loop3A_547 = scf.for %parallel_loop3A_773 = %parallel_loop3A_544 to %parallel_loop3A_545 step %parallel_loop3A_546 iter_args(%parallel_loop3A_774 = %iota3A) -> (vector<16xi32>)  : i32 {
        %parallel_loop3A_775 = arith.constant 16 : i32
        %parallel_loop3A_776 = arith.muli %parallel_loop3A_773, %parallel_loop3A_775 : i32
        %parallel_loop3A_777 = arith.constant 2 : i32
        %parallel_loop3A_778 = arith.index_cast %parallel_loop3A_777 : i32 to index
        %parallel_loop3A_779 = arith.index_cast %parallel_loop3A_776 : i32 to index
        %parallel_loop3A_780 = tpu.vector_load %arg8[%parallel_loop3A_778, %parallel_loop3A_779] {strides = array<i32>} : memref<8x512xi32, #tpu.memory_space<vmem>>, vector<16xi32>,
        tpu.vector_store_idx %arg10[%parallel_loop3A_780, %broadcast_in_dim3A_543, %parallel_loop3A_774], %broadcast_in_dim3A_5 : memref<10x8x512xf32, #tpu.memory_space<vmem>>[vector<16xi32>, vector<16xi32>, vector<16xi32>], vector<16xf32>,
        %parallel_loop3A_781 = arith.constant 16 : i32
        %parallel_loop3A_782 = vector.broadcast %parallel_loop3A_781 : i32 to vector<16xi32>
        %parallel_loop3A_783 = arith.addi %parallel_loop3A_774, %parallel_loop3A_782 : vector<16xi32>
        scf.yield %parallel_loop3A_783 : vector<16xi32>
      } {sc.loop_unroll_factor = 4 : i64, sc.parallel_access}
      %broadcast_in_dim3A_548 = arith.constant 3 : i32
      %broadcast_in_dim3A_549 = vector.broadcast %broadcast_in_dim3A_548 : i32 to vector<16xi32>
      %parallel_loop3A_550 = arith.constant 0 : i32
      %parallel_loop3A_551 = arith.constant 32 : i32
      %parallel_loop3A_552 = arith.constant 1 : i32
      %parallel_loop3A_553 = scf.for %parallel_loop3A_773 = %parallel_loop3A_550 to %parallel_loop3A_551 step %parallel_loop3A_552 iter_args(%parallel_loop3A_774 = %iota3A) -> (vector<16xi32>)  : i32 {
        %parallel_loop3A_775 = arith.constant 16 : i32
        %parallel_loop3A_776 = arith.muli %parallel_loop3A_773, %parallel_loop3A_775 : i32
        %parallel_loop3A_777 = arith.constant 3 : i32
        %parallel_loop3A_778 = arith.index_cast %parallel_loop3A_777 : i32 to index
        %parallel_loop3A_779 = arith.index_cast %parallel_loop3A_776 : i32 to index
        %parallel_loop3A_780 = tpu.vector_load %arg8[%parallel_loop3A_778, %parallel_loop3A_779] {strides = array<i32>} : memref<8x512xi32, #tpu.memory_space<vmem>>, vector<16xi32>,
        tpu.vector_store_idx %arg10[%parallel_loop3A_780, %broadcast_in_dim3A_549, %parallel_loop3A_774], %broadcast_in_dim3A_5 : memref<10x8x512xf32, #tpu.memory_space<vmem>>[vector<16xi32>, vector<16xi32>, vector<16xi32>], vector<16xf32>,
        %parallel_loop3A_781 = arith.constant 16 : i32
        %parallel_loop3A_782 = vector.broadcast %parallel_loop3A_781 : i32 to vector<16xi32>
        %parallel_loop3A_783 = arith.addi %parallel_loop3A_774, %parallel_loop3A_782 : vector<16xi32>
        scf.yield %parallel_loop3A_783 : vector<16xi32>
      } {sc.loop_unroll_factor = 4 : i64, sc.parallel_access}
      %broadcast_in_dim3A_554 = arith.constant 4 : i32
      %broadcast_in_dim3A_555 = vector.broadcast %broadcast_in_dim3A_554 : i32 to vector<16xi32>
      %parallel_loop3A_556 = arith.constant 0 : i32
      %parallel_loop3A_557 = arith.constant 32 : i32
      %parallel_loop3A_558 = arith.constant 1 : i32
      %parallel_loop3A_559 = scf.for %parallel_loop3A_773 = %parallel_loop3A_556 to %parallel_loop3A_557 step %parallel_loop3A_558 iter_args(%parallel_loop3A_774 = %iota3A) -> (vector<16xi32>)  : i32 {
        %parallel_loop3A_775 = arith.constant 16 : i32
        %parallel_loop3A_776 = arith.muli %parallel_loop3A_773, %parallel_loop3A_775 : i32
        %parallel_loop3A_777 = arith.constant 4 : i32
        %parallel_loop3A_778 = arith.index_cast %parallel_loop3A_777 : i32 to index
        %parallel_loop3A_779 = arith.index_cast %parallel_loop3A_776 : i32 to index
        %parallel_loop3A_780 = tpu.vector_load %arg8[%parallel_loop3A_778, %parallel_loop3A_779] {strides = array<i32>} : memref<8x512xi32, #tpu.memory_space<vmem>>, vector<16xi32>,
        tpu.vector_store_idx %arg10[%parallel_loop3A_780, %broadcast_in_dim3A_555, %parallel_loop3A_774], %broadcast_in_dim3A_5 : memref<10x8x512xf32, #tpu.memory_space<vmem>>[vector<16xi32>, vector<16xi32>, vector<16xi32>], vector<16xf32>,
        %parallel_loop3A_781 = arith.constant 16 : i32
        %parallel_loop3A_782 = vector.broadcast %parallel_loop3A_781 : i32 to vector<16xi32>
        %parallel_loop3A_783 = arith.addi %parallel_loop3A_774, %parallel_loop3A_782 : vector<16xi32>
        scf.yield %parallel_loop3A_783 : vector<16xi32>
      } {sc.loop_unroll_factor = 4 : i64, sc.parallel_access}
      %broadcast_in_dim3A_560 = arith.constant 5 : i32
      %broadcast_in_dim3A_561 = vector.broadcast %broadcast_in_dim3A_560 : i32 to vector<16xi32>
      %parallel_loop3A_562 = arith.constant 0 : i32
      %parallel_loop3A_563 = arith.constant 32 : i32
      %parallel_loop3A_564 = arith.constant 1 : i32
      %parallel_loop3A_565 = scf.for %parallel_loop3A_773 = %parallel_loop3A_562 to %parallel_loop3A_563 step %parallel_loop3A_564 iter_args(%parallel_loop3A_774 = %iota3A) -> (vector<16xi32>)  : i32 {
        %parallel_loop3A_775 = arith.constant 16 : i32
        %parallel_loop3A_776 = arith.muli %parallel_loop3A_773, %parallel_loop3A_775 : i32
        %parallel_loop3A_777 = arith.constant 5 : i32
        %parallel_loop3A_778 = arith.index_cast %parallel_loop3A_777 : i32 to index
        %parallel_loop3A_779 = arith.index_cast %parallel_loop3A_776 : i32 to index
        %parallel_loop3A_780 = tpu.vector_load %arg8[%parallel_loop3A_778, %parallel_loop3A_779] {strides = array<i32>} : memref<8x512xi32, #tpu.memory_space<vmem>>, vector<16xi32>,
        tpu.vector_store_idx %arg10[%parallel_loop3A_780, %broadcast_in_dim3A_561, %parallel_loop3A_774], %broadcast_in_dim3A_5 : memref<10x8x512xf32, #tpu.memory_space<vmem>>[vector<16xi32>, vector<16xi32>, vector<16xi32>], vector<16xf32>,
        %parallel_loop3A_781 = arith.constant 16 : i32
        %parallel_loop3A_782 = vector.broadcast %parallel_loop3A_781 : i32 to vector<16xi32>
        %parallel_loop3A_783 = arith.addi %parallel_loop3A_774, %parallel_loop3A_782 : vector<16xi32>
        scf.yield %parallel_loop3A_783 : vector<16xi32>
      } {sc.loop_unroll_factor = 4 : i64, sc.parallel_access}
      %broadcast_in_dim3A_566 = arith.constant 6 : i32
      %broadcast_in_dim3A_567 = vector.broadcast %broadcast_in_dim3A_566 : i32 to vector<16xi32>
      %parallel_loop3A_568 = arith.constant 0 : i32
      %parallel_loop3A_569 = arith.constant 32 : i32
      %parallel_loop3A_570 = arith.constant 1 : i32
      %parallel_loop3A_571 = scf.for %parallel_loop3A_773 = %parallel_loop3A_568 to %parallel_loop3A_569 step %parallel_loop3A_570 iter_args(%parallel_loop3A_774 = %iota3A) -> (vector<16xi32>)  : i32 {
        %parallel_loop3A_775 = arith.constant 16 : i32
        %parallel_loop3A_776 = arith.muli %parallel_loop3A_773, %parallel_loop3A_775 : i32
        %parallel_loop3A_777 = arith.constant 6 : i32
        %parallel_loop3A_778 = arith.index_cast %parallel_loop3A_777 : i32 to index
        %parallel_loop3A_779 = arith.index_cast %parallel_loop3A_776 : i32 to index
        %parallel_loop3A_780 = tpu.vector_load %arg8[%parallel_loop3A_778, %parallel_loop3A_779] {strides = array<i32>} : memref<8x512xi32, #tpu.memory_space<vmem>>, vector<16xi32>,
        tpu.vector_store_idx %arg10[%parallel_loop3A_780, %broadcast_in_dim3A_567, %parallel_loop3A_774], %broadcast_in_dim3A_5 : memref<10x8x512xf32, #tpu.memory_space<vmem>>[vector<16xi32>, vector<16xi32>, vector<16xi32>], vector<16xf32>,
        %parallel_loop3A_781 = arith.constant 16 : i32
        %parallel_loop3A_782 = vector.broadcast %parallel_loop3A_781 : i32 to vector<16xi32>
        %parallel_loop3A_783 = arith.addi %parallel_loop3A_774, %parallel_loop3A_782 : vector<16xi32>
        scf.yield %parallel_loop3A_783 : vector<16xi32>
      } {sc.loop_unroll_factor = 4 : i64, sc.parallel_access}
      %broadcast_in_dim3A_572 = arith.constant 7 : i32
      %broadcast_in_dim3A_573 = vector.broadcast %broadcast_in_dim3A_572 : i32 to vector<16xi32>
      %parallel_loop3A_574 = arith.constant 0 : i32
      %parallel_loop3A_575 = arith.constant 32 : i32
      %parallel_loop3A_576 = arith.constant 1 : i32
      %parallel_loop3A_577 = scf.for %parallel_loop3A_773 = %parallel_loop3A_574 to %parallel_loop3A_575 step %parallel_loop3A_576 iter_args(%parallel_loop3A_774 = %iota3A) -> (vector<16xi32>)  : i32 {
        %parallel_loop3A_775 = arith.constant 16 : i32
        %parallel_loop3A_776 = arith.muli %parallel_loop3A_773, %parallel_loop3A_775 : i32
        %parallel_loop3A_777 = arith.constant 7 : i32
        %parallel_loop3A_778 = arith.index_cast %parallel_loop3A_777 : i32 to index
        %parallel_loop3A_779 = arith.index_cast %parallel_loop3A_776 : i32 to index
        %parallel_loop3A_780 = tpu.vector_load %arg8[%parallel_loop3A_778, %parallel_loop3A_779] {strides = array<i32>} : memref<8x512xi32, #tpu.memory_space<vmem>>, vector<16xi32>,
        tpu.vector_store_idx %arg10[%parallel_loop3A_780, %broadcast_in_dim3A_573, %parallel_loop3A_774], %broadcast_in_dim3A_5 : memref<10x8x512xf32, #tpu.memory_space<vmem>>[vector<16xi32>, vector<16xi32>, vector<16xi32>], vector<16xf32>,
        %parallel_loop3A_781 = arith.constant 16 : i32
        %parallel_loop3A_782 = vector.broadcast %parallel_loop3A_781 : i32 to vector<16xi32>
        %parallel_loop3A_783 = arith.addi %parallel_loop3A_774, %parallel_loop3A_782 : vector<16xi32>
        scf.yield %parallel_loop3A_783 : vector<16xi32>
      } {sc.loop_unroll_factor = 4 : i64, sc.parallel_access}
      %jit3A_578 = arith.constant 2 : i32
      %div3A_579 = arith.divsi %add3A_478, %jit3A_578 : i32
      %sign3A_580 = arith.constant 0 : i32
      %sign3A_581 = arith.cmpi sgt, %add3A_478, %sign3A_580 : i32
      %sign3A_582 = arith.extui %sign3A_581 : i1 to i32
      %sign3A_583 = arith.constant 0 : i32
      %sign3A_584 = arith.cmpi slt, %add3A_478, %sign3A_583 : i32
      %sign3A_585 = arith.extui %sign3A_584 : i1 to i32
      %sign3A_586 = arith.subi %sign3A_582, %sign3A_585 : i32
      %sign3A_587 = arith.constant 0 : i32
      %sign3A_588 = arith.cmpi sgt, %jit3A_578, %sign3A_587 : i32
      %sign3A_589 = arith.extui %sign3A_588 : i1 to i32
      %sign3A_590 = arith.constant 0 : i32
      %sign3A_591 = arith.cmpi slt, %jit3A_578, %sign3A_590 : i32
      %sign3A_592 = arith.extui %sign3A_591 : i1 to i32
      %sign3A_593 = arith.subi %sign3A_589, %sign3A_592 : i32
      %ne3A_594 = arith.cmpi ne, %sign3A_586, %sign3A_593 : i32
      %rem3A_595 = arith.remsi %add3A_478, %jit3A_578 : i32
      %ne3A_596 = arith.constant 0 : i32
      %ne3A_597 = arith.cmpi ne, %rem3A_595, %ne3A_596 : i32
      %and3A_598 = arith.andi %ne3A_594, %ne3A_597 : i1
      %sub3A_599 = arith.constant 1 : i32
      %sub3A_600 = arith.subi %div3A_579, %sub3A_599 : i32
      %select_n3A_601 = arith.select %and3A_598, %sub3A_600, %div3A_579 : i32
      %jit3A_602 = arith.constant 2 : i32
      %eq3A_603 = arith.constant 0 : i32
      %eq3A_604 = arith.cmpi eq, %jit3A_602, %eq3A_603 : i32
      %jit3A_605 = arith.constant 1 : i32
      %select_n3A_606 = arith.select %eq3A_604, %jit3A_605, %jit3A_602 : i32
      %rem3A_607 = arith.remsi %add3A_478, %select_n3A_606 : i32
      %ne3A_608 = arith.constant 0 : i32
      %ne3A_609 = arith.cmpi ne, %rem3A_607, %ne3A_608 : i32
      %lt3A_610 = arith.constant 0 : i32
      %lt3A_611 = arith.cmpi slt, %rem3A_607, %lt3A_610 : i32
      %lt3A_612 = arith.constant 0 : i32
      %lt3A_613 = arith.cmpi slt, %select_n3A_606, %lt3A_612 : i32
      %ne3A_614 = arith.xori %lt3A_611, %lt3A_613 : i1
      %and3A_615 = arith.andi %ne3A_614, %ne3A_609 : i1
      %add3A_616 = arith.addi %rem3A_607, %select_n3A_606 : i32
      %select_n3A_617 = arith.select %and3A_615, %add3A_616, %rem3A_607 : i32
      %mul3A_618 = arith.constant 8 : i32
      %mul3A_619 = arith.muli %select_n3A_601, %mul3A_618 : i32
      %add3A_620 = arith.addi %mul3A_2, %mul3A_619 : i32
      %mul3A_621 = arith.constant 512 : i32
      %mul3A_622 = arith.muli %select_n3A_617, %mul3A_621 : i32
      %dma_wait3A_623 = tpu.memref_slice %arg2[%add3A_620, %mul3A_622] : memref<1024x1024xi32, #tpu.memory_space<hbm>> -> memref<8x512xi32, #tpu.memory_space<hbm>>
      %dma_wait3A_624 = tpu.memref_slice %arg2[%add3A_620, %mul3A_622] : memref<1024x1024xi32, #tpu.memory_space<hbm>> -> memref<8x512xi32, #tpu.memory_space<hbm>>
      tpu.wait_dma2 semaphore(%arg12 : memref<!tpu.dma_semaphore, #tpu.memory_space<semaphore_mem>>) src(%dma_wait3A_624 : memref<8x512xi32, #tpu.memory_space<hbm>>) dst(%arg6 : memref<8x512xi32, #tpu.memory_space<vmem>>)
      %broadcast_in_dim3A_625 = arith.constant 0 : i32
      %broadcast_in_dim3A_626 = vector.broadcast %broadcast_in_dim3A_625 : i32 to vector<16xi32>
      %parallel_loop3A_627 = arith.constant 0 : i32
      %parallel_loop3A_628 = arith.constant 32 : i32
      %parallel_loop3A_629 = arith.constant 1 : i32
      %parallel_loop3A_630 = scf.for %parallel_loop3A_773 = %parallel_loop3A_627 to %parallel_loop3A_628 step %parallel_loop3A_629 iter_args(%parallel_loop3A_774 = %iota3A) -> (vector<16xi32>)  : i32 {
        %parallel_loop3A_775 = arith.constant 16 : i32
        %parallel_loop3A_776 = arith.muli %parallel_loop3A_773, %parallel_loop3A_775 : i32
        %parallel_loop3A_777 = arith.constant 0 : i32
        %parallel_loop3A_778 = arith.index_cast %parallel_loop3A_777 : i32 to index
        %parallel_loop3A_779 = arith.index_cast %parallel_loop3A_776 : i32 to index
        %parallel_loop3A_780 = tpu.vector_load %arg6[%parallel_loop3A_778, %parallel_loop3A_779] {strides = array<i32>} : memref<8x512xi32, #tpu.memory_space<vmem>>, vector<16xi32>,
        %parallel_loop3A_781 = arith.constant 16 : i32
        %parallel_loop3A_782 = arith.muli %parallel_loop3A_773, %parallel_loop3A_781 : i32
        %parallel_loop3A_783 = arith.constant 0 : i32
        %parallel_loop3A_784 = arith.index_cast %parallel_loop3A_783 : i32 to index
        %parallel_loop3A_785 = arith.index_cast %parallel_loop3A_782 : i32 to index
        %parallel_loop3A_786 = tpu.vector_load %arg8[%parallel_loop3A_784, %parallel_loop3A_785] {strides = array<i32>} : memref<8x512xi32, #tpu.memory_space<vmem>>, vector<16xi32>,
        tpu.vector_store %arg8[%parallel_loop3A_784, %parallel_loop3A_785], %parallel_loop3A_780 {strides = array<i32>} : memref<8x512xi32, #tpu.memory_space<vmem>>, vector<16xi32>,
        tpu.vector_store_idx %arg10[%parallel_loop3A_780, %broadcast_in_dim3A_626, %parallel_loop3A_774], %broadcast_in_dim3A_3 : memref<10x8x512xf32, #tpu.memory_space<vmem>>[vector<16xi32>, vector<16xi32>, vector<16xi32>], vector<16xf32>,
        %parallel_loop3A_787 = arith.constant 16 : i32
        %parallel_loop3A_788 = vector.broadcast %parallel_loop3A_787 : i32 to vector<16xi32>
        %parallel_loop3A_789 = arith.addi %parallel_loop3A_774, %parallel_loop3A_788 : vector<16xi32>
        scf.yield %parallel_loop3A_789 : vector<16xi32>
      } {sc.loop_unroll_factor = 4 : i64, sc.parallel_access}
      %broadcast_in_dim3A_631 = arith.constant 1 : i32
      %broadcast_in_dim3A_632 = vector.broadcast %broadcast_in_dim3A_631 : i32 to vector<16xi32>
      %parallel_loop3A_633 = arith.constant 0 : i32
      %parallel_loop3A_634 = arith.constant 32 : i32
      %parallel_loop3A_635 = arith.constant 1 : i32
      %parallel_loop3A_636 = scf.for %parallel_loop3A_773 = %parallel_loop3A_633 to %parallel_loop3A_634 step %parallel_loop3A_635 iter_args(%parallel_loop3A_774 = %iota3A) -> (vector<16xi32>)  : i32 {
        %parallel_loop3A_775 = arith.constant 16 : i32
        %parallel_loop3A_776 = arith.muli %parallel_loop3A_773, %parallel_loop3A_775 : i32
        %parallel_loop3A_777 = arith.constant 1 : i32
        %parallel_loop3A_778 = arith.index_cast %parallel_loop3A_777 : i32 to index
        %parallel_loop3A_779 = arith.index_cast %parallel_loop3A_776 : i32 to index
        %parallel_loop3A_780 = tpu.vector_load %arg6[%parallel_loop3A_778, %parallel_loop3A_779] {strides = array<i32>} : memref<8x512xi32, #tpu.memory_space<vmem>>, vector<16xi32>,
        %parallel_loop3A_781 = arith.constant 16 : i32
        %parallel_loop3A_782 = arith.muli %parallel_loop3A_773, %parallel_loop3A_781 : i32
        %parallel_loop3A_783 = arith.constant 1 : i32
        %parallel_loop3A_784 = arith.index_cast %parallel_loop3A_783 : i32 to index
        %parallel_loop3A_785 = arith.index_cast %parallel_loop3A_782 : i32 to index
        %parallel_loop3A_786 = tpu.vector_load %arg8[%parallel_loop3A_784, %parallel_loop3A_785] {strides = array<i32>} : memref<8x512xi32, #tpu.memory_space<vmem>>, vector<16xi32>,
        tpu.vector_store %arg8[%parallel_loop3A_784, %parallel_loop3A_785], %parallel_loop3A_780 {strides = array<i32>} : memref<8x512xi32, #tpu.memory_space<vmem>>, vector<16xi32>,
        tpu.vector_store_idx %arg10[%parallel_loop3A_780, %broadcast_in_dim3A_632, %parallel_loop3A_774], %broadcast_in_dim3A_3 : memref<10x8x512xf32, #tpu.memory_space<vmem>>[vector<16xi32>, vector<16xi32>, vector<16xi32>], vector<16xf32>,
        %parallel_loop3A_787 = arith.constant 16 : i32
        %parallel_loop3A_788 = vector.broadcast %parallel_loop3A_787 : i32 to vector<16xi32>
        %parallel_loop3A_789 = arith.addi %parallel_loop3A_774, %parallel_loop3A_788 : vector<16xi32>
        scf.yield %parallel_loop3A_789 : vector<16xi32>
      } {sc.loop_unroll_factor = 4 : i64, sc.parallel_access}
      %broadcast_in_dim3A_637 = arith.constant 2 : i32
      %broadcast_in_dim3A_638 = vector.broadcast %broadcast_in_dim3A_637 : i32 to vector<16xi32>
      %parallel_loop3A_639 = arith.constant 0 : i32
      %parallel_loop3A_640 = arith.constant 32 : i32
      %parallel_loop3A_641 = arith.constant 1 : i32
      %parallel_loop3A_642 = scf.for %parallel_loop3A_773 = %parallel_loop3A_639 to %parallel_loop3A_640 step %parallel_loop3A_641 iter_args(%parallel_loop3A_774 = %iota3A) -> (vector<16xi32>)  : i32 {
        %parallel_loop3A_775 = arith.constant 16 : i32
        %parallel_loop3A_776 = arith.muli %parallel_loop3A_773, %parallel_loop3A_775 : i32
        %parallel_loop3A_777 = arith.constant 2 : i32
        %parallel_loop3A_778 = arith.index_cast %parallel_loop3A_777 : i32 to index
        %parallel_loop3A_779 = arith.index_cast %parallel_loop3A_776 : i32 to index
        %parallel_loop3A_780 = tpu.vector_load %arg6[%parallel_loop3A_778, %parallel_loop3A_779] {strides = array<i32>} : memref<8x512xi32, #tpu.memory_space<vmem>>, vector<16xi32>,
        %parallel_loop3A_781 = arith.constant 16 : i32
        %parallel_loop3A_782 = arith.muli %parallel_loop3A_773, %parallel_loop3A_781 : i32
        %parallel_loop3A_783 = arith.constant 2 : i32
        %parallel_loop3A_784 = arith.index_cast %parallel_loop3A_783 : i32 to index
        %parallel_loop3A_785 = arith.index_cast %parallel_loop3A_782 : i32 to index
        %parallel_loop3A_786 = tpu.vector_load %arg8[%parallel_loop3A_784, %parallel_loop3A_785] {strides = array<i32>} : memref<8x512xi32, #tpu.memory_space<vmem>>, vector<16xi32>,
        tpu.vector_store %arg8[%parallel_loop3A_784, %parallel_loop3A_785], %parallel_loop3A_780 {strides = array<i32>} : memref<8x512xi32, #tpu.memory_space<vmem>>, vector<16xi32>,
        tpu.vector_store_idx %arg10[%parallel_loop3A_780, %broadcast_in_dim3A_638, %parallel_loop3A_774], %broadcast_in_dim3A_3 : memref<10x8x512xf32, #tpu.memory_space<vmem>>[vector<16xi32>, vector<16xi32>, vector<16xi32>], vector<16xf32>,
        %parallel_loop3A_787 = arith.constant 16 : i32
        %parallel_loop3A_788 = vector.broadcast %parallel_loop3A_787 : i32 to vector<16xi32>
        %parallel_loop3A_789 = arith.addi %parallel_loop3A_774, %parallel_loop3A_788 : vector<16xi32>
        scf.yield %parallel_loop3A_789 : vector<16xi32>
      } {sc.loop_unroll_factor = 4 : i64, sc.parallel_access}
      %broadcast_in_dim3A_643 = arith.constant 3 : i32
      %broadcast_in_dim3A_644 = vector.broadcast %broadcast_in_dim3A_643 : i32 to vector<16xi32>
      %parallel_loop3A_645 = arith.constant 0 : i32
      %parallel_loop3A_646 = arith.constant 32 : i32
      %parallel_loop3A_647 = arith.constant 1 : i32
      %parallel_loop3A_648 = scf.for %parallel_loop3A_773 = %parallel_loop3A_645 to %parallel_loop3A_646 step %parallel_loop3A_647 iter_args(%parallel_loop3A_774 = %iota3A) -> (vector<16xi32>)  : i32 {
        %parallel_loop3A_775 = arith.constant 16 : i32
        %parallel_loop3A_776 = arith.muli %parallel_loop3A_773, %parallel_loop3A_775 : i32
        %parallel_loop3A_777 = arith.constant 3 : i32
        %parallel_loop3A_778 = arith.index_cast %parallel_loop3A_777 : i32 to index
        %parallel_loop3A_779 = arith.index_cast %parallel_loop3A_776 : i32 to index
        %parallel_loop3A_780 = tpu.vector_load %arg6[%parallel_loop3A_778, %parallel_loop3A_779] {strides = array<i32>} : memref<8x512xi32, #tpu.memory_space<vmem>>, vector<16xi32>,
        %parallel_loop3A_781 = arith.constant 16 : i32
        %parallel_loop3A_782 = arith.muli %parallel_loop3A_773, %parallel_loop3A_781 : i32
        %parallel_loop3A_783 = arith.constant 3 : i32
        %parallel_loop3A_784 = arith.index_cast %parallel_loop3A_783 : i32 to index
        %parallel_loop3A_785 = arith.index_cast %parallel_loop3A_782 : i32 to index
        %parallel_loop3A_786 = tpu.vector_load %arg8[%parallel_loop3A_784, %parallel_loop3A_785] {strides = array<i32>} : memref<8x512xi32, #tpu.memory_space<vmem>>, vector<16xi32>,
        tpu.vector_store %arg8[%parallel_loop3A_784, %parallel_loop3A_785], %parallel_loop3A_780 {strides = array<i32>} : memref<8x512xi32, #tpu.memory_space<vmem>>, vector<16xi32>,
        tpu.vector_store_idx %arg10[%parallel_loop3A_780, %broadcast_in_dim3A_644, %parallel_loop3A_774], %broadcast_in_dim3A_3 : memref<10x8x512xf32, #tpu.memory_space<vmem>>[vector<16xi32>, vector<16xi32>, vector<16xi32>], vector<16xf32>,
        %parallel_loop3A_787 = arith.constant 16 : i32
        %parallel_loop3A_788 = vector.broadcast %parallel_loop3A_787 : i32 to vector<16xi32>
        %parallel_loop3A_789 = arith.addi %parallel_loop3A_774, %parallel_loop3A_788 : vector<16xi32>
        scf.yield %parallel_loop3A_789 : vector<16xi32>
      } {sc.loop_unroll_factor = 4 : i64, sc.parallel_access}
      %broadcast_in_dim3A_649 = arith.constant 4 : i32
      %broadcast_in_dim3A_650 = vector.broadcast %broadcast_in_dim3A_649 : i32 to vector<16xi32>
      %parallel_loop3A_651 = arith.constant 0 : i32
      %parallel_loop3A_652 = arith.constant 32 : i32
      %parallel_loop3A_653 = arith.constant 1 : i32
      %parallel_loop3A_654 = scf.for %parallel_loop3A_773 = %parallel_loop3A_651 to %parallel_loop3A_652 step %parallel_loop3A_653 iter_args(%parallel_loop3A_774 = %iota3A) -> (vector<16xi32>)  : i32 {
        %parallel_loop3A_775 = arith.constant 16 : i32
        %parallel_loop3A_776 = arith.muli %parallel_loop3A_773, %parallel_loop3A_775 : i32
        %parallel_loop3A_777 = arith.constant 4 : i32
        %parallel_loop3A_778 = arith.index_cast %parallel_loop3A_777 : i32 to index
        %parallel_loop3A_779 = arith.index_cast %parallel_loop3A_776 : i32 to index
        %parallel_loop3A_780 = tpu.vector_load %arg6[%parallel_loop3A_778, %parallel_loop3A_779] {strides = array<i32>} : memref<8x512xi32, #tpu.memory_space<vmem>>, vector<16xi32>,
        %parallel_loop3A_781 = arith.constant 16 : i32
        %parallel_loop3A_782 = arith.muli %parallel_loop3A_773, %parallel_loop3A_781 : i32
        %parallel_loop3A_783 = arith.constant 4 : i32
        %parallel_loop3A_784 = arith.index_cast %parallel_loop3A_783 : i32 to index
        %parallel_loop3A_785 = arith.index_cast %parallel_loop3A_782 : i32 to index
        %parallel_loop3A_786 = tpu.vector_load %arg8[%parallel_loop3A_784, %parallel_loop3A_785] {strides = array<i32>} : memref<8x512xi32, #tpu.memory_space<vmem>>, vector<16xi32>,
        tpu.vector_store %arg8[%parallel_loop3A_784, %parallel_loop3A_785], %parallel_loop3A_780 {strides = array<i32>} : memref<8x512xi32, #tpu.memory_space<vmem>>, vector<16xi32>,
        tpu.vector_store_idx %arg10[%parallel_loop3A_780, %broadcast_in_dim3A_650, %parallel_loop3A_774], %broadcast_in_dim3A_3 : memref<10x8x512xf32, #tpu.memory_space<vmem>>[vector<16xi32>, vector<16xi32>, vector<16xi32>], vector<16xf32>,
        %parallel_loop3A_787 = arith.constant 16 : i32
        %parallel_loop3A_788 = vector.broadcast %parallel_loop3A_787 : i32 to vector<16xi32>
        %parallel_loop3A_789 = arith.addi %parallel_loop3A_774, %parallel_loop3A_788 : vector<16xi32>
        scf.yield %parallel_loop3A_789 : vector<16xi32>
      } {sc.loop_unroll_factor = 4 : i64, sc.parallel_access}
      %broadcast_in_dim3A_655 = arith.constant 5 : i32
      %broadcast_in_dim3A_656 = vector.broadcast %broadcast_in_dim3A_655 : i32 to vector<16xi32>
      %parallel_loop3A_657 = arith.constant 0 : i32
      %parallel_loop3A_658 = arith.constant 32 : i32
      %parallel_loop3A_659 = arith.constant 1 : i32
      %parallel_loop3A_660 = scf.for %parallel_loop3A_773 = %parallel_loop3A_657 to %parallel_loop3A_658 step %parallel_loop3A_659 iter_args(%parallel_loop3A_774 = %iota3A) -> (vector<16xi32>)  : i32 {
        %parallel_loop3A_775 = arith.constant 16 : i32
        %parallel_loop3A_776 = arith.muli %parallel_loop3A_773, %parallel_loop3A_775 : i32
        %parallel_loop3A_777 = arith.constant 5 : i32
        %parallel_loop3A_778 = arith.index_cast %parallel_loop3A_777 : i32 to index
        %parallel_loop3A_779 = arith.index_cast %parallel_loop3A_776 : i32 to index
        %parallel_loop3A_780 = tpu.vector_load %arg6[%parallel_loop3A_778, %parallel_loop3A_779] {strides = array<i32>} : memref<8x512xi32, #tpu.memory_space<vmem>>, vector<16xi32>,
        %parallel_loop3A_781 = arith.constant 16 : i32
        %parallel_loop3A_782 = arith.muli %parallel_loop3A_773, %parallel_loop3A_781 : i32
        %parallel_loop3A_783 = arith.constant 5 : i32
        %parallel_loop3A_784 = arith.index_cast %parallel_loop3A_783 : i32 to index
        %parallel_loop3A_785 = arith.index_cast %parallel_loop3A_782 : i32 to index
        %parallel_loop3A_786 = tpu.vector_load %arg8[%parallel_loop3A_784, %parallel_loop3A_785] {strides = array<i32>} : memref<8x512xi32, #tpu.memory_space<vmem>>, vector<16xi32>,
        tpu.vector_store %arg8[%parallel_loop3A_784, %parallel_loop3A_785], %parallel_loop3A_780 {strides = array<i32>} : memref<8x512xi32, #tpu.memory_space<vmem>>, vector<16xi32>,
        tpu.vector_store_idx %arg10[%parallel_loop3A_780, %broadcast_in_dim3A_656, %parallel_loop3A_774], %broadcast_in_dim3A_3 : memref<10x8x512xf32, #tpu.memory_space<vmem>>[vector<16xi32>, vector<16xi32>, vector<16xi32>], vector<16xf32>,
        %parallel_loop3A_787 = arith.constant 16 : i32
        %parallel_loop3A_788 = vector.broadcast %parallel_loop3A_787 : i32 to vector<16xi32>
        %parallel_loop3A_789 = arith.addi %parallel_loop3A_774, %parallel_loop3A_788 : vector<16xi32>
        scf.yield %parallel_loop3A_789 : vector<16xi32>
      } {sc.loop_unroll_factor = 4 : i64, sc.parallel_access}
      %broadcast_in_dim3A_661 = arith.constant 6 : i32
      %broadcast_in_dim3A_662 = vector.broadcast %broadcast_in_dim3A_661 : i32 to vector<16xi32>
      %parallel_loop3A_663 = arith.constant 0 : i32
      %parallel_loop3A_664 = arith.constant 32 : i32
      %parallel_loop3A_665 = arith.constant 1 : i32
      %parallel_loop3A_666 = scf.for %parallel_loop3A_773 = %parallel_loop3A_663 to %parallel_loop3A_664 step %parallel_loop3A_665 iter_args(%parallel_loop3A_774 = %iota3A) -> (vector<16xi32>)  : i32 {
        %parallel_loop3A_775 = arith.constant 16 : i32
        %parallel_loop3A_776 = arith.muli %parallel_loop3A_773, %parallel_loop3A_775 : i32
        %parallel_loop3A_777 = arith.constant 6 : i32
        %parallel_loop3A_778 = arith.index_cast %parallel_loop3A_777 : i32 to index
        %parallel_loop3A_779 = arith.index_cast %parallel_loop3A_776 : i32 to index
        %parallel_loop3A_780 = tpu.vector_load %arg6[%parallel_loop3A_778, %parallel_loop3A_779] {strides = array<i32>} : memref<8x512xi32, #tpu.memory_space<vmem>>, vector<16xi32>,
        %parallel_loop3A_781 = arith.constant 16 : i32
        %parallel_loop3A_782 = arith.muli %parallel_loop3A_773, %parallel_loop3A_781 : i32
        %parallel_loop3A_783 = arith.constant 6 : i32
        %parallel_loop3A_784 = arith.index_cast %parallel_loop3A_783 : i32 to index
        %parallel_loop3A_785 = arith.index_cast %parallel_loop3A_782 : i32 to index
        %parallel_loop3A_786 = tpu.vector_load %arg8[%parallel_loop3A_784, %parallel_loop3A_785] {strides = array<i32>} : memref<8x512xi32, #tpu.memory_space<vmem>>, vector<16xi32>,
        tpu.vector_store %arg8[%parallel_loop3A_784, %parallel_loop3A_785], %parallel_loop3A_780 {strides = array<i32>} : memref<8x512xi32, #tpu.memory_space<vmem>>, vector<16xi32>,
        tpu.vector_store_idx %arg10[%parallel_loop3A_780, %broadcast_in_dim3A_662, %parallel_loop3A_774], %broadcast_in_dim3A_3 : memref<10x8x512xf32, #tpu.memory_space<vmem>>[vector<16xi32>, vector<16xi32>, vector<16xi32>], vector<16xf32>,
        %parallel_loop3A_787 = arith.constant 16 : i32
        %parallel_loop3A_788 = vector.broadcast %parallel_loop3A_787 : i32 to vector<16xi32>
        %parallel_loop3A_789 = arith.addi %parallel_loop3A_774, %parallel_loop3A_788 : vector<16xi32>
        scf.yield %parallel_loop3A_789 : vector<16xi32>
      } {sc.loop_unroll_factor = 4 : i64, sc.parallel_access}
      %broadcast_in_dim3A_667 = arith.constant 7 : i32
      %broadcast_in_dim3A_668 = vector.broadcast %broadcast_in_dim3A_667 : i32 to vector<16xi32>
      %parallel_loop3A_669 = arith.constant 0 : i32
      %parallel_loop3A_670 = arith.constant 32 : i32
      %parallel_loop3A_671 = arith.constant 1 : i32
      %parallel_loop3A_672 = scf.for %parallel_loop3A_773 = %parallel_loop3A_669 to %parallel_loop3A_670 step %parallel_loop3A_671 iter_args(%parallel_loop3A_774 = %iota3A) -> (vector<16xi32>)  : i32 {
        %parallel_loop3A_775 = arith.constant 16 : i32
        %parallel_loop3A_776 = arith.muli %parallel_loop3A_773, %parallel_loop3A_775 : i32
        %parallel_loop3A_777 = arith.constant 7 : i32
        %parallel_loop3A_778 = arith.index_cast %parallel_loop3A_777 : i32 to index
        %parallel_loop3A_779 = arith.index_cast %parallel_loop3A_776 : i32 to index
        %parallel_loop3A_780 = tpu.vector_load %arg6[%parallel_loop3A_778, %parallel_loop3A_779] {strides = array<i32>} : memref<8x512xi32, #tpu.memory_space<vmem>>, vector<16xi32>,
        %parallel_loop3A_781 = arith.constant 16 : i32
        %parallel_loop3A_782 = arith.muli %parallel_loop3A_773, %parallel_loop3A_781 : i32
        %parallel_loop3A_783 = arith.constant 7 : i32
        %parallel_loop3A_784 = arith.index_cast %parallel_loop3A_783 : i32 to index
        %parallel_loop3A_785 = arith.index_cast %parallel_loop3A_782 : i32 to index
        %parallel_loop3A_786 = tpu.vector_load %arg8[%parallel_loop3A_784, %parallel_loop3A_785] {strides = array<i32>} : memref<8x512xi32, #tpu.memory_space<vmem>>, vector<16xi32>,
        tpu.vector_store %arg8[%parallel_loop3A_784, %parallel_loop3A_785], %parallel_loop3A_780 {strides = array<i32>} : memref<8x512xi32, #tpu.memory_space<vmem>>, vector<16xi32>,
        tpu.vector_store_idx %arg10[%parallel_loop3A_780, %broadcast_in_dim3A_668, %parallel_loop3A_774], %broadcast_in_dim3A_3 : memref<10x8x512xf32, #tpu.memory_space<vmem>>[vector<16xi32>, vector<16xi32>, vector<16xi32>], vector<16xf32>,
        %parallel_loop3A_787 = arith.constant 16 : i32
        %parallel_loop3A_788 = vector.broadcast %parallel_loop3A_787 : i32 to vector<16xi32>
        %parallel_loop3A_789 = arith.addi %parallel_loop3A_774, %parallel_loop3A_788 : vector<16xi32>
        scf.yield %parallel_loop3A_789 : vector<16xi32>
      } {sc.loop_unroll_factor = 4 : i64, sc.parallel_access}
      %jit3A_673 = arith.constant 2 : i32
      %div3A_674 = arith.divsi %add3A_478, %jit3A_673 : i32
      %sign3A_675 = arith.constant 0 : i32
      %sign3A_676 = arith.cmpi sgt, %add3A_478, %sign3A_675 : i32
      %sign3A_677 = arith.extui %sign3A_676 : i1 to i32
      %sign3A_678 = arith.constant 0 : i32
      %sign3A_679 = arith.cmpi slt, %add3A_478, %sign3A_678 : i32
      %sign3A_680 = arith.extui %sign3A_679 : i1 to i32
      %sign3A_681 = arith.subi %sign3A_677, %sign3A_680 : i32
      %sign3A_682 = arith.constant 0 : i32
      %sign3A_683 = arith.cmpi sgt, %jit3A_673, %sign3A_682 : i32
      %sign3A_684 = arith.extui %sign3A_683 : i1 to i32
      %sign3A_685 = arith.constant 0 : i32
      %sign3A_686 = arith.cmpi slt, %jit3A_673, %sign3A_685 : i32
      %sign3A_687 = arith.extui %sign3A_686 : i1 to i32
      %sign3A_688 = arith.subi %sign3A_684, %sign3A_687 : i32
      %ne3A_689 = arith.cmpi ne, %sign3A_681, %sign3A_688 : i32
      %rem3A_690 = arith.remsi %add3A_478, %jit3A_673 : i32
      %ne3A_691 = arith.constant 0 : i32
      %ne3A_692 = arith.cmpi ne, %rem3A_690, %ne3A_691 : i32
      %and3A_693 = arith.andi %ne3A_689, %ne3A_692 : i1
      %sub3A_694 = arith.constant 1 : i32
      %sub3A_695 = arith.subi %div3A_674, %sub3A_694 : i32
      %select_n3A_696 = arith.select %and3A_693, %sub3A_695, %div3A_674 : i32
      %jit3A_697 = arith.constant 2 : i32
      %eq3A_698 = arith.constant 0 : i32
      %eq3A_699 = arith.cmpi eq, %jit3A_697, %eq3A_698 : i32
      %jit3A_700 = arith.constant 1 : i32
      %select_n3A_701 = arith.select %eq3A_699, %jit3A_700, %jit3A_697 : i32
      %rem3A_702 = arith.remsi %add3A_478, %select_n3A_701 : i32
      %ne3A_703 = arith.constant 0 : i32
      %ne3A_704 = arith.cmpi ne, %rem3A_702, %ne3A_703 : i32
      %lt3A_705 = arith.constant 0 : i32
      %lt3A_706 = arith.cmpi slt, %rem3A_702, %lt3A_705 : i32
      %lt3A_707 = arith.constant 0 : i32
      %lt3A_708 = arith.cmpi slt, %select_n3A_701, %lt3A_707 : i32
      %ne3A_709 = arith.xori %lt3A_706, %lt3A_708 : i1
      %and3A_710 = arith.andi %ne3A_709, %ne3A_704 : i1
      %add3A_711 = arith.addi %rem3A_702, %select_n3A_701 : i32
      %select_n3A_712 = arith.select %and3A_710, %add3A_711, %rem3A_702 : i32
      %mul3A_713 = arith.constant 8 : i32
      %mul3A_714 = arith.muli %select_n3A_696, %mul3A_713 : i32
      %add3A_715 = arith.addi %mul3A_2, %mul3A_714 : i32
      %mul3A_716 = arith.constant 512 : i32
      %mul3A_717 = arith.muli %select_n3A_712, %mul3A_716 : i32
      %dma_start3A_718 = arith.constant 0 : i32
      %dma_start3A_719 = tpu.memref_slice %arg4[%dma_start3A_718, %add3A_715, %mul3A_717] : memref<10x1024x1024xf32, #tpu.memory_space<hbm>> -> memref<10x8x512xf32, #tpu.memory_space<hbm>>
      %dma_start3A_720 = arith.constant 0 : i32
      %dma_start3A_721 = tpu.memref_slice %arg4[%dma_start3A_720, %add3A_715, %mul3A_717] : memref<10x1024x1024xf32, #tpu.memory_space<hbm>> -> memref<10x8x512xf32, #tpu.memory_space<hbm>>
      tpu.enqueue_dma source(%arg10 : memref<10x8x512xf32, #tpu.memory_space<vmem>>) target(%dma_start3A_721 : memref<10x8x512xf32, #tpu.memory_space<hbm>>) target_semaphore(%arg14 : memref<!tpu.dma_semaphore, #tpu.memory_space<semaphore_mem>>)
      %add3A_722 = arith.constant 2 : i32
      %add3A_723 = arith.addi %add3A_478, %add3A_722 : i32
      %min3A_724 = arith.constant 7 : i32
      %min3A_725 = arith.minsi %add3A_723, %min3A_724 : i32
      %jit3A_726 = arith.constant 2 : i32
      %div3A_727 = arith.divsi %min3A_725, %jit3A_726 : i32
      %sign3A_728 = arith.constant 0 : i32
      %sign3A_729 = arith.cmpi sgt, %min3A_725, %sign3A_728 : i32
      %sign3A_730 = arith.extui %sign3A_729 : i1 to i32
      %sign3A_731 = arith.constant 0 : i32
      %sign3A_732 = arith.cmpi slt, %min3A_725, %sign3A_731 : i32
      %sign3A_733 = arith.extui %sign3A_732 : i1 to i32
      %sign3A_734 = arith.subi %sign3A_730, %sign3A_733 : i32
      %sign3A_735 = arith.constant 0 : i32
      %sign3A_736 = arith.cmpi sgt, %jit3A_726, %sign3A_735 : i32
      %sign3A_737 = arith.extui %sign3A_736 : i1 to i32
      %sign3A_738 = arith.constant 0 : i32
      %sign3A_739 = arith.cmpi slt, %jit3A_726, %sign3A_738 : i32
      %sign3A_740 = arith.extui %sign3A_739 : i1 to i32
      %sign3A_741 = arith.subi %sign3A_737, %sign3A_740 : i32
      %ne3A_742 = arith.cmpi ne, %sign3A_734, %sign3A_741 : i32
      %rem3A_743 = arith.remsi %min3A_725, %jit3A_726 : i32
      %ne3A_744 = arith.constant 0 : i32
      %ne3A_745 = arith.cmpi ne, %rem3A_743, %ne3A_744 : i32
      %and3A_746 = arith.andi %ne3A_742, %ne3A_745 : i1
      %sub3A_747 = arith.constant 1 : i32
      %sub3A_748 = arith.subi %div3A_727, %sub3A_747 : i32
      %select_n3A_749 = arith.select %and3A_746, %sub3A_748, %div3A_727 : i32
      %jit3A_750 = arith.constant 2 : i32
      %eq3A_751 = arith.constant 0 : i32
      %eq3A_752 = arith.cmpi eq, %jit3A_750, %eq3A_751 : i32
      %jit3A_753 = arith.constant 1 : i32
      %select_n3A_754 = arith.select %eq3A_752, %jit3A_753, %jit3A_750 : i32
      %rem3A_755 = arith.remsi %min3A_725, %select_n3A_754 : i32
      %ne3A_756 = arith.constant 0 : i32
      %ne3A_757 = arith.cmpi ne, %rem3A_755, %ne3A_756 : i32
      %lt3A_758 = arith.constant 0 : i32
      %lt3A_759 = arith.cmpi slt, %rem3A_755, %lt3A_758 : i32
      %lt3A_760 = arith.constant 0 : i32
      %lt3A_761 = arith.cmpi slt, %select_n3A_754, %lt3A_760 : i32
      %ne3A_762 = arith.xori %lt3A_759, %lt3A_761 : i1
      %and3A_763 = arith.andi %ne3A_762, %ne3A_757 : i1
      %add3A_764 = arith.addi %rem3A_755, %select_n3A_754 : i32
      %select_n3A_765 = arith.select %and3A_763, %add3A_764, %rem3A_755 : i32
      %mul3A_766 = arith.constant 8 : i32
      %mul3A_767 = arith.muli %select_n3A_749, %mul3A_766 : i32
      %add3A_768 = arith.addi %mul3A_2, %mul3A_767 : i32
      %mul3A_769 = arith.constant 512 : i32
      %mul3A_770 = arith.muli %select_n3A_765, %mul3A_769 : i32
      %dma_start3A_771 = tpu.memref_slice %arg2[%add3A_768, %mul3A_770] : memref<1024x1024xi32, #tpu.memory_space<hbm>> -> memref<8x512xi32, #tpu.memory_space<hbm>>
      %dma_start3A_772 = tpu.memref_slice %arg2[%add3A_768, %mul3A_770] : memref<1024x1024xi32, #tpu.memory_space<hbm>> -> memref<8x512xi32, #tpu.memory_space<hbm>>
      tpu.enqueue_dma source(%dma_start3A_772 : memref<8x512xi32, #tpu.memory_space<hbm>>) target(%arg6 : memref<8x512xi32, #tpu.memory_space<vmem>>) target_semaphore(%arg12 : memref<!tpu.dma_semaphore, #tpu.memory_space<semaphore_mem>>)
    }
    %scan3A_154 = arith.constant 3 : i32
    %add3A_155 = arith.constant 24 : i32
    %add3A_156 = arith.addi %mul3A_2, %add3A_155 : i32
    %dma_wait3A_157 = arith.constant 512 : i32
    %dma_wait3A_158 = tpu.memref_slice %arg2[%add3A_156, %dma_wait3A_157] : memref<1024x1024xi32, #tpu.memory_space<hbm>> -> memref<8x512xi32, #tpu.memory_space<hbm>>
    %dma_wait3A_159 = arith.constant 512 : i32
    %dma_wait3A_160 = tpu.memref_slice %arg2[%add3A_156, %dma_wait3A_159] : memref<1024x1024xi32, #tpu.memory_space<hbm>> -> memref<8x512xi32, #tpu.memory_space<hbm>>
    tpu.wait_dma2 semaphore(%arg11 : memref<!tpu.dma_semaphore, #tpu.memory_space<semaphore_mem>>) src(%dma_wait3A_160 : memref<8x512xi32, #tpu.memory_space<hbm>>) dst(%arg5 : memref<8x512xi32, #tpu.memory_space<vmem>>)
    %add3A_161 = arith.constant 24 : i32
    %add3A_162 = arith.addi %mul3A_2, %add3A_161 : i32
    %dma_wait3A_163 = arith.constant 512 : i32
    %dma_wait3A_164 = tpu.memref_slice %arg2[%add3A_162, %dma_wait3A_163] : memref<1024x1024xi32, #tpu.memory_space<hbm>> -> memref<8x512xi32, #tpu.memory_space<hbm>>
    %dma_wait3A_165 = arith.constant 512 : i32
    %dma_wait3A_166 = tpu.memref_slice %arg2[%add3A_162, %dma_wait3A_165] : memref<1024x1024xi32, #tpu.memory_space<hbm>> -> memref<8x512xi32, #tpu.memory_space<hbm>>
    tpu.wait_dma2 semaphore(%arg12 : memref<!tpu.dma_semaphore, #tpu.memory_space<semaphore_mem>>) src(%dma_wait3A_166 : memref<8x512xi32, #tpu.memory_space<hbm>>) dst(%arg6 : memref<8x512xi32, #tpu.memory_space<vmem>>)
    %add3A_167 = arith.constant 24 : i32
    %add3A_168 = arith.addi %mul3A_2, %add3A_167 : i32
    %dma_wait3A_169 = arith.constant 0 : i32
    %dma_wait3A_170 = arith.constant 0 : i32
    %dma_wait3A_171 = tpu.memref_slice %arg4[%dma_wait3A_169, %add3A_168, %dma_wait3A_170] : memref<10x1024x1024xf32, #tpu.memory_space<hbm>> -> memref<10x8x512xf32, #tpu.memory_space<hbm>>
    %dma_wait3A_172 = arith.constant 0 : i32
    %dma_wait3A_173 = arith.constant 0 : i32
    %dma_wait3A_174 = tpu.memref_slice %arg4[%dma_wait3A_172, %add3A_168, %dma_wait3A_173] : memref<10x1024x1024xf32, #tpu.memory_space<hbm>> -> memref<10x8x512xf32, #tpu.memory_space<hbm>>
    tpu.wait_dma2 semaphore(%arg13 : memref<!tpu.dma_semaphore, #tpu.memory_space<semaphore_mem>>) src(%arg9 : memref<10x8x512xf32, #tpu.memory_space<vmem>>) dst(%dma_wait3A_174 : memref<10x8x512xf32, #tpu.memory_space<hbm>>)
    %add3A_175 = arith.constant 24 : i32
    %add3A_176 = arith.addi %mul3A_2, %add3A_175 : i32
    %dma_wait3A_177 = arith.constant 0 : i32
    %dma_wait3A_178 = arith.constant 512 : i32
    %dma_wait3A_179 = tpu.memref_slice %arg4[%dma_wait3A_177, %add3A_176, %dma_wait3A_178] : memref<10x1024x1024xf32, #tpu.memory_space<hbm>> -> memref<10x8x512xf32, #tpu.memory_space<hbm>>
    %dma_wait3A_180 = arith.constant 0 : i32
    %dma_wait3A_181 = arith.constant 512 : i32
    %dma_wait3A_182 = tpu.memref_slice %arg4[%dma_wait3A_180, %add3A_176, %dma_wait3A_181] : memref<10x1024x1024xf32, #tpu.memory_space<hbm>> -> memref<10x8x512xf32, #tpu.memory_space<hbm>>
    tpu.wait_dma2 semaphore(%arg14 : memref<!tpu.dma_semaphore, #tpu.memory_space<semaphore_mem>>) src(%arg10 : memref<10x8x512xf32, #tpu.memory_space<vmem>>) dst(%dma_wait3A_182 : memref<10x8x512xf32, #tpu.memory_space<hbm>>)
    return
  }
}

</mosaic_0001>

<sc_bundles>
// kernel: kernel.3.cloned.1.call-start
scs
__scs_entry_jumppad:
0x0: {  	(pc) =	sbr.rel $0x88, $3  }
0x1: {  	(tag) =	ssettag $0x0;
	lr =	simm.s32 $0x1  }
0x2: {  	[smem:$0x3FA0] =	sst lr;
	_ =	strace $0xD0000000  }
0x3: {  	_ = 	snop  }
0x4: {  	_ = 	snop  }
0x5: {  	_ = 	snop  }
0x6: {  	_ = 	snop  }
0x7: {  	_ = 	snop  }
__scs_overlays_trampoline_lowered:
0x8: {  	[smem:$0x3FAF] =	sst s0  }
0x9: {  	[smem:$0x3FB0] =	sst s1  }
0xa: {  	[smem:$0x3FB1] =	sst s2  }
0xb: {  	[smem:$0x3FB2] =	sst s3  }
0xc: {  	[smem:$0x3FB3] =	sst s4  }
0xd: {  	[smem:$0x3FB4] =	sst s5  }
0xe: {  	[smem:$0x3FB5] =	sst s6  }
0xf: {  	[smem:$0x3FB6] =	sst s7  }
0x10: {  	[smem:$0x3FB7] =	sst s8  }
0x11: {  	[smem:$0x3FB8] =	sst s9;
	s0 =	simm.s32 @!p0 $0x0  }
0x12: {  	s1 =	sld [smem:$0x3F9E];
	s0 =	simm.s32 @p0 $0x1  }
0x13: {  	[smem:$0x3FB9] =	sst s0;
	s0 =	simm.s32 @!p1 $0x0  }
0x14: {  	s2 =	sld [smem:$0x3F9D];
	s0 =	simm.s32 @p1 $0x1  }
0x15: {  	[smem:$0x3FBA] =	sst s0;
	s0 =	simm.s32 @!p2 $0x0  }
0x16: {  	s3 =	sld [smem:$0x3FDB];
	s0 =	simm.s32 @p2 $0x1  }
0x17: {  	s4 =	simm.s32 $0x1BF5;
	[smem:$0x3FBC] =	sst s0  }
0x18: {  	s0 =	sld [smem:$0x3F9F];
	_ =	swait.ge [sflag:s4], $0x0  }
0x19: {  	s7 =	sld [smem:$0x3FA0]  }
0x1a: {  	s8 =	sadd.s32 $0xFFFFE003, lr  }
0x1b: {  	s9 =	sadd.s32 $0xFFFFFEF7, lr;
	s5 =	simm.s32 $0xFFFFFFFF;
	p2 =	slt.u32 s8, $0xFFFFF086  }
0x1c: {  	p1 =	slt.u32 s9, $0xF7A;
	s5 =	simm.s32 @!p2 $0x0  }
0x1d: {  	s5 =	simm.s32 @p1 $0x1;
	p0 =	seq.s32 s7, s2  }
0x1e: {  	s7 =	smul.u32 @!p0 $0xF7A, s2;
	p2 =	seq.s32 @!p0 s5, $0x0  }
0x1f: {  	s9 =	smul.u32 $0xF7A, s1;
	s8 =	simm.s32 @!p0 $0x1BF5;
	p2 =	por !p2, p0  }
0x20: {  	[sflag:s8] =	ssyncset.s32 @!p0 $0xFFFFF086;
	s6 =	sadd.s32 @!p0 s3, s7;
	s7 =	simm.s32 @!p0 $0x108  }
0x21: {  	s3 =	sadd.s32 s3, s9;
	s6 =	sadd.s32 @!p0 $0x88, s6;
	s7 =	simm.s32 @p2 $0x1082  }
0x22: {  	[simem:s7], [sflag:s8] =	dma.local @!p0 [hbm:s6], $0xF7A  }
0x23: {  	s9 =	sor.u32 $0xD0000000, s2;
	s6 =	simm.s32 $0x108;
	_ =	swait.ge @!p0 [sflag:s8], $0x0  }
0x24: {  	s3 =	sadd.s32 $0x88, s3;
	s6 =	simm.s32 @!p1 $0x1082;
	[sflag:s4] =	ssyncset.s32 $0xFFFFF086  }
0x25: {  	[simem:s6], [sflag:s4] =	dma.local [hbm:s3], $0xF7A  }
0x26: {  	[smem:$0x3FA0] =	sst s1;
	(tag) =	ssettag s2;
	_ =	strace s9  }
0x27: {  	s1 =	sld [smem:$0x3FB0]  }
0x28: {  	s2 =	sld [smem:$0x3FB1]  }
0x29: {  	s4 =	sld [smem:$0x3FB3]  }
0x2a: {  	p0 =	seq.s32 s5, $0x0;
	s5 =	sld [smem:$0x3FB4]  }
0x2b: {  	s6 =	sld [smem:$0x3FB5]  }
0x2c: {  	s7 =	sld [smem:$0x3FB6]  }
0x2d: {  	s3 =	simm.s32 $0x108;
	s8 =	sld [smem:$0x3FB7]  }
0x2e: {  	s3 =	simm.s32 @!p0 $0x1082;
	s9 =	sld [smem:$0x3FB8]  }
0x2f: {  	lr =	sadd.s32 s0, s3;
	s0 =	sld [smem:$0x3FAF]  }
0x30: {  	s3 =	sld [smem:$0x3FB2]  }
0x31: {  	[smem:$0x3FBB] =	sst s10  }
0x32: {  	s10 =	sld [smem:$0x3FB9];
	_ =	sdelay $0x3  }
0x33: {  	p0 =	seq.s32 s10, $0x1;
	s10 =	sld [smem:$0x3FBB];
	_ =	sdelay $0x3  }
0x34: {  	[smem:$0x3FBB] =	sst s10  }
0x35: {  	s10 =	sld [smem:$0x3FBA];
	_ =	sdelay $0x3  }
0x36: {  	p1 =	seq.s32 s10, $0x1;
	s10 =	sld [smem:$0x3FBB];
	_ =	sdelay $0x3  }
0x37: {  	[smem:$0x3FBB] =	sst s10  }
0x38: {  	s10 =	sld [smem:$0x3FBC]  }
0x39: {  	_ = 	snop;
	(pc) =	sbr.ind lr, $3  }
0x3a: {  	_ = 	snop  }
0x3b: {  	_ = 	snop  }
0x3c: {  	p2 =	seq.s32 s10, $0x1;
	s10 =	sld [smem:$0x3FBB]  }
0x3d: {  	_ =	shalt  }
0x3e: {  	_ =	shalt  }
0x3f: {  	_ =	shalt  }
0x40: {  	_ =	shalt  }
0x41: {  	_ =	shalt  }
0x42: {  	_ =	shalt  }
0x43: {  	_ =	shalt  }
0x44: {  	_ =	shalt  }
0x45: {  	_ =	shalt  }
0x46: {  	_ =	shalt  }
0x47: {  	_ =	shalt  }
0x48: {  	_ =	shalt  }
0x49: {  	_ =	shalt  }
0x4a: {  	_ =	shalt  }
0x4b: {  	_ =	shalt  }
0x4c: {  	_ =	shalt  }
0x4d: {  	_ =	shalt  }
0x4e: {  	_ =	shalt  }
0x4f: {  	_ =	shalt  }
0x50: {  	_ =	shalt  }
0x51: {  	_ =	shalt  }
0x52: {  	_ =	shalt  }
0x53: {  	_ =	shalt  }
0x54: {  	_ =	shalt  }
0x55: {  	_ =	shalt  }
0x56: {  	_ =	shalt  }
0x57: {  	_ =	shalt  }
0x58: {  	_ =	shalt  }
0x59: {  	_ =	shalt  }
0x5a: {  	_ =	shalt  }
0x5b: {  	_ =	shalt  }
0x5c: {  	_ =	shalt  }
0x5d: {  	_ =	shalt  }
0x5e: {  	_ =	shalt  }
0x5f: {  	_ =	shalt  }
0x60: {  	_ =	shalt  }
0x61: {  	_ =	shalt  }
0x62: {  	_ =	shalt  }
0x63: {  	_ =	shalt  }
0x64: {  	_ =	shalt  }
0x65: {  	_ =	shalt  }
0x66: {  	_ =	shalt  }
0x67: {  	_ =	shalt  }
0x68: {  	_ =	shalt  }
0x69: {  	_ =	shalt  }
0x6a: {  	_ =	shalt  }
0x6b: {  	_ =	shalt  }
0x6c: {  	_ =	shalt  }
0x6d: {  	_ =	shalt  }
0x6e: {  	_ =	shalt  }
0x6f: {  	_ =	shalt  }
0x70: {  	_ =	shalt  }
0x71: {  	_ =	shalt  }
0x72: {  	_ =	shalt  }
0x73: {  	_ =	shalt  }
0x74: {  	_ =	shalt  }
0x75: {  	_ =	shalt  }
0x76: {  	_ =	shalt  }
0x77: {  	_ =	shalt  }
0x78: {  	_ =	shalt  }
0x79: {  	_ =	shalt  }
0x7a: {  	_ =	shalt  }
0x7b: {  	_ =	shalt  }
0x7c: {  	_ =	shalt  }
0x7d: {  	_ =	shalt  }
0x7e: {  	_ =	shalt  }
0x7f: {  	_ =	shalt  }
0x80: {  	_ =	shalt  }
0x81: {  	_ =	shalt  }
0x82: {  	_ =	shalt  }
0x83: {  	_ =	shalt  }
0x84: {  	_ =	shalt  }
0x85: {  	_ =	shalt  }
0x86: {  	_ =	shalt  }
0x87: {  	_ =	shalt  }
.Lfunc_end0:
.L_simem_size_0:
called_computation_lowered:
.L_overlay_start_0:
0x88: {  	s2 =	sld [smem:$0x3FD9]  }
0x89: {  	s3 =	sld [smem:$0x3FFE];
	_ =	sdelay $0x1  }
0x8a: {  	s1 =	srdreg.scid  }
0x8b: {  	s0 =	sand.u32 $0x1, s1  }
0x8c: {  	s17 =	sshll.u32 s0, $0xA;
	s2 =	sadd.s32 s3, s2  }
0x8d: {  	s2 =	sadd.s32 s2, s17  }
0x8e: {  	[smem:$0x3FC7] =	sst s2  }
0x8f: {  	_ = 	snop  }
0x90: {  	s2 =	sld [smem:$0x3FC9]  }
0x91: {  	s18 =	sld [smem:$0x3FD0];
	(tm) =	ssettm $0x1  }
0x92: {  	s4 =	sld [smem:$0x3FFB];
	_ =	sdelay $0x3  }
0x93: {  	_ =	strace s4  }
0x94: {  	s4 =	sld [smem:$0x3FFC];
	_ =	sdelay $0x3  }
0x95: {  	_ =	strace s4  }
0x96: {  	s4 =	sld [smem:$0x3FFD];
	_ =	sdelay $0x3  }
0x97: {  	_ =	strace s4  }
0x98: {  	_ =	strace $0x8FFFFFFF  }
0x99: {  	s19 =	sld [smem:$0x3FDB];
	_ =	sdelay $0x1  }
0x9a: {  	s5 =	simm.s32 $_scs_section_size  }
0x9b: {  	s6 =	simm.s32 $_size__tile_overlayer_lowered;
	s7 =	simm.s32 $_tile_overlayer_lowered  }
0x9c: {  	s22 =	simm.s32 $0x1BFF;
	s21 =	sshll.u32 s7, $0x1;
	s4 =	sadd.s32 s5, s19  }
0x9d: {  	s8 =	simm.s32 $0x0;
	s20 =	sshll.u32 s6, $0x1;
	s6 =	sadd.s32 s21, s4  }
0x9e: {  	[timem:s8], [sflag:s22] =	dma.local [hbm:s6], s20  }
0x9f: {  	_ =	swait.ge [sflag:s22], s20  }
0xa0: {  	s5 =	ssub.s32 $0x0, s20;
	[sflag:s22] =	ssyncset.done $0x0  }
0xa1: {  	[sflag:s22] =	ssyncadd.s32 s5;
	_ =	sdelay $0x1  }
0xa2: {  	s23 =	simm.s32 $0x1B8B  }
0xa3: {  	_ =	swait.ge [sflag:s23], $0x1  }
0xa4: {  	[sflag:s23] =	ssyncset.done $0x0  }
0xa5: {  	s25 =	simm.s32 $0x1B8E;
	s24 =	sld [smem:$0x3FFE];
	[sflag:s23] =	ssyncadd.s32 $0xFFFFFFFF  }
0xa6: {  	s26 =	simm.s32 $execute0_lowered;
	[smem:$0x3FD2] =	sst s25  }
0xa7: {  	s6 =	sshll.u32 s26, $0x1;
	_ =	strace $0x80000046;
	[dreg:$0x1] =	wrdreg $0xFFFFFFFF  }
0xa8: {  	s28 =	simm.s32 $_size_execute0_lowered;
	s4 =	sadd.s32 s4, s6;
	[dreg:$0x0] =	wrdreg $0x0  }
0xa9: {  	s6 =	sshll.u32 s28, $0x1;
	[dreg:$0x2] =	wrdreg s4  }
0xaa: {  	[dreg:$0x3] =	wrdreg s6  }
0xab: {  	[dreg:$0x4] =	wrdreg $0xC0  }
0xac: {  	_ =	task [dreg:s8], $0x5FFFF  }
0xad: {  	[dreg:$0x1] =	wrdreg $0xFFFFFFFF  }
0xae: {  	[dreg:$0x0] =	wrdreg $0x60  }
0xaf: {  	[dreg:$0x2] =	wrdreg s2  }
0xb0: {  	[dreg:$0x3] =	wrdreg s24  }
0xb1: {  	[dreg:$0x4] =	wrdreg s18  }
0xb2: {  	[dreg:$0x5] =	wrdreg $0x9  }
0xb3: {  	_ =	task.clear_ibuf [dreg:s8], $0x6FFFF;
	_ =	strace $0x90000046  }
0xb4: {  	s29 =	simm.s32 $0x9;
	_ =	strace $0x80000048  }
0xb5: {  	_ =	swait.ge [sflag:s29], $0x1  }
0xb6: {  	[sflag:s29] =	ssyncadd.s32 $0xFFFFFFFF  }
0xb7: {  	_ =	strace $0x90000048  }
0xb8: {  	_ =	sfence  }
0xb9: {  	s30 =	sld [smem:$0x0];
	_ =	sdelay $0x2  }
0xba: {  	s31 =	sshll.u32 s1, $0xD;
	s1 =	sshrl.u32 s1, $0x2  }
0xbb: {  	s3 =	sand.u32 $0x4000, s31;
	s1 =	sadd.s32 s1, s30  }
0xbc: {  	s0 =	sor.u32 s3, s0;
	s1 =	sshll.u32 s1, $0x11  }
0xbd: {  	s0 =	sor.u32 s1, s0  }
0xbe: {  	s0 =	sadd.s32 $0x8F2B, s0  }
0xbf: {  	[sflag:s0] =	ssyncadd.remote.s32 $0x1  }
0xc0: {  	_ =	sfence.sel $0xFFFF  }
0xc1: {  	[dreg:$0x0] =	wrdreg $0xFFFFFFFF;
	(pc) =	sbr.abs _section_cstart, $3  }
0xc2: {  	[dreg:$0x1] =	wrdreg $0xFFFFFFFF  }
0xc3: {  	_ =	task.clear_ibuf [dreg:s8], $0x2FFFF;
	_ =	strace $0x9FFFFFFF  }
0xc4: {  	(tm) =	ssettm $0x7FFFFFFF  }
0xc5: {  	_ =	shalt  }
tec
execute0_lowered:
.L_overlay_start_1:
0x0: {  	(tag) =	ssettag $0x1  }
0x1: {  	s1 =	rddreg [dreg:$0x0]  }
0x2: {  	s0 =	rddreg [dreg:$0x1]  }
0x3: {  	s3 =	rddreg [dreg:$0x2];
	s2 =	srdreg.scid  }
0x4: {  	s4 =	simm.s32 $0x0;
	s5 =	stileid.u32;
	s16 =	simm.s32 $0x1000  }
0x5: {  	s17 =	simm.s32 $0x4000;
	s18 =	simm.s32 $0xE000;
	s19 =	simm.s32 $0x3  }
0x6: {  	s20 =	simm.s32 $0x1;
	s21 =	simm.s32 $0x100000;
	s22 =	simm.s32 $0x4  }
0x7: {  	s23 =	simm.s32 $0x2;
	s24 =	simm.s32 $0x0;
	s2 =	sand.u32 $0x1, s2  }
0x8: {  	[smem:$0x7FF] =	sst s4;
	s5 =	sshll.u32 s5, $0x6;
	s6 =	sshll.u32 s2, $0x5  }
0x9: {  	s13 =	sadd.s32 $0x200, s3;
	_ =	strace $0x80000047;
	s7 =	sor.u32 s6, s5  }
0xa: {  	s2 =	ssub.s32 $0x2, s2;
	s5 =	sadd.s32 $0x400, s0;
	s8 =	sshll.u32 s7, $0x7  }
0xb: {  	s6 =	sadd.s32 s1, s8;
	s29 =	sor.u32 $0x200, s8;
	s8 =	sadd.s32 s3, s8  }
.Ltmp0:
0xc: {  	s9 =	sadd.s32 s1, s29;
	[dreg:$0x5] =	wrdreg s8;
	(pc) =	sbr.rel .LBB2_1-.Ltmp0, $4  }
0xd: {  	s28 =	sshrl.u32 s2, $0x1;
	s30 =	sadd.s32 $0x400, s6;
	[dreg:$0x4] =	wrdreg s9  }
0xe: {  	s0 =	ssub.s32 s2, s28;
	s2 =	sadd.s32 s3, s29;
	[dreg:$0x6] =	wrdreg s30  }
0xf: {  	s14 =	sadd.s32 $0x200, s1;
	s31 =	sadd.s32 $0x600, s6;
	[dreg:$0x7] =	wrdreg s2  }
0x10: {  	v0 =	vimm.f32 $1.000000000e+00;
	v1 =	vimm.f32 $0.0e+00;
	s12 =	sshrl.u32 s7, $0x3;
	s15 =	smax.u32 s0, $0x1;
	[dreg:$0x8] =	wrdreg s31  }
.LBB2_199:
0x11: {  	_ =	swait.ge [sflag:s20], $0x1000  }
0x12: {  	[sflag:s20] =	ssyncset.done $0x0  }
0x13: {  	[sflag:s20] =	ssyncadd.s32 $0xFFFFF000  }
0x14: {  	_ =	swait.ge [sflag:s23], $0x1000  }
0x15: {  	[sflag:s23] =	ssyncset.done $0x0  }
0x16: {  	s24 =	sadd.s32 $0x1, s24;
	[sflag:s23] =	ssyncadd.s32 $0xFFFFF000  }
0x17: {  	p0 =	sne.s32 s24, s15;
	_ =	swait.ge [sflag:s19], $0xA000  }
.Ltmp1:
0x18: {  	[sflag:s19] =	ssyncset.done $0x0;
	(pc) =	sbr.rel @!p0 .LBB2_200-.Ltmp1, $4  }
0x19: {  	[sflag:s19] =	ssyncadd.s32 $0xFFFF6000  }
0x1a: {  	_ =	swait.ge [sflag:s22], $0xA000  }
0x1b: {  	[sflag:s22] =	ssyncset.done $0x0  }
0x1c: {  	[sflag:s22] =	ssyncadd.s32 $0xFFFF6000  }
.LBB2_1:
0x1d: {  	[tilespmem:s4], [sflag:$0x1] =	stream.linear.gather [hbm4b:s6+s4], $0x1000, $0x38;
	[tilespmem:$0x18000] =	vst v63  }
0x1e: {  	s0 =	rddreg [dreg:$0x4]  }
0x1f: {  	[tilespmem:s16], [sflag:$0x2] =	stream.linear.gather [hbm4b:s0+s4], $0x1000, $0x38;
	[tilespmem:$0x18000] =	vst v63  }
0x20: {  	_ = 	snop  }
0x21: {  	[tilespmem:s17], [sflag:$0x3] =	stream.linear.gather [hbm4b:s5+s4], $0xA000, $0x38;
	[tilespmem:$0x18000] =	vst v63  }
0x22: {  	_ = 	snop  }
0x23: {  	[tilespmem:s18], [sflag:$0x4] =	stream.linear.gather [hbm4b:s5+s4], $0xA000, $0x38;
	[tilespmem:$0x18000] =	vst v63  }
0x24: {  	_ =	swait.ge [sflag:s19], $0xA000  }
0x25: {  	[sflag:s19] =	ssyncset.done $0x0  }
0x26: {  	[sflag:s19] =	ssyncadd.s32 $0xFFFF6000  }
0x27: {  	_ =	swait.ge [sflag:s20], $0x1000  }
0x28: {  	s30 =	sand.u32 $0x40, s4;
	s2 =	sand.u32 $0xC00, s4;
	[sflag:s20] =	ssyncset.done $0x0  }
0x29: {  	s2 =	sor.u32 s30, s2;
	[sflag:s20] =	ssyncadd.s32 $0xFFFFF000  }
0x2a: {  	v18 =	vld [tilespmem:s2+$0x30]  }
0x2b: {  	v9 =	vld [tilespmem:s2+$0x0]  }
0x2c: {  	v2 =	vlaneseq.u32;
	v11 =	vld [tilespmem:s2+$0x10]  }
0x2d: {  	v10 =	vadd.s32 $0x10, v2;
	v12 =	vadd.s32 $0x20, v2  }
0x2e: {  	v3 =	vadd.s32 $0x30, v2;
	v8 =	vshll.u32 v2, $0x3;
	v4 =	vshll.u32 v10, $0x3  }
0x2f: {  	s31 =	simm.s32 $0x200;
	s7 =	simm.s32 $0x40;
	v7 =	vshll.u32 v12, $0x3;
	v5 =	vshll.u32 v3, $0x3;
	v3 =	vand.u32 $0x7F, v3  }
0x30: {  	s7 =	sand.u32 $0x40, s7;
	s0 =	sand.u32 $0xC00, s31;
	v6 =	vand.u32 $0xFFFFFC00, v5;
	v4 =	vand.u32 $0xFFFFFC00, v4;
	v13 =	vshll.u32 v18, $0xC  }
0x31: {  	s0 =	sor.u32 s7, s0;
	v15 =	vld [tilespmem:s2+$0x20];
	v14 =	vshll.u32 v9, $0xC;
	v5 =	vadd.s32 v6, v13;
	v13 =	vshll.u32 v11, $0xC  }
0x32: {  	v19 =	vor.u32 v3, v5;
	v5 =	vand.u32 $0xFFFFFC00, v8;
	v17 =	vadd.s32 v4, v13;
	v13 =	vld [tilespmem:s0+$0x30]  }
0x33: {  	v8 =	vand.u32 $0xFFFFFC00, v7;
	v7 =	vand.u32 $0x7F, v2;
	v14 =	vadd.s32 v5, v14  }
0x34: {  	v21 =	vld [tilespmem:s0+$0x0];
	v25 =	vor.u32 v7, v14;
	v14 =	vadd.s32 $0x40, v2  }
0x35: {  	v10 =	vand.u32 $0x7F, v10;
	[tilespmem:s2+$0x2000] =	vst v9;
	v23 =	vadd.s32 $0x30, v14  }
0x36: {  	v16 =	vshll.u32 v15, $0xC;
	v9 =	vand.u32 $0x7F, v12;
	[tilespmem:s2+$0x2030] =	vst v18;
	v24 =	vshll.u32 v23, $0x3  }
0x37: {  	v12 =	vor.u32 v10, v17;
	v17 =	vld [tilespmem:s0+$0x10];
	[tilespmem:v19+s17+$0x0] =	vst.idx.msk $0xffff, v0;
	v19 =	vshll.u32 v13, $0xC;
	v24 =	vand.u32 $0xFFFFFC00, v24  }
0x38: {  	[tilespmem:s2+$0x2010] =	vst v11;
	v16 =	vadd.s32 v8, v16;
	v27 =	vadd.s32 v24, v19;
	v19 =	vld [tilespmem:s0+$0x20]  }
0x39: {  	[tilespmem:s0+$0x2000] =	vst v21;
	v21 =	vshll.u32 v21, $0xC;
	v11 =	vor.u32 v9, v16  }
0x3a: {  	[tilespmem:s2+$0x2020] =	vst v15;
	v16 =	vadd.s32 $0x10, v14;
	v15 =	vadd.s32 $0x20, v14;
	v22 =	vshll.u32 v14, $0x3  }
0x3b: {  	v18 =	vshll.u32 v16, $0x3;
	v20 =	vshll.u32 v15, $0x3;
	v26 =	vand.u32 $0x7F, v23  }
0x3c: {  	s8 =	simm.s32 $0x80;
	s7 =	simm.s32 $0x400;
	s2 =	simm.s32 $0x4;
	v23 =	vshll.u32 v17, $0xC;
	v24 =	vand.u32 $0xFFFFFC00, v18;
	v18 =	vor.u32 v26, v27;
	[tilespmem:v25+s17+$0x0] =	vst.idx.msk $0xffff, v0  }
.LBB2_2:
0x3d: {  	s9 =	sand.u32 $0x40, s8;
	s25 =	sand.u32 $0xC00, s7;
	s2 =	sadd.s32 $0x4, s2;
	v22 =	vand.u32 $0xFFFFFC00, v22;
	[tilespmem:s0+$0x2010] =	vst v17;
	v17 =	vshll.u32 v19, $0xC;
	v20 =	vand.u32 $0xFFFFFC00, v20  }
0x3e: {  	s9 =	sor.u32 s9, s25;
	p0 =	slt.u32 s2, $0x1C;
	v21 =	vadd.s32 v22, v21;
	v22 =	vadd.s32 v24, v23;
	[tilespmem:s0+$0x2020] =	vst v19;
	v17 =	vadd.s32 v20, v17  }
0x3f: {  	v16 =	vand.u32 $0x7F, v16;
	v15 =	vand.u32 $0x7F, v15;
	v19 =	vand.u32 $0x7F, v14;
	v23 =	vld [tilespmem:s9+$0x30];
	[tilespmem:v12+s17+$0x0] =	vst.idx.msk $0xffff, v0  }
0x40: {  	v25 =	vor.u32 v19, v21;
	v12 =	vor.u32 v16, v22;
	v20 =	vor.u32 v15, v17;
	v24 =	vld [tilespmem:s9+$0x0];
	[tilespmem:s0+$0x2030] =	vst v13;
	s0 =	smov.u32 s9  }
0x41: {  	v14 =	vadd.s32 $0x40, v14;
	v17 =	vld [tilespmem:s0+$0x10];
	[tilespmem:v18+s17+$0x0] =	vst.idx.msk $0xffff, v0  }
.Ltmp2:
0x42: {  	v16 =	vadd.s32 $0x10, v14;
	v15 =	vadd.s32 $0x20, v14;
	v18 =	vadd.s32 $0x30, v14;
	v19 =	vld [tilespmem:s0+$0x20];
	[tilespmem:v11+s17+$0x0] =	vst.idx.msk $0xffff, v0;
	v11 =	vmovc v20;
	(pc) =	sbr.rel @p0 .LBB2_2-.Ltmp2, $4  }
0x43: {  	v26 =	vshll.u32 v16, $0x3;
	v20 =	vshll.u32 v15, $0x3;
	v21 =	vshll.u32 v18, $0x3  }
0x44: {  	v22 =	vshll.u32 v14, $0x3;
	v28 =	vand.u32 $0xFFFFFC00, v21;
	v27 =	vshll.u32 v23, $0xC;
	v13 =	vmovc v23  }
0x45: {  	v18 =	vand.u32 $0x7F, v18;
	[tilespmem:s0+$0x2000] =	vst v24;
	v21 =	vshll.u32 v24, $0xC;
	v27 =	vadd.s32 v28, v27  }
0x46: {  	s7 =	sadd.s32 $0x200, s7;
	s8 =	sadd.s32 $0x40, s8;
	v24 =	vand.u32 $0xFFFFFC00, v26;
	v23 =	vshll.u32 v17, $0xC;
	v18 =	vor.u32 v18, v27;
	[tilespmem:v25+s17+$0x0] =	vst.idx.msk $0xffff, v0  }
0x47: {  	_ =	sdelay $0x1  }
0x48: {  	v22 =	vand.u32 $0xFFFFFC00, v22;
	v25 =	vshll.u32 v19, $0xC  }
0x49: {  	[tilespmem:s0+$0x2010] =	vst v17;
	v17 =	vand.u32 $0xFFFFFC00, v20;
	v62 =	vadd.s32 v24, v23;
	v16 =	vand.u32 $0x7F, v16  }
0x4a: {  	v14 =	vand.u32 $0x7F, v14;
	[tilespmem:v12+s17+$0x0] =	vst.idx.msk $0xffff, v0;
	v61 =	vadd.s32 v22, v21;
	v12 =	vor.u32 v16, v62  }
0x4b: {  	[tilespmem:s0+$0x2020] =	vst v19;
	v15 =	vand.u32 $0x7F, v15;
	v17 =	vadd.s32 v17, v25;
	v14 =	vor.u32 v14, v61  }
0x4c: {  	[tilespmem:s0+$0x2030] =	vst v13;
	v15 =	vor.u32 v15, v17  }
0x4d: {  	[tilespmem:v11+s17+$0x0] =	vst.idx.msk $0xffff, v0  }
0x4e: {  	[tilespmem:v18+s17+$0x0] =	vst.idx.msk $0xffff, v0  }
0x4f: {  	s29 =	simm.s32 $0x0;
	[tilespmem:v12+s17+$0x0] =	vst.idx.msk $0xffff, v0  }
0x50: {  	s2 =	sand.u32 $0x40, s29;
	s0 =	sand.u32 $0xC00, s29;
	[tilespmem:v14+s17+$0x0] =	vst.idx.msk $0xffff, v0  }
0x51: {  	s26 =	sor.u32 s2, s0;
	[tilespmem:v15+s17+$0x0] =	vst.idx.msk $0xffff, v0  }
0x52: {  	v11 =	vld [tilespmem:s26+$0xB0]  }
0x53: {  	v12 =	vld [tilespmem:s26+$0x80]  }
0x54: {  	v13 =	vld [tilespmem:s26+$0x90]  }
0x55: {  	v14 =	vld [tilespmem:s26+$0xA0];
	_ =	sdelay $0x2  }
0x56: {  	s30 =	simm.s32 $0x200;
	s31 =	simm.s32 $0x40;
	v2 =	vadd.s32 $0x40, v2;
	v15 =	vshll.u32 v11, $0xC  }
0x57: {  	s2 =	sand.u32 $0x40, s31;
	s0 =	sand.u32 $0xC00, s30;
	v16 =	vshll.u32 v13, $0xC;
	v6 =	vadd.s32 v6, v15;
	v15 =	vshll.u32 v12, $0xC  }
0x58: {  	s25 =	sor.u32 s2, s0;
	[tilespmem:s26+$0x2080] =	vst v12;
	v12 =	vadd.s32 $0x30, v2;
	v3 =	vor.u32 v3, v6;
	v6 =	vshll.u32 v14, $0xC  }
0x59: {  	v17 =	vor.u32 $0x80, v3;
	v3 =	vadd.s32 v4, v16;
	v6 =	vadd.s32 v8, v6;
	v4 =	vld [tilespmem:s25+$0xB0]  }
0x5a: {  	[tilespmem:s26+$0x20B0] =	vst v11;
	v5 =	vadd.s32 v5, v15;
	v11 =	vshll.u32 v12, $0x3;
	v6 =	vor.u32 v9, v6;
	v9 =	vld [tilespmem:s25+$0x80]  }
0x5b: {  	v15 =	vld [tilespmem:s25+$0x90];
	v7 =	vor.u32 v7, v5;
	v8 =	vadd.s32 $0x10, v2;
	v3 =	vor.u32 v10, v3  }
0x5c: {  	[tilespmem:s26+$0x2090] =	vst v13;
	v16 =	vor.u32 $0x80, v7;
	v5 =	vor.u32 $0x80, v3;
	v3 =	vor.u32 $0x80, v6;
	v6 =	vld [tilespmem:s25+$0xA0]  }
0x5d: {  	[tilespmem:s26+$0x20A0] =	vst v14;
	v7 =	vadd.s32 $0x20, v2;
	v13 =	vshll.u32 v8, $0x3;
	v10 =	vshll.u32 v2, $0x3  }
0x5e: {  	v63 =	vshll.u32 v7, $0x3;
	[tilespmem:v17+s17+$0x0] =	vst.idx.msk $0xffff, v0;
	v14 =	vshll.u32 v4, $0xC;
	v17 =	vand.u32 $0xFFFFFC00, v11  }
0x5f: {  	[tilespmem:s25+$0x2080] =	vst v9;
	v11 =	vshll.u32 v9, $0xC;
	v9 =	vand.u32 $0x7F, v12;
	v14 =	vadd.s32 v17, v14  }
0x60: {  	s7 =	simm.s32 $0x400;
	v13 =	vand.u32 $0xFFFFFC00, v13;
	[tilespmem:s25+$0x2090] =	vst v15;
	v12 =	vshll.u32 v15, $0xC;
	v9 =	vor.u32 v9, v14  }
0x61: {  	s8 =	simm.s32 $0x80;
	s2 =	simm.s32 $0x4;
	s0 =	smov.u32 s25;
	[tilespmem:v16+s17+$0x0] =	vst.idx.msk $0xffff, v0;
	v15 =	vand.u32 $0xFFFFFC00, v63;
	v14 =	vshll.u32 v6, $0xC;
	v9 =	vor.u32 $0x80, v9  }
.LBB2_4:
0x62: {  	s9 =	sand.u32 $0x40, s8;
	s28 =	sand.u32 $0xC00, s7;
	s2 =	sadd.s32 $0x4, s2;
	v10 =	vand.u32 $0xFFFFFC00, v10;
	v12 =	vadd.s32 v13, v12;
	v13 =	vadd.s32 v15, v14;
	[tilespmem:v5+s17+$0x0] =	vst.idx.msk $0xffff, v0  }
0x63: {  	v8 =	vand.u32 $0x7F, v8;
	s9 =	sor.u32 s9, s28;
	p0 =	slt.u32 s2, $0x1C;
	v5 =	vadd.s32 v10, v11;
	[tilespmem:s0+$0x20A0] =	vst v6;
	v6 =	vand.u32 $0x7F, v7  }
0x64: {  	v7 =	vand.u32 $0x7F, v2;
	v8 =	vor.u32 v8, v12;
	v11 =	vld [tilespmem:s9+$0xB0];
	v6 =	vor.u32 v6, v13;
	[tilespmem:v3+s17+$0x0] =	vst.idx.msk $0xffff, v0  }
0x65: {  	v7 =	vor.u32 v7, v5;
	v5 =	vor.u32 $0x80, v8;
	v12 =	vld [tilespmem:s9+$0x80];
	v3 =	vor.u32 $0x80, v6;
	[tilespmem:s0+$0x20B0] =	vst v4;
	s0 =	smov.u32 s9  }
0x66: {  	v2 =	vadd.s32 $0x40, v2;
	v15 =	vor.u32 $0x80, v7;
	v14 =	vld [tilespmem:s0+$0x90];
	[tilespmem:v9+s17+$0x0] =	vst.idx.msk $0xffff, v0  }
0x67: {  	v8 =	vadd.s32 $0x10, v2;
	v7 =	vadd.s32 $0x20, v2;
	v9 =	vadd.s32 $0x30, v2;
	v6 =	vld [tilespmem:s0+$0xA0]  }
.Ltmp3:
0x68: {  	v13 =	vshll.u32 v8, $0x3;
	v16 =	vshll.u32 v7, $0x3;
	v19 =	vshll.u32 v9, $0x3;
	(pc) =	sbr.rel @p0 .LBB2_4-.Ltmp3, $4  }
0x69: {  	v10 =	vshll.u32 v2, $0x3;
	v18 =	vand.u32 $0xFFFFFC00, v19;
	v17 =	vshll.u32 v11, $0xC;
	v4 =	vmovc v11  }
0x6a: {  	v9 =	vand.u32 $0x7F, v9;
	[tilespmem:s0+$0x2080] =	vst v12;
	v11 =	vshll.u32 v12, $0xC;
	v17 =	vadd.s32 v18, v17  }
0x6b: {  	v13 =	vand.u32 $0xFFFFFC00, v13;
	v12 =	vshll.u32 v14, $0xC;
	v9 =	vor.u32 v9, v17;
	[tilespmem:v15+s17+$0x0] =	vst.idx.msk $0xffff, v0  }
0x6c: {  	s7 =	sadd.s32 $0x200, s7;
	s8 =	sadd.s32 $0x40, s8;
	v15 =	vand.u32 $0xFFFFFC00, v16;
	[tilespmem:s0+$0x2090] =	vst v14;
	v14 =	vshll.u32 v6, $0xC;
	v9 =	vor.u32 $0x80, v9  }
0x6d: {  	_ =	sdelay $0x1  }
0x6e: {  	v10 =	vand.u32 $0xFFFFFC00, v10  }
0x6f: {  	v12 =	vadd.s32 v13, v12;
	v2 =	vand.u32 $0x7F, v2;
	v8 =	vand.u32 $0x7F, v8  }
0x70: {  	[tilespmem:v5+s17+$0x0] =	vst.idx.msk $0xffff, v0;
	v5 =	vand.u32 $0x7F, v7;
	v10 =	vadd.s32 v10, v11;
	v7 =	vor.u32 v8, v12  }
0x71: {  	[tilespmem:s0+$0x20A0] =	vst v6;
	v11 =	vadd.s32 v15, v14;
	v2 =	vor.u32 v2, v10;
	v6 =	vor.u32 $0x80, v7  }
0x72: {  	v5 =	vor.u32 v5, v11;
	v2 =	vor.u32 $0x80, v2  }
0x73: {  	[tilespmem:v3+s17+$0x0] =	vst.idx.msk $0xffff, v0;
	v3 =	vor.u32 $0x80, v5  }
0x74: {  	[tilespmem:s0+$0x20B0] =	vst v4  }
0x75: {  	[tilespmem:v9+s17+$0x0] =	vst.idx.msk $0xffff, v0  }
0x76: {  	[tilespmem:v6+s17+$0x0] =	vst.idx.msk $0xffff, v0  }
0x77: {  	[tilespmem:v2+s17+$0x0] =	vst.idx.msk $0xffff, v0  }
0x78: {  	[tilespmem:v3+s17+$0x0] =	vst.idx.msk $0xffff, v0  }
0x79: {  	v19 =	vld [tilespmem:s26+$0x130]  }
0x7a: {  	v7 =	vld [tilespmem:s26+$0x100]  }
0x7b: {  	v2 =	vlaneseq.u32;
	v11 =	vld [tilespmem:s26+$0x110]  }
0x7c: {  	p1 =	por $0x1, $0x1;
	v4 =	vadd.s32 $0x10, v2;
	v3 =	vadd.s32 $0x20, v2;
	v10 =	vld [tilespmem:s26+$0x120];
	v8 =	vadd.s32 $0x30, v2  }
.Ltmp4:
0x7d: {  	v5 =	vshll.u32 v2, $0x3;
	v12 =	vshll.u32 v4, $0x3;
	v9 =	vshll.u32 v8, $0x3;
	(pc) =	sbr.rel @!p1 .LBB2_6-.Ltmp4, $4  }
0x7e: {  	v6 =	vshll.u32 v3, $0x3;
	v9 =	vand.u32 $0xFFFFFC00, v9;
	v13 =	vshll.u32 v19, $0xC  }
0x7f: {  	v8 =	vand.u32 $0x7F, v8;
	v23 =	vand.u32 $0xFFFFFC00, v6;
	v13 =	vadd.s32 v9, v13  }
0x80: {  	v18 =	vshll.u32 v7, $0xC;
	[tilespmem:s26+$0x2100] =	vst v7;
	v7 =	vand.u32 $0xFFFFFC00, v12;
	v12 =	vor.u32 v8, v13  }
0x81: {  	p0 =	por $0x0, $0x0;
	v21 =	vshll.u32 v11, $0xC;
	[tilespmem:s26+$0x2110] =	vst v11;
	v22 =	vshll.u32 v10, $0xC;
	v14 =	vor.u32 $0x100, v12  }
0x82: {  	v11 =	vand.u32 $0xFFFFFC00, v5;
	v12 =	vadd.s32 v7, v21  }
0x83: {  	v13 =	vadd.s32 v23, v22;
	v15 =	vand.u32 $0x7F, v4;
	v16 =	vand.u32 $0x7F, v3  }
0x84: {  	v17 =	vld [tilespmem:s25+$0x130];
	v11 =	vadd.s32 v11, v18;
	v18 =	vand.u32 $0x7F, v2;
	v12 =	vor.u32 v15, v12  }
0x85: {  	v21 =	vld [tilespmem:s25+$0x100];
	v15 =	vor.u32 v16, v13;
	v16 =	vor.u32 v18, v11;
	v13 =	vor.u32 $0x100, v12  }
0x86: {  	v22 =	vld [tilespmem:s25+$0x110];
	v11 =	vor.u32 $0x100, v15;
	v12 =	vadd.s32 $0x40, v2;
	v23 =	vor.u32 $0x100, v16  }
0x87: {  	[tilespmem:s26+$0x2120] =	vst v10;
	v10 =	vld [tilespmem:s25+$0x120];
	p3 =	por $0x1, $0x1;
	v16 =	vadd.s32 $0x10, v12;
	v15 =	vadd.s32 $0x20, v12;
	v24 =	vadd.s32 $0x30, v12  }
.Ltmp5:
0x88: {  	[tilespmem:s26+$0x2130] =	vst v19;
	v20 =	vshll.u32 v12, $0x3;
	v19 =	vshll.u32 v16, $0x3;
	v18 =	vshll.u32 v24, $0x3;
	(pc) =	sbr.rel @!p3 .LBB2_8-.Ltmp5, $4  }
0x89: {  	[tilespmem:v14+s17+$0x0] =	vst.idx.msk $0xffff, v0;
	v25 =	vshll.u32 v15, $0x3;
	v14 =	vshll.u32 v17, $0xC;
	v26 =	vand.u32 $0xFFFFFC00, v18  }
0x8a: {  	v27 =	vand.u32 $0x7F, v24;
	[tilespmem:s25+$0x2100] =	vst v21;
	v18 =	vshll.u32 v21, $0xC;
	v14 =	vadd.s32 v26, v14  }
0x8b: {  	s0 =	simm.s32 $0x4;
	v21 =	vshll.u32 v22, $0xC;
	v24 =	vand.u32 $0xFFFFFC00, v19;
	[tilespmem:s25+$0x2110] =	vst v22;
	v14 =	vor.u32 v27, v14  }
0x8c: {  	s2 =	simm.s32 $0x400;
	s7 =	simm.s32 $0x80;
	p2 =	por $0x1, $0x1;
	v22 =	vshll.u32 v10, $0xC;
	[tilespmem:v23+s17+$0x0] =	vst.idx.msk $0xffff, v0;
	v23 =	vand.u32 $0xFFFFFC00, v25;
	v14 =	vor.u32 $0x100, v14  }
.LBB2_9:
0x8d: {  	s8 =	sand.u32 $0x40, s7;
	s9 =	sand.u32 $0xC00, s2;
	s0 =	sadd.s32 $0x4, s0;
	v19 =	vand.u32 $0xFFFFFC00, v20;
	v20 =	vadd.s32 v24, v21;
	v21 =	vadd.s32 v23, v22;
	[tilespmem:v13+s17+$0x0] =	vst.idx.msk $0xffff, v0  }
0x8e: {  	v16 =	vand.u32 $0x7F, v16;
	s8 =	sor.u32 s8, s9;
	p3 =	slt.u32 s0, $0x1C;
	v13 =	vadd.s32 v19, v18;
	[tilespmem:s25+$0x2120] =	vst v10;
	v10 =	vand.u32 $0x7F, v15  }
0x8f: {  	v15 =	vand.u32 $0x7F, v12;
	v16 =	vor.u32 v16, v20;
	v18 =	vld [tilespmem:s8+$0x130];
	v10 =	vor.u32 v10, v21;
	[tilespmem:v11+s17+$0x0] =	vst.idx.msk $0xffff, v0  }
0x90: {  	v15 =	vor.u32 v15, v13;
	v13 =	vor.u32 $0x100, v16;
	v19 =	vld [tilespmem:s8+$0x100];
	v11 =	vor.u32 $0x100, v10;
	[tilespmem:s25+$0x2130] =	vst v17;
	s25 =	smov.u32 s8  }
0x91: {  	v12 =	vadd.s32 $0x40, v12;
	v23 =	vor.u32 $0x100, v15;
	v22 =	vld [tilespmem:s25+$0x110];
	[tilespmem:v14+s17+$0x0] =	vst.idx.msk $0xffff, v0  }
0x92: {  	v16 =	vadd.s32 $0x10, v12;
	v15 =	vadd.s32 $0x20, v12;
	v14 =	vadd.s32 $0x30, v12;
	v10 =	vld [tilespmem:s25+$0x120]  }
.Ltmp6:
0x93: {  	v24 =	vshll.u32 v16, $0x3;
	v25 =	vshll.u32 v15, $0x3;
	v27 =	vshll.u32 v14, $0x3;
	(pc) =	sbr.rel @p3 .LBB2_9-.Ltmp6, $4  }
0x94: {  	v20 =	vshll.u32 v12, $0x3;
	v26 =	vand.u32 $0xFFFFFC00, v27;
	v21 =	vshll.u32 v18, $0xC;
	v17 =	vmovc v18  }
0x95: {  	v14 =	vand.u32 $0x7F, v14;
	[tilespmem:s25+$0x2100] =	vst v19;
	v18 =	vshll.u32 v19, $0xC;
	v19 =	vadd.s32 v26, v21  }
0x96: {  	v24 =	vand.u32 $0xFFFFFC00, v24;
	v21 =	vshll.u32 v22, $0xC;
	v14 =	vor.u32 v14, v19;
	[tilespmem:v23+s17+$0x0] =	vst.idx.msk $0xffff, v0  }
0x97: {  	s2 =	sadd.s32 $0x200, s2;
	s7 =	sadd.s32 $0x40, s7;
	v23 =	vand.u32 $0xFFFFFC00, v25;
	[tilespmem:s25+$0x2110] =	vst v22;
	v22 =	vshll.u32 v10, $0xC;
	v14 =	vor.u32 $0x100, v14  }
0x98: {  	s26 =	smov.u32 s25;
	v19 =	vmov v17  }
.LBB2_11:
0x99: {  	_ =	sdelay $0x2  }
0x9a: {  	v17 =	vand.u32 $0xFFFFFC00, v20;
	v63 =	vadd.s32 v24, v21  }
0x9b: {  	v12 =	vand.u32 $0x7F, v12;
	v16 =	vand.u32 $0x7F, v16;
	[tilespmem:v13+s17+$0x0] =	vst.idx.msk @p2 $0xffff, v0;
	v13 =	vand.u32 $0x7F, v15  }
0x9c: {  	v17 =	vadd.s32 v17, v18;
	v18 =	vadd.s32 v23, v22;
	v15 =	vor.u32 v16, v63  }
0x9d: {  	[tilespmem:s26+$0x2120] =	vst v10;
	v12 =	vor.u32 v12, v17;
	v10 =	vor.u32 v13, v18;
	v13 =	vor.u32 $0x100, v15  }
0x9e: {  	v12 =	vor.u32 $0x100, v12  }
0x9f: {  	[tilespmem:v11+s17+$0x0] =	vst.idx.msk @p2 $0xffff, v0;
	v10 =	vor.u32 $0x100, v10  }
0xa0: {  	[tilespmem:s26+$0x2130] =	vst v19  }
0xa1: {  	s0 =	simm.s32 $0x0;
	[tilespmem:v14+s17+$0x0] =	vst.idx.msk $0xffff, v0  }
0xa2: {  	s0 =	sand.u32 $0xFFFFFC00, s0;
	[tilespmem:v13+s17+$0x0] =	vst.idx.msk $0xffff, v0  }
0xa3: {  	s2 =	sadd.s32 $0x0, s0;
	[tilespmem:v12+s17+$0x0] =	vst.idx.msk $0xffff, v0  }
0xa4: {  	s8 =	sor.u32 $0x1B0, s2;
	[tilespmem:v10+s17+$0x0] =	vst.idx.msk $0xffff, v0  }
0xa5: {  	s0 =	sor.u32 $0x180, s2;
	v14 =	vld [tilespmem:s8+$0x0]  }
0xa6: {  	s26 =	sor.u32 $0x190, s2;
	v10 =	vld [tilespmem:s0+$0x0]  }
0xa7: {  	v11 =	vld [tilespmem:s26+$0x0]  }
.Ltmp7:
0xa8: {  	_ = 	snop;
	(pc) =	sbr.rel @!p1 .LBB2_12-.Ltmp7, $4  }
0xa9: {  	_ = 	snop  }
0xaa: {  	v12 =	vshll.u32 v14, $0xC  }
0xab: {  	s2 =	sor.u32 $0x1A0, s2;
	v12 =	vadd.s32 v9, v12  }
0xac: {  	s25 =	simm.s32 $0x200;
	v13 =	vshll.u32 v10, $0xC;
	v15 =	vshll.u32 v11, $0xC;
	v9 =	vld [tilespmem:s2+$0x0];
	v16 =	vor.u32 v8, v12  }
0xad: {  	_ =	sdelay $0x1  }
0xae: {  	s7 =	sand.u32 $0xFFFFFC00, s25;
	v6 =	vand.u32 $0xFFFFFC00, v6;
	v16 =	vor.u32 $0x180, v16  }
0xaf: {  	v5 =	vand.u32 $0xFFFFFC00, v5;
	v7 =	vadd.s32 v7, v15;
	v4 =	vand.u32 $0x7F, v4;
	s9 =	sadd.s32 $0x40, s7  }
0xb0: {  	v3 =	vand.u32 $0x7F, v3;
	v5 =	vadd.s32 v5, v13;
	s7 =	sor.u32 $0x1B0, s9;
	v8 =	vshll.u32 v9, $0xC  }
0xb1: {  	[tilespmem:s0+$0x2000] =	vst v10;
	v4 =	vor.u32 v4, v7;
	s0 =	sor.u32 $0x180, s9;
	v12 =	vld [tilespmem:s7+$0x0];
	v6 =	vadd.s32 v6, v8;
	v8 =	vand.u32 $0x7F, v2  }
0xb2: {  	[tilespmem:s26+$0x2000] =	vst v11;
	s26 =	sor.u32 $0x190, s9;
	v7 =	vor.u32 $0x180, v4;
	v10 =	vld [tilespmem:s0+$0x0];
	v2 =	vadd.s32 $0x40, v2;
	v5 =	vor.u32 v8, v5  }
0xb3: {  	p1 =	por $0x1, $0x1;
	v11 =	vld [tilespmem:s26+$0x0];
	[tilespmem:s2+$0x2000] =	vst v9;
	s2 =	sor.u32 $0x1A0, s9;
	v3 =	vor.u32 v3, v6;
	v9 =	vadd.s32 $0x30, v2;
	v17 =	vor.u32 $0x180, v5  }
.Ltmp8:
0xb4: {  	v4 =	vadd.s32 $0x10, v2;
	v13 =	vshll.u32 v9, $0x3;
	v18 =	vand.u32 $0x7F, v9;
	v9 =	vld [tilespmem:s2+$0x0];
	(pc) =	sbr.rel @!p1 .LBB2_14-.Ltmp8, $4  }
0xb5: {  	[tilespmem:s8+$0x2000] =	vst v14;
	v8 =	vor.u32 $0x180, v3;
	v3 =	vadd.s32 $0x20, v2;
	v14 =	vshll.u32 v4, $0x3  }
0xb6: {  	[tilespmem:v16+s17+$0x0] =	vst.idx.msk $0xffff, v0;
	v5 =	vshll.u32 v2, $0x3;
	v15 =	vshll.u32 v12, $0xC;
	v16 =	vand.u32 $0xFFFFFC00, v13  }
0xb7: {  	s8 =	simm.s32 $0x4;
	[tilespmem:v7+s17+$0x0] =	vst.idx.msk $0xffff, v0;
	v6 =	vshll.u32 v3, $0x3;
	v13 =	vshll.u32 v10, $0xC;
	v16 =	vadd.s32 v16, v15  }
0xb8: {  	s28 =	simm.s32 $0x400;
	p0 =	por $0x1, $0x1;
	s9 =	simm.s32 $0x40;
	v7 =	vand.u32 $0xFFFFFC00, v14;
	v15 =	vshll.u32 v11, $0xC;
	v16 =	vor.u32 v18, v16;
	[tilespmem:v17+s17+$0x0] =	vst.idx.msk $0xffff, v0  }
.LBB2_15:
0xb9: {  	s29 =	sand.u32 $0xFFFFFC00, s28;
	s8 =	sadd.s32 $0x4, s8;
	[tilespmem:s26+$0x2000] =	vst v11;
	v11 =	vshll.u32 v9, $0xC;
	v6 =	vand.u32 $0xFFFFFC00, v6;
	v14 =	vor.u32 $0x180, v16;
	s9 =	sadd.s32 $0x40, s9  }
0xba: {  	v5 =	vand.u32 $0xFFFFFC00, v5;
	v7 =	vadd.s32 v7, v15;
	s29 =	sadd.s32 s29, s9;
	p1 =	slt.u32 s8, $0x1C;
	[tilespmem:s0+$0x2000] =	vst v10;
	v6 =	vadd.s32 v6, v11  }
0xbb: {  	v4 =	vand.u32 $0x7F, v4;
	v3 =	vand.u32 $0x7F, v3;
	v5 =	vadd.s32 v5, v13;
	s0 =	sor.u32 $0x180, s29;
	s26 =	sor.u32 $0x190, s29;
	s30 =	sor.u32 $0x1B0, s29;
	[tilespmem:s2+$0x2000] =	vst v9  }
0xbc: {  	v4 =	vor.u32 v4, v7;
	s2 =	sor.u32 $0x1A0, s29;
	v9 =	vand.u32 $0x7F, v2;
	v3 =	vor.u32 v3, v6;
	v13 =	vld [tilespmem:s30+$0x0];
	[tilespmem:v8+s17+$0x0] =	vst.idx.msk $0xffff, v0  }
0xbd: {  	v7 =	vor.u32 $0x180, v4;
	v5 =	vor.u32 v9, v5;
	v8 =	vor.u32 $0x180, v3;
	v10 =	vld [tilespmem:s0+$0x0];
	[tilespmem:s7+$0x2000] =	vst v12;
	s7 =	smov.u32 s30  }
0xbe: {  	v2 =	vadd.s32 $0x40, v2;
	v17 =	vor.u32 $0x180, v5;
	v11 =	vld [tilespmem:s26+$0x0];
	[tilespmem:v14+s17+$0x0] =	vst.idx.msk $0xffff, v0  }
.Ltmp9:
0xbf: {  	v4 =	vadd.s32 $0x10, v2;
	v3 =	vadd.s32 $0x20, v2;
	v14 =	vadd.s32 $0x30, v2;
	v9 =	vld [tilespmem:s2+$0x0];
	(pc) =	sbr.rel @p1 .LBB2_15-.Ltmp9, $4  }
0xc0: {  	v16 =	vshll.u32 v4, $0x3;
	v6 =	vshll.u32 v3, $0x3;
	v19 =	vshll.u32 v14, $0x3  }
0xc1: {  	v5 =	vshll.u32 v2, $0x3;
	v18 =	vand.u32 $0xFFFFFC00, v19;
	v15 =	vshll.u32 v13, $0xC;
	v12 =	vmovc v13  }
0xc2: {  	v14 =	vand.u32 $0x7F, v14;
	v13 =	vshll.u32 v10, $0xC;
	v18 =	vadd.s32 v18, v15;
	[tilespmem:v7+s17+$0x0] =	vst.idx.msk $0xffff, v0  }
0xc3: {  	s28 =	sadd.s32 $0x200, s28;
	v7 =	vand.u32 $0xFFFFFC00, v16;
	v15 =	vshll.u32 v11, $0xC;
	v16 =	vor.u32 v14, v18;
	[tilespmem:v17+s17+$0x0] =	vst.idx.msk $0xffff, v0  }
0xc4: {  	v14 =	vmov v12;
	s8 =	smov.u32 s7  }
.LBB2_17:
0xc5: {  	v7 =	vadd.s32 v7, v15  }
0xc6: {  	v12 =	vshll.u32 v9, $0xC;
	v6 =	vand.u32 $0xFFFFFC00, v6;
	v15 =	vor.u32 $0x180, v16  }
0xc7: {  	v5 =	vand.u32 $0xFFFFFC00, v5;
	v4 =	vand.u32 $0x7F, v4;
	v2 =	vand.u32 $0x7F, v2  }
0xc8: {  	[tilespmem:s26+$0x2000] =	vst v11;
	v3 =	vand.u32 $0x7F, v3;
	v5 =	vadd.s32 v5, v13;
	v4 =	vor.u32 v4, v7  }
0xc9: {  	[tilespmem:s0+$0x2000] =	vst v10;
	v6 =	vadd.s32 v6, v12;
	v2 =	vor.u32 v2, v5;
	v4 =	vor.u32 $0x180, v4  }
0xca: {  	[tilespmem:s2+$0x2000] =	vst v9;
	v3 =	vor.u32 v3, v6;
	v2 =	vor.u32 $0x180, v2  }
0xcb: {  	[tilespmem:v8+s17+$0x0] =	vst.idx.msk @p0 $0xffff, v0;
	v3 =	vor.u32 $0x180, v3  }
0xcc: {  	[tilespmem:s8+$0x2000] =	vst v14;
	p0 =	por $0x0, $0x0;
	s0 =	simm.s32 $0x1  }
0xcd: {  	s0 =	simm.s32 @!p0 $0x0;
	[tilespmem:v15+s17+$0x0] =	vst.idx.msk $0xffff, v0  }
0xce: {  	s26 =	sshll.u32 s0, $0x6;
	[tilespmem:v4+s17+$0x0] =	vst.idx.msk $0xffff, v0  }
0xcf: {  	s7 =	sadd.s32 $0x0, s26;
	[tilespmem:v2+s17+$0x0] =	vst.idx.msk $0xffff, v0  }
0xd0: {  	s8 =	sor.u32 $0x230, s7;
	[tilespmem:v3+s17+$0x0] =	vst.idx.msk $0xffff, v0  }
0xd1: {  	s0 =	sor.u32 $0x200, s7;
	v16 =	vld [tilespmem:s8+$0x0]  }
0xd2: {  	p2 =	por $0x1, $0x1;
	v10 =	vld [tilespmem:s0+$0x0]  }
.Ltmp10:
0xd3: {  	v2 =	vlaneseq.u32;
	(pc) =	sbr.rel @!p2 .LBB2_18-.Ltmp10, $4  }
0xd4: {  	v4 =	vadd.s32 $0x10, v2;
	v3 =	vadd.s32 $0x20, v2;
	v8 =	vadd.s32 $0x30, v2  }
0xd5: {  	s2 =	sor.u32 $0x210, s7;
	v6 =	vshll.u32 v2, $0x3;
	v7 =	vshll.u32 v4, $0x3;
	v9 =	vshll.u32 v8, $0x3  }
0xd6: {  	s28 =	sor.u32 $0x220, s7;
	v14 =	vld [tilespmem:s2+$0x0];
	v5 =	vshll.u32 v3, $0x3;
	v9 =	vand.u32 $0xFFFFFC00, v9;
	v12 =	vshll.u32 v16, $0xC  }
0xd7: {  	p1 =	por !p0, !p0;
	v11 =	vld [tilespmem:s28+$0x0];
	v8 =	vand.u32 $0x7F, v8;
	v18 =	vshll.u32 v10, $0xC;
	v24 =	vadd.s32 v9, v12  }
0xd8: {  	_ =	sdelay $0x1  }
0xd9: {  	s7 =	simm.s32 $0x1;
	v15 =	vor.u32 v8, v24  }
0xda: {  	v13 =	vand.u32 $0xFFFFFC00, v7;
	v19 =	vand.u32 $0xFFFFFC00, v5;
	s7 =	simm.s32 @!p1 $0x0;
	v22 =	vor.u32 $0x200, v15  }
0xdb: {  	v15 =	vand.u32 $0xFFFFFC00, v6;
	s7 =	sshll.u32 s7, $0x6;
	v12 =	vshll.u32 v14, $0xC;
	v17 =	vshll.u32 v11, $0xC  }
0xdc: {  	s9 =	sadd.s32 $0x200, s7;
	v12 =	vadd.s32 v13, v12;
	v13 =	vadd.s32 v15, v18;
	v15 =	vand.u32 $0x7F, v4  }
0xdd: {  	[tilespmem:s0+$0x2000] =	vst v10;
	s7 =	sor.u32 $0x230, s9;
	v18 =	vand.u32 $0x7F, v2;
	v10 =	vadd.s32 v19, v17;
	v17 =	vand.u32 $0x7F, v3  }
0xde: {  	s0 =	sor.u32 $0x200, s9;
	v19 =	vld [tilespmem:s7+$0x0];
	v12 =	vor.u32 v15, v12;
	v13 =	vor.u32 v18, v13;
	v15 =	vor.u32 v17, v10  }
0xdf: {  	[tilespmem:s8+$0x2000] =	vst v16;
	p5 =	por $0x1, $0x1;
	v10 =	vld [tilespmem:s0+$0x0];
	v26 =	vor.u32 $0x200, v12;
	v20 =	vor.u32 $0x200, v13;
	v13 =	vadd.s32 $0x40, v2  }
.Ltmp11:
0xe0: {  	[tilespmem:s2+$0x2000] =	vst v14;
	s2 =	sor.u32 $0x210, s9;
	v24 =	vadd.s32 $0x30, v13;
	(pc) =	sbr.rel @!p5 .LBB2_20-.Ltmp11, $4  }
0xe1: {  	[tilespmem:s28+$0x2000] =	vst v11;
	s28 =	sor.u32 $0x220, s9;
	v14 =	vld [tilespmem:s2+$0x0];
	v12 =	vor.u32 $0x200, v15;
	v17 =	vadd.s32 $0x10, v13;
	v11 =	vshll.u32 v24, $0x3  }
0xe2: {  	[tilespmem:v22+s17+$0x0] =	vst.idx.msk $0xffff, v0;
	v15 =	vadd.s32 $0x20, v13;
	v22 =	vshll.u32 v13, $0x3;
	v27 =	vand.u32 $0xFFFFFC00, v11;
	v11 =	vld [tilespmem:s28+$0x0]  }
0xe3: {  	v23 =	vshll.u32 v17, $0x3;
	v21 =	vshll.u32 v15, $0x3;
	v16 =	vshll.u32 v19, $0xC  }
0xe4: {  	s8 =	simm.s32 $0x4;
	p4 =	por !p1, !p1;
	p3 =	por $0x1, $0x1;
	v25 =	vand.u32 $0x7F, v24;
	v18 =	vshll.u32 v10, $0xC;
	v24 =	vadd.s32 v27, v16;
	[tilespmem:v26+s17+$0x0] =	vst.idx.msk $0xffff, v0  }
.LBB2_21:
0xe5: {  	s9 =	simm.s32 $0x1  }
0xe6: {  	s8 =	sadd.s32 $0x4, s8;
	v16 =	vshll.u32 v14, $0xC;
	v23 =	vand.u32 $0xFFFFFC00, v23;
	v24 =	vor.u32 v25, v24;
	[tilespmem:v20+s17+$0x0] =	vst.idx.msk $0xffff, v0;
	s9 =	simm.s32 @!p4 $0x0  }
0xe7: {  	v20 =	vand.u32 $0xFFFFFC00, v21;
	s25 =	sadd.s32 $0x200, s25;
	p5 =	slt.u32 s8, $0x1C;
	v21 =	vor.u32 $0x200, v24;
	s9 =	sshll.u32 s9, $0x6;
	[tilespmem:s2+$0x2000] =	vst v14;
	v14 =	vshll.u32 v11, $0xC  }
0xe8: {  	v16 =	vadd.s32 v23, v16;
	s9 =	sadd.s32 s9, s25;
	[tilespmem:s0+$0x2000] =	vst v10;
	v10 =	vand.u32 $0xFFFFFC00, v22;
	v14 =	vadd.s32 v20, v14  }
0xe9: {  	s0 =	sor.u32 $0x200, s9;
	s2 =	sor.u32 $0x210, s9;
	s29 =	sor.u32 $0x230, s9;
	v18 =	vadd.s32 v10, v18;
	v10 =	vand.u32 $0x7F, v17;
	[tilespmem:s28+$0x2000] =	vst v11;
	v11 =	vand.u32 $0x7F, v15  }
0xea: {  	s28 =	sor.u32 $0x220, s9;
	v15 =	vand.u32 $0x7F, v13;
	v24 =	vld [tilespmem:s29+$0x0];
	v16 =	vor.u32 v10, v16;
	v11 =	vor.u32 v11, v14;
	[tilespmem:v12+s17+$0x0] =	vst.idx.msk $0xffff, v0  }
0xeb: {  	v15 =	vor.u32 v15, v18;
	v10 =	vld [tilespmem:s0+$0x0];
	v16 =	vor.u32 $0x200, v16;
	v12 =	vor.u32 $0x200, v11;
	[tilespmem:s7+$0x2000] =	vst v19;
	s7 =	smov.u32 s29  }
.Ltmp12:
0xec: {  	v13 =	vadd.s32 $0x40, v13;
	v20 =	vor.u32 $0x200, v15;
	v14 =	vld [tilespmem:s2+$0x0];
	[tilespmem:v21+s17+$0x0] =	vst.idx.msk $0xffff, v0;
	(pc) =	sbr.rel @p5 .LBB2_21-.Ltmp12, $4  }
0xed: {  	v17 =	vadd.s32 $0x10, v13;
	v25 =	vadd.s32 $0x30, v13;
	v15 =	vadd.s32 $0x20, v13;
	v11 =	vld [tilespmem:s28+$0x0]  }
0xee: {  	v23 =	vshll.u32 v17, $0x3;
	v18 =	vshll.u32 v25, $0x3;
	v21 =	vshll.u32 v15, $0x3  }
0xef: {  	v22 =	vshll.u32 v13, $0x3;
	v27 =	vand.u32 $0xFFFFFC00, v18;
	v26 =	vshll.u32 v24, $0xC;
	v19 =	vmovc v24  }
0xf0: {  	p4 =	por !p4, !p4;
	v25 =	vand.u32 $0x7F, v25;
	v18 =	vshll.u32 v10, $0xC;
	v24 =	vadd.s32 v27, v26;
	[tilespmem:v16+s17+$0x0] =	vst.idx.msk $0xffff, v0  }
0xf1: {  	v16 =	vmov v19;
	s8 =	smov.u32 s7  }
.LBB2_23:
0xf2: {  	v19 =	vshll.u32 v14, $0xC  }
0xf3: {  	v23 =	vand.u32 $0xFFFFFC00, v23;
	v24 =	vor.u32 v25, v24;
	v62 =	vshll.u32 v11, $0xC  }
0xf4: {  	v21 =	vand.u32 $0xFFFFFC00, v21;
	v22 =	vand.u32 $0xFFFFFC00, v22;
	v17 =	vand.u32 $0x7F, v17  }
0xf5: {  	v13 =	vand.u32 $0x7F, v13;
	[tilespmem:s0+$0x2000] =	vst v10;
	v10 =	vand.u32 $0x7F, v15;
	v19 =	vadd.s32 v23, v19  }
0xf6: {  	[tilespmem:s2+$0x2000] =	vst v14;
	v24 =	vor.u32 $0x200, v24;
	v14 =	vadd.s32 v22, v18;
	v17 =	vor.u32 v17, v19  }
0xf7: {  	[tilespmem:v20+s17+$0x0] =	vst.idx.msk @p3 $0xffff, v0;
	v63 =	vadd.s32 v21, v62;
	v13 =	vor.u32 v13, v14;
	v14 =	vor.u32 $0x200, v17  }
0xf8: {  	[tilespmem:s28+$0x2000] =	vst v11;
	v10 =	vor.u32 v10, v63;
	v11 =	vor.u32 $0x200, v13  }
0xf9: {  	[tilespmem:v12+s17+$0x0] =	vst.idx.msk @p3 $0xffff, v0;
	v10 =	vor.u32 $0x200, v10  }
0xfa: {  	[tilespmem:s8+$0x2000] =	vst v16  }
0xfb: {  	[tilespmem:v24+s17+$0x0] =	vst.idx.msk $0xffff, v0  }
0xfc: {  	[tilespmem:v14+s17+$0x0] =	vst.idx.msk $0xffff, v0  }
0xfd: {  	s31 =	sadd.s32 $0x0, s26;
	[tilespmem:v11+s17+$0x0] =	vst.idx.msk $0xffff, v0  }
0xfe: {  	s8 =	sor.u32 $0x2B0, s31;
	[tilespmem:v10+s17+$0x0] =	vst.idx.msk $0xffff, v0  }
0xff: {  	s0 =	sor.u32 $0x280, s31;
	v15 =	vld [tilespmem:s8+$0x0]  }
0x100: {  	v10 =	vld [tilespmem:s0+$0x0]  }
.Ltmp13:
0x101: {  	_ = 	snop;
	(pc) =	sbr.rel @!p2 .LBB2_24-.Ltmp13, $4  }
0x102: {  	_ = 	snop  }
0x103: {  	s25 =	sor.u32 $0x290, s31  }
0x104: {  	s2 =	sor.u32 $0x2A0, s31;
	v12 =	vld [tilespmem:s25+$0x0];
	v13 =	vshll.u32 v15, $0xC  }
0x105: {  	v11 =	vld [tilespmem:s2+$0x0];
	v14 =	vshll.u32 v10, $0xC;
	v17 =	vadd.s32 v9, v13  }
0x106: {  	s7 =	simm.s32 $0x1  }
0x107: {  	v7 =	vand.u32 $0xFFFFFC00, v7;
	v8 =	vor.u32 v8, v17;
	s7 =	simm.s32 @!p1 $0x0  }
0x108: {  	v5 =	vand.u32 $0xFFFFFC00, v5;
	v6 =	vand.u32 $0xFFFFFC00, v6;
	v4 =	vand.u32 $0x7F, v4;
	s7 =	sshll.u32 s7, $0x6  }
0x109: {  	v3 =	vand.u32 $0x7F, v3;
	v8 =	vor.u32 $0x280, v8;
	v9 =	vshll.u32 v12, $0xC;
	s9 =	sadd.s32 $0x200, s7  }
0x10a: {  	v13 =	vshll.u32 v11, $0xC;
	v7 =	vadd.s32 v7, v9;
	s7 =	sor.u32 $0x2B0, s9;
	v9 =	vand.u32 $0x7F, v2  }
0x10b: {  	[tilespmem:s0+$0x2000] =	vst v10;
	s0 =	sor.u32 $0x280, s9;
	v2 =	vadd.s32 $0x40, v2;
	v5 =	vadd.s32 v5, v13;
	v13 =	vld [tilespmem:s7+$0x0];
	v4 =	vor.u32 v4, v7  }
0x10c: {  	[tilespmem:s8+$0x2000] =	vst v15;
	p2 =	por $0x1, $0x1;
	v6 =	vadd.s32 v6, v14;
	v10 =	vld [tilespmem:s0+$0x0];
	v17 =	vadd.s32 $0x30, v2;
	v18 =	vor.u32 $0x280, v4  }
.Ltmp14:
0x10d: {  	[tilespmem:s25+$0x2000] =	vst v12;
	s25 =	sor.u32 $0x290, s9;
	v3 =	vor.u32 v3, v5;
	v5 =	vor.u32 v9, v6;
	v4 =	vadd.s32 $0x10, v2;
	(pc) =	sbr.rel @!p2 .LBB2_26-.Ltmp14, $4  }
0x10e: {  	[tilespmem:s2+$0x2000] =	vst v11;
	s2 =	sor.u32 $0x2A0, s9;
	v12 =	vld [tilespmem:s25+$0x0];
	v11 =	vshll.u32 v17, $0x3;
	v6 =	vshll.u32 v2, $0x3;
	v16 =	vor.u32 $0x280, v5  }
0x10f: {  	[tilespmem:v8+s17+$0x0] =	vst.idx.msk $0xffff, v0;
	v8 =	vand.u32 $0x7F, v17;
	v9 =	vor.u32 $0x280, v3;
	v19 =	vand.u32 $0xFFFFFC00, v11;
	v11 =	vld [tilespmem:s2+$0x0]  }
0x110: {  	s8 =	simm.s32 $0x4;
	v3 =	vadd.s32 $0x20, v2;
	v7 =	vshll.u32 v4, $0x3;
	v15 =	vshll.u32 v13, $0xC  }
0x111: {  	s26 =	simm.s32 $0x200;
	p0 =	por $0x1, $0x1;
	p1 =	por !p1, !p1;
	v5 =	vshll.u32 v3, $0x3;
	v14 =	vshll.u32 v10, $0xC;
	v17 =	vadd.s32 v19, v15;
	[tilespmem:v18+s17+$0x0] =	vst.idx.msk $0xffff, v0  }
.LBB2_27:
0x112: {  	s9 =	simm.s32 $0x1  }
0x113: {  	s8 =	sadd.s32 $0x4, s8;
	v15 =	vshll.u32 v12, $0xC;
	v7 =	vand.u32 $0xFFFFFC00, v7;
	v8 =	vor.u32 v8, v17;
	[tilespmem:v16+s17+$0x0] =	vst.idx.msk $0xffff, v0;
	s9 =	simm.s32 @!p1 $0x0  }
0x114: {  	v5 =	vand.u32 $0xFFFFFC00, v5;
	s26 =	sadd.s32 $0x200, s26;
	p2 =	slt.u32 s8, $0x1C;
	v8 =	vor.u32 $0x280, v8;
	s9 =	sshll.u32 s9, $0x6;
	[tilespmem:s25+$0x2000] =	vst v12;
	v12 =	vshll.u32 v11, $0xC  }
0x115: {  	v6 =	vand.u32 $0xFFFFFC00, v6;
	v7 =	vadd.s32 v7, v15;
	s9 =	sadd.s32 s9, s26;
	[tilespmem:s0+$0x2000] =	vst v10;
	v5 =	vadd.s32 v5, v12  }
0x116: {  	v4 =	vand.u32 $0x7F, v4;
	v3 =	vand.u32 $0x7F, v3;
	v6 =	vadd.s32 v6, v14;
	s0 =	sor.u32 $0x280, s9;
	s25 =	sor.u32 $0x290, s9;
	s28 =	sor.u32 $0x2B0, s9;
	[tilespmem:s2+$0x2000] =	vst v11  }
0x117: {  	v4 =	vor.u32 v4, v7;
	s2 =	sor.u32 $0x2A0, s9;
	v11 =	vand.u32 $0x7F, v2;
	v3 =	vor.u32 v3, v5;
	v14 =	vld [tilespmem:s28+$0x0];
	[tilespmem:v9+s17+$0x0] =	vst.idx.msk $0xffff, v0  }
0x118: {  	v15 =	vor.u32 $0x280, v4;
	v5 =	vor.u32 v11, v6;
	v9 =	vor.u32 $0x280, v3;
	v10 =	vld [tilespmem:s0+$0x0];
	[tilespmem:s7+$0x2000] =	vst v13;
	s7 =	smov.u32 s28  }
.Ltmp15:
0x119: {  	v2 =	vadd.s32 $0x40, v2;
	v16 =	vor.u32 $0x280, v5;
	v12 =	vld [tilespmem:s25+$0x0];
	[tilespmem:v8+s17+$0x0] =	vst.idx.msk $0xffff, v0;
	(pc) =	sbr.rel @p2 .LBB2_27-.Ltmp15, $4  }
0x11a: {  	v4 =	vadd.s32 $0x10, v2;
	v3 =	vadd.s32 $0x20, v2;
	v8 =	vadd.s32 $0x30, v2;
	v11 =	vld [tilespmem:s2+$0x0]  }
0x11b: {  	v7 =	vshll.u32 v4, $0x3;
	v5 =	vshll.u32 v3, $0x3;
	v19 =	vshll.u32 v8, $0x3  }
0x11c: {  	v6 =	vshll.u32 v2, $0x3;
	v18 =	vand.u32 $0xFFFFFC00, v19;
	v17 =	vshll.u32 v14, $0xC;
	v13 =	vmovc v14  }
0x11d: {  	p1 =	por !p1, !p1;
	v8 =	vand.u32 $0x7F, v8;
	v14 =	vshll.u32 v10, $0xC;
	v17 =	vadd.s32 v18, v17;
	[tilespmem:v15+s17+$0x0] =	vst.idx.msk $0xffff, v0  }
0x11e: {  	v15 =	vmov v13;
	s8 =	smov.u32 s7  }
.LBB2_29:
0x11f: {  	_ = 	snop  }
0x120: {  	v13 =	vshll.u32 v12, $0xC  }
0x121: {  	v7 =	vand.u32 $0xFFFFFC00, v7;
	v8 =	vor.u32 v8, v17;
	v17 =	vshll.u32 v11, $0xC  }
0x122: {  	v5 =	vand.u32 $0xFFFFFC00, v5;
	v6 =	vand.u32 $0xFFFFFC00, v6;
	v4 =	vand.u32 $0x7F, v4  }
0x123: {  	[tilespmem:v16+s17+$0x0] =	vst.idx.msk @p0 $0xffff, v0;
	v2 =	vand.u32 $0x7F, v2;
	v3 =	vand.u32 $0x7F, v3;
	v7 =	vadd.s32 v7, v13  }
0x124: {  	[tilespmem:s25+$0x2000] =	vst v12;
	v8 =	vor.u32 $0x280, v8;
	v6 =	vadd.s32 v6, v14;
	v4 =	vor.u32 v4, v7  }
0x125: {  	[tilespmem:s0+$0x2000] =	vst v10;
	v5 =	vadd.s32 v5, v17;
	v2 =	vor.u32 v2, v6;
	v4 =	vor.u32 $0x280, v4  }
0x126: {  	[tilespmem:s2+$0x2000] =	vst v11;
	v3 =	vor.u32 v3, v5;
	v2 =	vor.u32 $0x280, v2  }
0x127: {  	[tilespmem:v9+s17+$0x0] =	vst.idx.msk @p0 $0xffff, v0;
	v3 =	vor.u32 $0x280, v3  }
0x128: {  	[tilespmem:s8+$0x2000] =	vst v15;
	p0 =	por $0x0, $0x0;
	s0 =	simm.s32 $0x1  }
0x129: {  	s0 =	simm.s32 @!p0 $0x0;
	[tilespmem:v8+s17+$0x0] =	vst.idx.msk $0xffff, v0  }
0x12a: {  	s0 =	sshll.u32 s0, $0x6;
	[tilespmem:v4+s17+$0x0] =	vst.idx.msk $0xffff, v0  }
0x12b: {  	s7 =	sadd.s32 $0x0, s0;
	[tilespmem:v2+s17+$0x0] =	vst.idx.msk $0xffff, v0  }
0x12c: {  	s8 =	sor.u32 $0x330, s7;
	[tilespmem:v3+s17+$0x0] =	vst.idx.msk $0xffff, v0  }
0x12d: {  	s0 =	sor.u32 $0x300, s7;
	v16 =	vld [tilespmem:s8+$0x0]  }
0x12e: {  	p1 =	por $0x1, $0x1;
	v10 =	vld [tilespmem:s0+$0x0]  }
.Ltmp16:
0x12f: {  	v2 =	vlaneseq.u32;
	(pc) =	sbr.rel @!p1 .LBB2_30-.Ltmp16, $4  }
0x130: {  	v3 =	vadd.s32 $0x10, v2;
	v4 =	vadd.s32 $0x20, v2;
	v9 =	vadd.s32 $0x30, v2  }
0x131: {  	s2 =	sor.u32 $0x310, s7;
	v7 =	vshll.u32 v2, $0x3;
	v6 =	vshll.u32 v3, $0x3;
	v8 =	vshll.u32 v9, $0x3  }
0x132: {  	s25 =	sor.u32 $0x320, s7;
	v14 =	vld [tilespmem:s2+$0x0];
	v5 =	vshll.u32 v4, $0x3;
	v8 =	vand.u32 $0xFFFFFC00, v8;
	v12 =	vshll.u32 v16, $0xC  }
0x133: {  	p2 =	por !p0, !p0;
	v11 =	vld [tilespmem:s25+$0x0];
	v9 =	vand.u32 $0x7F, v9;
	v18 =	vshll.u32 v10, $0xC;
	v24 =	vadd.s32 v8, v12  }
0x134: {  	_ =	sdelay $0x1  }
0x135: {  	s7 =	simm.s32 $0x1;
	v15 =	vor.u32 v9, v24  }
0x136: {  	v13 =	vand.u32 $0xFFFFFC00, v6;
	v19 =	vand.u32 $0xFFFFFC00, v5;
	s7 =	simm.s32 @!p2 $0x0;
	v22 =	vor.u32 $0x300, v15  }
0x137: {  	v15 =	vand.u32 $0xFFFFFC00, v7;
	s7 =	sshll.u32 s7, $0x6;
	v12 =	vshll.u32 v14, $0xC;
	v17 =	vshll.u32 v11, $0xC  }
0x138: {  	s9 =	sadd.s32 $0x200, s7;
	v12 =	vadd.s32 v13, v12;
	v13 =	vadd.s32 v15, v18;
	v15 =	vand.u32 $0x7F, v3  }
0x139: {  	[tilespmem:s0+$0x2000] =	vst v10;
	s7 =	sor.u32 $0x330, s9;
	v18 =	vand.u32 $0x7F, v2;
	v10 =	vadd.s32 v19, v17;
	v17 =	vand.u32 $0x7F, v4  }
0x13a: {  	s0 =	sor.u32 $0x300, s9;
	v19 =	vld [tilespmem:s7+$0x0];
	v12 =	vor.u32 v15, v12;
	v13 =	vor.u32 v18, v13;
	v15 =	vor.u32 v17, v10  }
0x13b: {  	[tilespmem:s8+$0x2000] =	vst v16;
	p4 =	por $0x1, $0x1;
	v10 =	vld [tilespmem:s0+$0x0];
	v26 =	vor.u32 $0x300, v12;
	v20 =	vor.u32 $0x300, v13;
	v13 =	vadd.s32 $0x40, v2  }
.Ltmp17:
0x13c: {  	[tilespmem:s2+$0x2000] =	vst v14;
	s2 =	sor.u32 $0x310, s9;
	v24 =	vadd.s32 $0x30, v13;
	(pc) =	sbr.rel @!p4 .LBB2_32-.Ltmp17, $4  }
0x13d: {  	[tilespmem:s25+$0x2000] =	vst v11;
	s25 =	sor.u32 $0x320, s9;
	v14 =	vld [tilespmem:s2+$0x0];
	v12 =	vor.u32 $0x300, v15;
	v17 =	vadd.s32 $0x10, v13;
	v11 =	vshll.u32 v24, $0x3  }
0x13e: {  	[tilespmem:v22+s17+$0x0] =	vst.idx.msk $0xffff, v0;
	v15 =	vadd.s32 $0x20, v13;
	v22 =	vshll.u32 v13, $0x3;
	v27 =	vand.u32 $0xFFFFFC00, v11;
	v11 =	vld [tilespmem:s25+$0x0]  }
0x13f: {  	s8 =	simm.s32 $0x4;
	v23 =	vshll.u32 v17, $0x3;
	v21 =	vshll.u32 v15, $0x3;
	v16 =	vshll.u32 v19, $0xC  }
0x140: {  	s26 =	simm.s32 $0x200;
	p3 =	por !p2, !p2;
	p2 =	por $0x1, $0x1;
	v25 =	vand.u32 $0x7F, v24;
	v18 =	vshll.u32 v10, $0xC;
	v24 =	vadd.s32 v27, v16;
	[tilespmem:v26+s17+$0x0] =	vst.idx.msk $0xffff, v0  }
.LBB2_33:
0x141: {  	s9 =	simm.s32 $0x1  }
0x142: {  	s8 =	sadd.s32 $0x4, s8;
	v16 =	vshll.u32 v14, $0xC;
	v23 =	vand.u32 $0xFFFFFC00, v23;
	v24 =	vor.u32 v25, v24;
	[tilespmem:v20+s17+$0x0] =	vst.idx.msk $0xffff, v0;
	s9 =	simm.s32 @!p3 $0x0  }
0x143: {  	v20 =	vand.u32 $0xFFFFFC00, v21;
	s26 =	sadd.s32 $0x200, s26;
	p4 =	slt.u32 s8, $0x1C;
	v21 =	vor.u32 $0x300, v24;
	s9 =	sshll.u32 s9, $0x6;
	[tilespmem:s2+$0x2000] =	vst v14;
	v14 =	vshll.u32 v11, $0xC  }
0x144: {  	v16 =	vadd.s32 v23, v16;
	s9 =	sadd.s32 s9, s26;
	[tilespmem:s0+$0x2000] =	vst v10;
	v10 =	vand.u32 $0xFFFFFC00, v22;
	v14 =	vadd.s32 v20, v14  }
0x145: {  	s0 =	sor.u32 $0x300, s9;
	s2 =	sor.u32 $0x310, s9;
	s28 =	sor.u32 $0x330, s9;
	v18 =	vadd.s32 v10, v18;
	v10 =	vand.u32 $0x7F, v17;
	[tilespmem:s25+$0x2000] =	vst v11;
	v11 =	vand.u32 $0x7F, v15  }
0x146: {  	s25 =	sor.u32 $0x320, s9;
	v15 =	vand.u32 $0x7F, v13;
	v24 =	vld [tilespmem:s28+$0x0];
	v16 =	vor.u32 v10, v16;
	v11 =	vor.u32 v11, v14;
	[tilespmem:v12+s17+$0x0] =	vst.idx.msk $0xffff, v0  }
0x147: {  	v15 =	vor.u32 v15, v18;
	v10 =	vld [tilespmem:s0+$0x0];
	v16 =	vor.u32 $0x300, v16;
	v12 =	vor.u32 $0x300, v11;
	[tilespmem:s7+$0x2000] =	vst v19;
	s7 =	smov.u32 s28  }
.Ltmp18:
0x148: {  	v13 =	vadd.s32 $0x40, v13;
	v20 =	vor.u32 $0x300, v15;
	v14 =	vld [tilespmem:s2+$0x0];
	[tilespmem:v21+s17+$0x0] =	vst.idx.msk $0xffff, v0;
	(pc) =	sbr.rel @p4 .LBB2_33-.Ltmp18, $4  }
0x149: {  	v17 =	vadd.s32 $0x10, v13;
	v25 =	vadd.s32 $0x30, v13;
	v15 =	vadd.s32 $0x20, v13;
	v11 =	vld [tilespmem:s25+$0x0]  }
0x14a: {  	v23 =	vshll.u32 v17, $0x3;
	v18 =	vshll.u32 v25, $0x3;
	v21 =	vshll.u32 v15, $0x3  }
0x14b: {  	v22 =	vshll.u32 v13, $0x3;
	v27 =	vand.u32 $0xFFFFFC00, v18;
	v26 =	vshll.u32 v24, $0xC;
	v19 =	vmovc v24  }
0x14c: {  	p3 =	por !p3, !p3;
	v25 =	vand.u32 $0x7F, v25;
	v18 =	vshll.u32 v10, $0xC;
	v24 =	vadd.s32 v27, v26;
	[tilespmem:v16+s17+$0x0] =	vst.idx.msk $0xffff, v0  }
0x14d: {  	v16 =	vmov v19;
	s8 =	smov.u32 s7  }
.LBB2_35:
0x14e: {  	v19 =	vshll.u32 v14, $0xC  }
0x14f: {  	v23 =	vand.u32 $0xFFFFFC00, v23;
	v24 =	vor.u32 v25, v24;
	v61 =	vshll.u32 v11, $0xC  }
0x150: {  	v21 =	vand.u32 $0xFFFFFC00, v21;
	v22 =	vand.u32 $0xFFFFFC00, v22;
	v17 =	vand.u32 $0x7F, v17  }
0x151: {  	v13 =	vand.u32 $0x7F, v13;
	[tilespmem:s0+$0x2000] =	vst v10;
	v10 =	vand.u32 $0x7F, v15;
	v19 =	vadd.s32 v23, v19  }
0x152: {  	[tilespmem:s2+$0x2000] =	vst v14;
	v24 =	vor.u32 $0x300, v24;
	v14 =	vadd.s32 v22, v18;
	v17 =	vor.u32 v17, v19  }
0x153: {  	[tilespmem:v20+s17+$0x0] =	vst.idx.msk @p2 $0xffff, v0;
	v62 =	vadd.s32 v21, v61;
	v13 =	vor.u32 v13, v14;
	v14 =	vor.u32 $0x300, v17  }
0x154: {  	[tilespmem:s25+$0x2000] =	vst v11;
	v10 =	vor.u32 v10, v62;
	v11 =	vor.u32 $0x300, v13  }
0x155: {  	[tilespmem:v12+s17+$0x0] =	vst.idx.msk @p2 $0xffff, v0;
	v10 =	vor.u32 $0x300, v10  }
0x156: {  	[tilespmem:s8+$0x2000] =	vst v16  }
0x157: {  	[tilespmem:v24+s17+$0x0] =	vst.idx.msk $0xffff, v0  }
0x158: {  	[tilespmem:v14+s17+$0x0] =	vst.idx.msk $0xffff, v0  }
0x159: {  	s25 =	simm.s32 $0x0;
	[tilespmem:v11+s17+$0x0] =	vst.idx.msk $0xffff, v0  }
0x15a: {  	s7 =	sor.u32 $0x3B0, s25;
	[tilespmem:v10+s17+$0x0] =	vst.idx.msk $0xffff, v0  }
0x15b: {  	s30 =	sor.u32 $0x380, s25;
	v12 =	vld [tilespmem:s7+$0x0]  }
0x15c: {  	s31 =	sor.u32 $0x390, s25;
	v13 =	vld [tilespmem:s30+$0x0]  }
0x15d: {  	s8 =	sor.u32 $0x3A0, s25;
	v14 =	vld [tilespmem:s31+$0x0]  }
0x15e: {  	v10 =	vld [tilespmem:s8+$0x0];
	_ =	sdelay $0x1  }
.Ltmp19:
0x15f: {  	_ = 	snop;
	(pc) =	sbr.rel @!p1 .LBB2_36-.Ltmp19, $4  }
0x160: {  	v63 =	vand.u32 $0xFFFFFC00, v6;
	v5 =	vand.u32 $0xFFFFFC00, v5;
	v15 =	vshll.u32 v12, $0xC  }
0x161: {  	v11 =	vshll.u32 v13, $0xC;
	[tilespmem:s30+$0x2000] =	vst v13;
	v13 =	vand.u32 $0xFFFFFC00, v7;
	v8 =	vadd.s32 v8, v15  }
0x162: {  	v15 =	vshll.u32 v14, $0xC;
	v6 =	vor.u32 v9, v8;
	v9 =	vshll.u32 v10, $0xC  }
0x163: {  	s2 =	simm.s32 $0x240;
	[tilespmem:s31+$0x2000] =	vst v14;
	v8 =	vadd.s32 v63, v15;
	v6 =	vor.u32 $0x380, v6;
	v9 =	vadd.s32 v5, v9  }
0x164: {  	s0 =	sor.u32 $0x3B0, s2;
	v5 =	vadd.s32 v13, v11;
	v3 =	vand.u32 $0x7F, v3  }
0x165: {  	v4 =	vand.u32 $0x7F, v4;
	s9 =	sor.u32 $0x380, s2;
	v11 =	vand.u32 $0x7F, v2;
	v2 =	vadd.s32 $0x40, v2;
	v7 =	vld [tilespmem:s0+$0x0]  }
0x166: {  	s26 =	sor.u32 $0x390, s2;
	v3 =	vor.u32 v3, v8;
	v4 =	vor.u32 v4, v9;
	v8 =	vld [tilespmem:s9+$0x0];
	v9 =	vor.u32 v11, v5  }
0x167: {  	s2 =	sor.u32 $0x3A0, s2;
	v14 =	vld [tilespmem:s26+$0x0];
	v15 =	vadd.s32 $0x30, v2;
	v17 =	vshll.u32 v2, $0x3;
	v5 =	vor.u32 $0x380, v3  }
0x168: {  	[tilespmem:s8+$0x2000] =	vst v10;
	v10 =	vld [tilespmem:s2+$0x0];
	v13 =	vor.u32 $0x380, v4;
	v9 =	vor.u32 $0x380, v9;
	v3 =	vadd.s32 $0x10, v2  }
0x169: {  	[tilespmem:s7+$0x2000] =	vst v12;
	p1 =	por $0x1, $0x1;
	v4 =	vadd.s32 $0x20, v2;
	v11 =	vshll.u32 v15, $0x3;
	v12 =	vshll.u32 v3, $0x3  }
.Ltmp20:
0x16a: {  	[tilespmem:v6+s17+$0x0] =	vst.idx.msk $0xffff, v0;
	v16 =	vshll.u32 v4, $0x3;
	v18 =	vand.u32 $0xFFFFFC00, v11;
	v6 =	vshll.u32 v7, $0xC;
	(pc) =	sbr.rel @!p1 .LBB2_38-.Ltmp20, $4  }
0x16b: {  	[tilespmem:s9+$0x2000] =	vst v8;
	v11 =	vshll.u32 v8, $0xC;
	v8 =	vand.u32 $0x7F, v15;
	v6 =	vadd.s32 v18, v6  }
0x16c: {  	v12 =	vand.u32 $0xFFFFFC00, v12;
	v16 =	vand.u32 $0xFFFFFC00, v16;
	[tilespmem:s26+$0x2000] =	vst v14;
	v6 =	vor.u32 v8, v6  }
0x16d: {  	v15 =	vshll.u32 v14, $0xC;
	[tilespmem:v9+s17+$0x0] =	vst.idx.msk $0xffff, v0;
	v9 =	vshll.u32 v10, $0xC;
	v6 =	vor.u32 $0x380, v6  }
0x16e: {  	s7 =	simm.s32 $0x4;
	s8 =	simm.s32 $0x480;
	p0 =	por $0x1, $0x1;
	[tilespmem:v13+s17+$0x0] =	vst.idx.msk $0xffff, v0;
	v13 =	vand.u32 $0xFFFFFC00, v17;
	v8 =	vadd.s32 v12, v15;
	v9 =	vadd.s32 v16, v9  }
.LBB2_39:
0x16f: {  	s9 =	sor.u32 $0x390, s8;
	s26 =	sor.u32 $0x3B0, s8;
	s7 =	sadd.s32 $0x4, s7;
	v11 =	vadd.s32 v13, v11;
	v3 =	vand.u32 $0x7F, v3;
	v4 =	vand.u32 $0x7F, v4;
	[tilespmem:v5+s17+$0x0] =	vst.idx.msk $0xffff, v0  }
0x170: {  	s28 =	sor.u32 $0x380, s8;
	v5 =	vand.u32 $0x7F, v2;
	v12 =	vld [tilespmem:s26+$0x0];
	p1 =	slt.u32 s7, $0x1C;
	v3 =	vor.u32 v3, v8;
	[tilespmem:s2+$0x2000] =	vst v10;
	s2 =	sor.u32 $0x3A0, s8;
	v4 =	vor.u32 v4, v9  }
0x171: {  	v9 =	vor.u32 v5, v11;
	v8 =	vld [tilespmem:s28+$0x0];
	v5 =	vor.u32 $0x380, v3;
	v13 =	vor.u32 $0x380, v4;
	[tilespmem:s0+$0x2000] =	vst v7;
	s0 =	smov.u32 s26  }
0x172: {  	v2 =	vadd.s32 $0x40, v2;
	v9 =	vor.u32 $0x380, v9;
	v14 =	vld [tilespmem:s9+$0x0];
	[tilespmem:v6+s17+$0x0] =	vst.idx.msk $0xffff, v0  }
0x173: {  	v3 =	vadd.s32 $0x10, v2;
	v4 =	vadd.s32 $0x20, v2;
	v6 =	vadd.s32 $0x30, v2;
	v10 =	vld [tilespmem:s2+$0x0]  }
0x174: {  	v15 =	vshll.u32 v3, $0x3;
	v16 =	vshll.u32 v4, $0x3;
	v11 =	vshll.u32 v6, $0x3  }
.Ltmp21:
0x175: {  	v17 =	vshll.u32 v2, $0x3;
	v19 =	vand.u32 $0xFFFFFC00, v11;
	v18 =	vshll.u32 v12, $0xC;
	v7 =	vmovc v12;
	(pc) =	sbr.rel @p1 .LBB2_39-.Ltmp21, $4  }
0x176: {  	v6 =	vand.u32 $0x7F, v6;
	[tilespmem:s28+$0x2000] =	vst v8;
	v11 =	vshll.u32 v8, $0xC;
	v8 =	vadd.s32 v19, v18  }
0x177: {  	v15 =	vand.u32 $0xFFFFFC00, v15;
	v12 =	vshll.u32 v14, $0xC;
	v6 =	vor.u32 v6, v8;
	[tilespmem:v9+s17+$0x0] =	vst.idx.msk $0xffff, v0  }
0x178: {  	v16 =	vand.u32 $0xFFFFFC00, v16;
	v9 =	vshll.u32 v10, $0xC;
	v6 =	vor.u32 $0x380, v6;
	[tilespmem:v13+s17+$0x0] =	vst.idx.msk $0xffff, v0  }
0x179: {  	s8 =	sadd.s32 $0x240, s8;
	v13 =	vand.u32 $0xFFFFFC00, v17;
	v8 =	vadd.s32 v15, v12;
	[tilespmem:s9+$0x2000] =	vst v14;
	v9 =	vadd.s32 v16, v9  }
0x17a: {  	s8 =	smov.u32 s2;
	v12 =	vmov v7;
	s7 =	smov.u32 s0  }
.LBB2_41:
0x17b: {  	_ = 	snop  }
0x17c: {  	v7 =	vadd.s32 v13, v11;
	v2 =	vand.u32 $0x7F, v2  }
0x17d: {  	v4 =	vand.u32 $0x7F, v4;
	v2 =	vor.u32 v2, v7  }
0x17e: {  	v3 =	vand.u32 $0x7F, v3;
	v4 =	vor.u32 v4, v9;
	v2 =	vor.u32 $0x380, v2  }
0x17f: {  	[tilespmem:v5+s17+$0x0] =	vst.idx.msk @p0 $0xffff, v0;
	v3 =	vor.u32 v3, v8;
	v4 =	vor.u32 $0x380, v4  }
0x180: {  	[tilespmem:s8+$0x2000] =	vst v10;
	v3 =	vor.u32 $0x380, v3  }
0x181: {  	[tilespmem:s7+$0x2000] =	vst v12  }
0x182: {  	[tilespmem:v6+s17+$0x0] =	vst.idx.msk $0xffff, v0  }
0x183: {  	[tilespmem:v2+s17+$0x0] =	vst.idx.msk $0xffff, v0  }
0x184: {  	[tilespmem:v4+s17+$0x0] =	vst.idx.msk $0xffff, v0  }
0x185: {  	[tilespmem:v3+s17+$0x0] =	vst.idx.msk $0xffff, v0  }
0x186: {  	s0 =	rddreg [dreg:$0x5]  }
0x187: {  	[hbm4b:s0+s16] =	stream.strided.scatter [tilespmem:s17], [sflag:$0x3], $0xA000, s21, s16, $0x38;
	[tilespmem:$0x18000] =	vst v63  }
0x188: {  	s28 =	rddreg [dreg:$0x6]  }
0x189: {  	[tilespmem:s25], [sflag:$0x1] =	stream.linear.gather [hbm4b:s28+s25], $0x1000, $0x38;
	[tilespmem:$0x18000] =	vst v63  }
0x18a: {  	_ =	swait.ge [sflag:s22], $0xA000  }
0x18b: {  	[sflag:s22] =	ssyncset.done $0x0  }
0x18c: {  	[sflag:s22] =	ssyncadd.s32 $0xFFFF6000  }
0x18d: {  	_ =	swait.ge [sflag:s23], $0x1000  }
0x18e: {  	s29 =	sand.u32 $0x40, s25;
	s2 =	sand.u32 $0xC00, s25;
	[sflag:s23] =	ssyncset.done $0x0  }
0x18f: {  	s26 =	sor.u32 s29, s2;
	[sflag:s23] =	ssyncadd.s32 $0xFFFFF000  }
0x190: {  	v18 =	vld [tilespmem:s26+$0x1030]  }
0x191: {  	v2 =	vlaneseq.u32;
	v9 =	vld [tilespmem:s26+$0x1000]  }
0x192: {  	v10 =	vadd.s32 $0x10, v2;
	v11 =	vld [tilespmem:s26+$0x1010]  }
0x193: {  	v12 =	vadd.s32 $0x20, v2;
	v3 =	vadd.s32 $0x30, v2;
	v6 =	vshll.u32 v2, $0x3  }
0x194: {  	s30 =	simm.s32 $0x200;
	s31 =	simm.s32 $0x40;
	v5 =	vshll.u32 v10, $0x3;
	v4 =	vshll.u32 v3, $0x3;
	v3 =	vand.u32 $0x7F, v3  }
0x195: {  	s2 =	sand.u32 $0x40, s31;
	s0 =	sand.u32 $0xC00, s30;
	v6 =	vand.u32 $0xFFFFFC00, v6;
	v4 =	vand.u32 $0xFFFFFC00, v4;
	v8 =	vshll.u32 v18, $0xC  }
0x196: {  	v5 =	vand.u32 $0xFFFFFC00, v5;
	s25 =	sor.u32 s2, s0;
	v13 =	vshll.u32 v9, $0xC;
	v8 =	vadd.s32 v4, v8  }
0x197: {  	v14 =	vshll.u32 v11, $0xC;
	v17 =	vadd.s32 v6, v13;
	v13 =	vld [tilespmem:s25+$0x1030];
	v19 =	vor.u32 v3, v8  }
0x198: {  	v7 =	vshll.u32 v12, $0x3;
	v10 =	vand.u32 $0x7F, v10;
	v15 =	vld [tilespmem:s26+$0x1020];
	v14 =	vadd.s32 v5, v14  }
0x199: {  	v21 =	vld [tilespmem:s25+$0x1000];
	[tilespmem:s26+$0x3000] =	vst v9;
	v9 =	vand.u32 $0x7F, v12;
	v12 =	vor.u32 v10, v14;
	v14 =	vadd.s32 $0x40, v2  }
0x19a: {  	v23 =	vadd.s32 $0x30, v14  }
0x19b: {  	[tilespmem:s26+$0x3030] =	vst v18;
	v8 =	vand.u32 $0xFFFFFC00, v7;
	v7 =	vand.u32 $0x7F, v2;
	v24 =	vshll.u32 v23, $0x3  }
0x19c: {  	v25 =	vor.u32 v7, v17;
	v17 =	vld [tilespmem:s25+$0x1010];
	v24 =	vand.u32 $0xFFFFFC00, v24;
	[tilespmem:v19+s18+$0x0] =	vst.idx.msk $0xffff, v0;
	v19 =	vshll.u32 v13, $0xC  }
0x19d: {  	v16 =	vshll.u32 v15, $0xC;
	[tilespmem:s26+$0x3020] =	vst v15;
	v27 =	vadd.s32 v24, v19;
	v19 =	vld [tilespmem:s25+$0x1020]  }
0x19e: {  	[tilespmem:s25+$0x3000] =	vst v21;
	v21 =	vshll.u32 v21, $0xC;
	v16 =	vadd.s32 v8, v16;
	v15 =	vadd.s32 $0x20, v14  }
0x19f: {  	[tilespmem:s26+$0x3010] =	vst v11;
	v22 =	vshll.u32 v14, $0x3;
	v11 =	vor.u32 v9, v16;
	v16 =	vadd.s32 $0x10, v14  }
0x1a0: {  	s7 =	simm.s32 $0x400;
	v20 =	vshll.u32 v15, $0x3;
	v26 =	vand.u32 $0x7F, v23;
	v18 =	vshll.u32 v16, $0x3  }
0x1a1: {  	s8 =	simm.s32 $0x80;
	s2 =	simm.s32 $0x4;
	s0 =	smov.u32 s25;
	v23 =	vshll.u32 v17, $0xC;
	v24 =	vand.u32 $0xFFFFFC00, v18;
	[tilespmem:v25+s18+$0x0] =	vst.idx.msk $0xffff, v0;
	v18 =	vor.u32 v26, v27  }
.LBB2_42:
0x1a2: {  	s9 =	sand.u32 $0x40, s8;
	s28 =	sand.u32 $0xC00, s7;
	s2 =	sadd.s32 $0x4, s2;
	v22 =	vand.u32 $0xFFFFFC00, v22;
	[tilespmem:s0+$0x3010] =	vst v17;
	v17 =	vshll.u32 v19, $0xC;
	v20 =	vand.u32 $0xFFFFFC00, v20  }
0x1a3: {  	s9 =	sor.u32 s9, s28;
	p0 =	slt.u32 s2, $0x1C;
	v21 =	vadd.s32 v22, v21;
	v22 =	vadd.s32 v24, v23;
	[tilespmem:s0+$0x3020] =	vst v19;
	v17 =	vadd.s32 v20, v17  }
0x1a4: {  	v16 =	vand.u32 $0x7F, v16;
	v15 =	vand.u32 $0x7F, v15;
	v19 =	vand.u32 $0x7F, v14;
	v23 =	vld [tilespmem:s9+$0x1030];
	[tilespmem:v12+s18+$0x0] =	vst.idx.msk $0xffff, v0  }
0x1a5: {  	v25 =	vor.u32 v19, v21;
	v12 =	vor.u32 v16, v22;
	v20 =	vor.u32 v15, v17;
	v24 =	vld [tilespmem:s9+$0x1000];
	[tilespmem:s0+$0x3030] =	vst v13;
	s0 =	smov.u32 s9  }
0x1a6: {  	v14 =	vadd.s32 $0x40, v14;
	v17 =	vld [tilespmem:s0+$0x1010];
	[tilespmem:v18+s18+$0x0] =	vst.idx.msk $0xffff, v0  }
.Ltmp22:
0x1a7: {  	v16 =	vadd.s32 $0x10, v14;
	v15 =	vadd.s32 $0x20, v14;
	v18 =	vadd.s32 $0x30, v14;
	v19 =	vld [tilespmem:s0+$0x1020];
	[tilespmem:v11+s18+$0x0] =	vst.idx.msk $0xffff, v0;
	v11 =	vmovc v20;
	(pc) =	sbr.rel @p0 .LBB2_42-.Ltmp22, $4  }
0x1a8: {  	v26 =	vshll.u32 v16, $0x3;
	v20 =	vshll.u32 v15, $0x3;
	v21 =	vshll.u32 v18, $0x3  }
0x1a9: {  	v22 =	vshll.u32 v14, $0x3;
	v28 =	vand.u32 $0xFFFFFC00, v21;
	v27 =	vshll.u32 v23, $0xC;
	v13 =	vmovc v23  }
0x1aa: {  	v18 =	vand.u32 $0x7F, v18;
	[tilespmem:s0+$0x3000] =	vst v24;
	v21 =	vshll.u32 v24, $0xC;
	v27 =	vadd.s32 v28, v27  }
0x1ab: {  	s7 =	sadd.s32 $0x200, s7;
	s8 =	sadd.s32 $0x40, s8;
	v24 =	vand.u32 $0xFFFFFC00, v26;
	v23 =	vshll.u32 v17, $0xC;
	v18 =	vor.u32 v18, v27;
	[tilespmem:v25+s18+$0x0] =	vst.idx.msk $0xffff, v0  }
0x1ac: {  	_ =	sdelay $0x1  }
0x1ad: {  	v22 =	vand.u32 $0xFFFFFC00, v22;
	v25 =	vshll.u32 v19, $0xC  }
0x1ae: {  	[tilespmem:s0+$0x3010] =	vst v17;
	v17 =	vand.u32 $0xFFFFFC00, v20;
	v62 =	vadd.s32 v24, v23;
	v16 =	vand.u32 $0x7F, v16  }
0x1af: {  	v14 =	vand.u32 $0x7F, v14;
	[tilespmem:v12+s18+$0x0] =	vst.idx.msk $0xffff, v0;
	v61 =	vadd.s32 v22, v21;
	v12 =	vor.u32 v16, v62  }
0x1b0: {  	[tilespmem:s0+$0x3020] =	vst v19;
	v15 =	vand.u32 $0x7F, v15;
	v17 =	vadd.s32 v17, v25;
	v14 =	vor.u32 v14, v61  }
0x1b1: {  	[tilespmem:s0+$0x3030] =	vst v13;
	v15 =	vor.u32 v15, v17  }
0x1b2: {  	[tilespmem:v11+s18+$0x0] =	vst.idx.msk $0xffff, v0  }
0x1b3: {  	[tilespmem:v18+s18+$0x0] =	vst.idx.msk $0xffff, v0  }
0x1b4: {  	[tilespmem:v12+s18+$0x0] =	vst.idx.msk $0xffff, v0  }
0x1b5: {  	[tilespmem:v14+s18+$0x0] =	vst.idx.msk $0xffff, v0  }
0x1b6: {  	[tilespmem:v15+s18+$0x0] =	vst.idx.msk $0xffff, v0  }
0x1b7: {  	v11 =	vld [tilespmem:s26+$0x10B0]  }
0x1b8: {  	v12 =	vld [tilespmem:s26+$0x1080]  }
0x1b9: {  	v13 =	vld [tilespmem:s26+$0x1090]  }
0x1ba: {  	v14 =	vld [tilespmem:s26+$0x10A0];
	_ =	sdelay $0x2  }
0x1bb: {  	v2 =	vadd.s32 $0x40, v2;
	v15 =	vshll.u32 v11, $0xC  }
0x1bc: {  	v16 =	vshll.u32 v13, $0xC;
	v4 =	vadd.s32 v4, v15;
	v15 =	vshll.u32 v12, $0xC  }
0x1bd: {  	[tilespmem:s26+$0x3080] =	vst v12;
	v12 =	vadd.s32 $0x30, v2;
	v3 =	vor.u32 v3, v4;
	v4 =	vshll.u32 v14, $0xC  }
0x1be: {  	v17 =	vor.u32 $0x80, v3;
	v3 =	vadd.s32 v5, v16;
	v5 =	vadd.s32 v8, v4;
	v4 =	vld [tilespmem:s25+$0x10B0]  }
0x1bf: {  	[tilespmem:s26+$0x30B0] =	vst v11;
	v6 =	vadd.s32 v6, v15;
	v11 =	vshll.u32 v12, $0x3;
	v8 =	vor.u32 v9, v5;
	v9 =	vld [tilespmem:s25+$0x1080]  }
0x1c0: {  	v15 =	vld [tilespmem:s25+$0x1090];
	v6 =	vor.u32 v7, v6;
	v7 =	vadd.s32 $0x20, v2;
	v3 =	vor.u32 v10, v3  }
0x1c1: {  	[tilespmem:s26+$0x3090] =	vst v13;
	v16 =	vor.u32 $0x80, v6;
	v6 =	vld [tilespmem:s25+$0x10A0];
	v63 =	vshll.u32 v7, $0x3;
	v10 =	vshll.u32 v2, $0x3  }
0x1c2: {  	[tilespmem:s26+$0x30A0] =	vst v14;
	v5 =	vor.u32 $0x80, v3;
	v3 =	vor.u32 $0x80, v8;
	v8 =	vadd.s32 $0x10, v2  }
0x1c3: {  	v13 =	vshll.u32 v8, $0x3;
	[tilespmem:v17+s18+$0x0] =	vst.idx.msk $0xffff, v0;
	v14 =	vshll.u32 v4, $0xC;
	v17 =	vand.u32 $0xFFFFFC00, v11  }
0x1c4: {  	[tilespmem:s25+$0x3080] =	vst v9;
	v11 =	vshll.u32 v9, $0xC;
	v9 =	vand.u32 $0x7F, v12;
	v14 =	vadd.s32 v17, v14  }
0x1c5: {  	v13 =	vand.u32 $0xFFFFFC00, v13;
	[tilespmem:s25+$0x3090] =	vst v15;
	v12 =	vshll.u32 v15, $0xC;
	v9 =	vor.u32 v9, v14  }
0x1c6: {  	s0 =	simm.s32 $0x4;
	s2 =	simm.s32 $0x400;
	s7 =	simm.s32 $0x80;
	[tilespmem:v16+s18+$0x0] =	vst.idx.msk $0xffff, v0;
	v15 =	vand.u32 $0xFFFFFC00, v63;
	v14 =	vshll.u32 v6, $0xC;
	v9 =	vor.u32 $0x80, v9  }
.LBB2_44:
0x1c7: {  	s8 =	sand.u32 $0x40, s7;
	s9 =	sand.u32 $0xC00, s2;
	s0 =	sadd.s32 $0x4, s0;
	v10 =	vand.u32 $0xFFFFFC00, v10;
	v12 =	vadd.s32 v13, v12;
	v13 =	vadd.s32 v15, v14;
	[tilespmem:v5+s18+$0x0] =	vst.idx.msk $0xffff, v0  }
0x1c8: {  	v8 =	vand.u32 $0x7F, v8;
	s8 =	sor.u32 s8, s9;
	p0 =	slt.u32 s0, $0x1C;
	v5 =	vadd.s32 v10, v11;
	[tilespmem:s25+$0x30A0] =	vst v6;
	v6 =	vand.u32 $0x7F, v7  }
0x1c9: {  	v7 =	vand.u32 $0x7F, v2;
	v8 =	vor.u32 v8, v12;
	v11 =	vld [tilespmem:s8+$0x10B0];
	v6 =	vor.u32 v6, v13;
	[tilespmem:v3+s18+$0x0] =	vst.idx.msk $0xffff, v0  }
0x1ca: {  	v7 =	vor.u32 v7, v5;
	v5 =	vor.u32 $0x80, v8;
	v12 =	vld [tilespmem:s8+$0x1080];
	v3 =	vor.u32 $0x80, v6;
	[tilespmem:s25+$0x30B0] =	vst v4;
	s25 =	smov.u32 s8  }
0x1cb: {  	v2 =	vadd.s32 $0x40, v2;
	v15 =	vor.u32 $0x80, v7;
	v14 =	vld [tilespmem:s25+$0x1090];
	[tilespmem:v9+s18+$0x0] =	vst.idx.msk $0xffff, v0  }
0x1cc: {  	v8 =	vadd.s32 $0x10, v2;
	v7 =	vadd.s32 $0x20, v2;
	v9 =	vadd.s32 $0x30, v2;
	v6 =	vld [tilespmem:s25+$0x10A0]  }
.Ltmp23:
0x1cd: {  	v13 =	vshll.u32 v8, $0x3;
	v16 =	vshll.u32 v7, $0x3;
	v19 =	vshll.u32 v9, $0x3;
	(pc) =	sbr.rel @p0 .LBB2_44-.Ltmp23, $4  }
0x1ce: {  	v10 =	vshll.u32 v2, $0x3;
	v18 =	vand.u32 $0xFFFFFC00, v19;
	v17 =	vshll.u32 v11, $0xC;
	v4 =	vmovc v11  }
0x1cf: {  	v9 =	vand.u32 $0x7F, v9;
	[tilespmem:s25+$0x3080] =	vst v12;
	v11 =	vshll.u32 v12, $0xC;
	v17 =	vadd.s32 v18, v17  }
0x1d0: {  	v13 =	vand.u32 $0xFFFFFC00, v13;
	v12 =	vshll.u32 v14, $0xC;
	v9 =	vor.u32 v9, v17;
	[tilespmem:v15+s18+$0x0] =	vst.idx.msk $0xffff, v0  }
0x1d1: {  	s2 =	sadd.s32 $0x200, s2;
	s7 =	sadd.s32 $0x40, s7;
	v15 =	vand.u32 $0xFFFFFC00, v16;
	[tilespmem:s25+$0x3090] =	vst v14;
	v14 =	vshll.u32 v6, $0xC;
	v9 =	vor.u32 $0x80, v9  }
0x1d2: {  	_ =	sdelay $0x1  }
0x1d3: {  	v10 =	vand.u32 $0xFFFFFC00, v10  }
0x1d4: {  	v12 =	vadd.s32 v13, v12;
	v2 =	vand.u32 $0x7F, v2;
	v8 =	vand.u32 $0x7F, v8  }
0x1d5: {  	[tilespmem:v5+s18+$0x0] =	vst.idx.msk $0xffff, v0;
	v5 =	vand.u32 $0x7F, v7;
	v10 =	vadd.s32 v10, v11;
	v7 =	vor.u32 v8, v12  }
0x1d6: {  	[tilespmem:s25+$0x30A0] =	vst v6;
	v11 =	vadd.s32 v15, v14;
	v2 =	vor.u32 v2, v10;
	v6 =	vor.u32 $0x80, v7  }
0x1d7: {  	v5 =	vor.u32 v5, v11;
	v2 =	vor.u32 $0x80, v2  }
0x1d8: {  	[tilespmem:v3+s18+$0x0] =	vst.idx.msk $0xffff, v0;
	v3 =	vor.u32 $0x80, v5  }
0x1d9: {  	[tilespmem:s25+$0x30B0] =	vst v4  }
0x1da: {  	[tilespmem:v9+s18+$0x0] =	vst.idx.msk $0xffff, v0  }
0x1db: {  	s26 =	simm.s32 $0x0;
	[tilespmem:v6+s18+$0x0] =	vst.idx.msk $0xffff, v0  }
0x1dc: {  	s0 =	sand.u32 $0x40, s26;
	s2 =	sand.u32 $0xC00, s26;
	[tilespmem:v2+s18+$0x0] =	vst.idx.msk $0xffff, v0  }
0x1dd: {  	s2 =	sor.u32 s0, s2;
	[tilespmem:v3+s18+$0x0] =	vst.idx.msk $0xffff, v0  }
0x1de: {  	v19 =	vld [tilespmem:s2+$0x1130]  }
0x1df: {  	v7 =	vld [tilespmem:s2+$0x1100]  }
0x1e0: {  	v2 =	vlaneseq.u32;
	v11 =	vld [tilespmem:s2+$0x1110]  }
0x1e1: {  	p1 =	por $0x1, $0x1;
	v4 =	vadd.s32 $0x10, v2;
	v3 =	vadd.s32 $0x20, v2;
	v10 =	vld [tilespmem:s2+$0x1120];
	v8 =	vadd.s32 $0x30, v2  }
.Ltmp24:
0x1e2: {  	v5 =	vshll.u32 v2, $0x3;
	v12 =	vshll.u32 v4, $0x3;
	v9 =	vshll.u32 v8, $0x3;
	(pc) =	sbr.rel @!p1 .LBB2_46-.Ltmp24, $4  }
0x1e3: {  	v6 =	vshll.u32 v3, $0x3;
	v9 =	vand.u32 $0xFFFFFC00, v9;
	v13 =	vshll.u32 v19, $0xC  }
0x1e4: {  	v8 =	vand.u32 $0x7F, v8;
	v23 =	vand.u32 $0xFFFFFC00, v6;
	v13 =	vadd.s32 v9, v13  }
0x1e5: {  	v18 =	vshll.u32 v7, $0xC;
	[tilespmem:s2+$0x3100] =	vst v7;
	v7 =	vand.u32 $0xFFFFFC00, v12;
	v12 =	vor.u32 v8, v13  }
0x1e6: {  	s28 =	simm.s32 $0x200;
	s25 =	simm.s32 $0x40;
	p0 =	por $0x0, $0x0;
	v21 =	vshll.u32 v11, $0xC;
	[tilespmem:s2+$0x3110] =	vst v11;
	v22 =	vshll.u32 v10, $0xC;
	v13 =	vor.u32 $0x100, v12  }
0x1e7: {  	s0 =	sand.u32 $0x40, s25;
	s7 =	sand.u32 $0xC00, s28;
	v11 =	vand.u32 $0xFFFFFC00, v5;
	v12 =	vadd.s32 v7, v21  }
0x1e8: {  	v14 =	vadd.s32 v23, v22;
	v15 =	vand.u32 $0x7F, v4;
	v16 =	vand.u32 $0x7F, v3;
	s0 =	sor.u32 s0, s7  }
0x1e9: {  	v11 =	vadd.s32 v11, v18;
	v18 =	vand.u32 $0x7F, v2;
	v12 =	vor.u32 v15, v12;
	v17 =	vld [tilespmem:s0+$0x1130]  }
0x1ea: {  	v15 =	vor.u32 v16, v14;
	v21 =	vld [tilespmem:s0+$0x1100];
	v16 =	vor.u32 v18, v11;
	v14 =	vor.u32 $0x100, v12  }
0x1eb: {  	v11 =	vor.u32 $0x100, v15;
	v22 =	vld [tilespmem:s0+$0x1110];
	v12 =	vadd.s32 $0x40, v2;
	v23 =	vor.u32 $0x100, v16  }
0x1ec: {  	[tilespmem:s2+$0x3120] =	vst v10;
	p3 =	por $0x1, $0x1;
	v10 =	vld [tilespmem:s0+$0x1120];
	v16 =	vadd.s32 $0x10, v12;
	v15 =	vadd.s32 $0x20, v12;
	v24 =	vadd.s32 $0x30, v12  }
.Ltmp25:
0x1ed: {  	[tilespmem:s2+$0x3130] =	vst v19;
	v20 =	vshll.u32 v12, $0x3;
	v19 =	vshll.u32 v16, $0x3;
	v18 =	vshll.u32 v24, $0x3;
	(pc) =	sbr.rel @!p3 .LBB2_48-.Ltmp25, $4  }
0x1ee: {  	[tilespmem:v13+s18+$0x0] =	vst.idx.msk $0xffff, v0;
	v25 =	vshll.u32 v15, $0x3;
	v26 =	vand.u32 $0xFFFFFC00, v18;
	v13 =	vshll.u32 v17, $0xC  }
0x1ef: {  	v27 =	vand.u32 $0x7F, v24;
	v24 =	vand.u32 $0xFFFFFC00, v19;
	[tilespmem:s0+$0x3100] =	vst v21;
	v13 =	vadd.s32 v26, v13  }
0x1f0: {  	s2 =	simm.s32 $0x4;
	v18 =	vshll.u32 v21, $0xC;
	v21 =	vshll.u32 v22, $0xC;
	[tilespmem:s0+$0x3110] =	vst v22;
	v13 =	vor.u32 v27, v13  }
0x1f1: {  	s8 =	simm.s32 $0x80;
	p2 =	por $0x1, $0x1;
	s7 =	simm.s32 $0x400;
	v22 =	vshll.u32 v10, $0xC;
	[tilespmem:v23+s18+$0x0] =	vst.idx.msk $0xffff, v0;
	v23 =	vand.u32 $0xFFFFFC00, v25;
	v13 =	vor.u32 $0x100, v13  }
.LBB2_49:
0x1f2: {  	s9 =	sand.u32 $0x40, s8;
	s29 =	sand.u32 $0xC00, s7;
	s2 =	sadd.s32 $0x4, s2;
	v19 =	vand.u32 $0xFFFFFC00, v20;
	v20 =	vadd.s32 v24, v21;
	v21 =	vadd.s32 v23, v22;
	[tilespmem:v14+s18+$0x0] =	vst.idx.msk $0xffff, v0  }
0x1f3: {  	v16 =	vand.u32 $0x7F, v16;
	s9 =	sor.u32 s9, s29;
	p3 =	slt.u32 s2, $0x1C;
	v14 =	vadd.s32 v19, v18;
	[tilespmem:s0+$0x3120] =	vst v10;
	v10 =	vand.u32 $0x7F, v15  }
0x1f4: {  	v15 =	vand.u32 $0x7F, v12;
	v16 =	vor.u32 v16, v20;
	v18 =	vld [tilespmem:s9+$0x1130];
	v10 =	vor.u32 v10, v21;
	[tilespmem:v11+s18+$0x0] =	vst.idx.msk $0xffff, v0  }
0x1f5: {  	v15 =	vor.u32 v15, v14;
	v14 =	vor.u32 $0x100, v16;
	v19 =	vld [tilespmem:s9+$0x1100];
	v11 =	vor.u32 $0x100, v10;
	[tilespmem:s0+$0x3130] =	vst v17;
	s0 =	smov.u32 s9  }
0x1f6: {  	v12 =	vadd.s32 $0x40, v12;
	v23 =	vor.u32 $0x100, v15;
	v22 =	vld [tilespmem:s0+$0x1110];
	[tilespmem:v13+s18+$0x0] =	vst.idx.msk $0xffff, v0  }
0x1f7: {  	v16 =	vadd.s32 $0x10, v12;
	v15 =	vadd.s32 $0x20, v12;
	v13 =	vadd.s32 $0x30, v12;
	v10 =	vld [tilespmem:s0+$0x1120]  }
.Ltmp26:
0x1f8: {  	v24 =	vshll.u32 v16, $0x3;
	v25 =	vshll.u32 v15, $0x3;
	v27 =	vshll.u32 v13, $0x3;
	(pc) =	sbr.rel @p3 .LBB2_49-.Ltmp26, $4  }
0x1f9: {  	v20 =	vshll.u32 v12, $0x3;
	v26 =	vand.u32 $0xFFFFFC00, v27;
	v21 =	vshll.u32 v18, $0xC;
	v17 =	vmovc v18  }
0x1fa: {  	v13 =	vand.u32 $0x7F, v13;
	[tilespmem:s0+$0x3100] =	vst v19;
	v18 =	vshll.u32 v19, $0xC;
	v19 =	vadd.s32 v26, v21  }
0x1fb: {  	v24 =	vand.u32 $0xFFFFFC00, v24;
	v21 =	vshll.u32 v22, $0xC;
	v13 =	vor.u32 v13, v19;
	[tilespmem:v23+s18+$0x0] =	vst.idx.msk $0xffff, v0  }
0x1fc: {  	s7 =	sadd.s32 $0x200, s7;
	s8 =	sadd.s32 $0x40, s8;
	v23 =	vand.u32 $0xFFFFFC00, v25;
	[tilespmem:s0+$0x3110] =	vst v22;
	v22 =	vshll.u32 v10, $0xC;
	v13 =	vor.u32 $0x100, v13  }
0x1fd: {  	s2 =	smov.u32 s0;
	v19 =	vmov v17  }
.LBB2_51:
0x1fe: {  	_ =	sdelay $0x2  }
0x1ff: {  	v17 =	vand.u32 $0xFFFFFC00, v20;
	v63 =	vadd.s32 v24, v21  }
0x200: {  	v12 =	vand.u32 $0x7F, v12;
	v16 =	vand.u32 $0x7F, v16;
	[tilespmem:v14+s18+$0x0] =	vst.idx.msk @p2 $0xffff, v0;
	v14 =	vand.u32 $0x7F, v15  }
0x201: {  	v17 =	vadd.s32 v17, v18;
	v18 =	vadd.s32 v23, v22;
	v15 =	vor.u32 v16, v63  }
0x202: {  	[tilespmem:s2+$0x3120] =	vst v10;
	v12 =	vor.u32 v12, v17;
	v10 =	vor.u32 v14, v18;
	v14 =	vor.u32 $0x100, v15  }
0x203: {  	v12 =	vor.u32 $0x100, v12  }
0x204: {  	[tilespmem:v11+s18+$0x0] =	vst.idx.msk @p2 $0xffff, v0;
	v10 =	vor.u32 $0x100, v10  }
0x205: {  	[tilespmem:s2+$0x3130] =	vst v19  }
0x206: {  	[tilespmem:v13+s18+$0x0] =	vst.idx.msk $0xffff, v0  }
0x207: {  	s0 =	sand.u32 $0xFFFFFC00, s26;
	[tilespmem:v14+s18+$0x0] =	vst.idx.msk $0xffff, v0  }
0x208: {  	s31 =	sadd.s32 $0x0, s0;
	[tilespmem:v12+s18+$0x0] =	vst.idx.msk $0xffff, v0  }
0x209: {  	s8 =	sor.u32 $0x1B0, s31;
	[tilespmem:v10+s18+$0x0] =	vst.idx.msk $0xffff, v0  }
0x20a: {  	s0 =	sor.u32 $0x180, s31;
	v14 =	vld [tilespmem:s8+$0x1000]  }
0x20b: {  	s26 =	sor.u32 $0x190, s31;
	v10 =	vld [tilespmem:s0+$0x1000]  }
0x20c: {  	v11 =	vld [tilespmem:s26+$0x1000]  }
.Ltmp27:
0x20d: {  	_ = 	snop;
	(pc) =	sbr.rel @!p1 .LBB2_52-.Ltmp27, $4  }
0x20e: {  	_ = 	snop  }
0x20f: {  	v12 =	vshll.u32 v14, $0xC  }
0x210: {  	s2 =	sor.u32 $0x1A0, s31;
	v12 =	vadd.s32 v9, v12  }
0x211: {  	v13 =	vshll.u32 v10, $0xC;
	v15 =	vshll.u32 v11, $0xC;
	v9 =	vld [tilespmem:s2+$0x1000];
	v16 =	vor.u32 v8, v12  }
0x212: {  	_ =	sdelay $0x1  }
0x213: {  	s7 =	sand.u32 $0xFFFFFC00, s28;
	v6 =	vand.u32 $0xFFFFFC00, v6;
	v16 =	vor.u32 $0x180, v16  }
0x214: {  	v5 =	vand.u32 $0xFFFFFC00, v5;
	v7 =	vadd.s32 v7, v15;
	v4 =	vand.u32 $0x7F, v4;
	s9 =	sadd.s32 $0x40, s7  }
0x215: {  	v3 =	vand.u32 $0x7F, v3;
	v5 =	vadd.s32 v5, v13;
	s7 =	sor.u32 $0x1B0, s9;
	v8 =	vshll.u32 v9, $0xC  }
0x216: {  	[tilespmem:s0+$0x3000] =	vst v10;
	v4 =	vor.u32 v4, v7;
	s0 =	sor.u32 $0x180, s9;
	v12 =	vld [tilespmem:s7+$0x1000];
	v6 =	vadd.s32 v6, v8;
	v8 =	vand.u32 $0x7F, v2  }
0x217: {  	[tilespmem:s26+$0x3000] =	vst v11;
	s26 =	sor.u32 $0x190, s9;
	v7 =	vor.u32 $0x180, v4;
	v10 =	vld [tilespmem:s0+$0x1000];
	v2 =	vadd.s32 $0x40, v2;
	v5 =	vor.u32 v8, v5  }
0x218: {  	p1 =	por $0x1, $0x1;
	v11 =	vld [tilespmem:s26+$0x1000];
	[tilespmem:s2+$0x3000] =	vst v9;
	s2 =	sor.u32 $0x1A0, s9;
	v3 =	vor.u32 v3, v6;
	v9 =	vadd.s32 $0x30, v2;
	v17 =	vor.u32 $0x180, v5  }
.Ltmp28:
0x219: {  	v4 =	vadd.s32 $0x10, v2;
	v13 =	vshll.u32 v9, $0x3;
	v18 =	vand.u32 $0x7F, v9;
	v9 =	vld [tilespmem:s2+$0x1000];
	(pc) =	sbr.rel @!p1 .LBB2_54-.Ltmp28, $4  }
0x21a: {  	[tilespmem:s8+$0x3000] =	vst v14;
	v8 =	vor.u32 $0x180, v3;
	v3 =	vadd.s32 $0x20, v2;
	v14 =	vshll.u32 v4, $0x3  }
0x21b: {  	[tilespmem:v16+s18+$0x0] =	vst.idx.msk $0xffff, v0;
	v5 =	vshll.u32 v2, $0x3;
	v15 =	vshll.u32 v12, $0xC;
	v16 =	vand.u32 $0xFFFFFC00, v13  }
0x21c: {  	[tilespmem:v7+s18+$0x0] =	vst.idx.msk $0xffff, v0;
	v6 =	vshll.u32 v3, $0x3;
	v13 =	vshll.u32 v10, $0xC;
	v16 =	vadd.s32 v16, v15  }
0x21d: {  	s8 =	simm.s32 $0x4;
	p0 =	por $0x1, $0x1;
	s9 =	simm.s32 $0x400;
	v7 =	vand.u32 $0xFFFFFC00, v14;
	v15 =	vshll.u32 v11, $0xC;
	v16 =	vor.u32 v18, v16;
	[tilespmem:v17+s18+$0x0] =	vst.idx.msk $0xffff, v0  }
.LBB2_55:
0x21e: {  	s28 =	sand.u32 $0xFFFFFC00, s9;
	s8 =	sadd.s32 $0x4, s8;
	[tilespmem:s26+$0x3000] =	vst v11;
	v11 =	vshll.u32 v9, $0xC;
	v6 =	vand.u32 $0xFFFFFC00, v6;
	v14 =	vor.u32 $0x180, v16;
	s25 =	sadd.s32 $0x40, s25  }
0x21f: {  	v5 =	vand.u32 $0xFFFFFC00, v5;
	v7 =	vadd.s32 v7, v15;
	s28 =	sadd.s32 s28, s25;
	p1 =	slt.u32 s8, $0x1C;
	[tilespmem:s0+$0x3000] =	vst v10;
	v6 =	vadd.s32 v6, v11  }
0x220: {  	v4 =	vand.u32 $0x7F, v4;
	v3 =	vand.u32 $0x7F, v3;
	v5 =	vadd.s32 v5, v13;
	s0 =	sor.u32 $0x180, s28;
	s26 =	sor.u32 $0x190, s28;
	s29 =	sor.u32 $0x1B0, s28;
	[tilespmem:s2+$0x3000] =	vst v9  }
0x221: {  	v4 =	vor.u32 v4, v7;
	s2 =	sor.u32 $0x1A0, s28;
	v9 =	vand.u32 $0x7F, v2;
	v3 =	vor.u32 v3, v6;
	v13 =	vld [tilespmem:s29+$0x1000];
	[tilespmem:v8+s18+$0x0] =	vst.idx.msk $0xffff, v0  }
0x222: {  	v7 =	vor.u32 $0x180, v4;
	v5 =	vor.u32 v9, v5;
	v8 =	vor.u32 $0x180, v3;
	v10 =	vld [tilespmem:s0+$0x1000];
	[tilespmem:s7+$0x3000] =	vst v12;
	s7 =	smov.u32 s29  }
0x223: {  	v2 =	vadd.s32 $0x40, v2;
	v17 =	vor.u32 $0x180, v5;
	v11 =	vld [tilespmem:s26+$0x1000];
	[tilespmem:v14+s18+$0x0] =	vst.idx.msk $0xffff, v0  }
.Ltmp29:
0x224: {  	v4 =	vadd.s32 $0x10, v2;
	v3 =	vadd.s32 $0x20, v2;
	v14 =	vadd.s32 $0x30, v2;
	v9 =	vld [tilespmem:s2+$0x1000];
	(pc) =	sbr.rel @p1 .LBB2_55-.Ltmp29, $4  }
0x225: {  	v16 =	vshll.u32 v4, $0x3;
	v6 =	vshll.u32 v3, $0x3;
	v19 =	vshll.u32 v14, $0x3  }
0x226: {  	v5 =	vshll.u32 v2, $0x3;
	v18 =	vand.u32 $0xFFFFFC00, v19;
	v15 =	vshll.u32 v13, $0xC;
	v12 =	vmovc v13  }
0x227: {  	v14 =	vand.u32 $0x7F, v14;
	v13 =	vshll.u32 v10, $0xC;
	v18 =	vadd.s32 v18, v15;
	[tilespmem:v7+s18+$0x0] =	vst.idx.msk $0xffff, v0  }
0x228: {  	s9 =	sadd.s32 $0x200, s9;
	v7 =	vand.u32 $0xFFFFFC00, v16;
	v15 =	vshll.u32 v11, $0xC;
	v16 =	vor.u32 v14, v18;
	[tilespmem:v17+s18+$0x0] =	vst.idx.msk $0xffff, v0  }
0x229: {  	v14 =	vmov v12;
	s8 =	smov.u32 s7  }
.LBB2_57:
0x22a: {  	v7 =	vadd.s32 v7, v15  }
0x22b: {  	v12 =	vshll.u32 v9, $0xC;
	v6 =	vand.u32 $0xFFFFFC00, v6;
	v15 =	vor.u32 $0x180, v16  }
0x22c: {  	v5 =	vand.u32 $0xFFFFFC00, v5;
	v4 =	vand.u32 $0x7F, v4;
	v2 =	vand.u32 $0x7F, v2  }
0x22d: {  	[tilespmem:s26+$0x3000] =	vst v11;
	v3 =	vand.u32 $0x7F, v3;
	v5 =	vadd.s32 v5, v13;
	v4 =	vor.u32 v4, v7  }
0x22e: {  	[tilespmem:s0+$0x3000] =	vst v10;
	v6 =	vadd.s32 v6, v12;
	v2 =	vor.u32 v2, v5;
	v4 =	vor.u32 $0x180, v4  }
0x22f: {  	[tilespmem:s2+$0x3000] =	vst v9;
	v3 =	vor.u32 v3, v6;
	v2 =	vor.u32 $0x180, v2  }
0x230: {  	[tilespmem:v8+s18+$0x0] =	vst.idx.msk @p0 $0xffff, v0;
	v3 =	vor.u32 $0x180, v3  }
0x231: {  	[tilespmem:s8+$0x3000] =	vst v14;
	p0 =	por $0x0, $0x0;
	s0 =	simm.s32 $0x1  }
0x232: {  	s0 =	simm.s32 @!p0 $0x0;
	[tilespmem:v15+s18+$0x0] =	vst.idx.msk $0xffff, v0  }
0x233: {  	s0 =	sshll.u32 s0, $0x6;
	[tilespmem:v4+s18+$0x0] =	vst.idx.msk $0xffff, v0  }
0x234: {  	s25 =	sadd.s32 $0x0, s0;
	[tilespmem:v2+s18+$0x0] =	vst.idx.msk $0xffff, v0  }
0x235: {  	s8 =	sor.u32 $0x230, s25;
	[tilespmem:v3+s18+$0x0] =	vst.idx.msk $0xffff, v0  }
0x236: {  	s0 =	sor.u32 $0x200, s25;
	v16 =	vld [tilespmem:s8+$0x1000]  }
0x237: {  	p2 =	por $0x1, $0x1;
	v10 =	vld [tilespmem:s0+$0x1000]  }
.Ltmp30:
0x238: {  	v2 =	vlaneseq.u32;
	(pc) =	sbr.rel @!p2 .LBB2_58-.Ltmp30, $4  }
0x239: {  	v4 =	vadd.s32 $0x10, v2;
	v3 =	vadd.s32 $0x20, v2;
	v8 =	vadd.s32 $0x30, v2  }
0x23a: {  	s2 =	sor.u32 $0x210, s25;
	v6 =	vshll.u32 v2, $0x3;
	v7 =	vshll.u32 v4, $0x3;
	v9 =	vshll.u32 v8, $0x3  }
0x23b: {  	s26 =	sor.u32 $0x220, s25;
	v14 =	vld [tilespmem:s2+$0x1000];
	v5 =	vshll.u32 v3, $0x3;
	v9 =	vand.u32 $0xFFFFFC00, v9;
	v12 =	vshll.u32 v16, $0xC  }
0x23c: {  	p1 =	por !p0, !p0;
	v11 =	vld [tilespmem:s26+$0x1000];
	v8 =	vand.u32 $0x7F, v8;
	v18 =	vshll.u32 v10, $0xC;
	v24 =	vadd.s32 v9, v12  }
0x23d: {  	_ =	sdelay $0x1  }
0x23e: {  	s7 =	simm.s32 $0x1;
	v15 =	vor.u32 v8, v24  }
0x23f: {  	v13 =	vand.u32 $0xFFFFFC00, v7;
	v19 =	vand.u32 $0xFFFFFC00, v5;
	s7 =	simm.s32 @!p1 $0x0;
	v22 =	vor.u32 $0x200, v15  }
0x240: {  	v15 =	vand.u32 $0xFFFFFC00, v6;
	s7 =	sshll.u32 s7, $0x6;
	v12 =	vshll.u32 v14, $0xC;
	v17 =	vshll.u32 v11, $0xC  }
0x241: {  	s9 =	sadd.s32 $0x200, s7;
	v12 =	vadd.s32 v13, v12;
	v13 =	vadd.s32 v15, v18;
	v15 =	vand.u32 $0x7F, v4  }
0x242: {  	[tilespmem:s0+$0x3000] =	vst v10;
	s7 =	sor.u32 $0x230, s9;
	v18 =	vand.u32 $0x7F, v2;
	v10 =	vadd.s32 v19, v17;
	v17 =	vand.u32 $0x7F, v3  }
0x243: {  	s0 =	sor.u32 $0x200, s9;
	v19 =	vld [tilespmem:s7+$0x1000];
	v12 =	vor.u32 v15, v12;
	v13 =	vor.u32 v18, v13;
	v15 =	vor.u32 v17, v10  }
0x244: {  	[tilespmem:s8+$0x3000] =	vst v16;
	p5 =	por $0x1, $0x1;
	v10 =	vld [tilespmem:s0+$0x1000];
	v26 =	vor.u32 $0x200, v12;
	v20 =	vor.u32 $0x200, v13;
	v13 =	vadd.s32 $0x40, v2  }
.Ltmp31:
0x245: {  	[tilespmem:s2+$0x3000] =	vst v14;
	s2 =	sor.u32 $0x210, s9;
	v24 =	vadd.s32 $0x30, v13;
	(pc) =	sbr.rel @!p5 .LBB2_60-.Ltmp31, $4  }
0x246: {  	[tilespmem:s26+$0x3000] =	vst v11;
	s26 =	sor.u32 $0x220, s9;
	v14 =	vld [tilespmem:s2+$0x1000];
	v12 =	vor.u32 $0x200, v15;
	v17 =	vadd.s32 $0x10, v13;
	v11 =	vshll.u32 v24, $0x3  }
0x247: {  	[tilespmem:v22+s18+$0x0] =	vst.idx.msk $0xffff, v0;
	v15 =	vadd.s32 $0x20, v13;
	v22 =	vshll.u32 v13, $0x3;
	v27 =	vand.u32 $0xFFFFFC00, v11;
	v11 =	vld [tilespmem:s26+$0x1000]  }
0x248: {  	s8 =	simm.s32 $0x4;
	v23 =	vshll.u32 v17, $0x3;
	v21 =	vshll.u32 v15, $0x3;
	v16 =	vshll.u32 v19, $0xC  }
0x249: {  	s28 =	simm.s32 $0x200;
	p4 =	por !p1, !p1;
	p3 =	por $0x1, $0x1;
	v25 =	vand.u32 $0x7F, v24;
	v18 =	vshll.u32 v10, $0xC;
	v24 =	vadd.s32 v27, v16;
	[tilespmem:v26+s18+$0x0] =	vst.idx.msk $0xffff, v0  }
.LBB2_61:
0x24a: {  	s9 =	simm.s32 $0x1  }
0x24b: {  	s8 =	sadd.s32 $0x4, s8;
	v16 =	vshll.u32 v14, $0xC;
	v23 =	vand.u32 $0xFFFFFC00, v23;
	v24 =	vor.u32 v25, v24;
	[tilespmem:v20+s18+$0x0] =	vst.idx.msk $0xffff, v0;
	s9 =	simm.s32 @!p4 $0x0  }
0x24c: {  	v20 =	vand.u32 $0xFFFFFC00, v21;
	s28 =	sadd.s32 $0x200, s28;
	p5 =	slt.u32 s8, $0x1C;
	v21 =	vor.u32 $0x200, v24;
	s9 =	sshll.u32 s9, $0x6;
	[tilespmem:s2+$0x3000] =	vst v14;
	v14 =	vshll.u32 v11, $0xC  }
0x24d: {  	v16 =	vadd.s32 v23, v16;
	s9 =	sadd.s32 s9, s28;
	[tilespmem:s0+$0x3000] =	vst v10;
	v10 =	vand.u32 $0xFFFFFC00, v22;
	v14 =	vadd.s32 v20, v14  }
0x24e: {  	s0 =	sor.u32 $0x200, s9;
	s2 =	sor.u32 $0x210, s9;
	s29 =	sor.u32 $0x230, s9;
	v18 =	vadd.s32 v10, v18;
	v10 =	vand.u32 $0x7F, v17;
	[tilespmem:s26+$0x3000] =	vst v11;
	v11 =	vand.u32 $0x7F, v15  }
0x24f: {  	s26 =	sor.u32 $0x220, s9;
	v15 =	vand.u32 $0x7F, v13;
	v24 =	vld [tilespmem:s29+$0x1000];
	v16 =	vor.u32 v10, v16;
	v11 =	vor.u32 v11, v14;
	[tilespmem:v12+s18+$0x0] =	vst.idx.msk $0xffff, v0  }
0x250: {  	v15 =	vor.u32 v15, v18;
	v10 =	vld [tilespmem:s0+$0x1000];
	v16 =	vor.u32 $0x200, v16;
	v12 =	vor.u32 $0x200, v11;
	[tilespmem:s7+$0x3000] =	vst v19;
	s7 =	smov.u32 s29  }
.Ltmp32:
0x251: {  	v13 =	vadd.s32 $0x40, v13;
	v20 =	vor.u32 $0x200, v15;
	v14 =	vld [tilespmem:s2+$0x1000];
	[tilespmem:v21+s18+$0x0] =	vst.idx.msk $0xffff, v0;
	(pc) =	sbr.rel @p5 .LBB2_61-.Ltmp32, $4  }
0x252: {  	v17 =	vadd.s32 $0x10, v13;
	v25 =	vadd.s32 $0x30, v13;
	v15 =	vadd.s32 $0x20, v13;
	v11 =	vld [tilespmem:s26+$0x1000]  }
0x253: {  	v23 =	vshll.u32 v17, $0x3;
	v18 =	vshll.u32 v25, $0x3;
	v21 =	vshll.u32 v15, $0x3  }
0x254: {  	v22 =	vshll.u32 v13, $0x3;
	v27 =	vand.u32 $0xFFFFFC00, v18;
	v26 =	vshll.u32 v24, $0xC;
	v19 =	vmovc v24  }
0x255: {  	p4 =	por !p4, !p4;
	v25 =	vand.u32 $0x7F, v25;
	v18 =	vshll.u32 v10, $0xC;
	v24 =	vadd.s32 v27, v26;
	[tilespmem:v16+s18+$0x0] =	vst.idx.msk $0xffff, v0  }
0x256: {  	v16 =	vmov v19;
	s8 =	smov.u32 s7  }
.LBB2_63:
0x257: {  	v19 =	vshll.u32 v14, $0xC  }
0x258: {  	v23 =	vand.u32 $0xFFFFFC00, v23;
	v24 =	vor.u32 v25, v24;
	v62 =	vshll.u32 v11, $0xC  }
0x259: {  	v21 =	vand.u32 $0xFFFFFC00, v21;
	v22 =	vand.u32 $0xFFFFFC00, v22;
	v17 =	vand.u32 $0x7F, v17  }
0x25a: {  	v13 =	vand.u32 $0x7F, v13;
	[tilespmem:s0+$0x3000] =	vst v10;
	v10 =	vand.u32 $0x7F, v15;
	v19 =	vadd.s32 v23, v19  }
0x25b: {  	[tilespmem:s2+$0x3000] =	vst v14;
	v24 =	vor.u32 $0x200, v24;
	v14 =	vadd.s32 v22, v18;
	v17 =	vor.u32 v17, v19  }
0x25c: {  	[tilespmem:v20+s18+$0x0] =	vst.idx.msk @p3 $0xffff, v0;
	v63 =	vadd.s32 v21, v62;
	v13 =	vor.u32 v13, v14;
	v14 =	vor.u32 $0x200, v17  }
0x25d: {  	[tilespmem:s26+$0x3000] =	vst v11;
	v10 =	vor.u32 v10, v63;
	v11 =	vor.u32 $0x200, v13  }
0x25e: {  	[tilespmem:v12+s18+$0x0] =	vst.idx.msk @p3 $0xffff, v0;
	v10 =	vor.u32 $0x200, v10  }
0x25f: {  	[tilespmem:s8+$0x3000] =	vst v16  }
0x260: {  	[tilespmem:v24+s18+$0x0] =	vst.idx.msk $0xffff, v0  }
0x261: {  	[tilespmem:v14+s18+$0x0] =	vst.idx.msk $0xffff, v0  }
0x262: {  	[tilespmem:v11+s18+$0x0] =	vst.idx.msk $0xffff, v0  }
0x263: {  	s8 =	sor.u32 $0x2B0, s25;
	[tilespmem:v10+s18+$0x0] =	vst.idx.msk $0xffff, v0  }
0x264: {  	s0 =	sor.u32 $0x280, s25;
	v15 =	vld [tilespmem:s8+$0x1000]  }
0x265: {  	v10 =	vld [tilespmem:s0+$0x1000]  }
.Ltmp33:
0x266: {  	_ = 	snop;
	(pc) =	sbr.rel @!p2 .LBB2_64-.Ltmp33, $4  }
0x267: {  	_ = 	snop  }
0x268: {  	s26 =	sor.u32 $0x290, s25  }
0x269: {  	s2 =	sor.u32 $0x2A0, s25;
	v12 =	vld [tilespmem:s26+$0x1000];
	v13 =	vshll.u32 v15, $0xC  }
0x26a: {  	v11 =	vld [tilespmem:s2+$0x1000];
	v14 =	vshll.u32 v10, $0xC;
	v17 =	vadd.s32 v9, v13  }
0x26b: {  	s7 =	simm.s32 $0x1  }
0x26c: {  	v7 =	vand.u32 $0xFFFFFC00, v7;
	v8 =	vor.u32 v8, v17;
	s7 =	simm.s32 @!p1 $0x0  }
0x26d: {  	v5 =	vand.u32 $0xFFFFFC00, v5;
	v6 =	vand.u32 $0xFFFFFC00, v6;
	v4 =	vand.u32 $0x7F, v4;
	s7 =	sshll.u32 s7, $0x6  }
0x26e: {  	v3 =	vand.u32 $0x7F, v3;
	v8 =	vor.u32 $0x280, v8;
	v9 =	vshll.u32 v12, $0xC;
	s9 =	sadd.s32 $0x200, s7  }
0x26f: {  	v13 =	vshll.u32 v11, $0xC;
	v7 =	vadd.s32 v7, v9;
	s7 =	sor.u32 $0x2B0, s9;
	v9 =	vand.u32 $0x7F, v2  }
0x270: {  	[tilespmem:s0+$0x3000] =	vst v10;
	s0 =	sor.u32 $0x280, s9;
	v2 =	vadd.s32 $0x40, v2;
	v5 =	vadd.s32 v5, v13;
	v13 =	vld [tilespmem:s7+$0x1000];
	v4 =	vor.u32 v4, v7  }
0x271: {  	[tilespmem:s8+$0x3000] =	vst v15;
	p2 =	por $0x1, $0x1;
	v6 =	vadd.s32 v6, v14;
	v10 =	vld [tilespmem:s0+$0x1000];
	v17 =	vadd.s32 $0x30, v2;
	v18 =	vor.u32 $0x280, v4  }
.Ltmp34:
0x272: {  	[tilespmem:s26+$0x3000] =	vst v12;
	s26 =	sor.u32 $0x290, s9;
	v3 =	vor.u32 v3, v5;
	v5 =	vor.u32 v9, v6;
	v4 =	vadd.s32 $0x10, v2;
	(pc) =	sbr.rel @!p2 .LBB2_66-.Ltmp34, $4  }
0x273: {  	[tilespmem:s2+$0x3000] =	vst v11;
	s2 =	sor.u32 $0x2A0, s9;
	v12 =	vld [tilespmem:s26+$0x1000];
	v11 =	vshll.u32 v17, $0x3;
	v6 =	vshll.u32 v2, $0x3;
	v16 =	vor.u32 $0x280, v5  }
0x274: {  	[tilespmem:v8+s18+$0x0] =	vst.idx.msk $0xffff, v0;
	v8 =	vand.u32 $0x7F, v17;
	v9 =	vor.u32 $0x280, v3;
	v19 =	vand.u32 $0xFFFFFC00, v11;
	v11 =	vld [tilespmem:s2+$0x1000]  }
0x275: {  	s8 =	simm.s32 $0x4;
	v3 =	vadd.s32 $0x20, v2;
	v7 =	vshll.u32 v4, $0x3;
	v15 =	vshll.u32 v13, $0xC  }
0x276: {  	s25 =	simm.s32 $0x200;
	p0 =	por $0x1, $0x1;
	p1 =	por !p1, !p1;
	v5 =	vshll.u32 v3, $0x3;
	v14 =	vshll.u32 v10, $0xC;
	v17 =	vadd.s32 v19, v15;
	[tilespmem:v18+s18+$0x0] =	vst.idx.msk $0xffff, v0  }
.LBB2_67:
0x277: {  	s9 =	simm.s32 $0x1  }
0x278: {  	s8 =	sadd.s32 $0x4, s8;
	v15 =	vshll.u32 v12, $0xC;
	v7 =	vand.u32 $0xFFFFFC00, v7;
	v8 =	vor.u32 v8, v17;
	[tilespmem:v16+s18+$0x0] =	vst.idx.msk $0xffff, v0;
	s9 =	simm.s32 @!p1 $0x0  }
0x279: {  	v5 =	vand.u32 $0xFFFFFC00, v5;
	s25 =	sadd.s32 $0x200, s25;
	p2 =	slt.u32 s8, $0x1C;
	v8 =	vor.u32 $0x280, v8;
	s9 =	sshll.u32 s9, $0x6;
	[tilespmem:s26+$0x3000] =	vst v12;
	v12 =	vshll.u32 v11, $0xC  }
0x27a: {  	v6 =	vand.u32 $0xFFFFFC00, v6;
	v7 =	vadd.s32 v7, v15;
	s9 =	sadd.s32 s9, s25;
	[tilespmem:s0+$0x3000] =	vst v10;
	v5 =	vadd.s32 v5, v12  }
0x27b: {  	v4 =	vand.u32 $0x7F, v4;
	v3 =	vand.u32 $0x7F, v3;
	v6 =	vadd.s32 v6, v14;
	s0 =	sor.u32 $0x280, s9;
	s26 =	sor.u32 $0x290, s9;
	s28 =	sor.u32 $0x2B0, s9;
	[tilespmem:s2+$0x3000] =	vst v11  }
0x27c: {  	v4 =	vor.u32 v4, v7;
	s2 =	sor.u32 $0x2A0, s9;
	v11 =	vand.u32 $0x7F, v2;
	v3 =	vor.u32 v3, v5;
	v14 =	vld [tilespmem:s28+$0x1000];
	[tilespmem:v9+s18+$0x0] =	vst.idx.msk $0xffff, v0  }
0x27d: {  	v15 =	vor.u32 $0x280, v4;
	v5 =	vor.u32 v11, v6;
	v9 =	vor.u32 $0x280, v3;
	v10 =	vld [tilespmem:s0+$0x1000];
	[tilespmem:s7+$0x3000] =	vst v13;
	s7 =	smov.u32 s28  }
.Ltmp35:
0x27e: {  	v2 =	vadd.s32 $0x40, v2;
	v16 =	vor.u32 $0x280, v5;
	v12 =	vld [tilespmem:s26+$0x1000];
	[tilespmem:v8+s18+$0x0] =	vst.idx.msk $0xffff, v0;
	(pc) =	sbr.rel @p2 .LBB2_67-.Ltmp35, $4  }
0x27f: {  	v4 =	vadd.s32 $0x10, v2;
	v3 =	vadd.s32 $0x20, v2;
	v8 =	vadd.s32 $0x30, v2;
	v11 =	vld [tilespmem:s2+$0x1000]  }
0x280: {  	v7 =	vshll.u32 v4, $0x3;
	v5 =	vshll.u32 v3, $0x3;
	v19 =	vshll.u32 v8, $0x3  }
0x281: {  	v6 =	vshll.u32 v2, $0x3;
	v18 =	vand.u32 $0xFFFFFC00, v19;
	v17 =	vshll.u32 v14, $0xC;
	v13 =	vmovc v14  }
0x282: {  	p1 =	por !p1, !p1;
	v8 =	vand.u32 $0x7F, v8;
	v14 =	vshll.u32 v10, $0xC;
	v17 =	vadd.s32 v18, v17;
	[tilespmem:v15+s18+$0x0] =	vst.idx.msk $0xffff, v0  }
0x283: {  	v15 =	vmov v13;
	s8 =	smov.u32 s7  }
.LBB2_69:
0x284: {  	_ = 	snop  }
0x285: {  	v13 =	vshll.u32 v12, $0xC  }
0x286: {  	v7 =	vand.u32 $0xFFFFFC00, v7;
	v8 =	vor.u32 v8, v17;
	v17 =	vshll.u32 v11, $0xC  }
0x287: {  	v5 =	vand.u32 $0xFFFFFC00, v5;
	v6 =	vand.u32 $0xFFFFFC00, v6;
	v4 =	vand.u32 $0x7F, v4  }
0x288: {  	[tilespmem:v16+s18+$0x0] =	vst.idx.msk @p0 $0xffff, v0;
	v2 =	vand.u32 $0x7F, v2;
	v3 =	vand.u32 $0x7F, v3;
	v7 =	vadd.s32 v7, v13  }
0x289: {  	[tilespmem:s26+$0x3000] =	vst v12;
	v8 =	vor.u32 $0x280, v8;
	v6 =	vadd.s32 v6, v14;
	v4 =	vor.u32 v4, v7  }
0x28a: {  	[tilespmem:s0+$0x3000] =	vst v10;
	v5 =	vadd.s32 v5, v17;
	v2 =	vor.u32 v2, v6;
	v4 =	vor.u32 $0x280, v4  }
0x28b: {  	[tilespmem:s2+$0x3000] =	vst v11;
	v3 =	vor.u32 v3, v5;
	v2 =	vor.u32 $0x280, v2  }
0x28c: {  	[tilespmem:v9+s18+$0x0] =	vst.idx.msk @p0 $0xffff, v0;
	v3 =	vor.u32 $0x280, v3  }
0x28d: {  	[tilespmem:s8+$0x3000] =	vst v15;
	p0 =	por $0x0, $0x0;
	s0 =	simm.s32 $0x1  }
0x28e: {  	s0 =	simm.s32 @!p0 $0x0;
	[tilespmem:v8+s18+$0x0] =	vst.idx.msk $0xffff, v0  }
0x28f: {  	s0 =	sshll.u32 s0, $0x6;
	[tilespmem:v4+s18+$0x0] =	vst.idx.msk $0xffff, v0  }
0x290: {  	s31 =	sadd.s32 $0x0, s0;
	[tilespmem:v2+s18+$0x0] =	vst.idx.msk $0xffff, v0  }
0x291: {  	s7 =	sor.u32 $0x330, s31;
	[tilespmem:v3+s18+$0x0] =	vst.idx.msk $0xffff, v0  }
0x292: {  	s0 =	sor.u32 $0x300, s31;
	v16 =	vld [tilespmem:s7+$0x1000]  }
0x293: {  	p1 =	por $0x1, $0x1;
	v10 =	vld [tilespmem:s0+$0x1000]  }
.Ltmp36:
0x294: {  	v2 =	vlaneseq.u32;
	(pc) =	sbr.rel @!p1 .LBB2_70-.Ltmp36, $4  }
0x295: {  	v3 =	vadd.s32 $0x10, v2;
	v4 =	vadd.s32 $0x20, v2;
	v9 =	vadd.s32 $0x30, v2  }
0x296: {  	s28 =	sor.u32 $0x310, s31;
	v7 =	vshll.u32 v2, $0x3;
	v6 =	vshll.u32 v3, $0x3;
	v8 =	vshll.u32 v9, $0x3  }
0x297: {  	s26 =	sor.u32 $0x320, s31;
	v14 =	vld [tilespmem:s28+$0x1000];
	v5 =	vshll.u32 v4, $0x3;
	v8 =	vand.u32 $0xFFFFFC00, v8;
	v12 =	vshll.u32 v16, $0xC  }
0x298: {  	s25 =	simm.s32 $0x0;
	p2 =	por !p0, !p0;
	v11 =	vld [tilespmem:s26+$0x1000];
	v9 =	vand.u32 $0x7F, v9;
	v18 =	vshll.u32 v10, $0xC;
	v24 =	vadd.s32 v8, v12  }
0x299: {  	_ =	sdelay $0x1  }
0x29a: {  	s2 =	simm.s32 $0x1;
	v15 =	vor.u32 v9, v24  }
0x29b: {  	v13 =	vand.u32 $0xFFFFFC00, v6;
	v19 =	vand.u32 $0xFFFFFC00, v5;
	s2 =	simm.s32 @!p2 $0x0;
	v22 =	vor.u32 $0x300, v15  }
0x29c: {  	v15 =	vand.u32 $0xFFFFFC00, v7;
	s2 =	sshll.u32 s2, $0x6;
	v12 =	vshll.u32 v14, $0xC;
	v17 =	vshll.u32 v11, $0xC  }
0x29d: {  	s8 =	sadd.s32 $0x200, s2;
	v12 =	vadd.s32 v13, v12;
	v13 =	vadd.s32 v15, v18;
	v15 =	vand.u32 $0x7F, v3  }
0x29e: {  	[tilespmem:s0+$0x3000] =	vst v10;
	s2 =	sor.u32 $0x330, s8;
	v18 =	vand.u32 $0x7F, v2;
	v10 =	vadd.s32 v19, v17;
	v17 =	vand.u32 $0x7F, v4  }
0x29f: {  	s0 =	sor.u32 $0x300, s8;
	v19 =	vld [tilespmem:s2+$0x1000];
	v12 =	vor.u32 v15, v12;
	v13 =	vor.u32 v18, v13;
	v15 =	vor.u32 v17, v10  }
0x2a0: {  	[tilespmem:s7+$0x3000] =	vst v16;
	p4 =	por $0x1, $0x1;
	v10 =	vld [tilespmem:s0+$0x1000];
	v26 =	vor.u32 $0x300, v12;
	v20 =	vor.u32 $0x300, v13;
	v13 =	vadd.s32 $0x40, v2  }
.Ltmp37:
0x2a1: {  	[tilespmem:s28+$0x3000] =	vst v14;
	s28 =	sor.u32 $0x310, s8;
	v24 =	vadd.s32 $0x30, v13;
	(pc) =	sbr.rel @!p4 .LBB2_72-.Ltmp37, $4  }
0x2a2: {  	[tilespmem:s26+$0x3000] =	vst v11;
	s26 =	sor.u32 $0x320, s8;
	v14 =	vld [tilespmem:s28+$0x1000];
	v12 =	vor.u32 $0x300, v15;
	v17 =	vadd.s32 $0x10, v13;
	v11 =	vshll.u32 v24, $0x3  }
0x2a3: {  	[tilespmem:v22+s18+$0x0] =	vst.idx.msk $0xffff, v0;
	v15 =	vadd.s32 $0x20, v13;
	v22 =	vshll.u32 v13, $0x3;
	v27 =	vand.u32 $0xFFFFFC00, v11;
	v11 =	vld [tilespmem:s26+$0x1000]  }
0x2a4: {  	s7 =	simm.s32 $0x4;
	v23 =	vshll.u32 v17, $0x3;
	v21 =	vshll.u32 v15, $0x3;
	v16 =	vshll.u32 v19, $0xC  }
0x2a5: {  	p3 =	por !p2, !p2;
	p2 =	por $0x1, $0x1;
	s8 =	simm.s32 $0x200;
	v25 =	vand.u32 $0x7F, v24;
	v18 =	vshll.u32 v10, $0xC;
	v24 =	vadd.s32 v27, v16;
	[tilespmem:v26+s18+$0x0] =	vst.idx.msk $0xffff, v0  }
.LBB2_73:
0x2a6: {  	s9 =	simm.s32 $0x1  }
0x2a7: {  	s7 =	sadd.s32 $0x4, s7;
	v16 =	vshll.u32 v14, $0xC;
	v23 =	vand.u32 $0xFFFFFC00, v23;
	v24 =	vor.u32 v25, v24;
	[tilespmem:v20+s18+$0x0] =	vst.idx.msk $0xffff, v0;
	s9 =	simm.s32 @!p3 $0x0  }
0x2a8: {  	v20 =	vand.u32 $0xFFFFFC00, v21;
	s8 =	sadd.s32 $0x200, s8;
	p4 =	slt.u32 s7, $0x1C;
	v21 =	vor.u32 $0x300, v24;
	s9 =	sshll.u32 s9, $0x6;
	[tilespmem:s28+$0x3000] =	vst v14;
	v14 =	vshll.u32 v11, $0xC  }
0x2a9: {  	v16 =	vadd.s32 v23, v16;
	s9 =	sadd.s32 s9, s8;
	[tilespmem:s0+$0x3000] =	vst v10;
	v10 =	vand.u32 $0xFFFFFC00, v22;
	v14 =	vadd.s32 v20, v14  }
0x2aa: {  	s0 =	sor.u32 $0x300, s9;
	s28 =	sor.u32 $0x310, s9;
	s29 =	sor.u32 $0x330, s9;
	v18 =	vadd.s32 v10, v18;
	v10 =	vand.u32 $0x7F, v17;
	[tilespmem:s26+$0x3000] =	vst v11;
	v11 =	vand.u32 $0x7F, v15  }
0x2ab: {  	s26 =	sor.u32 $0x320, s9;
	v15 =	vand.u32 $0x7F, v13;
	v24 =	vld [tilespmem:s29+$0x1000];
	v16 =	vor.u32 v10, v16;
	v11 =	vor.u32 v11, v14;
	[tilespmem:v12+s18+$0x0] =	vst.idx.msk $0xffff, v0  }
0x2ac: {  	v15 =	vor.u32 v15, v18;
	v10 =	vld [tilespmem:s0+$0x1000];
	v16 =	vor.u32 $0x300, v16;
	v12 =	vor.u32 $0x300, v11;
	[tilespmem:s2+$0x3000] =	vst v19;
	s2 =	smov.u32 s29  }
.Ltmp38:
0x2ad: {  	v13 =	vadd.s32 $0x40, v13;
	v20 =	vor.u32 $0x300, v15;
	v14 =	vld [tilespmem:s28+$0x1000];
	[tilespmem:v21+s18+$0x0] =	vst.idx.msk $0xffff, v0;
	(pc) =	sbr.rel @p4 .LBB2_73-.Ltmp38, $4  }
0x2ae: {  	v17 =	vadd.s32 $0x10, v13;
	v25 =	vadd.s32 $0x30, v13;
	v15 =	vadd.s32 $0x20, v13;
	v11 =	vld [tilespmem:s26+$0x1000]  }
0x2af: {  	v23 =	vshll.u32 v17, $0x3;
	v18 =	vshll.u32 v25, $0x3;
	v21 =	vshll.u32 v15, $0x3  }
0x2b0: {  	v22 =	vshll.u32 v13, $0x3;
	v27 =	vand.u32 $0xFFFFFC00, v18;
	v26 =	vshll.u32 v24, $0xC;
	v19 =	vmovc v24  }
0x2b1: {  	p3 =	por !p3, !p3;
	v25 =	vand.u32 $0x7F, v25;
	v18 =	vshll.u32 v10, $0xC;
	v24 =	vadd.s32 v27, v26;
	[tilespmem:v16+s18+$0x0] =	vst.idx.msk $0xffff, v0  }
0x2b2: {  	v16 =	vmov v19;
	s7 =	smov.u32 s2  }
.LBB2_75:
0x2b3: {  	v19 =	vshll.u32 v14, $0xC  }
0x2b4: {  	v23 =	vand.u32 $0xFFFFFC00, v23;
	v24 =	vor.u32 v25, v24;
	v61 =	vshll.u32 v11, $0xC  }
0x2b5: {  	v21 =	vand.u32 $0xFFFFFC00, v21;
	v22 =	vand.u32 $0xFFFFFC00, v22;
	v17 =	vand.u32 $0x7F, v17  }
0x2b6: {  	v13 =	vand.u32 $0x7F, v13;
	[tilespmem:s0+$0x3000] =	vst v10;
	v10 =	vand.u32 $0x7F, v15;
	v19 =	vadd.s32 v23, v19  }
0x2b7: {  	[tilespmem:s28+$0x3000] =	vst v14;
	v24 =	vor.u32 $0x300, v24;
	v14 =	vadd.s32 v22, v18;
	v17 =	vor.u32 v17, v19  }
0x2b8: {  	[tilespmem:v20+s18+$0x0] =	vst.idx.msk @p2 $0xffff, v0;
	v62 =	vadd.s32 v21, v61;
	v13 =	vor.u32 v13, v14;
	v14 =	vor.u32 $0x300, v17  }
0x2b9: {  	[tilespmem:s26+$0x3000] =	vst v11;
	v10 =	vor.u32 v10, v62;
	v11 =	vor.u32 $0x300, v13  }
0x2ba: {  	[tilespmem:v12+s18+$0x0] =	vst.idx.msk @p2 $0xffff, v0;
	v10 =	vor.u32 $0x300, v10  }
0x2bb: {  	[tilespmem:s7+$0x3000] =	vst v16  }
0x2bc: {  	[tilespmem:v24+s18+$0x0] =	vst.idx.msk $0xffff, v0  }
0x2bd: {  	[tilespmem:v14+s18+$0x0] =	vst.idx.msk $0xffff, v0  }
0x2be: {  	[tilespmem:v11+s18+$0x0] =	vst.idx.msk $0xffff, v0  }
0x2bf: {  	s7 =	sor.u32 $0x3B0, s25;
	[tilespmem:v10+s18+$0x0] =	vst.idx.msk $0xffff, v0  }
0x2c0: {  	s31 =	sor.u32 $0x380, s25;
	v12 =	vld [tilespmem:s7+$0x1000]  }
0x2c1: {  	s2 =	sor.u32 $0x390, s25;
	v13 =	vld [tilespmem:s31+$0x1000]  }
0x2c2: {  	s8 =	sor.u32 $0x3A0, s25;
	v14 =	vld [tilespmem:s2+$0x1000]  }
0x2c3: {  	v10 =	vld [tilespmem:s8+$0x1000];
	_ =	sdelay $0x1  }
.Ltmp39:
0x2c4: {  	_ = 	snop;
	(pc) =	sbr.rel @!p1 .LBB2_76-.Ltmp39, $4  }
0x2c5: {  	v63 =	vand.u32 $0xFFFFFC00, v6;
	v5 =	vand.u32 $0xFFFFFC00, v5;
	v15 =	vshll.u32 v12, $0xC  }
0x2c6: {  	v11 =	vshll.u32 v13, $0xC;
	[tilespmem:s31+$0x3000] =	vst v13;
	v13 =	vand.u32 $0xFFFFFC00, v7;
	v8 =	vadd.s32 v8, v15  }
0x2c7: {  	v15 =	vshll.u32 v14, $0xC;
	v6 =	vor.u32 v9, v8;
	v9 =	vshll.u32 v10, $0xC  }
0x2c8: {  	[tilespmem:s2+$0x3000] =	vst v14;
	s2 =	simm.s32 $0x240;
	v8 =	vadd.s32 v63, v15;
	v6 =	vor.u32 $0x380, v6;
	v9 =	vadd.s32 v5, v9  }
0x2c9: {  	s0 =	sor.u32 $0x3B0, s2;
	v5 =	vadd.s32 v13, v11;
	v3 =	vand.u32 $0x7F, v3  }
0x2ca: {  	v4 =	vand.u32 $0x7F, v4;
	s9 =	sor.u32 $0x380, s2;
	v11 =	vand.u32 $0x7F, v2;
	v2 =	vadd.s32 $0x40, v2;
	v7 =	vld [tilespmem:s0+$0x1000]  }
0x2cb: {  	s25 =	sor.u32 $0x390, s2;
	v3 =	vor.u32 v3, v8;
	v4 =	vor.u32 v4, v9;
	v8 =	vld [tilespmem:s9+$0x1000];
	v9 =	vor.u32 v11, v5  }
0x2cc: {  	s2 =	sor.u32 $0x3A0, s2;
	v14 =	vld [tilespmem:s25+$0x1000];
	v15 =	vadd.s32 $0x30, v2;
	v17 =	vshll.u32 v2, $0x3;
	v5 =	vor.u32 $0x380, v3  }
0x2cd: {  	[tilespmem:s8+$0x3000] =	vst v10;
	v10 =	vld [tilespmem:s2+$0x1000];
	v13 =	vor.u32 $0x380, v4;
	v9 =	vor.u32 $0x380, v9;
	v3 =	vadd.s32 $0x10, v2  }
0x2ce: {  	[tilespmem:s7+$0x3000] =	vst v12;
	p1 =	por $0x1, $0x1;
	v4 =	vadd.s32 $0x20, v2;
	v11 =	vshll.u32 v15, $0x3;
	v12 =	vshll.u32 v3, $0x3  }
.Ltmp40:
0x2cf: {  	[tilespmem:v6+s18+$0x0] =	vst.idx.msk $0xffff, v0;
	v16 =	vshll.u32 v4, $0x3;
	v18 =	vand.u32 $0xFFFFFC00, v11;
	v6 =	vshll.u32 v7, $0xC;
	(pc) =	sbr.rel @!p1 .LBB2_78-.Ltmp40, $4  }
0x2d0: {  	[tilespmem:s9+$0x3000] =	vst v8;
	v11 =	vshll.u32 v8, $0xC;
	v8 =	vand.u32 $0x7F, v15;
	v6 =	vadd.s32 v18, v6  }
0x2d1: {  	v12 =	vand.u32 $0xFFFFFC00, v12;
	v16 =	vand.u32 $0xFFFFFC00, v16;
	[tilespmem:s25+$0x3000] =	vst v14;
	v6 =	vor.u32 v8, v6  }
0x2d2: {  	v15 =	vshll.u32 v14, $0xC;
	[tilespmem:v9+s18+$0x0] =	vst.idx.msk $0xffff, v0;
	v9 =	vshll.u32 v10, $0xC;
	v6 =	vor.u32 $0x380, v6  }
0x2d3: {  	s7 =	simm.s32 $0x4;
	s8 =	simm.s32 $0x480;
	p0 =	por $0x1, $0x1;
	[tilespmem:v13+s18+$0x0] =	vst.idx.msk $0xffff, v0;
	v13 =	vand.u32 $0xFFFFFC00, v17;
	v8 =	vadd.s32 v12, v15;
	v9 =	vadd.s32 v16, v9  }
.LBB2_79:
0x2d4: {  	s9 =	sor.u32 $0x390, s8;
	s25 =	sor.u32 $0x3B0, s8;
	s7 =	sadd.s32 $0x4, s7;
	v11 =	vadd.s32 v13, v11;
	v3 =	vand.u32 $0x7F, v3;
	v4 =	vand.u32 $0x7F, v4;
	[tilespmem:v5+s18+$0x0] =	vst.idx.msk $0xffff, v0  }
0x2d5: {  	s26 =	sor.u32 $0x380, s8;
	v5 =	vand.u32 $0x7F, v2;
	v12 =	vld [tilespmem:s25+$0x1000];
	p1 =	slt.u32 s7, $0x1C;
	v3 =	vor.u32 v3, v8;
	[tilespmem:s2+$0x3000] =	vst v10;
	s2 =	sor.u32 $0x3A0, s8;
	v4 =	vor.u32 v4, v9  }
0x2d6: {  	v9 =	vor.u32 v5, v11;
	v8 =	vld [tilespmem:s26+$0x1000];
	v5 =	vor.u32 $0x380, v3;
	v13 =	vor.u32 $0x380, v4;
	[tilespmem:s0+$0x3000] =	vst v7;
	s0 =	smov.u32 s25  }
0x2d7: {  	v2 =	vadd.s32 $0x40, v2;
	v9 =	vor.u32 $0x380, v9;
	v14 =	vld [tilespmem:s9+$0x1000];
	[tilespmem:v6+s18+$0x0] =	vst.idx.msk $0xffff, v0  }
0x2d8: {  	v3 =	vadd.s32 $0x10, v2;
	v4 =	vadd.s32 $0x20, v2;
	v6 =	vadd.s32 $0x30, v2;
	v10 =	vld [tilespmem:s2+$0x1000]  }
0x2d9: {  	v15 =	vshll.u32 v3, $0x3;
	v16 =	vshll.u32 v4, $0x3;
	v11 =	vshll.u32 v6, $0x3  }
.Ltmp41:
0x2da: {  	v17 =	vshll.u32 v2, $0x3;
	v19 =	vand.u32 $0xFFFFFC00, v11;
	v18 =	vshll.u32 v12, $0xC;
	v7 =	vmovc v12;
	(pc) =	sbr.rel @p1 .LBB2_79-.Ltmp41, $4  }
0x2db: {  	v6 =	vand.u32 $0x7F, v6;
	[tilespmem:s26+$0x3000] =	vst v8;
	v11 =	vshll.u32 v8, $0xC;
	v8 =	vadd.s32 v19, v18  }
0x2dc: {  	v15 =	vand.u32 $0xFFFFFC00, v15;
	v12 =	vshll.u32 v14, $0xC;
	v6 =	vor.u32 v6, v8;
	[tilespmem:v9+s18+$0x0] =	vst.idx.msk $0xffff, v0  }
0x2dd: {  	v16 =	vand.u32 $0xFFFFFC00, v16;
	v9 =	vshll.u32 v10, $0xC;
	v6 =	vor.u32 $0x380, v6;
	[tilespmem:v13+s18+$0x0] =	vst.idx.msk $0xffff, v0  }
0x2de: {  	s8 =	sadd.s32 $0x240, s8;
	v13 =	vand.u32 $0xFFFFFC00, v17;
	v8 =	vadd.s32 v15, v12;
	[tilespmem:s9+$0x3000] =	vst v14;
	v9 =	vadd.s32 v16, v9  }
0x2df: {  	s8 =	smov.u32 s2;
	v12 =	vmov v7;
	s7 =	smov.u32 s0  }
.LBB2_81:
0x2e0: {  	_ = 	snop  }
0x2e1: {  	v7 =	vadd.s32 v13, v11;
	v2 =	vand.u32 $0x7F, v2  }
0x2e2: {  	v4 =	vand.u32 $0x7F, v4;
	v2 =	vor.u32 v2, v7  }
0x2e3: {  	v3 =	vand.u32 $0x7F, v3;
	v4 =	vor.u32 v4, v9;
	v2 =	vor.u32 $0x380, v2  }
0x2e4: {  	[tilespmem:v5+s18+$0x0] =	vst.idx.msk @p0 $0xffff, v0;
	v3 =	vor.u32 v3, v8;
	v4 =	vor.u32 $0x380, v4  }
0x2e5: {  	[tilespmem:s8+$0x3000] =	vst v10;
	v3 =	vor.u32 $0x380, v3  }
0x2e6: {  	[tilespmem:s7+$0x3000] =	vst v12  }
0x2e7: {  	[tilespmem:v6+s18+$0x0] =	vst.idx.msk $0xffff, v0  }
0x2e8: {  	[tilespmem:v2+s18+$0x0] =	vst.idx.msk $0xffff, v0  }
0x2e9: {  	[tilespmem:v4+s18+$0x0] =	vst.idx.msk $0xffff, v0  }
0x2ea: {  	[tilespmem:v3+s18+$0x0] =	vst.idx.msk $0xffff, v0  }
0x2eb: {  	s0 =	rddreg [dreg:$0x7]  }
0x2ec: {  	[hbm4b:s0+s16] =	stream.strided.scatter [tilespmem:s18], [sflag:$0x4], $0xA000, s21, s16, $0x38;
	[tilespmem:$0x18000] =	vst v63  }
0x2ed: {  	s25 =	simm.s32 $0x0;
	s26 =	simm.s32 $0x0;
	s31 =	rddreg [dreg:$0x8]  }
0x2ee: {  	[tilespmem:s16], [sflag:$0x2] =	stream.linear.gather [hbm4b:s31+s25], $0x1000, $0x38;
	[tilespmem:$0x18000] =	vst v63  }
.LBB2_82:
0x2ef: {  	_ =	swait.ge [sflag:s19], $0xA000  }
0x2f0: {  	s0 =	sand.u32 $0x40, s25;
	s2 =	sand.u32 $0xC00, s25;
	[sflag:s19] =	ssyncset.done $0x0  }
0x2f1: {  	s0 =	sor.u32 s0, s2;
	[sflag:s19] =	ssyncadd.s32 $0xFFFF6000  }
0x2f2: {  	v6 =	vld [tilespmem:s0+$0x2030]  }
0x2f3: {  	v2 =	vlaneseq.u32;
	v7 =	vld [tilespmem:s0+$0x2000]  }
0x2f4: {  	v4 =	vadd.s32 $0x10, v2;
	v10 =	vld [tilespmem:s0+$0x2010]  }
0x2f5: {  	v3 =	vadd.s32 $0x20, v2;
	v9 =	vadd.s32 $0x30, v2;
	v5 =	vshll.u32 v2, $0x3;
	v11 =	vld [tilespmem:s0+$0x2020]  }
0x2f6: {  	s30 =	simm.s32 $0x200;
	s31 =	simm.s32 $0x40;
	v12 =	vshll.u32 v4, $0x3;
	v13 =	vshll.u32 v3, $0x3;
	v8 =	vshll.u32 v9, $0x3  }
0x2f7: {  	s2 =	sand.u32 $0x40, s31;
	v9 =	vand.u32 $0x7F, v9;
	v8 =	vand.u32 $0xFFFFFC00, v8;
	s0 =	sand.u32 $0xC00, s30;
	v6 =	vshll.u32 v6, $0xC  }
0x2f8: {  	v15 =	vand.u32 $0x7F, v4;
	s7 =	sor.u32 s2, s0;
	v14 =	vshll.u32 v7, $0xC;
	v7 =	vadd.s32 v8, v6  }
0x2f9: {  	v17 =	vand.u32 $0x7F, v3;
	v18 =	vld [tilespmem:s7+$0x2000];
	v10 =	vshll.u32 v10, $0xC;
	v16 =	vor.u32 v9, v7  }
0x2fa: {  	v11 =	vshll.u32 v11, $0xC;
	v6 =	vand.u32 $0xFFFFFC00, v12;
	v12 =	vand.u32 $0xFFFFFC00, v5  }
0x2fb: {  	v7 =	vand.u32 $0xFFFFFC00, v13;
	v12 =	vadd.s32 v12, v14;
	v14 =	vld [tilespmem:s7+$0x2030];
	v13 =	vand.u32 $0x7F, v2  }
0x2fc: {  	v10 =	vadd.s32 v6, v10;
	v11 =	vadd.s32 v7, v11;
	v19 =	vor.u32 v13, v12  }
0x2fd: {  	v20 =	vld [tilespmem:s7+$0x2010];
	v21 =	vor.u32 v15, v10;
	v10 =	vadd.s32 $0x40, v2;
	v11 =	vor.u32 v17, v11  }
0x2fe: {  	v13 =	vadd.s32 $0x10, v10;
	v22 =	vadd.s32 $0x30, v10;
	[tilespmem:v16+s17+$0x0] =	vst.idx.msk $0xffff, v1;
	v16 =	vshll.u32 v18, $0xC;
	v18 =	vld [tilespmem:s7+$0x2020]  }
0x2ff: {  	v12 =	vadd.s32 $0x20, v10;
	v17 =	vshll.u32 v10, $0x3;
	v24 =	vshll.u32 v22, $0x3  }
0x300: {  	v23 =	vshll.u32 v13, $0x3;
	v24 =	vand.u32 $0xFFFFFC00, v24;
	v14 =	vshll.u32 v14, $0xC  }
0x301: {  	s8 =	simm.s32 $0x80;
	v15 =	vshll.u32 v12, $0x3;
	v22 =	vand.u32 $0x7F, v22;
	v14 =	vadd.s32 v24, v14;
	[tilespmem:v19+s17+$0x0] =	vst.idx.msk $0xffff, v1  }
0x302: {  	s0 =	simm.s32 $0x0;
	s2 =	simm.s32 $0x4;
	s7 =	simm.s32 $0x400;
	v19 =	vshll.u32 v20, $0xC;
	v20 =	vand.u32 $0xFFFFFC00, v23;
	[tilespmem:v21+s17+$0x0] =	vst.idx.msk $0xffff, v1;
	v14 =	vor.u32 v22, v14  }
.LBB2_83:
0x303: {  	s9 =	sand.u32 $0x40, s8;
	s28 =	sand.u32 $0xC00, s7;
	s2 =	sadd.s32 $0x4, s2;
	v17 =	vand.u32 $0xFFFFFC00, v17;
	v18 =	vshll.u32 v18, $0xC;
	v15 =	vand.u32 $0xFFFFFC00, v15;
	[tilespmem:v11+s17+$0x0] =	vst.idx.msk $0xffff, v1  }
0x304: {  	s9 =	sor.u32 s9, s28;
	p0 =	slt.u32 s2, $0x1C;
	v11 =	vadd.s32 v17, v16;
	v16 =	vadd.s32 v20, v19;
	v15 =	vadd.s32 v15, v18  }
0x305: {  	v13 =	vand.u32 $0x7F, v13;
	v12 =	vand.u32 $0x7F, v12;
	v17 =	vand.u32 $0x7F, v10;
	v19 =	vld [tilespmem:s9+$0x2030]  }
0x306: {  	v21 =	vor.u32 v17, v11;
	v22 =	vor.u32 v13, v16;
	v11 =	vor.u32 v12, v15;
	v20 =	vld [tilespmem:s9+$0x2000]  }
0x307: {  	v10 =	vadd.s32 $0x40, v10;
	v23 =	vld [tilespmem:s9+$0x2010];
	[tilespmem:v14+s17+$0x0] =	vst.idx.msk $0xffff, v1  }
.Ltmp42:
0x308: {  	v13 =	vadd.s32 $0x10, v10;
	v12 =	vadd.s32 $0x20, v10;
	v14 =	vadd.s32 $0x30, v10;
	v18 =	vld [tilespmem:s9+$0x2020];
	(pc) =	sbr.rel @p0 .LBB2_83-.Ltmp42, $4  }
0x309: {  	v24 =	vshll.u32 v13, $0x3;
	v15 =	vshll.u32 v12, $0x3;
	v16 =	vshll.u32 v14, $0x3  }
0x30a: {  	v17 =	vshll.u32 v10, $0x3;
	v25 =	vand.u32 $0xFFFFFC00, v16;
	v19 =	vshll.u32 v19, $0xC  }
0x30b: {  	v14 =	vand.u32 $0x7F, v14;
	v16 =	vshll.u32 v20, $0xC;
	v25 =	vadd.s32 v25, v19;
	[tilespmem:v21+s17+$0x0] =	vst.idx.msk $0xffff, v1  }
0x30c: {  	s7 =	sadd.s32 $0x200, s7;
	s8 =	sadd.s32 $0x40, s8;
	v20 =	vand.u32 $0xFFFFFC00, v24;
	v19 =	vshll.u32 v23, $0xC;
	v14 =	vor.u32 v14, v25;
	[tilespmem:v22+s17+$0x0] =	vst.idx.msk $0xffff, v1  }
0x30d: {  	v17 =	vand.u32 $0xFFFFFC00, v17;
	v18 =	vshll.u32 v18, $0xC  }
0x30e: {  	v15 =	vand.u32 $0xFFFFFC00, v15;
	v63 =	vadd.s32 v20, v19;
	v13 =	vand.u32 $0x7F, v13  }
0x30f: {  	v10 =	vand.u32 $0x7F, v10;
	v16 =	vadd.s32 v17, v16;
	v13 =	vor.u32 v13, v63  }
0x310: {  	v12 =	vand.u32 $0x7F, v12;
	v15 =	vadd.s32 v15, v18;
	v10 =	vor.u32 v10, v16  }
0x311: {  	v12 =	vor.u32 v12, v15  }
0x312: {  	[tilespmem:v11+s17+$0x0] =	vst.idx.msk $0xffff, v1  }
0x313: {  	[tilespmem:v14+s17+$0x0] =	vst.idx.msk $0xffff, v1  }
0x314: {  	s2 =	simm.s32 $0x0;
	[tilespmem:v13+s17+$0x0] =	vst.idx.msk $0xffff, v1  }
0x315: {  	s7 =	sand.u32 $0x40, s2;
	s2 =	sand.u32 $0xC00, s2;
	[tilespmem:v10+s17+$0x0] =	vst.idx.msk $0xffff, v1  }
0x316: {  	s2 =	sor.u32 s7, s2;
	[tilespmem:v12+s17+$0x0] =	vst.idx.msk $0xffff, v1  }
0x317: {  	v10 =	vld [tilespmem:s2+$0x20B0]  }
0x318: {  	v11 =	vld [tilespmem:s2+$0x2080]  }
0x319: {  	v12 =	vld [tilespmem:s2+$0x2090]  }
0x31a: {  	v13 =	vld [tilespmem:s2+$0x20A0];
	_ =	sdelay $0x1  }
0x31b: {  	v10 =	vshll.u32 v10, $0xC  }
0x31c: {  	v8 =	vadd.s32 v8, v10  }
0x31d: {  	v10 =	vshll.u32 v11, $0xC;
	v8 =	vor.u32 v9, v8  }
0x31e: {  	s8 =	simm.s32 $0x40;
	s7 =	simm.s32 $0x200;
	v11 =	vshll.u32 v13, $0xC;
	v9 =	vshll.u32 v12, $0xC;
	v8 =	vor.u32 $0x80, v8  }
.LBB2_85:
0x31f: {  	s9 =	sand.u32 $0x40, s8;
	s28 =	sand.u32 $0xC00, s7;
	s0 =	sadd.s32 $0x4, s0;
	v5 =	vand.u32 $0xFFFFFC00, v5;
	v6 =	vadd.s32 v6, v9;
	v7 =	vadd.s32 v7, v11  }
0x320: {  	v4 =	vand.u32 $0x7F, v4;
	v3 =	vand.u32 $0x7F, v3;
	s9 =	sor.u32 s9, s28;
	p0 =	slt.u32 s0, $0x1C;
	v5 =	vadd.s32 v5, v10  }
0x321: {  	v10 =	vand.u32 $0x7F, v2;
	v4 =	vor.u32 v4, v6;
	v3 =	vor.u32 v3, v7;
	v9 =	vld [tilespmem:s9+$0x20B0]  }
0x322: {  	v5 =	vor.u32 v10, v5;
	v7 =	vor.u32 $0x80, v4;
	v12 =	vor.u32 $0x80, v3;
	v6 =	vld [tilespmem:s9+$0x2080]  }
0x323: {  	v2 =	vadd.s32 $0x40, v2;
	v13 =	vor.u32 $0x80, v5;
	v11 =	vld [tilespmem:s9+$0x2090];
	[tilespmem:v8+s17+$0x0] =	vst.idx.msk $0xffff, v1  }
0x324: {  	v4 =	vadd.s32 $0x10, v2;
	v3 =	vadd.s32 $0x20, v2;
	v14 =	vadd.s32 $0x30, v2;
	v8 =	vld [tilespmem:s9+$0x20A0]  }
.Ltmp43:
0x325: {  	v15 =	vshll.u32 v4, $0x3;
	v16 =	vshll.u32 v3, $0x3;
	v10 =	vshll.u32 v14, $0x3;
	(pc) =	sbr.rel @p0 .LBB2_85-.Ltmp43, $4  }
0x326: {  	v5 =	vshll.u32 v2, $0x3;
	v17 =	vand.u32 $0xFFFFFC00, v10;
	v9 =	vshll.u32 v9, $0xC  }
0x327: {  	v14 =	vand.u32 $0x7F, v14;
	v10 =	vshll.u32 v6, $0xC;
	v17 =	vadd.s32 v17, v9;
	[tilespmem:v7+s17+$0x0] =	vst.idx.msk $0xffff, v1  }
0x328: {  	v6 =	vand.u32 $0xFFFFFC00, v15;
	v9 =	vshll.u32 v11, $0xC;
	v14 =	vor.u32 v14, v17;
	[tilespmem:v13+s17+$0x0] =	vst.idx.msk $0xffff, v1  }
0x329: {  	s7 =	sadd.s32 $0x200, s7;
	s8 =	sadd.s32 $0x40, s8;
	v7 =	vand.u32 $0xFFFFFC00, v16;
	v11 =	vshll.u32 v8, $0xC;
	v8 =	vor.u32 $0x80, v14;
	[tilespmem:v12+s17+$0x0] =	vst.idx.msk $0xffff, v1  }
0x32a: {  	v5 =	vand.u32 $0xFFFFFC00, v5  }
0x32b: {  	v6 =	vadd.s32 v6, v9;
	v7 =	vadd.s32 v7, v11;
	v4 =	vand.u32 $0x7F, v4  }
0x32c: {  	v2 =	vand.u32 $0x7F, v2;
	v3 =	vand.u32 $0x7F, v3;
	v4 =	vor.u32 v4, v6  }
0x32d: {  	v5 =	vadd.s32 v5, v10;
	v3 =	vor.u32 v3, v7;
	v4 =	vor.u32 $0x80, v4  }
0x32e: {  	v2 =	vor.u32 v2, v5;
	v3 =	vor.u32 $0x80, v3  }
0x32f: {  	v2 =	vor.u32 $0x80, v2;
	_ =	sdelay $0x1  }
0x330: {  	[tilespmem:v8+s17+$0x0] =	vst.idx.msk $0xffff, v1  }
0x331: {  	[tilespmem:v4+s17+$0x0] =	vst.idx.msk $0xffff, v1  }
0x332: {  	[tilespmem:v3+s17+$0x0] =	vst.idx.msk $0xffff, v1  }
0x333: {  	[tilespmem:v2+s17+$0x0] =	vst.idx.msk $0xffff, v1  }
0x334: {  	v3 =	vld [tilespmem:s2+$0x2130]  }
0x335: {  	v2 =	vlaneseq.u32;
	v7 =	vld [tilespmem:s2+$0x2100]  }
0x336: {  	v8 =	vld [tilespmem:s2+$0x2110];
	v6 =	vadd.s32 $0x10, v2  }
0x337: {  	v13 =	vld [tilespmem:s2+$0x2120];
	v5 =	vadd.s32 $0x20, v2;
	v11 =	vadd.s32 $0x30, v2;
	v10 =	vshll.u32 v2, $0x3  }
0x338: {  	v12 =	vshll.u32 v6, $0x3;
	v14 =	vshll.u32 v5, $0x3;
	v4 =	vshll.u32 v11, $0x3  }
0x339: {  	v4 =	vand.u32 $0xFFFFFC00, v4;
	v12 =	vand.u32 $0xFFFFFC00, v12;
	v15 =	vshll.u32 v3, $0xC  }
0x33a: {  	v9 =	vshll.u32 v7, $0xC;
	v3 =	vand.u32 $0x7F, v11;
	v7 =	vadd.s32 v4, v15  }
0x33b: {  	v14 =	vand.u32 $0xFFFFFC00, v14;
	v11 =	vshll.u32 v8, $0xC;
	v7 =	vor.u32 v3, v7  }
0x33c: {  	s0 =	simm.s32 $0x0;
	s7 =	simm.s32 $0x40;
	s2 =	simm.s32 $0x200;
	v13 =	vshll.u32 v13, $0xC;
	v8 =	vor.u32 $0x100, v7;
	v7 =	vlaneseq.u32  }
.LBB2_87:
0x33d: {  	s8 =	sand.u32 $0x40, s7;
	s9 =	sand.u32 $0xC00, s2;
	s0 =	sadd.s32 $0x4, s0;
	v10 =	vand.u32 $0xFFFFFC00, v10;
	v11 =	vadd.s32 v12, v11;
	v12 =	vadd.s32 v14, v13  }
0x33e: {  	v6 =	vand.u32 $0x7F, v6;
	v5 =	vand.u32 $0x7F, v5;
	s8 =	sor.u32 s8, s9;
	p0 =	slt.u32 s0, $0x1C;
	v9 =	vadd.s32 v10, v9  }
0x33f: {  	v10 =	vand.u32 $0x7F, v7;
	v6 =	vor.u32 v6, v11;
	v5 =	vor.u32 v5, v12;
	v13 =	vld [tilespmem:s8+$0x2130]  }
0x340: {  	v9 =	vor.u32 v10, v9;
	v12 =	vor.u32 $0x100, v6;
	v15 =	vor.u32 $0x100, v5;
	v11 =	vld [tilespmem:s8+$0x2100]  }
0x341: {  	v7 =	vadd.s32 $0x40, v7;
	v16 =	vor.u32 $0x100, v9;
	v14 =	vld [tilespmem:s8+$0x2110];
	[tilespmem:v8+s17+$0x0] =	vst.idx.msk $0xffff, v1  }
0x342: {  	v6 =	vadd.s32 $0x10, v7;
	v5 =	vadd.s32 $0x20, v7;
	v17 =	vadd.s32 $0x30, v7;
	v8 =	vld [tilespmem:s8+$0x2120]  }
.Ltmp44:
0x343: {  	v18 =	vshll.u32 v6, $0x3;
	v19 =	vshll.u32 v5, $0x3;
	v9 =	vshll.u32 v17, $0x3;
	(pc) =	sbr.rel @p0 .LBB2_87-.Ltmp44, $4  }
0x344: {  	v10 =	vshll.u32 v7, $0x3;
	v20 =	vand.u32 $0xFFFFFC00, v9;
	v13 =	vshll.u32 v13, $0xC  }
0x345: {  	v17 =	vand.u32 $0x7F, v17;
	v9 =	vshll.u32 v11, $0xC;
	v13 =	vadd.s32 v20, v13;
	[tilespmem:v12+s17+$0x0] =	vst.idx.msk $0xffff, v1  }
0x346: {  	v12 =	vand.u32 $0xFFFFFC00, v18;
	v11 =	vshll.u32 v14, $0xC;
	v17 =	vor.u32 v17, v13;
	[tilespmem:v16+s17+$0x0] =	vst.idx.msk $0xffff, v1  }
0x347: {  	s2 =	sadd.s32 $0x200, s2;
	s7 =	sadd.s32 $0x40, s7;
	v14 =	vand.u32 $0xFFFFFC00, v19;
	v13 =	vshll.u32 v8, $0xC;
	v8 =	vor.u32 $0x100, v17;
	[tilespmem:v15+s17+$0x0] =	vst.idx.msk $0xffff, v1  }
0x348: {  	v10 =	vand.u32 $0xFFFFFC00, v10  }
0x349: {  	v11 =	vadd.s32 v12, v11;
	v60 =	vadd.s32 v14, v13;
	v6 =	vand.u32 $0x7F, v6  }
0x34a: {  	v7 =	vand.u32 $0x7F, v7;
	v5 =	vand.u32 $0x7F, v5;
	v6 =	vor.u32 v6, v11  }
0x34b: {  	v9 =	vadd.s32 v10, v9;
	v5 =	vor.u32 v5, v60;
	v6 =	vor.u32 $0x100, v6  }
0x34c: {  	v7 =	vor.u32 v7, v9;
	v5 =	vor.u32 $0x100, v5  }
0x34d: {  	v7 =	vor.u32 $0x100, v7;
	_ =	sdelay $0x1  }
0x34e: {  	[tilespmem:v8+s17+$0x0] =	vst.idx.msk $0xffff, v1  }
0x34f: {  	s0 =	simm.s32 $0x0;
	[tilespmem:v6+s17+$0x0] =	vst.idx.msk $0xffff, v1  }
0x350: {  	s2 =	sand.u32 $0x40, s0;
	s0 =	sand.u32 $0xC00, s0;
	[tilespmem:v5+s17+$0x0] =	vst.idx.msk $0xffff, v1  }
0x351: {  	s0 =	sor.u32 s2, s0;
	[tilespmem:v7+s17+$0x0] =	vst.idx.msk $0xffff, v1  }
0x352: {  	v7 =	vld [tilespmem:s0+$0x21B0]  }
0x353: {  	v9 =	vld [tilespmem:s0+$0x2180]  }
0x354: {  	v10 =	vld [tilespmem:s0+$0x2190]  }
0x355: {  	v11 =	vld [tilespmem:s0+$0x21A0]  }
0x356: {  	v8 =	vshll.u32 v2, $0x3;
	v6 =	vadd.s32 $0x10, v2  }
0x357: {  	v5 =	vadd.s32 $0x20, v2;
	v61 =	vshll.u32 v6, $0x3;
	v63 =	vshll.u32 v7, $0xC  }
0x358: {  	v62 =	vshll.u32 v5, $0x3;
	v7 =	vshll.u32 v9, $0xC;
	v14 =	vadd.s32 v4, v63  }
0x359: {  	v9 =	vand.u32 $0xFFFFFC00, v61;
	v4 =	vshll.u32 v10, $0xC;
	v3 =	vor.u32 v3, v14  }
0x35a: {  	s7 =	simm.s32 $0x40;
	s2 =	simm.s32 $0x200;
	s0 =	simm.s32 $0x0;
	v10 =	vshll.u32 v11, $0xC;
	v11 =	vand.u32 $0xFFFFFC00, v62;
	v3 =	vor.u32 $0x180, v3  }
.LBB2_89:
0x35b: {  	s8 =	sand.u32 $0x40, s7;
	s9 =	sand.u32 $0xC00, s2;
	s0 =	sadd.s32 $0x4, s0;
	v8 =	vand.u32 $0xFFFFFC00, v8;
	v4 =	vadd.s32 v9, v4;
	v9 =	vadd.s32 v11, v10  }
0x35c: {  	v6 =	vand.u32 $0x7F, v6;
	v5 =	vand.u32 $0x7F, v5;
	s8 =	sor.u32 s8, s9;
	p0 =	slt.u32 s0, $0x1C;
	v7 =	vadd.s32 v8, v7  }
0x35d: {  	v8 =	vand.u32 $0x7F, v2;
	v4 =	vor.u32 v6, v4;
	v5 =	vor.u32 v5, v9;
	v10 =	vld [tilespmem:s8+$0x21B0]  }
0x35e: {  	v6 =	vor.u32 v8, v7;
	v4 =	vor.u32 $0x180, v4;
	v12 =	vor.u32 $0x180, v5;
	v9 =	vld [tilespmem:s8+$0x2180]  }
0x35f: {  	v2 =	vadd.s32 $0x40, v2;
	v13 =	vor.u32 $0x180, v6;
	v11 =	vld [tilespmem:s8+$0x2190];
	[tilespmem:v3+s17+$0x0] =	vst.idx.msk $0xffff, v1  }
0x360: {  	v5 =	vadd.s32 $0x20, v2;
	v14 =	vadd.s32 $0x30, v2;
	v6 =	vadd.s32 $0x10, v2;
	v3 =	vld [tilespmem:s8+$0x21A0]  }
.Ltmp45:
0x361: {  	v16 =	vshll.u32 v5, $0x3;
	v7 =	vshll.u32 v14, $0x3;
	v15 =	vshll.u32 v6, $0x3;
	(pc) =	sbr.rel @p0 .LBB2_89-.Ltmp45, $4  }
0x362: {  	v8 =	vshll.u32 v2, $0x3;
	v17 =	vand.u32 $0xFFFFFC00, v7;
	v10 =	vshll.u32 v10, $0xC  }
0x363: {  	v14 =	vand.u32 $0x7F, v14;
	v7 =	vshll.u32 v9, $0xC;
	v10 =	vadd.s32 v17, v10;
	[tilespmem:v4+s17+$0x0] =	vst.idx.msk $0xffff, v1  }
0x364: {  	v9 =	vand.u32 $0xFFFFFC00, v15;
	v4 =	vshll.u32 v11, $0xC;
	v14 =	vor.u32 v14, v10;
	[tilespmem:v13+s17+$0x0] =	vst.idx.msk $0xffff, v1  }
0x365: {  	s2 =	sadd.s32 $0x200, s2;
	s7 =	sadd.s32 $0x40, s7;
	v11 =	vand.u32 $0xFFFFFC00, v16;
	v10 =	vshll.u32 v3, $0xC;
	v3 =	vor.u32 $0x180, v14;
	[tilespmem:v12+s17+$0x0] =	vst.idx.msk $0xffff, v1  }
0x366: {  	v8 =	vand.u32 $0xFFFFFC00, v8  }
0x367: {  	v4 =	vadd.s32 v9, v4;
	v9 =	vadd.s32 v11, v10;
	v6 =	vand.u32 $0x7F, v6  }
0x368: {  	v2 =	vand.u32 $0x7F, v2;
	v5 =	vand.u32 $0x7F, v5;
	v4 =	vor.u32 v6, v4  }
0x369: {  	v7 =	vadd.s32 v8, v7;
	v5 =	vor.u32 v5, v9;
	v4 =	vor.u32 $0x180, v4  }
0x36a: {  	v2 =	vor.u32 v2, v7;
	v5 =	vor.u32 $0x180, v5  }
0x36b: {  	v2 =	vor.u32 $0x180, v2  }
0x36c: {  	p0 =	por $0x0, $0x0;
	s0 =	simm.s32 $0x1  }
0x36d: {  	[tilespmem:v3+s17+$0x0] =	vst.idx.msk $0xffff, v1;
	s0 =	simm.s32 @!p0 $0x0  }
0x36e: {  	s0 =	sshll.u32 s0, $0x6;
	[tilespmem:v4+s17+$0x0] =	vst.idx.msk $0xffff, v1  }
0x36f: {  	s2 =	sadd.s32 $0x0, s0;
	[tilespmem:v5+s17+$0x0] =	vst.idx.msk $0xffff, v1  }
0x370: {  	s7 =	sor.u32 $0x230, s2;
	[tilespmem:v2+s17+$0x0] =	vst.idx.msk $0xffff, v1  }
0x371: {  	s8 =	sor.u32 $0x200, s2;
	v3 =	vld [tilespmem:s7+$0x2000]  }
0x372: {  	s11 =	sor.u32 $0x210, s2;
	s2 =	sor.u32 $0x220, s2;
	v2 =	vlaneseq.u32;
	v5 =	vld [tilespmem:s8+$0x2000]  }
0x373: {  	v8 =	vadd.s32 $0x10, v2;
	v9 =	vadd.s32 $0x20, v2;
	v7 =	vld [tilespmem:s2+$0x2000]  }
0x374: {  	v6 =	vld [tilespmem:s11+$0x2000];
	v10 =	vadd.s32 $0x30, v2;
	v13 =	vshll.u32 v2, $0x3;
	v11 =	vshll.u32 v8, $0x3  }
0x375: {  	p0 =	por !p0, !p0;
	s2 =	simm.s32 $0x1;
	v12 =	vshll.u32 v9, $0x3;
	v4 =	vshll.u32 v10, $0x3;
	v8 =	vand.u32 $0x7F, v8  }
0x376: {  	s2 =	simm.s32 @!p0 $0x0;
	v9 =	vand.u32 $0x7F, v9;
	v4 =	vand.u32 $0xFFFFFC00, v4;
	v14 =	vshll.u32 v3, $0xC  }
0x377: {  	s2 =	sshll.u32 s2, $0x6;
	v15 =	vshll.u32 v5, $0xC;
	v3 =	vand.u32 $0x7F, v10;
	v5 =	vand.u32 $0xFFFFFC00, v11  }
0x378: {  	s28 =	sadd.s32 $0x200, s2;
	v11 =	vshll.u32 v7, $0xC;
	v7 =	vand.u32 $0xFFFFFC00, v13;
	v10 =	vadd.s32 v4, v14  }
0x379: {  	s29 =	sor.u32 $0x230, s28;
	v14 =	vshll.u32 v6, $0xC;
	v6 =	vand.u32 $0xFFFFFC00, v12;
	v13 =	vadd.s32 v7, v15  }
0x37a: {  	v21 =	vld [tilespmem:s29+$0x2000];
	v10 =	vor.u32 v3, v10;
	v12 =	vadd.s32 v5, v14;
	v11 =	vadd.s32 v6, v11  }
0x37b: {  	s9 =	sor.u32 $0x200, s28;
	v16 =	vor.u32 $0x200, v10;
	v10 =	vand.u32 $0x7F, v2;
	v12 =	vor.u32 v8, v12  }
0x37c: {  	v22 =	vld [tilespmem:s9+$0x2000];
	v11 =	vor.u32 v9, v11;
	v13 =	vor.u32 v10, v13;
	v24 =	vor.u32 $0x200, v12  }
0x37d: {  	s30 =	sor.u32 $0x210, s28;
	v12 =	vor.u32 $0x200, v11;
	v11 =	vadd.s32 $0x40, v2;
	v15 =	vor.u32 $0x200, v13  }
0x37e: {  	s31 =	sor.u32 $0x220, s28;
	v19 =	vld [tilespmem:s30+$0x2000];
	v14 =	vadd.s32 $0x10, v11;
	v13 =	vadd.s32 $0x20, v11;
	v23 =	vadd.s32 $0x30, v11  }
0x37f: {  	v18 =	vshll.u32 v11, $0x3;
	v26 =	vshll.u32 v21, $0xC;
	v21 =	vld [tilespmem:s31+$0x2000];
	v25 =	vshll.u32 v23, $0x3  }
0x380: {  	v20 =	vshll.u32 v14, $0x3;
	v17 =	vshll.u32 v13, $0x3;
	v25 =	vand.u32 $0xFFFFFC00, v25;
	[tilespmem:v16+s17+$0x0] =	vst.idx.msk $0xffff, v1  }
0x381: {  	p1 =	por !p0, !p0;
	s7 =	simm.s32 $0x4;
	s8 =	simm.s32 $0x200;
	v16 =	vshll.u32 v22, $0xC;
	v22 =	vand.u32 $0x7F, v23;
	v23 =	vadd.s32 v25, v26;
	[tilespmem:v24+s17+$0x0] =	vst.idx.msk $0xffff, v1  }
.LBB2_91:
0x382: {  	s9 =	simm.s32 $0x1  }
0x383: {  	s7 =	sadd.s32 $0x4, s7;
	v19 =	vshll.u32 v19, $0xC;
	v20 =	vand.u32 $0xFFFFFC00, v20;
	v22 =	vor.u32 v22, v23;
	[tilespmem:v15+s17+$0x0] =	vst.idx.msk $0xffff, v1;
	s9 =	simm.s32 @!p1 $0x0  }
0x384: {  	v17 =	vand.u32 $0xFFFFFC00, v17;
	s8 =	sadd.s32 $0x200, s8;
	p2 =	slt.u32 s7, $0x1C;
	v15 =	vshll.u32 v21, $0xC;
	v21 =	vor.u32 $0x200, v22;
	s9 =	sshll.u32 s9, $0x6;
	[tilespmem:v12+s17+$0x0] =	vst.idx.msk $0xffff, v1  }
0x385: {  	v12 =	vand.u32 $0xFFFFFC00, v18;
	v18 =	vadd.s32 v20, v19;
	v15 =	vadd.s32 v17, v15;
	s9 =	sadd.s32 s9, s8  }
0x386: {  	v14 =	vand.u32 $0x7F, v14;
	v13 =	vand.u32 $0x7F, v13;
	v12 =	vadd.s32 v12, v16;
	s28 =	sor.u32 $0x200, s9;
	s29 =	sor.u32 $0x210, s9;
	s30 =	sor.u32 $0x230, s9  }
0x387: {  	v17 =	vand.u32 $0x7F, v11;
	v14 =	vor.u32 v14, v18;
	v13 =	vor.u32 v13, v15;
	s9 =	sor.u32 $0x220, s9;
	v16 =	vld [tilespmem:s30+$0x2000]  }
0x388: {  	v15 =	vor.u32 v17, v12;
	v24 =	vor.u32 $0x200, v14;
	v12 =	vor.u32 $0x200, v13;
	v22 =	vld [tilespmem:s28+$0x2000]  }
.Ltmp46:
0x389: {  	v11 =	vadd.s32 $0x40, v11;
	v15 =	vor.u32 $0x200, v15;
	v19 =	vld [tilespmem:s29+$0x2000];
	[tilespmem:v21+s17+$0x0] =	vst.idx.msk $0xffff, v1;
	(pc) =	sbr.rel @p2 .LBB2_91-.Ltmp46, $4  }
0x38a: {  	v23 =	vadd.s32 $0x30, v11;
	v14 =	vadd.s32 $0x10, v11;
	v13 =	vadd.s32 $0x20, v11;
	v21 =	vld [tilespmem:s9+$0x2000]  }
0x38b: {  	v25 =	vshll.u32 v23, $0x3;
	v20 =	vshll.u32 v14, $0x3;
	v17 =	vshll.u32 v13, $0x3  }
0x38c: {  	v18 =	vshll.u32 v11, $0x3;
	v25 =	vand.u32 $0xFFFFFC00, v25;
	v26 =	vshll.u32 v16, $0xC  }
0x38d: {  	p1 =	por !p1, !p1;
	v16 =	vshll.u32 v22, $0xC;
	v22 =	vand.u32 $0x7F, v23;
	v23 =	vadd.s32 v25, v26;
	[tilespmem:v24+s17+$0x0] =	vst.idx.msk $0xffff, v1  }
0x38e: {  	v19 =	vshll.u32 v19, $0xC  }
0x38f: {  	v20 =	vand.u32 $0xFFFFFC00, v20;
	v22 =	vor.u32 v22, v23;
	v17 =	vand.u32 $0xFFFFFC00, v17  }
0x390: {  	v18 =	vand.u32 $0xFFFFFC00, v18;
	v14 =	vand.u32 $0x7F, v14;
	v11 =	vand.u32 $0x7F, v11  }
0x391: {  	v13 =	vand.u32 $0x7F, v13;
	v21 =	vshll.u32 v21, $0xC;
	v19 =	vadd.s32 v20, v19  }
0x392: {  	v22 =	vor.u32 $0x200, v22;
	v16 =	vadd.s32 v18, v16;
	v14 =	vor.u32 v14, v19  }
0x393: {  	v17 =	vadd.s32 v17, v21;
	v11 =	vor.u32 v11, v16;
	v14 =	vor.u32 $0x200, v14  }
0x394: {  	v13 =	vor.u32 v13, v17;
	v11 =	vor.u32 $0x200, v11  }
0x395: {  	[tilespmem:v15+s17+$0x0] =	vst.idx.msk $0xffff, v1;
	v13 =	vor.u32 $0x200, v13  }
0x396: {  	[tilespmem:v12+s17+$0x0] =	vst.idx.msk $0xffff, v1  }
0x397: {  	[tilespmem:v22+s17+$0x0] =	vst.idx.msk $0xffff, v1  }
0x398: {  	[tilespmem:v14+s17+$0x0] =	vst.idx.msk $0xffff, v1  }
0x399: {  	s0 =	sadd.s32 $0x0, s0;
	[tilespmem:v11+s17+$0x0] =	vst.idx.msk $0xffff, v1  }
0x39a: {  	s7 =	sor.u32 $0x2B0, s0;
	[tilespmem:v13+s17+$0x0] =	vst.idx.msk $0xffff, v1  }
0x39b: {  	s8 =	sor.u32 $0x280, s0;
	v11 =	vld [tilespmem:s7+$0x2000]  }
0x39c: {  	s11 =	sor.u32 $0x290, s0;
	v12 =	vld [tilespmem:s8+$0x2000]  }
0x39d: {  	v13 =	vld [tilespmem:s11+$0x2000]  }
0x39e: {  	s0 =	sor.u32 $0x2A0, s0  }
0x39f: {  	v14 =	vld [tilespmem:s0+$0x2000]  }
0x3a0: {  	v11 =	vshll.u32 v11, $0xC  }
0x3a1: {  	v4 =	vadd.s32 v4, v11  }
0x3a2: {  	s28 =	sadd.s32 $0x200, s2;
	v11 =	vshll.u32 v12, $0xC;
	v12 =	vshll.u32 v13, $0xC;
	v3 =	vor.u32 v3, v4  }
0x3a3: {  	v2 =	vadd.s32 $0x40, v2;
	s2 =	sor.u32 $0x2B0, s28;
	v13 =	vor.u32 $0x280, v3;
	v3 =	vadd.s32 v5, v12  }
0x3a4: {  	s29 =	sor.u32 $0x280, s28;
	v4 =	vshll.u32 v14, $0xC;
	v5 =	vadd.s32 v7, v11;
	v7 =	vld [tilespmem:s2+$0x2000];
	v3 =	vor.u32 v8, v3  }
0x3a5: {  	v61 =	vadd.s32 $0x30, v2;
	v14 =	vld [tilespmem:s29+$0x2000];
	v4 =	vadd.s32 v6, v4;
	v15 =	vor.u32 $0x280, v3  }
0x3a6: {  	s30 =	sor.u32 $0x290, s28;
	v12 =	vshll.u32 v61, $0x3;
	v4 =	vor.u32 v9, v4;
	v5 =	vor.u32 v10, v5  }
0x3a7: {  	s31 =	sor.u32 $0x2A0, s28;
	v10 =	vld [tilespmem:s30+$0x2000];
	v9 =	vshll.u32 v2, $0x3;
	v63 =	vand.u32 $0xFFFFFC00, v12;
	v6 =	vor.u32 $0x280, v5  }
0x3a8: {  	v12 =	vld [tilespmem:s31+$0x2000];
	v3 =	vor.u32 $0x280, v4;
	v5 =	vadd.s32 $0x10, v2;
	v4 =	vadd.s32 $0x20, v2  }
0x3a9: {  	v11 =	vshll.u32 v5, $0x3;
	v8 =	vshll.u32 v4, $0x3;
	[tilespmem:v13+s17+$0x0] =	vst.idx.msk $0xffff, v1;
	v62 =	vshll.u32 v7, $0xC  }
0x3aa: {  	p0 =	por !p0, !p0;
	s0 =	simm.s32 $0x4;
	s2 =	simm.s32 $0x200;
	v7 =	vshll.u32 v14, $0xC;
	v13 =	vand.u32 $0x7F, v61;
	v14 =	vadd.s32 v63, v62;
	[tilespmem:v15+s17+$0x0] =	vst.idx.msk $0xffff, v1  }
.LBB2_93:
0x3ab: {  	s7 =	simm.s32 $0x1  }
0x3ac: {  	s0 =	sadd.s32 $0x4, s0;
	v10 =	vshll.u32 v10, $0xC;
	v11 =	vand.u32 $0xFFFFFC00, v11;
	v13 =	vor.u32 v13, v14;
	[tilespmem:v6+s17+$0x0] =	vst.idx.msk $0xffff, v1;
	s7 =	simm.s32 @!p0 $0x0  }
0x3ad: {  	v8 =	vand.u32 $0xFFFFFC00, v8;
	s2 =	sadd.s32 $0x200, s2;
	p1 =	slt.u32 s0, $0x1C;
	v6 =	vshll.u32 v12, $0xC;
	v12 =	vor.u32 $0x280, v13;
	s7 =	sshll.u32 s7, $0x6;
	[tilespmem:v3+s17+$0x0] =	vst.idx.msk $0xffff, v1  }
0x3ae: {  	v3 =	vand.u32 $0xFFFFFC00, v9;
	v9 =	vadd.s32 v11, v10;
	v6 =	vadd.s32 v8, v6;
	s7 =	sadd.s32 s7, s2  }
0x3af: {  	v5 =	vand.u32 $0x7F, v5;
	v4 =	vand.u32 $0x7F, v4;
	v3 =	vadd.s32 v3, v7;
	s8 =	sor.u32 $0x280, s7;
	s9 =	sor.u32 $0x290, s7;
	s28 =	sor.u32 $0x2B0, s7  }
0x3b0: {  	v8 =	vand.u32 $0x7F, v2;
	v5 =	vor.u32 v5, v9;
	v4 =	vor.u32 v4, v6;
	s7 =	sor.u32 $0x2A0, s7;
	v7 =	vld [tilespmem:s28+$0x2000]  }
0x3b1: {  	v6 =	vor.u32 v8, v3;
	v15 =	vor.u32 $0x280, v5;
	v3 =	vor.u32 $0x280, v4;
	v13 =	vld [tilespmem:s8+$0x2000]  }
.Ltmp47:
0x3b2: {  	v2 =	vadd.s32 $0x40, v2;
	v6 =	vor.u32 $0x280, v6;
	v10 =	vld [tilespmem:s9+$0x2000];
	[tilespmem:v12+s17+$0x0] =	vst.idx.msk $0xffff, v1;
	(pc) =	sbr.rel @p1 .LBB2_93-.Ltmp47, $4  }
0x3b3: {  	v14 =	vadd.s32 $0x30, v2;
	v5 =	vadd.s32 $0x10, v2;
	v4 =	vadd.s32 $0x20, v2;
	v12 =	vld [tilespmem:s7+$0x2000]  }
0x3b4: {  	v16 =	vshll.u32 v14, $0x3;
	v11 =	vshll.u32 v5, $0x3;
	v8 =	vshll.u32 v4, $0x3  }
0x3b5: {  	v9 =	vshll.u32 v2, $0x3;
	v16 =	vand.u32 $0xFFFFFC00, v16;
	v17 =	vshll.u32 v7, $0xC  }
0x3b6: {  	p0 =	por !p0, !p0;
	v7 =	vshll.u32 v13, $0xC;
	v13 =	vand.u32 $0x7F, v14;
	v14 =	vadd.s32 v16, v17;
	[tilespmem:v15+s17+$0x0] =	vst.idx.msk $0xffff, v1  }
0x3b7: {  	v10 =	vshll.u32 v10, $0xC  }
0x3b8: {  	v11 =	vand.u32 $0xFFFFFC00, v11;
	v13 =	vor.u32 v13, v14;
	v8 =	vand.u32 $0xFFFFFC00, v8  }
0x3b9: {  	v9 =	vand.u32 $0xFFFFFC00, v9;
	v5 =	vand.u32 $0x7F, v5;
	v2 =	vand.u32 $0x7F, v2  }
0x3ba: {  	v4 =	vand.u32 $0x7F, v4;
	v12 =	vshll.u32 v12, $0xC;
	v10 =	vadd.s32 v11, v10  }
0x3bb: {  	v13 =	vor.u32 $0x280, v13;
	v7 =	vadd.s32 v9, v7;
	v5 =	vor.u32 v5, v10  }
0x3bc: {  	v8 =	vadd.s32 v8, v12;
	v2 =	vor.u32 v2, v7;
	v5 =	vor.u32 $0x280, v5  }
0x3bd: {  	v4 =	vor.u32 v4, v8;
	v2 =	vor.u32 $0x280, v2  }
0x3be: {  	[tilespmem:v6+s17+$0x0] =	vst.idx.msk $0xffff, v1;
	v4 =	vor.u32 $0x280, v4  }
0x3bf: {  	[tilespmem:v3+s17+$0x0] =	vst.idx.msk $0xffff, v1;
	p1 =	por $0x0, $0x0;
	s0 =	simm.s32 $0x1  }
0x3c0: {  	s0 =	simm.s32 @!p1 $0x0;
	[tilespmem:v13+s17+$0x0] =	vst.idx.msk $0xffff, v1  }
0x3c1: {  	s0 =	sshll.u32 s0, $0x6;
	[tilespmem:v5+s17+$0x0] =	vst.idx.msk $0xffff, v1  }
0x3c2: {  	s0 =	sadd.s32 $0x0, s0;
	[tilespmem:v2+s17+$0x0] =	vst.idx.msk $0xffff, v1  }
0x3c3: {  	s2 =	sor.u32 $0x330, s0;
	[tilespmem:v4+s17+$0x0] =	vst.idx.msk $0xffff, v1  }
0x3c4: {  	s7 =	sor.u32 $0x300, s0;
	v8 =	vld [tilespmem:s2+$0x2000]  }
0x3c5: {  	p0 =	por $0x1, $0x1;
	v9 =	vld [tilespmem:s7+$0x2000]  }
.Ltmp48:
0x3c6: {  	v2 =	vlaneseq.u32;
	(pc) =	sbr.rel @!p0 .LBB2_95-.Ltmp48, $4  }
0x3c7: {  	v4 =	vadd.s32 $0x10, v2;
	v3 =	vadd.s32 $0x20, v2;
	v10 =	vadd.s32 $0x30, v2  }
0x3c8: {  	s31 =	sor.u32 $0x310, s0;
	v7 =	vshll.u32 v2, $0x3;
	v6 =	vshll.u32 v4, $0x3;
	v11 =	vshll.u32 v10, $0x3  }
0x3c9: {  	s0 =	sor.u32 $0x320, s0;
	v5 =	vshll.u32 v3, $0x3;
	v16 =	vld [tilespmem:s31+$0x2000];
	v12 =	vshll.u32 v8, $0xC;
	v8 =	vand.u32 $0xFFFFFC00, v11  }
0x3ca: {  	s28 =	simm.s32 $0x0;
	p2 =	por !p1, !p1;
	v17 =	vld [tilespmem:s0+$0x2000];
	v15 =	vshll.u32 v9, $0xC;
	v9 =	vand.u32 $0x7F, v10;
	v21 =	vadd.s32 v8, v12  }
0x3cb: {  	_ = 	snop  }
0x3cc: {  	s0 =	simm.s32 $0x1  }
0x3cd: {  	v11 =	vand.u32 $0xFFFFFC00, v6;
	v12 =	vor.u32 v9, v21;
	s0 =	simm.s32 @!p2 $0x0  }
0x3ce: {  	v14 =	vand.u32 $0xFFFFFC00, v5;
	s0 =	sshll.u32 s0, $0x6;
	v10 =	vshll.u32 v16, $0xC;
	v16 =	vand.u32 $0x7F, v2  }
0x3cf: {  	s2 =	sadd.s32 $0x200, s0;
	v13 =	vshll.u32 v17, $0xC;
	v17 =	vor.u32 $0x300, v12;
	v12 =	vand.u32 $0xFFFFFC00, v7  }
0x3d0: {  	v10 =	vadd.s32 v11, v10;
	s0 =	sor.u32 $0x330, s2;
	v11 =	vadd.s32 v14, v13;
	v13 =	vand.u32 $0x7F, v4  }
0x3d1: {  	s7 =	sor.u32 $0x300, s2;
	v12 =	vadd.s32 v12, v15;
	v14 =	vand.u32 $0x7F, v3;
	v15 =	vld [tilespmem:s0+$0x2000];
	v10 =	vor.u32 v13, v10  }
0x3d2: {  	p3 =	por $0x1, $0x1;
	v21 =	vld [tilespmem:s7+$0x2000];
	v11 =	vor.u32 v14, v11;
	v12 =	vor.u32 v16, v12;
	v23 =	vor.u32 $0x300, v10  }
.Ltmp49:
0x3d3: {  	s31 =	sor.u32 $0x310, s2;
	v11 =	vor.u32 $0x300, v11;
	v13 =	vor.u32 $0x300, v12;
	v10 =	vadd.s32 $0x40, v2;
	(pc) =	sbr.rel @!p3 .LBB2_98-.Ltmp49, $4  }
0x3d4: {  	s8 =	sor.u32 $0x320, s2;
	v16 =	vld [tilespmem:s31+$0x2000];
	v14 =	vadd.s32 $0x10, v10;
	v12 =	vadd.s32 $0x20, v10;
	v22 =	vadd.s32 $0x30, v10  }
0x3d5: {  	v19 =	vshll.u32 v10, $0x3;
	v20 =	vshll.u32 v14, $0x3;
	v24 =	vshll.u32 v22, $0x3;
	[tilespmem:v17+s17+$0x0] =	vst.idx.msk $0xffff, v1;
	v17 =	vld [tilespmem:s8+$0x2000]  }
0x3d6: {  	p1 =	por $0x1, $0x1;
	v18 =	vshll.u32 v12, $0x3;
	v25 =	vshll.u32 v15, $0xC;
	v24 =	vand.u32 $0xFFFFFC00, v24  }
0x3d7: {  	p2 =	por !p2, !p2;
	s2 =	simm.s32 $0x200;
	s0 =	simm.s32 $0x4;
	v22 =	vand.u32 $0x7F, v22;
	v15 =	vshll.u32 v21, $0xC;
	v21 =	vadd.s32 v24, v25;
	[tilespmem:v23+s17+$0x0] =	vst.idx.msk $0xffff, v1  }
.LBB2_97:
0x3d8: {  	s7 =	simm.s32 $0x1  }
0x3d9: {  	s0 =	sadd.s32 $0x4, s0;
	v16 =	vshll.u32 v16, $0xC;
	v20 =	vand.u32 $0xFFFFFC00, v20;
	v21 =	vor.u32 v22, v21;
	[tilespmem:v13+s17+$0x0] =	vst.idx.msk $0xffff, v1;
	s7 =	simm.s32 @!p2 $0x0  }
0x3da: {  	s2 =	sadd.s32 $0x200, s2;
	p3 =	slt.u32 s0, $0x1C;
	v13 =	vshll.u32 v17, $0xC;
	v17 =	vand.u32 $0xFFFFFC00, v18;
	v18 =	vor.u32 $0x300, v21;
	s7 =	sshll.u32 s7, $0x6;
	[tilespmem:v11+s17+$0x0] =	vst.idx.msk $0xffff, v1  }
0x3db: {  	v16 =	vadd.s32 v20, v16;
	v11 =	vand.u32 $0xFFFFFC00, v19;
	v13 =	vadd.s32 v17, v13;
	s7 =	sadd.s32 s7, s2  }
0x3dc: {  	v14 =	vand.u32 $0x7F, v14;
	v12 =	vand.u32 $0x7F, v12;
	v11 =	vadd.s32 v11, v15;
	s8 =	sor.u32 $0x300, s7;
	s9 =	sor.u32 $0x310, s7;
	s29 =	sor.u32 $0x330, s7  }
0x3dd: {  	v17 =	vand.u32 $0x7F, v10;
	v14 =	vor.u32 v14, v16;
	v12 =	vor.u32 v12, v13;
	s7 =	sor.u32 $0x320, s7;
	v15 =	vld [tilespmem:s29+$0x2000]  }
0x3de: {  	v23 =	vor.u32 $0x300, v14;
	v13 =	vor.u32 v17, v11;
	v11 =	vor.u32 $0x300, v12;
	v21 =	vld [tilespmem:s8+$0x2000]  }
.Ltmp50:
0x3df: {  	v10 =	vadd.s32 $0x40, v10;
	v13 =	vor.u32 $0x300, v13;
	v16 =	vld [tilespmem:s9+$0x2000];
	[tilespmem:v18+s17+$0x0] =	vst.idx.msk $0xffff, v1;
	(pc) =	sbr.rel @p3 .LBB2_97-.Ltmp50, $4  }
0x3e0: {  	v14 =	vadd.s32 $0x10, v10;
	v22 =	vadd.s32 $0x30, v10;
	v12 =	vadd.s32 $0x20, v10;
	v17 =	vld [tilespmem:s7+$0x2000]  }
0x3e1: {  	v20 =	vshll.u32 v14, $0x3;
	v24 =	vshll.u32 v22, $0x3;
	v18 =	vshll.u32 v12, $0x3  }
0x3e2: {  	v19 =	vshll.u32 v10, $0x3;
	v24 =	vand.u32 $0xFFFFFC00, v24;
	v25 =	vshll.u32 v15, $0xC  }
0x3e3: {  	p2 =	por !p2, !p2;
	v22 =	vand.u32 $0x7F, v22;
	v15 =	vshll.u32 v21, $0xC;
	v21 =	vadd.s32 v24, v25;
	[tilespmem:v23+s17+$0x0] =	vst.idx.msk $0xffff, v1  }
.LBB2_98:
0x3e4: {  	v20 =	vand.u32 $0xFFFFFC00, v20  }
0x3e5: {  	v21 =	vor.u32 v22, v21;
	v18 =	vand.u32 $0xFFFFFC00, v18;
	v19 =	vand.u32 $0xFFFFFC00, v19  }
0x3e6: {  	v14 =	vand.u32 $0x7F, v14;
	v10 =	vand.u32 $0x7F, v10;
	v12 =	vand.u32 $0x7F, v12  }
0x3e7: {  	v16 =	vshll.u32 v16, $0xC;
	v21 =	vor.u32 $0x300, v21;
	v15 =	vadd.s32 v19, v15  }
0x3e8: {  	v17 =	vshll.u32 v17, $0xC;
	v16 =	vadd.s32 v20, v16;
	v10 =	vor.u32 v10, v15  }
0x3e9: {  	v17 =	vadd.s32 v18, v17;
	v14 =	vor.u32 v14, v16;
	v10 =	vor.u32 $0x300, v10  }
0x3ea: {  	v14 =	vor.u32 $0x300, v14;
	v12 =	vor.u32 v12, v17  }
0x3eb: {  	[tilespmem:v13+s17+$0x0] =	vst.idx.msk @p1 $0xffff, v1;
	v12 =	vor.u32 $0x300, v12  }
0x3ec: {  	[tilespmem:v11+s17+$0x0] =	vst.idx.msk @p1 $0xffff, v1  }
0x3ed: {  	[tilespmem:v21+s17+$0x0] =	vst.idx.msk $0xffff, v1  }
0x3ee: {  	[tilespmem:v10+s17+$0x0] =	vst.idx.msk $0xffff, v1  }
0x3ef: {  	s0 =	simm.s32 $0x0;
	[tilespmem:v14+s17+$0x0] =	vst.idx.msk $0xffff, v1  }
0x3f0: {  	s2 =	sor.u32 $0x3B0, s0;
	[tilespmem:v12+s17+$0x0] =	vst.idx.msk $0xffff, v1  }
0x3f1: {  	s7 =	sor.u32 $0x380, s0;
	v10 =	vld [tilespmem:s2+$0x2000]  }
0x3f2: {  	s30 =	sor.u32 $0x390, s0;
	v11 =	vld [tilespmem:s7+$0x2000]  }
0x3f3: {  	s31 =	sor.u32 $0x3A0, s0;
	v12 =	vld [tilespmem:s30+$0x2000]  }
0x3f4: {  	v13 =	vld [tilespmem:s31+$0x2000];
	_ =	sdelay $0x1  }
.Ltmp51:
0x3f5: {  	v62 =	vshll.u32 v10, $0xC;
	(pc) =	sbr.rel @!p0 .LBB2_100-.Ltmp51, $4  }
0x3f6: {  	v6 =	vand.u32 $0xFFFFFC00, v6;
	v8 =	vadd.s32 v8, v62  }
0x3f7: {  	v63 =	vand.u32 $0xFFFFFC00, v5;
	v10 =	vshll.u32 v11, $0xC;
	v8 =	vor.u32 v9, v8  }
0x3f8: {  	v11 =	vshll.u32 v12, $0xC;
	v9 =	vshll.u32 v13, $0xC;
	v5 =	vor.u32 $0x380, v8  }
0x3f9: {  	s2 =	simm.s32 $0x240;
	v8 =	vand.u32 $0xFFFFFC00, v7;
	v7 =	vadd.s32 v6, v11;
	v6 =	vadd.s32 v63, v9  }
.LBB2_99:
0x3fa: {  	s7 =	sor.u32 $0x390, s2;
	s8 =	sor.u32 $0x3B0, s2;
	s28 =	sadd.s32 $0x4, s28;
	v8 =	vadd.s32 v8, v10;
	v4 =	vand.u32 $0x7F, v4;
	v3 =	vand.u32 $0x7F, v3  }
0x3fb: {  	s9 =	sor.u32 $0x380, s2;
	s29 =	sor.u32 $0x3A0, s2;
	v10 =	vand.u32 $0x7F, v2;
	v9 =	vld [tilespmem:s8+$0x2000];
	p0 =	slt.u32 s28, $0x1C;
	v4 =	vor.u32 v4, v7;
	v3 =	vor.u32 v3, v6  }
0x3fc: {  	v7 =	vor.u32 v10, v8;
	v6 =	vld [tilespmem:s9+$0x2000];
	v8 =	vor.u32 $0x380, v4;
	v11 =	vor.u32 $0x380, v3  }
0x3fd: {  	v2 =	vadd.s32 $0x40, v2;
	v7 =	vor.u32 $0x380, v7;
	v12 =	vld [tilespmem:s7+$0x2000];
	[tilespmem:v5+s17+$0x0] =	vst.idx.msk $0xffff, v1  }
0x3fe: {  	v13 =	vadd.s32 $0x30, v2;
	v4 =	vadd.s32 $0x10, v2;
	v3 =	vadd.s32 $0x20, v2;
	v5 =	vld [tilespmem:s29+$0x2000]  }
0x3ff: {  	v10 =	vshll.u32 v13, $0x3;
	v14 =	vshll.u32 v4, $0x3;
	v15 =	vshll.u32 v3, $0x3  }
.Ltmp52:
0x400: {  	v16 =	vshll.u32 v2, $0x3;
	v17 =	vand.u32 $0xFFFFFC00, v10;
	v9 =	vshll.u32 v9, $0xC;
	(pc) =	sbr.rel @p0 .LBB2_99-.Ltmp52, $4  }
0x401: {  	v10 =	vshll.u32 v6, $0xC;
	v6 =	vand.u32 $0x7F, v13;
	v9 =	vadd.s32 v17, v9;
	[tilespmem:v8+s17+$0x0] =	vst.idx.msk $0xffff, v1  }
0x402: {  	v13 =	vand.u32 $0xFFFFFC00, v14;
	v12 =	vshll.u32 v12, $0xC;
	v6 =	vor.u32 v6, v9;
	[tilespmem:v7+s17+$0x0] =	vst.idx.msk $0xffff, v1  }
0x403: {  	v14 =	vand.u32 $0xFFFFFC00, v15;
	v9 =	vshll.u32 v5, $0xC;
	v5 =	vor.u32 $0x380, v6;
	[tilespmem:v11+s17+$0x0] =	vst.idx.msk $0xffff, v1  }
0x404: {  	s2 =	sadd.s32 $0x240, s2;
	v8 =	vand.u32 $0xFFFFFC00, v16;
	v7 =	vadd.s32 v13, v12;
	v6 =	vadd.s32 v14, v9  }
.LBB2_100:
0x405: {  	v4 =	vand.u32 $0x7F, v4  }
0x406: {  	v8 =	vadd.s32 v8, v10;
	v2 =	vand.u32 $0x7F, v2;
	v4 =	vor.u32 v4, v7  }
0x407: {  	v3 =	vand.u32 $0x7F, v3;
	v2 =	vor.u32 v2, v8;
	v4 =	vor.u32 $0x380, v4  }
0x408: {  	v3 =	vor.u32 v3, v6;
	v2 =	vor.u32 $0x380, v2  }
0x409: {  	v3 =	vor.u32 $0x380, v3;
	_ =	sdelay $0x1  }
0x40a: {  	[tilespmem:v5+s17+$0x0] =	vst.idx.msk $0xffff, v1  }
0x40b: {  	[tilespmem:v4+s17+$0x0] =	vst.idx.msk $0xffff, v1  }
0x40c: {  	[tilespmem:v2+s17+$0x0] =	vst.idx.msk $0xffff, v1  }
0x40d: {  	[tilespmem:v3+s17+$0x0] =	vst.idx.msk $0xffff, v1  }
0x40e: {  	_ =	swait.ge [sflag:s20], $0x1000  }
0x40f: {  	s2 =	sand.u32 $0x40, s0;
	s11 =	sand.u32 $0xC00, s0;
	[sflag:s20] =	ssyncset.done $0x0  }
0x410: {  	s29 =	sor.u32 s2, s11;
	[sflag:s20] =	ssyncadd.s32 $0xFFFFF000  }
0x411: {  	v18 =	vld [tilespmem:s29+$0x30]  }
0x412: {  	v2 =	vlaneseq.u32;
	v9 =	vld [tilespmem:s29+$0x0]  }
0x413: {  	v10 =	vadd.s32 $0x10, v2;
	v11 =	vld [tilespmem:s29+$0x10]  }
0x414: {  	v12 =	vadd.s32 $0x20, v2;
	v3 =	vadd.s32 $0x30, v2;
	v6 =	vshll.u32 v2, $0x3  }
0x415: {  	s30 =	simm.s32 $0x200;
	s31 =	simm.s32 $0x40;
	v5 =	vshll.u32 v10, $0x3;
	v4 =	vshll.u32 v3, $0x3;
	v3 =	vand.u32 $0x7F, v3  }
0x416: {  	s2 =	sand.u32 $0x40, s31;
	s0 =	sand.u32 $0xC00, s30;
	v6 =	vand.u32 $0xFFFFFC00, v6;
	v4 =	vand.u32 $0xFFFFFC00, v4;
	v8 =	vshll.u32 v18, $0xC  }
0x417: {  	s28 =	sor.u32 s2, s0;
	v5 =	vand.u32 $0xFFFFFC00, v5;
	v13 =	vshll.u32 v9, $0xC;
	v8 =	vadd.s32 v4, v8  }
0x418: {  	v14 =	vshll.u32 v11, $0xC;
	v17 =	vadd.s32 v6, v13;
	v13 =	vld [tilespmem:s28+$0x30];
	v19 =	vor.u32 v3, v8  }
0x419: {  	v7 =	vshll.u32 v12, $0x3;
	v10 =	vand.u32 $0x7F, v10;
	v15 =	vld [tilespmem:s29+$0x20];
	v14 =	vadd.s32 v5, v14  }
0x41a: {  	v21 =	vld [tilespmem:s28+$0x0];
	[tilespmem:s29+$0x2000] =	vst v9;
	v9 =	vand.u32 $0x7F, v12;
	v12 =	vor.u32 v10, v14;
	v14 =	vadd.s32 $0x40, v2  }
0x41b: {  	v23 =	vadd.s32 $0x30, v14  }
0x41c: {  	[tilespmem:s29+$0x2030] =	vst v18;
	v8 =	vand.u32 $0xFFFFFC00, v7;
	v7 =	vand.u32 $0x7F, v2;
	v24 =	vshll.u32 v23, $0x3  }
0x41d: {  	v25 =	vor.u32 v7, v17;
	v17 =	vld [tilespmem:s28+$0x10];
	v24 =	vand.u32 $0xFFFFFC00, v24;
	[tilespmem:v19+s17+$0x0] =	vst.idx.msk $0xffff, v0;
	v19 =	vshll.u32 v13, $0xC  }
0x41e: {  	v16 =	vshll.u32 v15, $0xC;
	[tilespmem:s29+$0x2020] =	vst v15;
	v27 =	vadd.s32 v24, v19;
	v19 =	vld [tilespmem:s28+$0x20]  }
0x41f: {  	[tilespmem:s28+$0x2000] =	vst v21;
	v21 =	vshll.u32 v21, $0xC;
	v16 =	vadd.s32 v8, v16;
	v15 =	vadd.s32 $0x20, v14  }
0x420: {  	[tilespmem:s29+$0x2010] =	vst v11;
	v22 =	vshll.u32 v14, $0x3;
	v11 =	vor.u32 v9, v16;
	v16 =	vadd.s32 $0x10, v14  }
0x421: {  	s7 =	simm.s32 $0x400;
	v20 =	vshll.u32 v15, $0x3;
	v26 =	vand.u32 $0x7F, v23;
	v18 =	vshll.u32 v16, $0x3  }
0x422: {  	s8 =	simm.s32 $0x80;
	s2 =	simm.s32 $0x4;
	s0 =	smov.u32 s28;
	v23 =	vshll.u32 v17, $0xC;
	v24 =	vand.u32 $0xFFFFFC00, v18;
	[tilespmem:v25+s17+$0x0] =	vst.idx.msk $0xffff, v0;
	v18 =	vor.u32 v26, v27  }
.LBB2_101:
0x423: {  	s9 =	sand.u32 $0x40, s8;
	s30 =	sand.u32 $0xC00, s7;
	s2 =	sadd.s32 $0x4, s2;
	v22 =	vand.u32 $0xFFFFFC00, v22;
	[tilespmem:s0+$0x2010] =	vst v17;
	v17 =	vshll.u32 v19, $0xC;
	v20 =	vand.u32 $0xFFFFFC00, v20  }
0x424: {  	s9 =	sor.u32 s9, s30;
	p0 =	slt.u32 s2, $0x1C;
	v21 =	vadd.s32 v22, v21;
	v22 =	vadd.s32 v24, v23;
	[tilespmem:s0+$0x2020] =	vst v19;
	v17 =	vadd.s32 v20, v17  }
0x425: {  	v16 =	vand.u32 $0x7F, v16;
	v15 =	vand.u32 $0x7F, v15;
	v19 =	vand.u32 $0x7F, v14;
	v23 =	vld [tilespmem:s9+$0x30];
	[tilespmem:v12+s17+$0x0] =	vst.idx.msk $0xffff, v0  }
0x426: {  	v25 =	vor.u32 v19, v21;
	v12 =	vor.u32 v16, v22;
	v20 =	vor.u32 v15, v17;
	v24 =	vld [tilespmem:s9+$0x0];
	[tilespmem:s0+$0x2030] =	vst v13;
	s0 =	smov.u32 s9  }
0x427: {  	v14 =	vadd.s32 $0x40, v14;
	v17 =	vld [tilespmem:s0+$0x10];
	[tilespmem:v18+s17+$0x0] =	vst.idx.msk $0xffff, v0  }
.Ltmp53:
0x428: {  	v16 =	vadd.s32 $0x10, v14;
	v15 =	vadd.s32 $0x20, v14;
	v18 =	vadd.s32 $0x30, v14;
	v19 =	vld [tilespmem:s0+$0x20];
	[tilespmem:v11+s17+$0x0] =	vst.idx.msk $0xffff, v0;
	v11 =	vmovc v20;
	(pc) =	sbr.rel @p0 .LBB2_101-.Ltmp53, $4  }
0x429: {  	v26 =	vshll.u32 v16, $0x3;
	v20 =	vshll.u32 v15, $0x3;
	v21 =	vshll.u32 v18, $0x3  }
0x42a: {  	v22 =	vshll.u32 v14, $0x3;
	v28 =	vand.u32 $0xFFFFFC00, v21;
	v27 =	vshll.u32 v23, $0xC;
	v13 =	vmovc v23  }
0x42b: {  	v18 =	vand.u32 $0x7F, v18;
	[tilespmem:s0+$0x2000] =	vst v24;
	v21 =	vshll.u32 v24, $0xC;
	v27 =	vadd.s32 v28, v27  }
0x42c: {  	s7 =	sadd.s32 $0x200, s7;
	s8 =	sadd.s32 $0x40, s8;
	v24 =	vand.u32 $0xFFFFFC00, v26;
	v23 =	vshll.u32 v17, $0xC;
	v18 =	vor.u32 v18, v27;
	[tilespmem:v25+s17+$0x0] =	vst.idx.msk $0xffff, v0  }
0x42d: {  	_ =	sdelay $0x1  }
0x42e: {  	v22 =	vand.u32 $0xFFFFFC00, v22;
	v25 =	vshll.u32 v19, $0xC  }
0x42f: {  	[tilespmem:s0+$0x2010] =	vst v17;
	v17 =	vand.u32 $0xFFFFFC00, v20;
	v62 =	vadd.s32 v24, v23;
	v16 =	vand.u32 $0x7F, v16  }
0x430: {  	v14 =	vand.u32 $0x7F, v14;
	[tilespmem:v12+s17+$0x0] =	vst.idx.msk $0xffff, v0;
	v61 =	vadd.s32 v22, v21;
	v12 =	vor.u32 v16, v62  }
0x431: {  	[tilespmem:s0+$0x2020] =	vst v19;
	v15 =	vand.u32 $0x7F, v15;
	v17 =	vadd.s32 v17, v25;
	v14 =	vor.u32 v14, v61  }
0x432: {  	[tilespmem:s0+$0x2030] =	vst v13;
	v15 =	vor.u32 v15, v17  }
0x433: {  	[tilespmem:v11+s17+$0x0] =	vst.idx.msk $0xffff, v0  }
0x434: {  	[tilespmem:v18+s17+$0x0] =	vst.idx.msk $0xffff, v0  }
0x435: {  	[tilespmem:v12+s17+$0x0] =	vst.idx.msk $0xffff, v0  }
0x436: {  	[tilespmem:v14+s17+$0x0] =	vst.idx.msk $0xffff, v0  }
0x437: {  	[tilespmem:v15+s17+$0x0] =	vst.idx.msk $0xffff, v0  }
0x438: {  	v11 =	vld [tilespmem:s29+$0xB0]  }
0x439: {  	v12 =	vld [tilespmem:s29+$0x80]  }
0x43a: {  	v13 =	vld [tilespmem:s29+$0x90]  }
0x43b: {  	v14 =	vld [tilespmem:s29+$0xA0];
	_ =	sdelay $0x2  }
0x43c: {  	v2 =	vadd.s32 $0x40, v2;
	v15 =	vshll.u32 v11, $0xC  }
0x43d: {  	v16 =	vshll.u32 v13, $0xC;
	v4 =	vadd.s32 v4, v15;
	v15 =	vshll.u32 v12, $0xC  }
0x43e: {  	[tilespmem:s29+$0x2080] =	vst v12;
	v12 =	vadd.s32 $0x30, v2;
	v3 =	vor.u32 v3, v4;
	v4 =	vshll.u32 v14, $0xC  }
0x43f: {  	v17 =	vor.u32 $0x80, v3;
	v3 =	vadd.s32 v5, v16;
	v5 =	vadd.s32 v8, v4;
	v4 =	vld [tilespmem:s28+$0xB0]  }
0x440: {  	[tilespmem:s29+$0x20B0] =	vst v11;
	v6 =	vadd.s32 v6, v15;
	v11 =	vshll.u32 v12, $0x3;
	v8 =	vor.u32 v9, v5;
	v9 =	vld [tilespmem:s28+$0x80]  }
0x441: {  	v15 =	vld [tilespmem:s28+$0x90];
	v6 =	vor.u32 v7, v6;
	v7 =	vadd.s32 $0x20, v2;
	v3 =	vor.u32 v10, v3  }
0x442: {  	[tilespmem:s29+$0x2090] =	vst v13;
	v16 =	vor.u32 $0x80, v6;
	v6 =	vld [tilespmem:s28+$0xA0];
	v63 =	vshll.u32 v7, $0x3;
	v10 =	vshll.u32 v2, $0x3  }
0x443: {  	[tilespmem:s29+$0x20A0] =	vst v14;
	v5 =	vor.u32 $0x80, v3;
	v3 =	vor.u32 $0x80, v8;
	v8 =	vadd.s32 $0x10, v2  }
0x444: {  	v13 =	vshll.u32 v8, $0x3;
	[tilespmem:v17+s17+$0x0] =	vst.idx.msk $0xffff, v0;
	v14 =	vshll.u32 v4, $0xC;
	v17 =	vand.u32 $0xFFFFFC00, v11  }
0x445: {  	[tilespmem:s28+$0x2080] =	vst v9;
	v11 =	vshll.u32 v9, $0xC;
	v9 =	vand.u32 $0x7F, v12;
	v14 =	vadd.s32 v17, v14  }
0x446: {  	v13 =	vand.u32 $0xFFFFFC00, v13;
	[tilespmem:s28+$0x2090] =	vst v15;
	v12 =	vshll.u32 v15, $0xC;
	v9 =	vor.u32 v9, v14  }
0x447: {  	s0 =	simm.s32 $0x4;
	s2 =	simm.s32 $0x400;
	s7 =	simm.s32 $0x80;
	[tilespmem:v16+s17+$0x0] =	vst.idx.msk $0xffff, v0;
	v15 =	vand.u32 $0xFFFFFC00, v63;
	v14 =	vshll.u32 v6, $0xC;
	v9 =	vor.u32 $0x80, v9  }
.LBB2_103:
0x448: {  	s8 =	sand.u32 $0x40, s7;
	s9 =	sand.u32 $0xC00, s2;
	s0 =	sadd.s32 $0x4, s0;
	v10 =	vand.u32 $0xFFFFFC00, v10;
	v12 =	vadd.s32 v13, v12;
	v13 =	vadd.s32 v15, v14;
	[tilespmem:v5+s17+$0x0] =	vst.idx.msk $0xffff, v0  }
0x449: {  	v8 =	vand.u32 $0x7F, v8;
	s8 =	sor.u32 s8, s9;
	p0 =	slt.u32 s0, $0x1C;
	v5 =	vadd.s32 v10, v11;
	[tilespmem:s28+$0x20A0] =	vst v6;
	v6 =	vand.u32 $0x7F, v7  }
0x44a: {  	v7 =	vand.u32 $0x7F, v2;
	v8 =	vor.u32 v8, v12;
	v11 =	vld [tilespmem:s8+$0xB0];
	v6 =	vor.u32 v6, v13;
	[tilespmem:v3+s17+$0x0] =	vst.idx.msk $0xffff, v0  }
0x44b: {  	v7 =	vor.u32 v7, v5;
	v5 =	vor.u32 $0x80, v8;
	v12 =	vld [tilespmem:s8+$0x80];
	v3 =	vor.u32 $0x80, v6;
	[tilespmem:s28+$0x20B0] =	vst v4;
	s28 =	smov.u32 s8  }
0x44c: {  	v2 =	vadd.s32 $0x40, v2;
	v15 =	vor.u32 $0x80, v7;
	v14 =	vld [tilespmem:s28+$0x90];
	[tilespmem:v9+s17+$0x0] =	vst.idx.msk $0xffff, v0  }
0x44d: {  	v8 =	vadd.s32 $0x10, v2;
	v7 =	vadd.s32 $0x20, v2;
	v9 =	vadd.s32 $0x30, v2;
	v6 =	vld [tilespmem:s28+$0xA0]  }
.Ltmp54:
0x44e: {  	v13 =	vshll.u32 v8, $0x3;
	v16 =	vshll.u32 v7, $0x3;
	v19 =	vshll.u32 v9, $0x3;
	(pc) =	sbr.rel @p0 .LBB2_103-.Ltmp54, $4  }
0x44f: {  	v10 =	vshll.u32 v2, $0x3;
	v18 =	vand.u32 $0xFFFFFC00, v19;
	v17 =	vshll.u32 v11, $0xC;
	v4 =	vmovc v11  }
0x450: {  	v9 =	vand.u32 $0x7F, v9;
	[tilespmem:s28+$0x2080] =	vst v12;
	v11 =	vshll.u32 v12, $0xC;
	v17 =	vadd.s32 v18, v17  }
0x451: {  	v13 =	vand.u32 $0xFFFFFC00, v13;
	v12 =	vshll.u32 v14, $0xC;
	v9 =	vor.u32 v9, v17;
	[tilespmem:v15+s17+$0x0] =	vst.idx.msk $0xffff, v0  }
0x452: {  	s2 =	sadd.s32 $0x200, s2;
	s7 =	sadd.s32 $0x40, s7;
	v15 =	vand.u32 $0xFFFFFC00, v16;
	[tilespmem:s28+$0x2090] =	vst v14;
	v14 =	vshll.u32 v6, $0xC;
	v9 =	vor.u32 $0x80, v9  }
0x453: {  	_ =	sdelay $0x1  }
0x454: {  	v10 =	vand.u32 $0xFFFFFC00, v10  }
0x455: {  	v12 =	vadd.s32 v13, v12;
	v2 =	vand.u32 $0x7F, v2;
	v8 =	vand.u32 $0x7F, v8  }
0x456: {  	[tilespmem:v5+s17+$0x0] =	vst.idx.msk $0xffff, v0;
	v5 =	vand.u32 $0x7F, v7;
	v10 =	vadd.s32 v10, v11;
	v7 =	vor.u32 v8, v12  }
0x457: {  	[tilespmem:s28+$0x20A0] =	vst v6;
	v11 =	vadd.s32 v15, v14;
	v2 =	vor.u32 v2, v10;
	v6 =	vor.u32 $0x80, v7  }
0x458: {  	v5 =	vor.u32 v5, v11;
	v2 =	vor.u32 $0x80, v2  }
0x459: {  	[tilespmem:v3+s17+$0x0] =	vst.idx.msk $0xffff, v0;
	v3 =	vor.u32 $0x80, v5  }
0x45a: {  	[tilespmem:s28+$0x20B0] =	vst v4  }
0x45b: {  	[tilespmem:v9+s17+$0x0] =	vst.idx.msk $0xffff, v0  }
0x45c: {  	s29 =	simm.s32 $0x0;
	[tilespmem:v6+s17+$0x0] =	vst.idx.msk $0xffff, v0  }
0x45d: {  	s0 =	sand.u32 $0x40, s29;
	s2 =	sand.u32 $0xC00, s29;
	[tilespmem:v2+s17+$0x0] =	vst.idx.msk $0xffff, v0  }
0x45e: {  	s2 =	sor.u32 s0, s2;
	[tilespmem:v3+s17+$0x0] =	vst.idx.msk $0xffff, v0  }
0x45f: {  	v19 =	vld [tilespmem:s2+$0x130]  }
0x460: {  	v7 =	vld [tilespmem:s2+$0x100]  }
0x461: {  	v2 =	vlaneseq.u32;
	v11 =	vld [tilespmem:s2+$0x110]  }
0x462: {  	p1 =	por $0x1, $0x1;
	v4 =	vadd.s32 $0x10, v2;
	v3 =	vadd.s32 $0x20, v2;
	v10 =	vld [tilespmem:s2+$0x120];
	v8 =	vadd.s32 $0x30, v2  }
.Ltmp55:
0x463: {  	v5 =	vshll.u32 v2, $0x3;
	v12 =	vshll.u32 v4, $0x3;
	v9 =	vshll.u32 v8, $0x3;
	(pc) =	sbr.rel @!p1 .LBB2_105-.Ltmp55, $4  }
0x464: {  	v6 =	vshll.u32 v3, $0x3;
	v9 =	vand.u32 $0xFFFFFC00, v9;
	v13 =	vshll.u32 v19, $0xC  }
0x465: {  	v8 =	vand.u32 $0x7F, v8;
	v23 =	vand.u32 $0xFFFFFC00, v6;
	v13 =	vadd.s32 v9, v13  }
0x466: {  	v18 =	vshll.u32 v7, $0xC;
	[tilespmem:s2+$0x2100] =	vst v7;
	v7 =	vand.u32 $0xFFFFFC00, v12;
	v12 =	vor.u32 v8, v13  }
0x467: {  	s30 =	simm.s32 $0x200;
	s28 =	simm.s32 $0x40;
	p0 =	por $0x0, $0x0;
	v21 =	vshll.u32 v11, $0xC;
	[tilespmem:s2+$0x2110] =	vst v11;
	v22 =	vshll.u32 v10, $0xC;
	v13 =	vor.u32 $0x100, v12  }
0x468: {  	s0 =	sand.u32 $0x40, s28;
	s7 =	sand.u32 $0xC00, s30;
	v11 =	vand.u32 $0xFFFFFC00, v5;
	v12 =	vadd.s32 v7, v21  }
0x469: {  	v14 =	vadd.s32 v23, v22;
	v15 =	vand.u32 $0x7F, v4;
	v16 =	vand.u32 $0x7F, v3;
	s0 =	sor.u32 s0, s7  }
0x46a: {  	v11 =	vadd.s32 v11, v18;
	v18 =	vand.u32 $0x7F, v2;
	v12 =	vor.u32 v15, v12;
	v17 =	vld [tilespmem:s0+$0x130]  }
0x46b: {  	v15 =	vor.u32 v16, v14;
	v21 =	vld [tilespmem:s0+$0x100];
	v16 =	vor.u32 v18, v11;
	v14 =	vor.u32 $0x100, v12  }
0x46c: {  	v11 =	vor.u32 $0x100, v15;
	v22 =	vld [tilespmem:s0+$0x110];
	v12 =	vadd.s32 $0x40, v2;
	v23 =	vor.u32 $0x100, v16  }
0x46d: {  	[tilespmem:s2+$0x2120] =	vst v10;
	p3 =	por $0x1, $0x1;
	v10 =	vld [tilespmem:s0+$0x120];
	v16 =	vadd.s32 $0x10, v12;
	v15 =	vadd.s32 $0x20, v12;
	v24 =	vadd.s32 $0x30, v12  }
.Ltmp56:
0x46e: {  	[tilespmem:s2+$0x2130] =	vst v19;
	v20 =	vshll.u32 v12, $0x3;
	v19 =	vshll.u32 v16, $0x3;
	v18 =	vshll.u32 v24, $0x3;
	(pc) =	sbr.rel @!p3 .LBB2_107-.Ltmp56, $4  }
0x46f: {  	[tilespmem:v13+s17+$0x0] =	vst.idx.msk $0xffff, v0;
	v25 =	vshll.u32 v15, $0x3;
	v26 =	vand.u32 $0xFFFFFC00, v18;
	v13 =	vshll.u32 v17, $0xC  }
0x470: {  	v27 =	vand.u32 $0x7F, v24;
	v24 =	vand.u32 $0xFFFFFC00, v19;
	[tilespmem:s0+$0x2100] =	vst v21;
	v13 =	vadd.s32 v26, v13  }
0x471: {  	s2 =	simm.s32 $0x4;
	v18 =	vshll.u32 v21, $0xC;
	v21 =	vshll.u32 v22, $0xC;
	[tilespmem:s0+$0x2110] =	vst v22;
	v13 =	vor.u32 v27, v13  }
0x472: {  	s8 =	simm.s32 $0x80;
	p2 =	por $0x1, $0x1;
	s7 =	simm.s32 $0x400;
	v22 =	vshll.u32 v10, $0xC;
	[tilespmem:v23+s17+$0x0] =	vst.idx.msk $0xffff, v0;
	v23 =	vand.u32 $0xFFFFFC00, v25;
	v13 =	vor.u32 $0x100, v13  }
.LBB2_108:
0x473: {  	s9 =	sand.u32 $0x40, s8;
	s31 =	sand.u32 $0xC00, s7;
	s2 =	sadd.s32 $0x4, s2;
	v19 =	vand.u32 $0xFFFFFC00, v20;
	v20 =	vadd.s32 v24, v21;
	v21 =	vadd.s32 v23, v22;
	[tilespmem:v14+s17+$0x0] =	vst.idx.msk $0xffff, v0  }
0x474: {  	v16 =	vand.u32 $0x7F, v16;
	s9 =	sor.u32 s9, s31;
	p3 =	slt.u32 s2, $0x1C;
	v14 =	vadd.s32 v19, v18;
	[tilespmem:s0+$0x2120] =	vst v10;
	v10 =	vand.u32 $0x7F, v15  }
0x475: {  	v15 =	vand.u32 $0x7F, v12;
	v16 =	vor.u32 v16, v20;
	v18 =	vld [tilespmem:s9+$0x130];
	v10 =	vor.u32 v10, v21;
	[tilespmem:v11+s17+$0x0] =	vst.idx.msk $0xffff, v0  }
0x476: {  	v15 =	vor.u32 v15, v14;
	v14 =	vor.u32 $0x100, v16;
	v19 =	vld [tilespmem:s9+$0x100];
	v11 =	vor.u32 $0x100, v10;
	[tilespmem:s0+$0x2130] =	vst v17;
	s0 =	smov.u32 s9  }
0x477: {  	v12 =	vadd.s32 $0x40, v12;
	v23 =	vor.u32 $0x100, v15;
	v22 =	vld [tilespmem:s0+$0x110];
	[tilespmem:v13+s17+$0x0] =	vst.idx.msk $0xffff, v0  }
0x478: {  	v16 =	vadd.s32 $0x10, v12;
	v15 =	vadd.s32 $0x20, v12;
	v13 =	vadd.s32 $0x30, v12;
	v10 =	vld [tilespmem:s0+$0x120]  }
.Ltmp57:
0x479: {  	v24 =	vshll.u32 v16, $0x3;
	v25 =	vshll.u32 v15, $0x3;
	v27 =	vshll.u32 v13, $0x3;
	(pc) =	sbr.rel @p3 .LBB2_108-.Ltmp57, $4  }
0x47a: {  	v20 =	vshll.u32 v12, $0x3;
	v26 =	vand.u32 $0xFFFFFC00, v27;
	v21 =	vshll.u32 v18, $0xC;
	v17 =	vmovc v18  }
0x47b: {  	v13 =	vand.u32 $0x7F, v13;
	[tilespmem:s0+$0x2100] =	vst v19;
	v18 =	vshll.u32 v19, $0xC;
	v19 =	vadd.s32 v26, v21  }
0x47c: {  	v24 =	vand.u32 $0xFFFFFC00, v24;
	v21 =	vshll.u32 v22, $0xC;
	v13 =	vor.u32 v13, v19;
	[tilespmem:v23+s17+$0x0] =	vst.idx.msk $0xffff, v0  }
0x47d: {  	s7 =	sadd.s32 $0x200, s7;
	s8 =	sadd.s32 $0x40, s8;
	v23 =	vand.u32 $0xFFFFFC00, v25;
	[tilespmem:s0+$0x2110] =	vst v22;
	v22 =	vshll.u32 v10, $0xC;
	v13 =	vor.u32 $0x100, v13  }
0x47e: {  	s2 =	smov.u32 s0;
	v19 =	vmov v17  }
.LBB2_110:
0x47f: {  	_ =	sdelay $0x2  }
0x480: {  	v17 =	vand.u32 $0xFFFFFC00, v20;
	v63 =	vadd.s32 v24, v21  }
0x481: {  	v12 =	vand.u32 $0x7F, v12;
	v16 =	vand.u32 $0x7F, v16;
	[tilespmem:v14+s17+$0x0] =	vst.idx.msk @p2 $0xffff, v0;
	v14 =	vand.u32 $0x7F, v15  }
0x482: {  	v17 =	vadd.s32 v17, v18;
	v18 =	vadd.s32 v23, v22;
	v15 =	vor.u32 v16, v63  }
0x483: {  	[tilespmem:s2+$0x2120] =	vst v10;
	v12 =	vor.u32 v12, v17;
	v10 =	vor.u32 v14, v18;
	v14 =	vor.u32 $0x100, v15  }
0x484: {  	v12 =	vor.u32 $0x100, v12  }
0x485: {  	[tilespmem:v11+s17+$0x0] =	vst.idx.msk @p2 $0xffff, v0;
	v10 =	vor.u32 $0x100, v10  }
0x486: {  	[tilespmem:s2+$0x2130] =	vst v19  }
0x487: {  	[tilespmem:v13+s17+$0x0] =	vst.idx.msk $0xffff, v0  }
0x488: {  	s0 =	sand.u32 $0xFFFFFC00, s29;
	[tilespmem:v14+s17+$0x0] =	vst.idx.msk $0xffff, v0  }
0x489: {  	s31 =	sadd.s32 $0x0, s0;
	[tilespmem:v12+s17+$0x0] =	vst.idx.msk $0xffff, v0  }
0x48a: {  	s8 =	sor.u32 $0x1B0, s31;
	[tilespmem:v10+s17+$0x0] =	vst.idx.msk $0xffff, v0  }
0x48b: {  	s0 =	sor.u32 $0x180, s31;
	v14 =	vld [tilespmem:s8+$0x0]  }
0x48c: {  	s29 =	sor.u32 $0x190, s31;
	v10 =	vld [tilespmem:s0+$0x0]  }
0x48d: {  	v11 =	vld [tilespmem:s29+$0x0]  }
.Ltmp58:
0x48e: {  	_ = 	snop;
	(pc) =	sbr.rel @!p1 .LBB2_111-.Ltmp58, $4  }
0x48f: {  	_ = 	snop  }
0x490: {  	v12 =	vshll.u32 v14, $0xC  }
0x491: {  	s2 =	sor.u32 $0x1A0, s31;
	v12 =	vadd.s32 v9, v12  }
0x492: {  	v13 =	vshll.u32 v10, $0xC;
	v15 =	vshll.u32 v11, $0xC;
	v9 =	vld [tilespmem:s2+$0x0];
	v16 =	vor.u32 v8, v12  }
0x493: {  	_ =	sdelay $0x1  }
0x494: {  	s7 =	sand.u32 $0xFFFFFC00, s30;
	v6 =	vand.u32 $0xFFFFFC00, v6;
	v16 =	vor.u32 $0x180, v16  }
0x495: {  	v5 =	vand.u32 $0xFFFFFC00, v5;
	v7 =	vadd.s32 v7, v15;
	v4 =	vand.u32 $0x7F, v4;
	s9 =	sadd.s32 $0x40, s7  }
0x496: {  	v3 =	vand.u32 $0x7F, v3;
	v5 =	vadd.s32 v5, v13;
	s7 =	sor.u32 $0x1B0, s9;
	v8 =	vshll.u32 v9, $0xC  }
0x497: {  	[tilespmem:s0+$0x2000] =	vst v10;
	v4 =	vor.u32 v4, v7;
	s0 =	sor.u32 $0x180, s9;
	v12 =	vld [tilespmem:s7+$0x0];
	v6 =	vadd.s32 v6, v8;
	v8 =	vand.u32 $0x7F, v2  }
0x498: {  	[tilespmem:s29+$0x2000] =	vst v11;
	s29 =	sor.u32 $0x190, s9;
	v7 =	vor.u32 $0x180, v4;
	v10 =	vld [tilespmem:s0+$0x0];
	v2 =	vadd.s32 $0x40, v2;
	v5 =	vor.u32 v8, v5  }
0x499: {  	p1 =	por $0x1, $0x1;
	v11 =	vld [tilespmem:s29+$0x0];
	[tilespmem:s2+$0x2000] =	vst v9;
	s2 =	sor.u32 $0x1A0, s9;
	v3 =	vor.u32 v3, v6;
	v9 =	vadd.s32 $0x30, v2;
	v17 =	vor.u32 $0x180, v5  }
.Ltmp59:
0x49a: {  	v4 =	vadd.s32 $0x10, v2;
	v13 =	vshll.u32 v9, $0x3;
	v18 =	vand.u32 $0x7F, v9;
	v9 =	vld [tilespmem:s2+$0x0];
	(pc) =	sbr.rel @!p1 .LBB2_113-.Ltmp59, $4  }
0x49b: {  	[tilespmem:s8+$0x2000] =	vst v14;
	v8 =	vor.u32 $0x180, v3;
	v3 =	vadd.s32 $0x20, v2;
	v14 =	vshll.u32 v4, $0x3  }
0x49c: {  	[tilespmem:v16+s17+$0x0] =	vst.idx.msk $0xffff, v0;
	v5 =	vshll.u32 v2, $0x3;
	v15 =	vshll.u32 v12, $0xC;
	v16 =	vand.u32 $0xFFFFFC00, v13  }
0x49d: {  	[tilespmem:v7+s17+$0x0] =	vst.idx.msk $0xffff, v0;
	v6 =	vshll.u32 v3, $0x3;
	v13 =	vshll.u32 v10, $0xC;
	v16 =	vadd.s32 v16, v15  }
0x49e: {  	s8 =	simm.s32 $0x4;
	p0 =	por $0x1, $0x1;
	s9 =	simm.s32 $0x400;
	v7 =	vand.u32 $0xFFFFFC00, v14;
	v15 =	vshll.u32 v11, $0xC;
	v16 =	vor.u32 v18, v16;
	[tilespmem:v17+s17+$0x0] =	vst.idx.msk $0xffff, v0  }
.LBB2_114:
0x49f: {  	s30 =	sand.u32 $0xFFFFFC00, s9;
	s8 =	sadd.s32 $0x4, s8;
	[tilespmem:s29+$0x2000] =	vst v11;
	v11 =	vshll.u32 v9, $0xC;
	v6 =	vand.u32 $0xFFFFFC00, v6;
	v14 =	vor.u32 $0x180, v16;
	s28 =	sadd.s32 $0x40, s28  }
0x4a0: {  	v5 =	vand.u32 $0xFFFFFC00, v5;
	v7 =	vadd.s32 v7, v15;
	s30 =	sadd.s32 s30, s28;
	p1 =	slt.u32 s8, $0x1C;
	[tilespmem:s0+$0x2000] =	vst v10;
	v6 =	vadd.s32 v6, v11  }
0x4a1: {  	v4 =	vand.u32 $0x7F, v4;
	v3 =	vand.u32 $0x7F, v3;
	v5 =	vadd.s32 v5, v13;
	s0 =	sor.u32 $0x180, s30;
	s29 =	sor.u32 $0x190, s30;
	s31 =	sor.u32 $0x1B0, s30;
	[tilespmem:s2+$0x2000] =	vst v9  }
0x4a2: {  	v4 =	vor.u32 v4, v7;
	s2 =	sor.u32 $0x1A0, s30;
	v9 =	vand.u32 $0x7F, v2;
	v3 =	vor.u32 v3, v6;
	v13 =	vld [tilespmem:s31+$0x0];
	[tilespmem:v8+s17+$0x0] =	vst.idx.msk $0xffff, v0  }
0x4a3: {  	v7 =	vor.u32 $0x180, v4;
	v5 =	vor.u32 v9, v5;
	v8 =	vor.u32 $0x180, v3;
	v10 =	vld [tilespmem:s0+$0x0];
	[tilespmem:s7+$0x2000] =	vst v12;
	s7 =	smov.u32 s31  }
0x4a4: {  	v2 =	vadd.s32 $0x40, v2;
	v17 =	vor.u32 $0x180, v5;
	v11 =	vld [tilespmem:s29+$0x0];
	[tilespmem:v14+s17+$0x0] =	vst.idx.msk $0xffff, v0  }
.Ltmp60:
0x4a5: {  	v4 =	vadd.s32 $0x10, v2;
	v3 =	vadd.s32 $0x20, v2;
	v14 =	vadd.s32 $0x30, v2;
	v9 =	vld [tilespmem:s2+$0x0];
	(pc) =	sbr.rel @p1 .LBB2_114-.Ltmp60, $4  }
0x4a6: {  	v16 =	vshll.u32 v4, $0x3;
	v6 =	vshll.u32 v3, $0x3;
	v19 =	vshll.u32 v14, $0x3  }
0x4a7: {  	v5 =	vshll.u32 v2, $0x3;
	v18 =	vand.u32 $0xFFFFFC00, v19;
	v15 =	vshll.u32 v13, $0xC;
	v12 =	vmovc v13  }
0x4a8: {  	v14 =	vand.u32 $0x7F, v14;
	v13 =	vshll.u32 v10, $0xC;
	v18 =	vadd.s32 v18, v15;
	[tilespmem:v7+s17+$0x0] =	vst.idx.msk $0xffff, v0  }
0x4a9: {  	s9 =	sadd.s32 $0x200, s9;
	v7 =	vand.u32 $0xFFFFFC00, v16;
	v15 =	vshll.u32 v11, $0xC;
	v16 =	vor.u32 v14, v18;
	[tilespmem:v17+s17+$0x0] =	vst.idx.msk $0xffff, v0  }
0x4aa: {  	v14 =	vmov v12;
	s8 =	smov.u32 s7  }
.LBB2_116:
0x4ab: {  	v7 =	vadd.s32 v7, v15  }
0x4ac: {  	v12 =	vshll.u32 v9, $0xC;
	v6 =	vand.u32 $0xFFFFFC00, v6;
	v15 =	vor.u32 $0x180, v16  }
0x4ad: {  	v5 =	vand.u32 $0xFFFFFC00, v5;
	v4 =	vand.u32 $0x7F, v4;
	v2 =	vand.u32 $0x7F, v2  }
0x4ae: {  	[tilespmem:s29+$0x2000] =	vst v11;
	v3 =	vand.u32 $0x7F, v3;
	v5 =	vadd.s32 v5, v13;
	v4 =	vor.u32 v4, v7  }
0x4af: {  	[tilespmem:s0+$0x2000] =	vst v10;
	v6 =	vadd.s32 v6, v12;
	v2 =	vor.u32 v2, v5;
	v4 =	vor.u32 $0x180, v4  }
0x4b0: {  	[tilespmem:s2+$0x2000] =	vst v9;
	v3 =	vor.u32 v3, v6;
	v2 =	vor.u32 $0x180, v2  }
0x4b1: {  	[tilespmem:v8+s17+$0x0] =	vst.idx.msk @p0 $0xffff, v0;
	v3 =	vor.u32 $0x180, v3  }
0x4b2: {  	[tilespmem:s8+$0x2000] =	vst v14;
	p0 =	por $0x0, $0x0;
	s0 =	simm.s32 $0x1  }
0x4b3: {  	s0 =	simm.s32 @!p0 $0x0;
	[tilespmem:v15+s17+$0x0] =	vst.idx.msk $0xffff, v0  }
0x4b4: {  	s0 =	sshll.u32 s0, $0x6;
	[tilespmem:v4+s17+$0x0] =	vst.idx.msk $0xffff, v0  }
0x4b5: {  	s28 =	sadd.s32 $0x0, s0;
	[tilespmem:v2+s17+$0x0] =	vst.idx.msk $0xffff, v0  }
0x4b6: {  	s8 =	sor.u32 $0x230, s28;
	[tilespmem:v3+s17+$0x0] =	vst.idx.msk $0xffff, v0  }
0x4b7: {  	s0 =	sor.u32 $0x200, s28;
	v16 =	vld [tilespmem:s8+$0x0]  }
0x4b8: {  	p2 =	por $0x1, $0x1;
	v10 =	vld [tilespmem:s0+$0x0]  }
.Ltmp61:
0x4b9: {  	v2 =	vlaneseq.u32;
	(pc) =	sbr.rel @!p2 .LBB2_117-.Ltmp61, $4  }
0x4ba: {  	v4 =	vadd.s32 $0x10, v2;
	v3 =	vadd.s32 $0x20, v2;
	v8 =	vadd.s32 $0x30, v2  }
0x4bb: {  	s2 =	sor.u32 $0x210, s28;
	v6 =	vshll.u32 v2, $0x3;
	v7 =	vshll.u32 v4, $0x3;
	v9 =	vshll.u32 v8, $0x3  }
0x4bc: {  	s29 =	sor.u32 $0x220, s28;
	v14 =	vld [tilespmem:s2+$0x0];
	v5 =	vshll.u32 v3, $0x3;
	v9 =	vand.u32 $0xFFFFFC00, v9;
	v12 =	vshll.u32 v16, $0xC  }
0x4bd: {  	p1 =	por !p0, !p0;
	v11 =	vld [tilespmem:s29+$0x0];
	v8 =	vand.u32 $0x7F, v8;
	v18 =	vshll.u32 v10, $0xC;
	v24 =	vadd.s32 v9, v12  }
0x4be: {  	_ =	sdelay $0x1  }
0x4bf: {  	s7 =	simm.s32 $0x1;
	v15 =	vor.u32 v8, v24  }
0x4c0: {  	v13 =	vand.u32 $0xFFFFFC00, v7;
	v19 =	vand.u32 $0xFFFFFC00, v5;
	s7 =	simm.s32 @!p1 $0x0;
	v22 =	vor.u32 $0x200, v15  }
0x4c1: {  	v15 =	vand.u32 $0xFFFFFC00, v6;
	s7 =	sshll.u32 s7, $0x6;
	v12 =	vshll.u32 v14, $0xC;
	v17 =	vshll.u32 v11, $0xC  }
0x4c2: {  	s9 =	sadd.s32 $0x200, s7;
	v12 =	vadd.s32 v13, v12;
	v13 =	vadd.s32 v15, v18;
	v15 =	vand.u32 $0x7F, v4  }
0x4c3: {  	[tilespmem:s0+$0x2000] =	vst v10;
	s7 =	sor.u32 $0x230, s9;
	v18 =	vand.u32 $0x7F, v2;
	v10 =	vadd.s32 v19, v17;
	v17 =	vand.u32 $0x7F, v3  }
0x4c4: {  	s0 =	sor.u32 $0x200, s9;
	v19 =	vld [tilespmem:s7+$0x0];
	v12 =	vor.u32 v15, v12;
	v13 =	vor.u32 v18, v13;
	v15 =	vor.u32 v17, v10  }
0x4c5: {  	[tilespmem:s8+$0x2000] =	vst v16;
	p5 =	por $0x1, $0x1;
	v10 =	vld [tilespmem:s0+$0x0];
	v26 =	vor.u32 $0x200, v12;
	v20 =	vor.u32 $0x200, v13;
	v13 =	vadd.s32 $0x40, v2  }
.Ltmp62:
0x4c6: {  	[tilespmem:s2+$0x2000] =	vst v14;
	s2 =	sor.u32 $0x210, s9;
	v24 =	vadd.s32 $0x30, v13;
	(pc) =	sbr.rel @!p5 .LBB2_119-.Ltmp62, $4  }
0x4c7: {  	[tilespmem:s29+$0x2000] =	vst v11;
	s29 =	sor.u32 $0x220, s9;
	v14 =	vld [tilespmem:s2+$0x0];
	v12 =	vor.u32 $0x200, v15;
	v17 =	vadd.s32 $0x10, v13;
	v11 =	vshll.u32 v24, $0x3  }
0x4c8: {  	[tilespmem:v22+s17+$0x0] =	vst.idx.msk $0xffff, v0;
	v15 =	vadd.s32 $0x20, v13;
	v22 =	vshll.u32 v13, $0x3;
	v27 =	vand.u32 $0xFFFFFC00, v11;
	v11 =	vld [tilespmem:s29+$0x0]  }
0x4c9: {  	s8 =	simm.s32 $0x4;
	v23 =	vshll.u32 v17, $0x3;
	v21 =	vshll.u32 v15, $0x3;
	v16 =	vshll.u32 v19, $0xC  }
0x4ca: {  	s30 =	simm.s32 $0x200;
	p4 =	por !p1, !p1;
	p3 =	por $0x1, $0x1;
	v25 =	vand.u32 $0x7F, v24;
	v18 =	vshll.u32 v10, $0xC;
	v24 =	vadd.s32 v27, v16;
	[tilespmem:v26+s17+$0x0] =	vst.idx.msk $0xffff, v0  }
.LBB2_120:
0x4cb: {  	s9 =	simm.s32 $0x1  }
0x4cc: {  	s8 =	sadd.s32 $0x4, s8;
	v16 =	vshll.u32 v14, $0xC;
	v23 =	vand.u32 $0xFFFFFC00, v23;
	v24 =	vor.u32 v25, v24;
	[tilespmem:v20+s17+$0x0] =	vst.idx.msk $0xffff, v0;
	s9 =	simm.s32 @!p4 $0x0  }
0x4cd: {  	v20 =	vand.u32 $0xFFFFFC00, v21;
	s30 =	sadd.s32 $0x200, s30;
	p5 =	slt.u32 s8, $0x1C;
	v21 =	vor.u32 $0x200, v24;
	s9 =	sshll.u32 s9, $0x6;
	[tilespmem:s2+$0x2000] =	vst v14;
	v14 =	vshll.u32 v11, $0xC  }
0x4ce: {  	v16 =	vadd.s32 v23, v16;
	s9 =	sadd.s32 s9, s30;
	[tilespmem:s0+$0x2000] =	vst v10;
	v10 =	vand.u32 $0xFFFFFC00, v22;
	v14 =	vadd.s32 v20, v14  }
0x4cf: {  	s0 =	sor.u32 $0x200, s9;
	s2 =	sor.u32 $0x210, s9;
	s31 =	sor.u32 $0x230, s9;
	v18 =	vadd.s32 v10, v18;
	v10 =	vand.u32 $0x7F, v17;
	[tilespmem:s29+$0x2000] =	vst v11;
	v11 =	vand.u32 $0x7F, v15  }
0x4d0: {  	s29 =	sor.u32 $0x220, s9;
	v15 =	vand.u32 $0x7F, v13;
	v24 =	vld [tilespmem:s31+$0x0];
	v16 =	vor.u32 v10, v16;
	v11 =	vor.u32 v11, v14;
	[tilespmem:v12+s17+$0x0] =	vst.idx.msk $0xffff, v0  }
0x4d1: {  	v15 =	vor.u32 v15, v18;
	v10 =	vld [tilespmem:s0+$0x0];
	v16 =	vor.u32 $0x200, v16;
	v12 =	vor.u32 $0x200, v11;
	[tilespmem:s7+$0x2000] =	vst v19;
	s7 =	smov.u32 s31  }
.Ltmp63:
0x4d2: {  	v13 =	vadd.s32 $0x40, v13;
	v20 =	vor.u32 $0x200, v15;
	v14 =	vld [tilespmem:s2+$0x0];
	[tilespmem:v21+s17+$0x0] =	vst.idx.msk $0xffff, v0;
	(pc) =	sbr.rel @p5 .LBB2_120-.Ltmp63, $4  }
0x4d3: {  	v17 =	vadd.s32 $0x10, v13;
	v25 =	vadd.s32 $0x30, v13;
	v15 =	vadd.s32 $0x20, v13;
	v11 =	vld [tilespmem:s29+$0x0]  }
0x4d4: {  	v23 =	vshll.u32 v17, $0x3;
	v18 =	vshll.u32 v25, $0x3;
	v21 =	vshll.u32 v15, $0x3  }
0x4d5: {  	v22 =	vshll.u32 v13, $0x3;
	v27 =	vand.u32 $0xFFFFFC00, v18;
	v26 =	vshll.u32 v24, $0xC;
	v19 =	vmovc v24  }
0x4d6: {  	p4 =	por !p4, !p4;
	v25 =	vand.u32 $0x7F, v25;
	v18 =	vshll.u32 v10, $0xC;
	v24 =	vadd.s32 v27, v26;
	[tilespmem:v16+s17+$0x0] =	vst.idx.msk $0xffff, v0  }
0x4d7: {  	v16 =	vmov v19;
	s8 =	smov.u32 s7  }
.LBB2_122:
0x4d8: {  	v19 =	vshll.u32 v14, $0xC  }
0x4d9: {  	v23 =	vand.u32 $0xFFFFFC00, v23;
	v24 =	vor.u32 v25, v24;
	v62 =	vshll.u32 v11, $0xC  }
0x4da: {  	v21 =	vand.u32 $0xFFFFFC00, v21;
	v22 =	vand.u32 $0xFFFFFC00, v22;
	v17 =	vand.u32 $0x7F, v17  }
0x4db: {  	v13 =	vand.u32 $0x7F, v13;
	[tilespmem:s0+$0x2000] =	vst v10;
	v10 =	vand.u32 $0x7F, v15;
	v19 =	vadd.s32 v23, v19  }
0x4dc: {  	[tilespmem:s2+$0x2000] =	vst v14;
	v24 =	vor.u32 $0x200, v24;
	v14 =	vadd.s32 v22, v18;
	v17 =	vor.u32 v17, v19  }
0x4dd: {  	[tilespmem:v20+s17+$0x0] =	vst.idx.msk @p3 $0xffff, v0;
	v63 =	vadd.s32 v21, v62;
	v13 =	vor.u32 v13, v14;
	v14 =	vor.u32 $0x200, v17  }
0x4de: {  	[tilespmem:s29+$0x2000] =	vst v11;
	v10 =	vor.u32 v10, v63;
	v11 =	vor.u32 $0x200, v13  }
0x4df: {  	[tilespmem:v12+s17+$0x0] =	vst.idx.msk @p3 $0xffff, v0;
	v10 =	vor.u32 $0x200, v10  }
0x4e0: {  	[tilespmem:s8+$0x2000] =	vst v16  }
0x4e1: {  	[tilespmem:v24+s17+$0x0] =	vst.idx.msk $0xffff, v0  }
0x4e2: {  	[tilespmem:v14+s17+$0x0] =	vst.idx.msk $0xffff, v0  }
0x4e3: {  	[tilespmem:v11+s17+$0x0] =	vst.idx.msk $0xffff, v0  }
0x4e4: {  	s8 =	sor.u32 $0x2B0, s28;
	[tilespmem:v10+s17+$0x0] =	vst.idx.msk $0xffff, v0  }
0x4e5: {  	s0 =	sor.u32 $0x280, s28;
	v15 =	vld [tilespmem:s8+$0x0]  }
0x4e6: {  	v10 =	vld [tilespmem:s0+$0x0]  }
.Ltmp64:
0x4e7: {  	_ = 	snop;
	(pc) =	sbr.rel @!p2 .LBB2_123-.Ltmp64, $4  }
0x4e8: {  	_ = 	snop  }
0x4e9: {  	s29 =	sor.u32 $0x290, s28  }
0x4ea: {  	s2 =	sor.u32 $0x2A0, s28;
	v12 =	vld [tilespmem:s29+$0x0];
	v13 =	vshll.u32 v15, $0xC  }
0x4eb: {  	v11 =	vld [tilespmem:s2+$0x0];
	v14 =	vshll.u32 v10, $0xC;
	v17 =	vadd.s32 v9, v13  }
0x4ec: {  	s7 =	simm.s32 $0x1  }
0x4ed: {  	v7 =	vand.u32 $0xFFFFFC00, v7;
	v8 =	vor.u32 v8, v17;
	s7 =	simm.s32 @!p1 $0x0  }
0x4ee: {  	v5 =	vand.u32 $0xFFFFFC00, v5;
	v6 =	vand.u32 $0xFFFFFC00, v6;
	v4 =	vand.u32 $0x7F, v4;
	s7 =	sshll.u32 s7, $0x6  }
0x4ef: {  	v3 =	vand.u32 $0x7F, v3;
	v8 =	vor.u32 $0x280, v8;
	v9 =	vshll.u32 v12, $0xC;
	s9 =	sadd.s32 $0x200, s7  }
0x4f0: {  	v13 =	vshll.u32 v11, $0xC;
	v7 =	vadd.s32 v7, v9;
	s7 =	sor.u32 $0x2B0, s9;
	v9 =	vand.u32 $0x7F, v2  }
0x4f1: {  	[tilespmem:s0+$0x2000] =	vst v10;
	s0 =	sor.u32 $0x280, s9;
	v2 =	vadd.s32 $0x40, v2;
	v5 =	vadd.s32 v5, v13;
	v13 =	vld [tilespmem:s7+$0x0];
	v4 =	vor.u32 v4, v7  }
0x4f2: {  	[tilespmem:s8+$0x2000] =	vst v15;
	p2 =	por $0x1, $0x1;
	v6 =	vadd.s32 v6, v14;
	v10 =	vld [tilespmem:s0+$0x0];
	v17 =	vadd.s32 $0x30, v2;
	v18 =	vor.u32 $0x280, v4  }
.Ltmp65:
0x4f3: {  	[tilespmem:s29+$0x2000] =	vst v12;
	s29 =	sor.u32 $0x290, s9;
	v3 =	vor.u32 v3, v5;
	v5 =	vor.u32 v9, v6;
	v4 =	vadd.s32 $0x10, v2;
	(pc) =	sbr.rel @!p2 .LBB2_125-.Ltmp65, $4  }
0x4f4: {  	[tilespmem:s2+$0x2000] =	vst v11;
	s2 =	sor.u32 $0x2A0, s9;
	v12 =	vld [tilespmem:s29+$0x0];
	v11 =	vshll.u32 v17, $0x3;
	v6 =	vshll.u32 v2, $0x3;
	v16 =	vor.u32 $0x280, v5  }
0x4f5: {  	[tilespmem:v8+s17+$0x0] =	vst.idx.msk $0xffff, v0;
	v8 =	vand.u32 $0x7F, v17;
	v9 =	vor.u32 $0x280, v3;
	v19 =	vand.u32 $0xFFFFFC00, v11;
	v11 =	vld [tilespmem:s2+$0x0]  }
0x4f6: {  	s8 =	simm.s32 $0x4;
	v3 =	vadd.s32 $0x20, v2;
	v7 =	vshll.u32 v4, $0x3;
	v15 =	vshll.u32 v13, $0xC  }
0x4f7: {  	s28 =	simm.s32 $0x200;
	p0 =	por $0x1, $0x1;
	p1 =	por !p1, !p1;
	v5 =	vshll.u32 v3, $0x3;
	v14 =	vshll.u32 v10, $0xC;
	v17 =	vadd.s32 v19, v15;
	[tilespmem:v18+s17+$0x0] =	vst.idx.msk $0xffff, v0  }
.LBB2_126:
0x4f8: {  	s9 =	simm.s32 $0x1  }
0x4f9: {  	s8 =	sadd.s32 $0x4, s8;
	v15 =	vshll.u32 v12, $0xC;
	v7 =	vand.u32 $0xFFFFFC00, v7;
	v8 =	vor.u32 v8, v17;
	[tilespmem:v16+s17+$0x0] =	vst.idx.msk $0xffff, v0;
	s9 =	simm.s32 @!p1 $0x0  }
0x4fa: {  	v5 =	vand.u32 $0xFFFFFC00, v5;
	s28 =	sadd.s32 $0x200, s28;
	p2 =	slt.u32 s8, $0x1C;
	v8 =	vor.u32 $0x280, v8;
	s9 =	sshll.u32 s9, $0x6;
	[tilespmem:s29+$0x2000] =	vst v12;
	v12 =	vshll.u32 v11, $0xC  }
0x4fb: {  	v6 =	vand.u32 $0xFFFFFC00, v6;
	v7 =	vadd.s32 v7, v15;
	s9 =	sadd.s32 s9, s28;
	[tilespmem:s0+$0x2000] =	vst v10;
	v5 =	vadd.s32 v5, v12  }
0x4fc: {  	v4 =	vand.u32 $0x7F, v4;
	v3 =	vand.u32 $0x7F, v3;
	v6 =	vadd.s32 v6, v14;
	s0 =	sor.u32 $0x280, s9;
	s29 =	sor.u32 $0x290, s9;
	s30 =	sor.u32 $0x2B0, s9;
	[tilespmem:s2+$0x2000] =	vst v11  }
0x4fd: {  	v4 =	vor.u32 v4, v7;
	s2 =	sor.u32 $0x2A0, s9;
	v11 =	vand.u32 $0x7F, v2;
	v3 =	vor.u32 v3, v5;
	v14 =	vld [tilespmem:s30+$0x0];
	[tilespmem:v9+s17+$0x0] =	vst.idx.msk $0xffff, v0  }
0x4fe: {  	v15 =	vor.u32 $0x280, v4;
	v5 =	vor.u32 v11, v6;
	v9 =	vor.u32 $0x280, v3;
	v10 =	vld [tilespmem:s0+$0x0];
	[tilespmem:s7+$0x2000] =	vst v13;
	s7 =	smov.u32 s30  }
.Ltmp66:
0x4ff: {  	v2 =	vadd.s32 $0x40, v2;
	v16 =	vor.u32 $0x280, v5;
	v12 =	vld [tilespmem:s29+$0x0];
	[tilespmem:v8+s17+$0x0] =	vst.idx.msk $0xffff, v0;
	(pc) =	sbr.rel @p2 .LBB2_126-.Ltmp66, $4  }
0x500: {  	v4 =	vadd.s32 $0x10, v2;
	v3 =	vadd.s32 $0x20, v2;
	v8 =	vadd.s32 $0x30, v2;
	v11 =	vld [tilespmem:s2+$0x0]  }
0x501: {  	v7 =	vshll.u32 v4, $0x3;
	v5 =	vshll.u32 v3, $0x3;
	v19 =	vshll.u32 v8, $0x3  }
0x502: {  	v6 =	vshll.u32 v2, $0x3;
	v18 =	vand.u32 $0xFFFFFC00, v19;
	v17 =	vshll.u32 v14, $0xC;
	v13 =	vmovc v14  }
0x503: {  	p1 =	por !p1, !p1;
	v8 =	vand.u32 $0x7F, v8;
	v14 =	vshll.u32 v10, $0xC;
	v17 =	vadd.s32 v18, v17;
	[tilespmem:v15+s17+$0x0] =	vst.idx.msk $0xffff, v0  }
0x504: {  	v15 =	vmov v13;
	s8 =	smov.u32 s7  }
.LBB2_128:
0x505: {  	_ = 	snop  }
0x506: {  	v13 =	vshll.u32 v12, $0xC  }
0x507: {  	v7 =	vand.u32 $0xFFFFFC00, v7;
	v8 =	vor.u32 v8, v17;
	v17 =	vshll.u32 v11, $0xC  }
0x508: {  	v5 =	vand.u32 $0xFFFFFC00, v5;
	v6 =	vand.u32 $0xFFFFFC00, v6;
	v4 =	vand.u32 $0x7F, v4  }
0x509: {  	[tilespmem:v16+s17+$0x0] =	vst.idx.msk @p0 $0xffff, v0;
	v2 =	vand.u32 $0x7F, v2;
	v3 =	vand.u32 $0x7F, v3;
	v7 =	vadd.s32 v7, v13  }
0x50a: {  	[tilespmem:s29+$0x2000] =	vst v12;
	v8 =	vor.u32 $0x280, v8;
	v6 =	vadd.s32 v6, v14;
	v4 =	vor.u32 v4, v7  }
0x50b: {  	[tilespmem:s0+$0x2000] =	vst v10;
	v5 =	vadd.s32 v5, v17;
	v2 =	vor.u32 v2, v6;
	v4 =	vor.u32 $0x280, v4  }
0x50c: {  	[tilespmem:s2+$0x2000] =	vst v11;
	v3 =	vor.u32 v3, v5;
	v2 =	vor.u32 $0x280, v2  }
0x50d: {  	[tilespmem:v9+s17+$0x0] =	vst.idx.msk @p0 $0xffff, v0;
	v3 =	vor.u32 $0x280, v3  }
0x50e: {  	[tilespmem:s8+$0x2000] =	vst v15;
	p0 =	por $0x0, $0x0;
	s0 =	simm.s32 $0x1  }
0x50f: {  	s0 =	simm.s32 @!p0 $0x0;
	[tilespmem:v8+s17+$0x0] =	vst.idx.msk $0xffff, v0  }
0x510: {  	s0 =	sshll.u32 s0, $0x6;
	[tilespmem:v4+s17+$0x0] =	vst.idx.msk $0xffff, v0  }
0x511: {  	s31 =	sadd.s32 $0x0, s0;
	[tilespmem:v2+s17+$0x0] =	vst.idx.msk $0xffff, v0  }
0x512: {  	s7 =	sor.u32 $0x330, s31;
	[tilespmem:v3+s17+$0x0] =	vst.idx.msk $0xffff, v0  }
0x513: {  	s0 =	sor.u32 $0x300, s31;
	v16 =	vld [tilespmem:s7+$0x0]  }
0x514: {  	p1 =	por $0x1, $0x1;
	v10 =	vld [tilespmem:s0+$0x0]  }
.Ltmp67:
0x515: {  	v2 =	vlaneseq.u32;
	(pc) =	sbr.rel @!p1 .LBB2_129-.Ltmp67, $4  }
0x516: {  	v3 =	vadd.s32 $0x10, v2;
	v4 =	vadd.s32 $0x20, v2;
	v9 =	vadd.s32 $0x30, v2  }
0x517: {  	s30 =	sor.u32 $0x310, s31;
	v7 =	vshll.u32 v2, $0x3;
	v6 =	vshll.u32 v3, $0x3;
	v8 =	vshll.u32 v9, $0x3  }
0x518: {  	s29 =	sor.u32 $0x320, s31;
	v14 =	vld [tilespmem:s30+$0x0];
	v5 =	vshll.u32 v4, $0x3;
	v8 =	vand.u32 $0xFFFFFC00, v8;
	v12 =	vshll.u32 v16, $0xC  }
0x519: {  	s28 =	simm.s32 $0x0;
	p2 =	por !p0, !p0;
	v11 =	vld [tilespmem:s29+$0x0];
	v9 =	vand.u32 $0x7F, v9;
	v18 =	vshll.u32 v10, $0xC;
	v24 =	vadd.s32 v8, v12  }
0x51a: {  	_ =	sdelay $0x1  }
0x51b: {  	s2 =	simm.s32 $0x1;
	v15 =	vor.u32 v9, v24  }
0x51c: {  	v13 =	vand.u32 $0xFFFFFC00, v6;
	v19 =	vand.u32 $0xFFFFFC00, v5;
	s2 =	simm.s32 @!p2 $0x0;
	v22 =	vor.u32 $0x300, v15  }
0x51d: {  	v15 =	vand.u32 $0xFFFFFC00, v7;
	s2 =	sshll.u32 s2, $0x6;
	v12 =	vshll.u32 v14, $0xC;
	v17 =	vshll.u32 v11, $0xC  }
0x51e: {  	s8 =	sadd.s32 $0x200, s2;
	v12 =	vadd.s32 v13, v12;
	v13 =	vadd.s32 v15, v18;
	v15 =	vand.u32 $0x7F, v3  }
0x51f: {  	[tilespmem:s0+$0x2000] =	vst v10;
	s2 =	sor.u32 $0x330, s8;
	v18 =	vand.u32 $0x7F, v2;
	v10 =	vadd.s32 v19, v17;
	v17 =	vand.u32 $0x7F, v4  }
0x520: {  	s0 =	sor.u32 $0x300, s8;
	v19 =	vld [tilespmem:s2+$0x0];
	v12 =	vor.u32 v15, v12;
	v13 =	vor.u32 v18, v13;
	v15 =	vor.u32 v17, v10  }
0x521: {  	[tilespmem:s7+$0x2000] =	vst v16;
	p4 =	por $0x1, $0x1;
	v10 =	vld [tilespmem:s0+$0x0];
	v26 =	vor.u32 $0x300, v12;
	v20 =	vor.u32 $0x300, v13;
	v13 =	vadd.s32 $0x40, v2  }
.Ltmp68:
0x522: {  	[tilespmem:s30+$0x2000] =	vst v14;
	s30 =	sor.u32 $0x310, s8;
	v24 =	vadd.s32 $0x30, v13;
	(pc) =	sbr.rel @!p4 .LBB2_131-.Ltmp68, $4  }
0x523: {  	[tilespmem:s29+$0x2000] =	vst v11;
	s29 =	sor.u32 $0x320, s8;
	v14 =	vld [tilespmem:s30+$0x0];
	v12 =	vor.u32 $0x300, v15;
	v17 =	vadd.s32 $0x10, v13;
	v11 =	vshll.u32 v24, $0x3  }
0x524: {  	[tilespmem:v22+s17+$0x0] =	vst.idx.msk $0xffff, v0;
	v15 =	vadd.s32 $0x20, v13;
	v22 =	vshll.u32 v13, $0x3;
	v27 =	vand.u32 $0xFFFFFC00, v11;
	v11 =	vld [tilespmem:s29+$0x0]  }
0x525: {  	s7 =	simm.s32 $0x4;
	v23 =	vshll.u32 v17, $0x3;
	v21 =	vshll.u32 v15, $0x3;
	v16 =	vshll.u32 v19, $0xC  }
0x526: {  	p3 =	por !p2, !p2;
	p2 =	por $0x1, $0x1;
	s8 =	simm.s32 $0x200;
	v25 =	vand.u32 $0x7F, v24;
	v18 =	vshll.u32 v10, $0xC;
	v24 =	vadd.s32 v27, v16;
	[tilespmem:v26+s17+$0x0] =	vst.idx.msk $0xffff, v0  }
.LBB2_132:
0x527: {  	s9 =	simm.s32 $0x1  }
0x528: {  	s7 =	sadd.s32 $0x4, s7;
	v16 =	vshll.u32 v14, $0xC;
	v23 =	vand.u32 $0xFFFFFC00, v23;
	v24 =	vor.u32 v25, v24;
	[tilespmem:v20+s17+$0x0] =	vst.idx.msk $0xffff, v0;
	s9 =	simm.s32 @!p3 $0x0  }
0x529: {  	v20 =	vand.u32 $0xFFFFFC00, v21;
	s8 =	sadd.s32 $0x200, s8;
	p4 =	slt.u32 s7, $0x1C;
	v21 =	vor.u32 $0x300, v24;
	s9 =	sshll.u32 s9, $0x6;
	[tilespmem:s30+$0x2000] =	vst v14;
	v14 =	vshll.u32 v11, $0xC  }
0x52a: {  	v16 =	vadd.s32 v23, v16;
	s9 =	sadd.s32 s9, s8;
	[tilespmem:s0+$0x2000] =	vst v10;
	v10 =	vand.u32 $0xFFFFFC00, v22;
	v14 =	vadd.s32 v20, v14  }
0x52b: {  	s0 =	sor.u32 $0x300, s9;
	s30 =	sor.u32 $0x310, s9;
	s31 =	sor.u32 $0x330, s9;
	v18 =	vadd.s32 v10, v18;
	v10 =	vand.u32 $0x7F, v17;
	[tilespmem:s29+$0x2000] =	vst v11;
	v11 =	vand.u32 $0x7F, v15  }
0x52c: {  	s29 =	sor.u32 $0x320, s9;
	v15 =	vand.u32 $0x7F, v13;
	v24 =	vld [tilespmem:s31+$0x0];
	v16 =	vor.u32 v10, v16;
	v11 =	vor.u32 v11, v14;
	[tilespmem:v12+s17+$0x0] =	vst.idx.msk $0xffff, v0  }
0x52d: {  	v15 =	vor.u32 v15, v18;
	v10 =	vld [tilespmem:s0+$0x0];
	v16 =	vor.u32 $0x300, v16;
	v12 =	vor.u32 $0x300, v11;
	[tilespmem:s2+$0x2000] =	vst v19;
	s2 =	smov.u32 s31  }
.Ltmp69:
0x52e: {  	v13 =	vadd.s32 $0x40, v13;
	v20 =	vor.u32 $0x300, v15;
	v14 =	vld [tilespmem:s30+$0x0];
	[tilespmem:v21+s17+$0x0] =	vst.idx.msk $0xffff, v0;
	(pc) =	sbr.rel @p4 .LBB2_132-.Ltmp69, $4  }
0x52f: {  	v17 =	vadd.s32 $0x10, v13;
	v25 =	vadd.s32 $0x30, v13;
	v15 =	vadd.s32 $0x20, v13;
	v11 =	vld [tilespmem:s29+$0x0]  }
0x530: {  	v23 =	vshll.u32 v17, $0x3;
	v18 =	vshll.u32 v25, $0x3;
	v21 =	vshll.u32 v15, $0x3  }
0x531: {  	v22 =	vshll.u32 v13, $0x3;
	v27 =	vand.u32 $0xFFFFFC00, v18;
	v26 =	vshll.u32 v24, $0xC;
	v19 =	vmovc v24  }
0x532: {  	p3 =	por !p3, !p3;
	v25 =	vand.u32 $0x7F, v25;
	v18 =	vshll.u32 v10, $0xC;
	v24 =	vadd.s32 v27, v26;
	[tilespmem:v16+s17+$0x0] =	vst.idx.msk $0xffff, v0  }
0x533: {  	v16 =	vmov v19;
	s7 =	smov.u32 s2  }
.LBB2_134:
0x534: {  	v19 =	vshll.u32 v14, $0xC  }
0x535: {  	v23 =	vand.u32 $0xFFFFFC00, v23;
	v24 =	vor.u32 v25, v24;
	v61 =	vshll.u32 v11, $0xC  }
0x536: {  	v21 =	vand.u32 $0xFFFFFC00, v21;
	v22 =	vand.u32 $0xFFFFFC00, v22;
	v17 =	vand.u32 $0x7F, v17  }
0x537: {  	v13 =	vand.u32 $0x7F, v13;
	[tilespmem:s0+$0x2000] =	vst v10;
	v10 =	vand.u32 $0x7F, v15;
	v19 =	vadd.s32 v23, v19  }
0x538: {  	[tilespmem:s30+$0x2000] =	vst v14;
	v24 =	vor.u32 $0x300, v24;
	v14 =	vadd.s32 v22, v18;
	v17 =	vor.u32 v17, v19  }
0x539: {  	[tilespmem:v20+s17+$0x0] =	vst.idx.msk @p2 $0xffff, v0;
	v62 =	vadd.s32 v21, v61;
	v13 =	vor.u32 v13, v14;
	v14 =	vor.u32 $0x300, v17  }
0x53a: {  	[tilespmem:s29+$0x2000] =	vst v11;
	v10 =	vor.u32 v10, v62;
	v11 =	vor.u32 $0x300, v13  }
0x53b: {  	[tilespmem:v12+s17+$0x0] =	vst.idx.msk @p2 $0xffff, v0;
	v10 =	vor.u32 $0x300, v10  }
0x53c: {  	[tilespmem:s7+$0x2000] =	vst v16  }
0x53d: {  	[tilespmem:v24+s17+$0x0] =	vst.idx.msk $0xffff, v0  }
0x53e: {  	[tilespmem:v14+s17+$0x0] =	vst.idx.msk $0xffff, v0  }
0x53f: {  	[tilespmem:v11+s17+$0x0] =	vst.idx.msk $0xffff, v0  }
0x540: {  	s7 =	sor.u32 $0x3B0, s28;
	[tilespmem:v10+s17+$0x0] =	vst.idx.msk $0xffff, v0  }
0x541: {  	s31 =	sor.u32 $0x380, s28;
	v12 =	vld [tilespmem:s7+$0x0]  }
0x542: {  	s2 =	sor.u32 $0x390, s28;
	v13 =	vld [tilespmem:s31+$0x0]  }
0x543: {  	s8 =	sor.u32 $0x3A0, s28;
	v14 =	vld [tilespmem:s2+$0x0]  }
0x544: {  	v10 =	vld [tilespmem:s8+$0x0];
	_ =	sdelay $0x1  }
.Ltmp70:
0x545: {  	_ = 	snop;
	(pc) =	sbr.rel @!p1 .LBB2_135-.Ltmp70, $4  }
0x546: {  	v63 =	vand.u32 $0xFFFFFC00, v6;
	v5 =	vand.u32 $0xFFFFFC00, v5;
	v15 =	vshll.u32 v12, $0xC  }
0x547: {  	v11 =	vshll.u32 v13, $0xC;
	[tilespmem:s31+$0x2000] =	vst v13;
	v13 =	vand.u32 $0xFFFFFC00, v7;
	v8 =	vadd.s32 v8, v15  }
0x548: {  	v15 =	vshll.u32 v14, $0xC;
	v6 =	vor.u32 v9, v8;
	v9 =	vshll.u32 v10, $0xC  }
0x549: {  	[tilespmem:s2+$0x2000] =	vst v14;
	s2 =	simm.s32 $0x240;
	v8 =	vadd.s32 v63, v15;
	v6 =	vor.u32 $0x380, v6;
	v9 =	vadd.s32 v5, v9  }
0x54a: {  	s0 =	sor.u32 $0x3B0, s2;
	v5 =	vadd.s32 v13, v11;
	v3 =	vand.u32 $0x7F, v3  }
0x54b: {  	v4 =	vand.u32 $0x7F, v4;
	s9 =	sor.u32 $0x380, s2;
	v11 =	vand.u32 $0x7F, v2;
	v2 =	vadd.s32 $0x40, v2;
	v7 =	vld [tilespmem:s0+$0x0]  }
0x54c: {  	s28 =	sor.u32 $0x390, s2;
	v3 =	vor.u32 v3, v8;
	v4 =	vor.u32 v4, v9;
	v8 =	vld [tilespmem:s9+$0x0];
	v9 =	vor.u32 v11, v5  }
0x54d: {  	s2 =	sor.u32 $0x3A0, s2;
	v14 =	vld [tilespmem:s28+$0x0];
	v15 =	vadd.s32 $0x30, v2;
	v17 =	vshll.u32 v2, $0x3;
	v5 =	vor.u32 $0x380, v3  }
0x54e: {  	[tilespmem:s8+$0x2000] =	vst v10;
	v10 =	vld [tilespmem:s2+$0x0];
	v13 =	vor.u32 $0x380, v4;
	v9 =	vor.u32 $0x380, v9;
	v3 =	vadd.s32 $0x10, v2  }
0x54f: {  	[tilespmem:s7+$0x2000] =	vst v12;
	p1 =	por $0x1, $0x1;
	v4 =	vadd.s32 $0x20, v2;
	v11 =	vshll.u32 v15, $0x3;
	v12 =	vshll.u32 v3, $0x3  }
.Ltmp71:
0x550: {  	[tilespmem:v6+s17+$0x0] =	vst.idx.msk $0xffff, v0;
	v16 =	vshll.u32 v4, $0x3;
	v18 =	vand.u32 $0xFFFFFC00, v11;
	v6 =	vshll.u32 v7, $0xC;
	(pc) =	sbr.rel @!p1 .LBB2_137-.Ltmp71, $4  }
0x551: {  	[tilespmem:s9+$0x2000] =	vst v8;
	v11 =	vshll.u32 v8, $0xC;
	v8 =	vand.u32 $0x7F, v15;
	v6 =	vadd.s32 v18, v6  }
0x552: {  	v12 =	vand.u32 $0xFFFFFC00, v12;
	v16 =	vand.u32 $0xFFFFFC00, v16;
	[tilespmem:s28+$0x2000] =	vst v14;
	v6 =	vor.u32 v8, v6  }
0x553: {  	v15 =	vshll.u32 v14, $0xC;
	[tilespmem:v9+s17+$0x0] =	vst.idx.msk $0xffff, v0;
	v9 =	vshll.u32 v10, $0xC;
	v6 =	vor.u32 $0x380, v6  }
0x554: {  	s7 =	simm.s32 $0x4;
	s8 =	simm.s32 $0x480;
	p0 =	por $0x1, $0x1;
	[tilespmem:v13+s17+$0x0] =	vst.idx.msk $0xffff, v0;
	v13 =	vand.u32 $0xFFFFFC00, v17;
	v8 =	vadd.s32 v12, v15;
	v9 =	vadd.s32 v16, v9  }
.LBB2_138:
0x555: {  	s9 =	sor.u32 $0x390, s8;
	s28 =	sor.u32 $0x3B0, s8;
	s7 =	sadd.s32 $0x4, s7;
	v11 =	vadd.s32 v13, v11;
	v3 =	vand.u32 $0x7F, v3;
	v4 =	vand.u32 $0x7F, v4;
	[tilespmem:v5+s17+$0x0] =	vst.idx.msk $0xffff, v0  }
0x556: {  	s29 =	sor.u32 $0x380, s8;
	v5 =	vand.u32 $0x7F, v2;
	v12 =	vld [tilespmem:s28+$0x0];
	p1 =	slt.u32 s7, $0x1C;
	v3 =	vor.u32 v3, v8;
	[tilespmem:s2+$0x2000] =	vst v10;
	s2 =	sor.u32 $0x3A0, s8;
	v4 =	vor.u32 v4, v9  }
0x557: {  	v9 =	vor.u32 v5, v11;
	v8 =	vld [tilespmem:s29+$0x0];
	v5 =	vor.u32 $0x380, v3;
	v13 =	vor.u32 $0x380, v4;
	[tilespmem:s0+$0x2000] =	vst v7;
	s0 =	smov.u32 s28  }
0x558: {  	v2 =	vadd.s32 $0x40, v2;
	v9 =	vor.u32 $0x380, v9;
	v14 =	vld [tilespmem:s9+$0x0];
	[tilespmem:v6+s17+$0x0] =	vst.idx.msk $0xffff, v0  }
0x559: {  	v3 =	vadd.s32 $0x10, v2;
	v4 =	vadd.s32 $0x20, v2;
	v6 =	vadd.s32 $0x30, v2;
	v10 =	vld [tilespmem:s2+$0x0]  }
0x55a: {  	v15 =	vshll.u32 v3, $0x3;
	v16 =	vshll.u32 v4, $0x3;
	v11 =	vshll.u32 v6, $0x3  }
.Ltmp72:
0x55b: {  	v17 =	vshll.u32 v2, $0x3;
	v19 =	vand.u32 $0xFFFFFC00, v11;
	v18 =	vshll.u32 v12, $0xC;
	v7 =	vmovc v12;
	(pc) =	sbr.rel @p1 .LBB2_138-.Ltmp72, $4  }
0x55c: {  	v6 =	vand.u32 $0x7F, v6;
	[tilespmem:s29+$0x2000] =	vst v8;
	v11 =	vshll.u32 v8, $0xC;
	v8 =	vadd.s32 v19, v18  }
0x55d: {  	v15 =	vand.u32 $0xFFFFFC00, v15;
	v12 =	vshll.u32 v14, $0xC;
	v6 =	vor.u32 v6, v8;
	[tilespmem:v9+s17+$0x0] =	vst.idx.msk $0xffff, v0  }
0x55e: {  	v16 =	vand.u32 $0xFFFFFC00, v16;
	v9 =	vshll.u32 v10, $0xC;
	v6 =	vor.u32 $0x380, v6;
	[tilespmem:v13+s17+$0x0] =	vst.idx.msk $0xffff, v0  }
0x55f: {  	s8 =	sadd.s32 $0x240, s8;
	v13 =	vand.u32 $0xFFFFFC00, v17;
	v8 =	vadd.s32 v15, v12;
	[tilespmem:s9+$0x2000] =	vst v14;
	v9 =	vadd.s32 v16, v9  }
0x560: {  	s8 =	smov.u32 s2;
	v12 =	vmov v7;
	s7 =	smov.u32 s0  }
.LBB2_140:
0x561: {  	_ = 	snop  }
0x562: {  	v7 =	vadd.s32 v13, v11;
	v2 =	vand.u32 $0x7F, v2  }
0x563: {  	v4 =	vand.u32 $0x7F, v4;
	v2 =	vor.u32 v2, v7  }
0x564: {  	v3 =	vand.u32 $0x7F, v3;
	v4 =	vor.u32 v4, v9;
	v2 =	vor.u32 $0x380, v2  }
0x565: {  	[tilespmem:v5+s17+$0x0] =	vst.idx.msk @p0 $0xffff, v0;
	v3 =	vor.u32 v3, v8;
	v4 =	vor.u32 $0x380, v4  }
0x566: {  	[tilespmem:s8+$0x2000] =	vst v10;
	v3 =	vor.u32 $0x380, v3  }
0x567: {  	[tilespmem:s7+$0x2000] =	vst v12  }
0x568: {  	s26 =	sadd.s32 $0x1, s26;
	[tilespmem:v6+s17+$0x0] =	vst.idx.msk $0xffff, v0  }
0x569: {  	s0 =	sadd.s32 s12, s26;
	s28 =	sshll.u32 s26, $0x1;
	[tilespmem:v2+s17+$0x0] =	vst.idx.msk $0xffff, v0  }
0x56a: {  	s29 =	sshll.u32 s0, $0xA;
	s11 =	smin.u32 s28, $0x5;
	[tilespmem:v4+s17+$0x0] =	vst.idx.msk $0xffff, v0  }
0x56b: {  	s0 =	sadd.s32 s3, s29;
	s2 =	sadd.s32 $0x2, s11;
	[tilespmem:v3+s17+$0x0] =	vst.idx.msk $0xffff, v0  }
0x56c: {  	[hbm4b:s0+s16] =	stream.strided.scatter [tilespmem:s17], [sflag:$0x3], $0xA000, s21, s16, $0x38;
	[tilespmem:$0x18000] =	vst v63  }
0x56d: {  	s2 =	sshrl.u32 s2, $0x1;
	s0 =	sshll.u32 s11, $0x9  }
0x56e: {  	s2 =	sadd.s32 s12, s2;
	s0 =	sand.u32 $0x200, s0  }
0x56f: {  	s2 =	sshll.u32 s2, $0xA;
	s0 =	sadd.s32 s1, s0  }
0x570: {  	s7 =	simm.s32 $0x0;
	s0 =	sadd.s32 s2, s0  }
0x571: {  	[tilespmem:s7], [sflag:$0x1] =	stream.linear.gather [hbm4b:s0+s7], $0x1000, $0x38;
	[tilespmem:$0x18000] =	vst v63  }
0x572: {  	_ =	swait.ge [sflag:s22], $0xA000  }
0x573: {  	s8 =	sand.u32 $0x40, s7;
	s2 =	sand.u32 $0xC00, s7;
	[sflag:s22] =	ssyncset.done $0x0  }
0x574: {  	s2 =	sor.u32 s8, s2;
	[sflag:s22] =	ssyncadd.s32 $0xFFFF6000  }
0x575: {  	v6 =	vld [tilespmem:s2+$0x3030]  }
0x576: {  	v2 =	vlaneseq.u32;
	v7 =	vld [tilespmem:s2+$0x3000]  }
0x577: {  	v4 =	vadd.s32 $0x10, v2;
	v10 =	vld [tilespmem:s2+$0x3010]  }
0x578: {  	v3 =	vadd.s32 $0x20, v2;
	v9 =	vadd.s32 $0x30, v2;
	v5 =	vshll.u32 v2, $0x3;
	v11 =	vld [tilespmem:s2+$0x3020]  }
0x579: {  	s30 =	simm.s32 $0x200;
	s31 =	simm.s32 $0x40;
	v12 =	vshll.u32 v4, $0x3;
	v13 =	vshll.u32 v3, $0x3;
	v8 =	vshll.u32 v9, $0x3  }
0x57a: {  	s9 =	sand.u32 $0x40, s31;
	s10 =	sand.u32 $0xC00, s30;
	v9 =	vand.u32 $0x7F, v9;
	v8 =	vand.u32 $0xFFFFFC00, v8;
	v6 =	vshll.u32 v6, $0xC  }
0x57b: {  	s11 =	sor.u32 s9, s10;
	v15 =	vand.u32 $0x7F, v4;
	v14 =	vshll.u32 v7, $0xC;
	v7 =	vadd.s32 v8, v6  }
0x57c: {  	v17 =	vand.u32 $0x7F, v3;
	v18 =	vld [tilespmem:s11+$0x3000];
	v10 =	vshll.u32 v10, $0xC;
	v16 =	vor.u32 v9, v7  }
0x57d: {  	v11 =	vshll.u32 v11, $0xC;
	v6 =	vand.u32 $0xFFFFFC00, v12;
	v12 =	vand.u32 $0xFFFFFC00, v5  }
0x57e: {  	v7 =	vand.u32 $0xFFFFFC00, v13;
	v12 =	vadd.s32 v12, v14;
	v14 =	vld [tilespmem:s11+$0x3030];
	v13 =	vand.u32 $0x7F, v2  }
0x57f: {  	v10 =	vadd.s32 v6, v10;
	v11 =	vadd.s32 v7, v11;
	v19 =	vor.u32 v13, v12  }
0x580: {  	v20 =	vld [tilespmem:s11+$0x3010];
	v21 =	vor.u32 v15, v10;
	v10 =	vadd.s32 $0x40, v2;
	v11 =	vor.u32 v17, v11  }
0x581: {  	v13 =	vadd.s32 $0x10, v10;
	v22 =	vadd.s32 $0x30, v10;
	[tilespmem:v16+s18+$0x0] =	vst.idx.msk $0xffff, v1;
	v16 =	vshll.u32 v18, $0xC;
	v18 =	vld [tilespmem:s11+$0x3020]  }
0x582: {  	v12 =	vadd.s32 $0x20, v10;
	v17 =	vshll.u32 v10, $0x3;
	v24 =	vshll.u32 v22, $0x3  }
0x583: {  	v23 =	vshll.u32 v13, $0x3;
	v24 =	vand.u32 $0xFFFFFC00, v24;
	v14 =	vshll.u32 v14, $0xC  }
0x584: {  	s9 =	simm.s32 $0x80;
	v15 =	vshll.u32 v12, $0x3;
	v22 =	vand.u32 $0x7F, v22;
	v14 =	vadd.s32 v24, v14;
	[tilespmem:v19+s18+$0x0] =	vst.idx.msk $0xffff, v1  }
0x585: {  	s0 =	simm.s32 $0x0;
	s7 =	simm.s32 $0x4;
	s8 =	simm.s32 $0x400;
	v19 =	vshll.u32 v20, $0xC;
	v20 =	vand.u32 $0xFFFFFC00, v23;
	[tilespmem:v21+s18+$0x0] =	vst.idx.msk $0xffff, v1;
	v14 =	vor.u32 v22, v14  }
.LBB2_141:
0x586: {  	s10 =	sand.u32 $0x40, s9;
	s11 =	sand.u32 $0xC00, s8;
	s7 =	sadd.s32 $0x4, s7;
	v17 =	vand.u32 $0xFFFFFC00, v17;
	v18 =	vshll.u32 v18, $0xC;
	v15 =	vand.u32 $0xFFFFFC00, v15;
	[tilespmem:v11+s18+$0x0] =	vst.idx.msk $0xffff, v1  }
0x587: {  	s10 =	sor.u32 s10, s11;
	p0 =	slt.u32 s7, $0x1C;
	v11 =	vadd.s32 v17, v16;
	v16 =	vadd.s32 v20, v19;
	v15 =	vadd.s32 v15, v18  }
0x588: {  	v13 =	vand.u32 $0x7F, v13;
	v12 =	vand.u32 $0x7F, v12;
	v17 =	vand.u32 $0x7F, v10;
	v19 =	vld [tilespmem:s10+$0x3030]  }
0x589: {  	v21 =	vor.u32 v17, v11;
	v22 =	vor.u32 v13, v16;
	v11 =	vor.u32 v12, v15;
	v20 =	vld [tilespmem:s10+$0x3000]  }
0x58a: {  	v10 =	vadd.s32 $0x40, v10;
	v23 =	vld [tilespmem:s10+$0x3010];
	[tilespmem:v14+s18+$0x0] =	vst.idx.msk $0xffff, v1  }
.Ltmp73:
0x58b: {  	v13 =	vadd.s32 $0x10, v10;
	v12 =	vadd.s32 $0x20, v10;
	v14 =	vadd.s32 $0x30, v10;
	v18 =	vld [tilespmem:s10+$0x3020];
	(pc) =	sbr.rel @p0 .LBB2_141-.Ltmp73, $4  }
0x58c: {  	v24 =	vshll.u32 v13, $0x3;
	v15 =	vshll.u32 v12, $0x3;
	v16 =	vshll.u32 v14, $0x3  }
0x58d: {  	v17 =	vshll.u32 v10, $0x3;
	v25 =	vand.u32 $0xFFFFFC00, v16;
	v19 =	vshll.u32 v19, $0xC  }
0x58e: {  	v14 =	vand.u32 $0x7F, v14;
	v16 =	vshll.u32 v20, $0xC;
	v25 =	vadd.s32 v25, v19;
	[tilespmem:v21+s18+$0x0] =	vst.idx.msk $0xffff, v1  }
0x58f: {  	s8 =	sadd.s32 $0x200, s8;
	s9 =	sadd.s32 $0x40, s9;
	v20 =	vand.u32 $0xFFFFFC00, v24;
	v19 =	vshll.u32 v23, $0xC;
	v14 =	vor.u32 v14, v25;
	[tilespmem:v22+s18+$0x0] =	vst.idx.msk $0xffff, v1  }
0x590: {  	v17 =	vand.u32 $0xFFFFFC00, v17;
	v18 =	vshll.u32 v18, $0xC  }
0x591: {  	v15 =	vand.u32 $0xFFFFFC00, v15;
	v63 =	vadd.s32 v20, v19;
	v13 =	vand.u32 $0x7F, v13  }
0x592: {  	v10 =	vand.u32 $0x7F, v10;
	v16 =	vadd.s32 v17, v16;
	v13 =	vor.u32 v13, v63  }
0x593: {  	v12 =	vand.u32 $0x7F, v12;
	v15 =	vadd.s32 v15, v18;
	v10 =	vor.u32 v10, v16  }
0x594: {  	v12 =	vor.u32 v12, v15  }
0x595: {  	[tilespmem:v11+s18+$0x0] =	vst.idx.msk $0xffff, v1  }
0x596: {  	[tilespmem:v14+s18+$0x0] =	vst.idx.msk $0xffff, v1  }
0x597: {  	[tilespmem:v13+s18+$0x0] =	vst.idx.msk $0xffff, v1  }
0x598: {  	[tilespmem:v10+s18+$0x0] =	vst.idx.msk $0xffff, v1  }
0x599: {  	[tilespmem:v12+s18+$0x0] =	vst.idx.msk $0xffff, v1  }
0x59a: {  	v10 =	vld [tilespmem:s2+$0x30B0]  }
0x59b: {  	v11 =	vld [tilespmem:s2+$0x3080]  }
0x59c: {  	v12 =	vld [tilespmem:s2+$0x3090]  }
0x59d: {  	v13 =	vld [tilespmem:s2+$0x30A0];
	_ =	sdelay $0x1  }
0x59e: {  	v10 =	vshll.u32 v10, $0xC  }
0x59f: {  	v8 =	vadd.s32 v8, v10  }
0x5a0: {  	v10 =	vshll.u32 v11, $0xC;
	v8 =	vor.u32 v9, v8  }
0x5a1: {  	v11 =	vshll.u32 v13, $0xC;
	v9 =	vshll.u32 v12, $0xC;
	v8 =	vor.u32 $0x80, v8  }
.LBB2_143:
0x5a2: {  	s2 =	sand.u32 $0x40, s31;
	s7 =	sand.u32 $0xC00, s30;
	s0 =	sadd.s32 $0x4, s0;
	v5 =	vand.u32 $0xFFFFFC00, v5;
	v6 =	vadd.s32 v6, v9;
	v7 =	vadd.s32 v7, v11  }
0x5a3: {  	v4 =	vand.u32 $0x7F, v4;
	v3 =	vand.u32 $0x7F, v3;
	s2 =	sor.u32 s2, s7;
	p0 =	slt.u32 s0, $0x1C;
	v5 =	vadd.s32 v5, v10  }
0x5a4: {  	v10 =	vand.u32 $0x7F, v2;
	v4 =	vor.u32 v4, v6;
	v3 =	vor.u32 v3, v7;
	v9 =	vld [tilespmem:s2+$0x30B0]  }
0x5a5: {  	v5 =	vor.u32 v10, v5;
	v7 =	vor.u32 $0x80, v4;
	v12 =	vor.u32 $0x80, v3;
	v6 =	vld [tilespmem:s2+$0x3080]  }
0x5a6: {  	v2 =	vadd.s32 $0x40, v2;
	v13 =	vor.u32 $0x80, v5;
	v11 =	vld [tilespmem:s2+$0x3090];
	[tilespmem:v8+s18+$0x0] =	vst.idx.msk $0xffff, v1  }
0x5a7: {  	v4 =	vadd.s32 $0x10, v2;
	v3 =	vadd.s32 $0x20, v2;
	v14 =	vadd.s32 $0x30, v2;
	v8 =	vld [tilespmem:s2+$0x30A0]  }
.Ltmp74:
0x5a8: {  	v15 =	vshll.u32 v4, $0x3;
	v16 =	vshll.u32 v3, $0x3;
	v10 =	vshll.u32 v14, $0x3;
	(pc) =	sbr.rel @p0 .LBB2_143-.Ltmp74, $4  }
0x5a9: {  	v5 =	vshll.u32 v2, $0x3;
	v17 =	vand.u32 $0xFFFFFC00, v10;
	v9 =	vshll.u32 v9, $0xC  }
0x5aa: {  	v14 =	vand.u32 $0x7F, v14;
	v10 =	vshll.u32 v6, $0xC;
	v17 =	vadd.s32 v17, v9;
	[tilespmem:v7+s18+$0x0] =	vst.idx.msk $0xffff, v1  }
0x5ab: {  	v6 =	vand.u32 $0xFFFFFC00, v15;
	v9 =	vshll.u32 v11, $0xC;
	v14 =	vor.u32 v14, v17;
	[tilespmem:v13+s18+$0x0] =	vst.idx.msk $0xffff, v1  }
0x5ac: {  	s30 =	sadd.s32 $0x200, s30;
	s31 =	sadd.s32 $0x40, s31;
	v7 =	vand.u32 $0xFFFFFC00, v16;
	v11 =	vshll.u32 v8, $0xC;
	v8 =	vor.u32 $0x80, v14;
	[tilespmem:v12+s18+$0x0] =	vst.idx.msk $0xffff, v1  }
0x5ad: {  	v5 =	vand.u32 $0xFFFFFC00, v5  }
0x5ae: {  	v6 =	vadd.s32 v6, v9;
	v7 =	vadd.s32 v7, v11;
	v4 =	vand.u32 $0x7F, v4  }
0x5af: {  	v2 =	vand.u32 $0x7F, v2;
	v3 =	vand.u32 $0x7F, v3;
	v4 =	vor.u32 v4, v6  }
0x5b0: {  	v5 =	vadd.s32 v5, v10;
	v3 =	vor.u32 v3, v7;
	v4 =	vor.u32 $0x80, v4  }
0x5b1: {  	v2 =	vor.u32 v2, v5;
	v3 =	vor.u32 $0x80, v3  }
0x5b2: {  	v2 =	vor.u32 $0x80, v2;
	_ =	sdelay $0x1  }
0x5b3: {  	[tilespmem:v8+s18+$0x0] =	vst.idx.msk $0xffff, v1  }
0x5b4: {  	s0 =	simm.s32 $0x0;
	[tilespmem:v4+s18+$0x0] =	vst.idx.msk $0xffff, v1  }
0x5b5: {  	s2 =	sand.u32 $0x40, s0;
	s0 =	sand.u32 $0xC00, s0;
	[tilespmem:v3+s18+$0x0] =	vst.idx.msk $0xffff, v1  }
0x5b6: {  	s0 =	sor.u32 s2, s0;
	[tilespmem:v2+s18+$0x0] =	vst.idx.msk $0xffff, v1  }
0x5b7: {  	v3 =	vld [tilespmem:s0+$0x3130]  }
0x5b8: {  	v2 =	vlaneseq.u32;
	v7 =	vld [tilespmem:s0+$0x3100]  }
0x5b9: {  	v8 =	vld [tilespmem:s0+$0x3110];
	v6 =	vadd.s32 $0x10, v2  }
0x5ba: {  	v13 =	vld [tilespmem:s0+$0x3120];
	v5 =	vadd.s32 $0x20, v2;
	v11 =	vadd.s32 $0x30, v2;
	v10 =	vshll.u32 v2, $0x3  }
0x5bb: {  	v12 =	vshll.u32 v6, $0x3;
	v14 =	vshll.u32 v5, $0x3;
	v4 =	vshll.u32 v11, $0x3  }
0x5bc: {  	v4 =	vand.u32 $0xFFFFFC00, v4;
	v12 =	vand.u32 $0xFFFFFC00, v12;
	v15 =	vshll.u32 v3, $0xC  }
0x5bd: {  	v9 =	vshll.u32 v7, $0xC;
	v3 =	vand.u32 $0x7F, v11;
	v7 =	vadd.s32 v4, v15  }
0x5be: {  	v14 =	vand.u32 $0xFFFFFC00, v14;
	v11 =	vshll.u32 v8, $0xC;
	v7 =	vor.u32 v3, v7  }
0x5bf: {  	s7 =	simm.s32 $0x200;
	s8 =	simm.s32 $0x40;
	s2 =	simm.s32 $0x0;
	v13 =	vshll.u32 v13, $0xC;
	v8 =	vor.u32 $0x100, v7;
	v7 =	vlaneseq.u32  }
.LBB2_145:
0x5c0: {  	s9 =	sand.u32 $0x40, s8;
	s10 =	sand.u32 $0xC00, s7;
	s2 =	sadd.s32 $0x4, s2;
	v10 =	vand.u32 $0xFFFFFC00, v10;
	v11 =	vadd.s32 v12, v11;
	v12 =	vadd.s32 v14, v13  }
0x5c1: {  	v6 =	vand.u32 $0x7F, v6;
	v5 =	vand.u32 $0x7F, v5;
	s9 =	sor.u32 s9, s10;
	p0 =	slt.u32 s2, $0x1C;
	v9 =	vadd.s32 v10, v9  }
0x5c2: {  	v10 =	vand.u32 $0x7F, v7;
	v6 =	vor.u32 v6, v11;
	v5 =	vor.u32 v5, v12;
	v13 =	vld [tilespmem:s9+$0x3130]  }
0x5c3: {  	v9 =	vor.u32 v10, v9;
	v12 =	vor.u32 $0x100, v6;
	v15 =	vor.u32 $0x100, v5;
	v11 =	vld [tilespmem:s9+$0x3100]  }
0x5c4: {  	v7 =	vadd.s32 $0x40, v7;
	v16 =	vor.u32 $0x100, v9;
	v14 =	vld [tilespmem:s9+$0x3110];
	[tilespmem:v8+s18+$0x0] =	vst.idx.msk $0xffff, v1  }
0x5c5: {  	v6 =	vadd.s32 $0x10, v7;
	v5 =	vadd.s32 $0x20, v7;
	v17 =	vadd.s32 $0x30, v7;
	v8 =	vld [tilespmem:s9+$0x3120]  }
.Ltmp75:
0x5c6: {  	v18 =	vshll.u32 v6, $0x3;
	v19 =	vshll.u32 v5, $0x3;
	v9 =	vshll.u32 v17, $0x3;
	(pc) =	sbr.rel @p0 .LBB2_145-.Ltmp75, $4  }
0x5c7: {  	v10 =	vshll.u32 v7, $0x3;
	v20 =	vand.u32 $0xFFFFFC00, v9;
	v13 =	vshll.u32 v13, $0xC  }
0x5c8: {  	v17 =	vand.u32 $0x7F, v17;
	v9 =	vshll.u32 v11, $0xC;
	v13 =	vadd.s32 v20, v13;
	[tilespmem:v12+s18+$0x0] =	vst.idx.msk $0xffff, v1  }
0x5c9: {  	v12 =	vand.u32 $0xFFFFFC00, v18;
	v11 =	vshll.u32 v14, $0xC;
	v17 =	vor.u32 v17, v13;
	[tilespmem:v16+s18+$0x0] =	vst.idx.msk $0xffff, v1  }
0x5ca: {  	s7 =	sadd.s32 $0x200, s7;
	s8 =	sadd.s32 $0x40, s8;
	v14 =	vand.u32 $0xFFFFFC00, v19;
	v13 =	vshll.u32 v8, $0xC;
	v8 =	vor.u32 $0x100, v17;
	[tilespmem:v15+s18+$0x0] =	vst.idx.msk $0xffff, v1  }
0x5cb: {  	v10 =	vand.u32 $0xFFFFFC00, v10  }
0x5cc: {  	v11 =	vadd.s32 v12, v11;
	v60 =	vadd.s32 v14, v13;
	v6 =	vand.u32 $0x7F, v6  }
0x5cd: {  	v7 =	vand.u32 $0x7F, v7;
	v5 =	vand.u32 $0x7F, v5;
	v6 =	vor.u32 v6, v11  }
0x5ce: {  	v9 =	vadd.s32 v10, v9;
	v5 =	vor.u32 v5, v60;
	v6 =	vor.u32 $0x100, v6  }
0x5cf: {  	v7 =	vor.u32 v7, v9;
	v5 =	vor.u32 $0x100, v5  }
0x5d0: {  	v7 =	vor.u32 $0x100, v7;
	_ =	sdelay $0x1  }
0x5d1: {  	[tilespmem:v8+s18+$0x0] =	vst.idx.msk $0xffff, v1  }
0x5d2: {  	[tilespmem:v6+s18+$0x0] =	vst.idx.msk $0xffff, v1  }
0x5d3: {  	[tilespmem:v5+s18+$0x0] =	vst.idx.msk $0xffff, v1  }
0x5d4: {  	[tilespmem:v7+s18+$0x0] =	vst.idx.msk $0xffff, v1  }
0x5d5: {  	v7 =	vld [tilespmem:s0+$0x31B0]  }
0x5d6: {  	v9 =	vld [tilespmem:s0+$0x3180]  }
0x5d7: {  	v10 =	vld [tilespmem:s0+$0x3190]  }
0x5d8: {  	v11 =	vld [tilespmem:s0+$0x31A0]  }
0x5d9: {  	v8 =	vshll.u32 v2, $0x3;
	v6 =	vadd.s32 $0x10, v2  }
0x5da: {  	v5 =	vadd.s32 $0x20, v2;
	v61 =	vshll.u32 v6, $0x3;
	v63 =	vshll.u32 v7, $0xC  }
0x5db: {  	v62 =	vshll.u32 v5, $0x3;
	v7 =	vshll.u32 v9, $0xC;
	v14 =	vadd.s32 v4, v63  }
0x5dc: {  	v9 =	vand.u32 $0xFFFFFC00, v61;
	v4 =	vshll.u32 v10, $0xC;
	v3 =	vor.u32 v3, v14  }
0x5dd: {  	s2 =	simm.s32 $0x200;
	s7 =	simm.s32 $0x40;
	s0 =	simm.s32 $0x0;
	v10 =	vshll.u32 v11, $0xC;
	v11 =	vand.u32 $0xFFFFFC00, v62;
	v3 =	vor.u32 $0x180, v3  }
.LBB2_147:
0x5de: {  	s8 =	sand.u32 $0x40, s7;
	s9 =	sand.u32 $0xC00, s2;
	s0 =	sadd.s32 $0x4, s0;
	v8 =	vand.u32 $0xFFFFFC00, v8;
	v4 =	vadd.s32 v9, v4;
	v9 =	vadd.s32 v11, v10  }
0x5df: {  	v6 =	vand.u32 $0x7F, v6;
	v5 =	vand.u32 $0x7F, v5;
	s8 =	sor.u32 s8, s9;
	p0 =	slt.u32 s0, $0x1C;
	v7 =	vadd.s32 v8, v7  }
0x5e0: {  	v8 =	vand.u32 $0x7F, v2;
	v4 =	vor.u32 v6, v4;
	v5 =	vor.u32 v5, v9;
	v10 =	vld [tilespmem:s8+$0x31B0]  }
0x5e1: {  	v6 =	vor.u32 v8, v7;
	v4 =	vor.u32 $0x180, v4;
	v12 =	vor.u32 $0x180, v5;
	v9 =	vld [tilespmem:s8+$0x3180]  }
0x5e2: {  	v2 =	vadd.s32 $0x40, v2;
	v13 =	vor.u32 $0x180, v6;
	v11 =	vld [tilespmem:s8+$0x3190];
	[tilespmem:v3+s18+$0x0] =	vst.idx.msk $0xffff, v1  }
0x5e3: {  	v5 =	vadd.s32 $0x20, v2;
	v14 =	vadd.s32 $0x30, v2;
	v6 =	vadd.s32 $0x10, v2;
	v3 =	vld [tilespmem:s8+$0x31A0]  }
.Ltmp76:
0x5e4: {  	v16 =	vshll.u32 v5, $0x3;
	v7 =	vshll.u32 v14, $0x3;
	v15 =	vshll.u32 v6, $0x3;
	(pc) =	sbr.rel @p0 .LBB2_147-.Ltmp76, $4  }
0x5e5: {  	v8 =	vshll.u32 v2, $0x3;
	v17 =	vand.u32 $0xFFFFFC00, v7;
	v10 =	vshll.u32 v10, $0xC  }
0x5e6: {  	v14 =	vand.u32 $0x7F, v14;
	v7 =	vshll.u32 v9, $0xC;
	v10 =	vadd.s32 v17, v10;
	[tilespmem:v4+s18+$0x0] =	vst.idx.msk $0xffff, v1  }
0x5e7: {  	v9 =	vand.u32 $0xFFFFFC00, v15;
	v4 =	vshll.u32 v11, $0xC;
	v14 =	vor.u32 v14, v10;
	[tilespmem:v13+s18+$0x0] =	vst.idx.msk $0xffff, v1  }
0x5e8: {  	s2 =	sadd.s32 $0x200, s2;
	s7 =	sadd.s32 $0x40, s7;
	v11 =	vand.u32 $0xFFFFFC00, v16;
	v10 =	vshll.u32 v3, $0xC;
	v3 =	vor.u32 $0x180, v14;
	[tilespmem:v12+s18+$0x0] =	vst.idx.msk $0xffff, v1  }
0x5e9: {  	v8 =	vand.u32 $0xFFFFFC00, v8  }
0x5ea: {  	v4 =	vadd.s32 v9, v4;
	v9 =	vadd.s32 v11, v10;
	v6 =	vand.u32 $0x7F, v6  }
0x5eb: {  	v2 =	vand.u32 $0x7F, v2;
	v5 =	vand.u32 $0x7F, v5;
	v4 =	vor.u32 v6, v4  }
0x5ec: {  	v7 =	vadd.s32 v8, v7;
	v5 =	vor.u32 v5, v9;
	v4 =	vor.u32 $0x180, v4  }
0x5ed: {  	v2 =	vor.u32 v2, v7;
	v5 =	vor.u32 $0x180, v5  }
0x5ee: {  	v2 =	vor.u32 $0x180, v2  }
0x5ef: {  	p0 =	por $0x0, $0x0;
	s0 =	simm.s32 $0x1  }
0x5f0: {  	[tilespmem:v3+s18+$0x0] =	vst.idx.msk $0xffff, v1;
	s0 =	simm.s32 @!p0 $0x0  }
0x5f1: {  	s0 =	sshll.u32 s0, $0x6;
	[tilespmem:v4+s18+$0x0] =	vst.idx.msk $0xffff, v1  }
0x5f2: {  	s0 =	sadd.s32 $0x0, s0;
	[tilespmem:v5+s18+$0x0] =	vst.idx.msk $0xffff, v1  }
0x5f3: {  	s2 =	sor.u32 $0x230, s0;
	[tilespmem:v2+s18+$0x0] =	vst.idx.msk $0xffff, v1  }
0x5f4: {  	s7 =	sor.u32 $0x200, s0;
	v3 =	vld [tilespmem:s2+$0x3000]  }
0x5f5: {  	s10 =	sor.u32 $0x220, s0;
	v2 =	vlaneseq.u32;
	v5 =	vld [tilespmem:s7+$0x3000]  }
0x5f6: {  	s9 =	sor.u32 $0x210, s0;
	v8 =	vadd.s32 $0x10, v2;
	v9 =	vadd.s32 $0x20, v2;
	v7 =	vld [tilespmem:s10+$0x3000]  }
0x5f7: {  	v6 =	vld [tilespmem:s9+$0x3000];
	v10 =	vadd.s32 $0x30, v2;
	v13 =	vshll.u32 v2, $0x3;
	v11 =	vshll.u32 v8, $0x3  }
0x5f8: {  	p0 =	por !p0, !p0;
	s2 =	simm.s32 $0x1;
	v12 =	vshll.u32 v9, $0x3;
	v4 =	vshll.u32 v10, $0x3;
	v8 =	vand.u32 $0x7F, v8  }
0x5f9: {  	s2 =	simm.s32 @!p0 $0x0;
	v9 =	vand.u32 $0x7F, v9;
	v4 =	vand.u32 $0xFFFFFC00, v4;
	v14 =	vshll.u32 v3, $0xC  }
0x5fa: {  	s2 =	sshll.u32 s2, $0x6;
	v15 =	vshll.u32 v5, $0xC;
	v3 =	vand.u32 $0x7F, v10;
	v5 =	vand.u32 $0xFFFFFC00, v11  }
0x5fb: {  	s11 =	sadd.s32 $0x200, s2;
	v11 =	vshll.u32 v7, $0xC;
	v7 =	vand.u32 $0xFFFFFC00, v13;
	v10 =	vadd.s32 v4, v14  }
0x5fc: {  	s8 =	sor.u32 $0x230, s11;
	v14 =	vshll.u32 v6, $0xC;
	v6 =	vand.u32 $0xFFFFFC00, v12;
	v13 =	vadd.s32 v7, v15  }
0x5fd: {  	v21 =	vld [tilespmem:s8+$0x3000];
	v10 =	vor.u32 v3, v10;
	v12 =	vadd.s32 v5, v14;
	v11 =	vadd.s32 v6, v11  }
0x5fe: {  	s9 =	sor.u32 $0x200, s11;
	v16 =	vor.u32 $0x200, v10;
	v10 =	vand.u32 $0x7F, v2;
	v12 =	vor.u32 v8, v12  }
0x5ff: {  	v22 =	vld [tilespmem:s9+$0x3000];
	v11 =	vor.u32 v9, v11;
	v13 =	vor.u32 v10, v13;
	v24 =	vor.u32 $0x200, v12  }
0x600: {  	s30 =	sor.u32 $0x210, s11;
	v12 =	vor.u32 $0x200, v11;
	v11 =	vadd.s32 $0x40, v2;
	v15 =	vor.u32 $0x200, v13  }
0x601: {  	s31 =	sor.u32 $0x220, s11;
	v19 =	vld [tilespmem:s30+$0x3000];
	v14 =	vadd.s32 $0x10, v11;
	v13 =	vadd.s32 $0x20, v11;
	v23 =	vadd.s32 $0x30, v11  }
0x602: {  	v18 =	vshll.u32 v11, $0x3;
	v26 =	vshll.u32 v21, $0xC;
	v21 =	vld [tilespmem:s31+$0x3000];
	v25 =	vshll.u32 v23, $0x3  }
0x603: {  	v20 =	vshll.u32 v14, $0x3;
	v17 =	vshll.u32 v13, $0x3;
	v25 =	vand.u32 $0xFFFFFC00, v25;
	[tilespmem:v16+s18+$0x0] =	vst.idx.msk $0xffff, v1  }
0x604: {  	p1 =	por !p0, !p0;
	s7 =	simm.s32 $0x4;
	s8 =	simm.s32 $0x200;
	v16 =	vshll.u32 v22, $0xC;
	v22 =	vand.u32 $0x7F, v23;
	v23 =	vadd.s32 v25, v26;
	[tilespmem:v24+s18+$0x0] =	vst.idx.msk $0xffff, v1  }
.LBB2_149:
0x605: {  	s9 =	simm.s32 $0x1  }
0x606: {  	s7 =	sadd.s32 $0x4, s7;
	v19 =	vshll.u32 v19, $0xC;
	v20 =	vand.u32 $0xFFFFFC00, v20;
	v22 =	vor.u32 v22, v23;
	[tilespmem:v15+s18+$0x0] =	vst.idx.msk $0xffff, v1;
	s9 =	simm.s32 @!p1 $0x0  }
0x607: {  	v17 =	vand.u32 $0xFFFFFC00, v17;
	s8 =	sadd.s32 $0x200, s8;
	p2 =	slt.u32 s7, $0x1C;
	v15 =	vshll.u32 v21, $0xC;
	v21 =	vor.u32 $0x200, v22;
	s9 =	sshll.u32 s9, $0x6;
	[tilespmem:v12+s18+$0x0] =	vst.idx.msk $0xffff, v1  }
0x608: {  	v12 =	vand.u32 $0xFFFFFC00, v18;
	v18 =	vadd.s32 v20, v19;
	v15 =	vadd.s32 v17, v15;
	s9 =	sadd.s32 s9, s8  }
0x609: {  	v14 =	vand.u32 $0x7F, v14;
	v13 =	vand.u32 $0x7F, v13;
	v12 =	vadd.s32 v12, v16;
	s10 =	sor.u32 $0x200, s9;
	s11 =	sor.u32 $0x210, s9;
	s30 =	sor.u32 $0x230, s9  }
0x60a: {  	v17 =	vand.u32 $0x7F, v11;
	v14 =	vor.u32 v14, v18;
	v13 =	vor.u32 v13, v15;
	s9 =	sor.u32 $0x220, s9;
	v16 =	vld [tilespmem:s30+$0x3000]  }
0x60b: {  	v15 =	vor.u32 v17, v12;
	v24 =	vor.u32 $0x200, v14;
	v12 =	vor.u32 $0x200, v13;
	v22 =	vld [tilespmem:s10+$0x3000]  }
.Ltmp77:
0x60c: {  	v11 =	vadd.s32 $0x40, v11;
	v15 =	vor.u32 $0x200, v15;
	v19 =	vld [tilespmem:s11+$0x3000];
	[tilespmem:v21+s18+$0x0] =	vst.idx.msk $0xffff, v1;
	(pc) =	sbr.rel @p2 .LBB2_149-.Ltmp77, $4  }
0x60d: {  	v23 =	vadd.s32 $0x30, v11;
	v14 =	vadd.s32 $0x10, v11;
	v13 =	vadd.s32 $0x20, v11;
	v21 =	vld [tilespmem:s9+$0x3000]  }
0x60e: {  	v25 =	vshll.u32 v23, $0x3;
	v20 =	vshll.u32 v14, $0x3;
	v17 =	vshll.u32 v13, $0x3  }
0x60f: {  	v18 =	vshll.u32 v11, $0x3;
	v25 =	vand.u32 $0xFFFFFC00, v25;
	v26 =	vshll.u32 v16, $0xC  }
0x610: {  	p1 =	por !p1, !p1;
	v16 =	vshll.u32 v22, $0xC;
	v22 =	vand.u32 $0x7F, v23;
	v23 =	vadd.s32 v25, v26;
	[tilespmem:v24+s18+$0x0] =	vst.idx.msk $0xffff, v1  }
0x611: {  	v19 =	vshll.u32 v19, $0xC  }
0x612: {  	v20 =	vand.u32 $0xFFFFFC00, v20;
	v22 =	vor.u32 v22, v23;
	v17 =	vand.u32 $0xFFFFFC00, v17  }
0x613: {  	v18 =	vand.u32 $0xFFFFFC00, v18;
	v14 =	vand.u32 $0x7F, v14;
	v11 =	vand.u32 $0x7F, v11  }
0x614: {  	v13 =	vand.u32 $0x7F, v13;
	v21 =	vshll.u32 v21, $0xC;
	v19 =	vadd.s32 v20, v19  }
0x615: {  	v22 =	vor.u32 $0x200, v22;
	v16 =	vadd.s32 v18, v16;
	v14 =	vor.u32 v14, v19  }
0x616: {  	v17 =	vadd.s32 v17, v21;
	v11 =	vor.u32 v11, v16;
	v14 =	vor.u32 $0x200, v14  }
0x617: {  	v13 =	vor.u32 v13, v17;
	v11 =	vor.u32 $0x200, v11  }
0x618: {  	[tilespmem:v15+s18+$0x0] =	vst.idx.msk $0xffff, v1;
	v13 =	vor.u32 $0x200, v13  }
0x619: {  	[tilespmem:v12+s18+$0x0] =	vst.idx.msk $0xffff, v1  }
0x61a: {  	[tilespmem:v22+s18+$0x0] =	vst.idx.msk $0xffff, v1  }
0x61b: {  	[tilespmem:v14+s18+$0x0] =	vst.idx.msk $0xffff, v1  }
0x61c: {  	[tilespmem:v11+s18+$0x0] =	vst.idx.msk $0xffff, v1  }
0x61d: {  	s7 =	sor.u32 $0x2B0, s0;
	[tilespmem:v13+s18+$0x0] =	vst.idx.msk $0xffff, v1  }
0x61e: {  	s8 =	sor.u32 $0x280, s0;
	v11 =	vld [tilespmem:s7+$0x3000]  }
0x61f: {  	s31 =	sor.u32 $0x290, s0;
	v12 =	vld [tilespmem:s8+$0x3000]  }
0x620: {  	v13 =	vld [tilespmem:s31+$0x3000]  }
0x621: {  	s9 =	sor.u32 $0x2A0, s0  }
0x622: {  	v14 =	vld [tilespmem:s9+$0x3000]  }
0x623: {  	v11 =	vshll.u32 v11, $0xC  }
0x624: {  	v4 =	vadd.s32 v4, v11  }
0x625: {  	s10 =	sadd.s32 $0x200, s2;
	v11 =	vshll.u32 v12, $0xC;
	v12 =	vshll.u32 v13, $0xC;
	v3 =	vor.u32 v3, v4  }
0x626: {  	v2 =	vadd.s32 $0x40, v2;
	s2 =	sor.u32 $0x2B0, s10;
	v13 =	vor.u32 $0x280, v3;
	v3 =	vadd.s32 v5, v12  }
0x627: {  	s11 =	sor.u32 $0x280, s10;
	v4 =	vshll.u32 v14, $0xC;
	v5 =	vadd.s32 v7, v11;
	v7 =	vld [tilespmem:s2+$0x3000];
	v3 =	vor.u32 v8, v3  }
0x628: {  	v61 =	vadd.s32 $0x30, v2;
	v14 =	vld [tilespmem:s11+$0x3000];
	v4 =	vadd.s32 v6, v4;
	v15 =	vor.u32 $0x280, v3  }
0x629: {  	s30 =	sor.u32 $0x290, s10;
	v12 =	vshll.u32 v61, $0x3;
	v4 =	vor.u32 v9, v4;
	v5 =	vor.u32 v10, v5  }
0x62a: {  	s31 =	sor.u32 $0x2A0, s10;
	v10 =	vld [tilespmem:s30+$0x3000];
	v9 =	vshll.u32 v2, $0x3;
	v63 =	vand.u32 $0xFFFFFC00, v12;
	v6 =	vor.u32 $0x280, v5  }
0x62b: {  	v12 =	vld [tilespmem:s31+$0x3000];
	v3 =	vor.u32 $0x280, v4;
	v5 =	vadd.s32 $0x10, v2;
	v4 =	vadd.s32 $0x20, v2  }
0x62c: {  	v11 =	vshll.u32 v5, $0x3;
	v8 =	vshll.u32 v4, $0x3;
	[tilespmem:v13+s18+$0x0] =	vst.idx.msk $0xffff, v1;
	v62 =	vshll.u32 v7, $0xC  }
0x62d: {  	s0 =	simm.s32 $0x4;
	p0 =	por !p0, !p0;
	s2 =	simm.s32 $0x200;
	v7 =	vshll.u32 v14, $0xC;
	v13 =	vand.u32 $0x7F, v61;
	v14 =	vadd.s32 v63, v62;
	[tilespmem:v15+s18+$0x0] =	vst.idx.msk $0xffff, v1  }
.LBB2_151:
0x62e: {  	s7 =	simm.s32 $0x1  }
0x62f: {  	s0 =	sadd.s32 $0x4, s0;
	v10 =	vshll.u32 v10, $0xC;
	v11 =	vand.u32 $0xFFFFFC00, v11;
	v13 =	vor.u32 v13, v14;
	[tilespmem:v6+s18+$0x0] =	vst.idx.msk $0xffff, v1;
	s7 =	simm.s32 @!p0 $0x0  }
0x630: {  	v8 =	vand.u32 $0xFFFFFC00, v8;
	s2 =	sadd.s32 $0x200, s2;
	p1 =	slt.u32 s0, $0x1C;
	v6 =	vshll.u32 v12, $0xC;
	v12 =	vor.u32 $0x280, v13;
	s7 =	sshll.u32 s7, $0x6;
	[tilespmem:v3+s18+$0x0] =	vst.idx.msk $0xffff, v1  }
0x631: {  	v3 =	vand.u32 $0xFFFFFC00, v9;
	v9 =	vadd.s32 v11, v10;
	v6 =	vadd.s32 v8, v6;
	s7 =	sadd.s32 s7, s2  }
0x632: {  	v5 =	vand.u32 $0x7F, v5;
	v4 =	vand.u32 $0x7F, v4;
	v3 =	vadd.s32 v3, v7;
	s8 =	sor.u32 $0x280, s7;
	s9 =	sor.u32 $0x290, s7;
	s10 =	sor.u32 $0x2B0, s7  }
0x633: {  	v8 =	vand.u32 $0x7F, v2;
	v5 =	vor.u32 v5, v9;
	v4 =	vor.u32 v4, v6;
	s7 =	sor.u32 $0x2A0, s7;
	v7 =	vld [tilespmem:s10+$0x3000]  }
0x634: {  	v6 =	vor.u32 v8, v3;
	v15 =	vor.u32 $0x280, v5;
	v3 =	vor.u32 $0x280, v4;
	v13 =	vld [tilespmem:s8+$0x3000]  }
.Ltmp78:
0x635: {  	v2 =	vadd.s32 $0x40, v2;
	v6 =	vor.u32 $0x280, v6;
	v10 =	vld [tilespmem:s9+$0x3000];
	[tilespmem:v12+s18+$0x0] =	vst.idx.msk $0xffff, v1;
	(pc) =	sbr.rel @p1 .LBB2_151-.Ltmp78, $4  }
0x636: {  	v14 =	vadd.s32 $0x30, v2;
	v5 =	vadd.s32 $0x10, v2;
	v4 =	vadd.s32 $0x20, v2;
	v12 =	vld [tilespmem:s7+$0x3000]  }
0x637: {  	v16 =	vshll.u32 v14, $0x3;
	v11 =	vshll.u32 v5, $0x3;
	v8 =	vshll.u32 v4, $0x3  }
0x638: {  	v9 =	vshll.u32 v2, $0x3;
	v16 =	vand.u32 $0xFFFFFC00, v16;
	v17 =	vshll.u32 v7, $0xC  }
0x639: {  	p0 =	por !p0, !p0;
	v7 =	vshll.u32 v13, $0xC;
	v13 =	vand.u32 $0x7F, v14;
	v14 =	vadd.s32 v16, v17;
	[tilespmem:v15+s18+$0x0] =	vst.idx.msk $0xffff, v1  }
0x63a: {  	v10 =	vshll.u32 v10, $0xC  }
0x63b: {  	v11 =	vand.u32 $0xFFFFFC00, v11;
	v13 =	vor.u32 v13, v14;
	v8 =	vand.u32 $0xFFFFFC00, v8  }
0x63c: {  	v9 =	vand.u32 $0xFFFFFC00, v9;
	v5 =	vand.u32 $0x7F, v5;
	v2 =	vand.u32 $0x7F, v2  }
0x63d: {  	v4 =	vand.u32 $0x7F, v4;
	v12 =	vshll.u32 v12, $0xC;
	v10 =	vadd.s32 v11, v10  }
0x63e: {  	v13 =	vor.u32 $0x280, v13;
	v7 =	vadd.s32 v9, v7;
	v5 =	vor.u32 v5, v10  }
0x63f: {  	v8 =	vadd.s32 v8, v12;
	v2 =	vor.u32 v2, v7;
	v5 =	vor.u32 $0x280, v5  }
0x640: {  	v4 =	vor.u32 v4, v8;
	v2 =	vor.u32 $0x280, v2  }
0x641: {  	[tilespmem:v6+s18+$0x0] =	vst.idx.msk $0xffff, v1;
	v4 =	vor.u32 $0x280, v4  }
0x642: {  	[tilespmem:v3+s18+$0x0] =	vst.idx.msk $0xffff, v1;
	p1 =	por $0x0, $0x0;
	s0 =	simm.s32 $0x1  }
0x643: {  	s0 =	simm.s32 @!p1 $0x0;
	[tilespmem:v13+s18+$0x0] =	vst.idx.msk $0xffff, v1  }
0x644: {  	s0 =	sshll.u32 s0, $0x6;
	[tilespmem:v5+s18+$0x0] =	vst.idx.msk $0xffff, v1  }
0x645: {  	s0 =	sadd.s32 $0x0, s0;
	[tilespmem:v2+s18+$0x0] =	vst.idx.msk $0xffff, v1  }
0x646: {  	s2 =	sor.u32 $0x330, s0;
	[tilespmem:v4+s18+$0x0] =	vst.idx.msk $0xffff, v1  }
0x647: {  	s7 =	sor.u32 $0x300, s0;
	v8 =	vld [tilespmem:s2+$0x3000]  }
0x648: {  	p0 =	por $0x1, $0x1;
	v9 =	vld [tilespmem:s7+$0x3000]  }
.Ltmp79:
0x649: {  	v2 =	vlaneseq.u32;
	(pc) =	sbr.rel @!p0 .LBB2_153-.Ltmp79, $4  }
0x64a: {  	v4 =	vadd.s32 $0x10, v2;
	v3 =	vadd.s32 $0x20, v2;
	v10 =	vadd.s32 $0x30, v2  }
0x64b: {  	s11 =	sor.u32 $0x310, s0;
	v7 =	vshll.u32 v2, $0x3;
	v6 =	vshll.u32 v4, $0x3;
	v11 =	vshll.u32 v10, $0x3  }
0x64c: {  	s31 =	sor.u32 $0x320, s0;
	v5 =	vshll.u32 v3, $0x3;
	v16 =	vld [tilespmem:s11+$0x3000];
	v12 =	vshll.u32 v8, $0xC;
	v8 =	vand.u32 $0xFFFFFC00, v11  }
0x64d: {  	s30 =	simm.s32 $0x0;
	p2 =	por !p1, !p1;
	s0 =	simm.s32 $0x0;
	v17 =	vld [tilespmem:s31+$0x3000];
	v15 =	vshll.u32 v9, $0xC;
	v9 =	vand.u32 $0x7F, v10;
	v21 =	vadd.s32 v8, v12  }
0x64e: {  	_ = 	snop  }
0x64f: {  	s2 =	simm.s32 $0x1  }
0x650: {  	v11 =	vand.u32 $0xFFFFFC00, v6;
	v12 =	vor.u32 v9, v21;
	s2 =	simm.s32 @!p2 $0x0  }
0x651: {  	v14 =	vand.u32 $0xFFFFFC00, v5;
	s2 =	sshll.u32 s2, $0x6;
	v10 =	vshll.u32 v16, $0xC;
	v16 =	vand.u32 $0x7F, v2  }
0x652: {  	s7 =	sadd.s32 $0x200, s2;
	v13 =	vshll.u32 v17, $0xC;
	v17 =	vor.u32 $0x300, v12;
	v12 =	vand.u32 $0xFFFFFC00, v7  }
0x653: {  	v10 =	vadd.s32 v11, v10;
	s2 =	sor.u32 $0x330, s7;
	v11 =	vadd.s32 v14, v13;
	v13 =	vand.u32 $0x7F, v4  }
0x654: {  	s8 =	sor.u32 $0x300, s7;
	v12 =	vadd.s32 v12, v15;
	v14 =	vand.u32 $0x7F, v3;
	v15 =	vld [tilespmem:s2+$0x3000];
	v10 =	vor.u32 v13, v10  }
0x655: {  	p3 =	por $0x1, $0x1;
	v21 =	vld [tilespmem:s8+$0x3000];
	v11 =	vor.u32 v14, v11;
	v12 =	vor.u32 v16, v12;
	v23 =	vor.u32 $0x300, v10  }
.Ltmp80:
0x656: {  	s31 =	sor.u32 $0x310, s7;
	v11 =	vor.u32 $0x300, v11;
	v13 =	vor.u32 $0x300, v12;
	v10 =	vadd.s32 $0x40, v2;
	(pc) =	sbr.rel @!p3 .LBB2_156-.Ltmp80, $4  }
0x657: {  	s9 =	sor.u32 $0x320, s7;
	v16 =	vld [tilespmem:s31+$0x3000];
	v14 =	vadd.s32 $0x10, v10;
	v12 =	vadd.s32 $0x20, v10;
	v22 =	vadd.s32 $0x30, v10  }
0x658: {  	v19 =	vshll.u32 v10, $0x3;
	v20 =	vshll.u32 v14, $0x3;
	v24 =	vshll.u32 v22, $0x3;
	[tilespmem:v17+s18+$0x0] =	vst.idx.msk $0xffff, v1;
	v17 =	vld [tilespmem:s9+$0x3000]  }
0x659: {  	p1 =	por $0x1, $0x1;
	v18 =	vshll.u32 v12, $0x3;
	v25 =	vshll.u32 v15, $0xC;
	v24 =	vand.u32 $0xFFFFFC00, v24  }
0x65a: {  	p2 =	por !p2, !p2;
	s7 =	simm.s32 $0x200;
	s2 =	simm.s32 $0x4;
	v22 =	vand.u32 $0x7F, v22;
	v15 =	vshll.u32 v21, $0xC;
	v21 =	vadd.s32 v24, v25;
	[tilespmem:v23+s18+$0x0] =	vst.idx.msk $0xffff, v1  }
.LBB2_155:
0x65b: {  	s8 =	simm.s32 $0x1  }
0x65c: {  	s2 =	sadd.s32 $0x4, s2;
	v16 =	vshll.u32 v16, $0xC;
	v20 =	vand.u32 $0xFFFFFC00, v20;
	v21 =	vor.u32 v22, v21;
	[tilespmem:v13+s18+$0x0] =	vst.idx.msk $0xffff, v1;
	s8 =	simm.s32 @!p2 $0x0  }
0x65d: {  	s7 =	sadd.s32 $0x200, s7;
	p3 =	slt.u32 s2, $0x1C;
	v13 =	vshll.u32 v17, $0xC;
	v17 =	vand.u32 $0xFFFFFC00, v18;
	v18 =	vor.u32 $0x300, v21;
	s8 =	sshll.u32 s8, $0x6;
	[tilespmem:v11+s18+$0x0] =	vst.idx.msk $0xffff, v1  }
0x65e: {  	v16 =	vadd.s32 v20, v16;
	v11 =	vand.u32 $0xFFFFFC00, v19;
	v13 =	vadd.s32 v17, v13;
	s8 =	sadd.s32 s8, s7  }
0x65f: {  	v14 =	vand.u32 $0x7F, v14;
	v12 =	vand.u32 $0x7F, v12;
	v11 =	vadd.s32 v11, v15;
	s9 =	sor.u32 $0x300, s8;
	s10 =	sor.u32 $0x310, s8;
	s11 =	sor.u32 $0x330, s8  }
0x660: {  	v17 =	vand.u32 $0x7F, v10;
	v14 =	vor.u32 v14, v16;
	v12 =	vor.u32 v12, v13;
	s8 =	sor.u32 $0x320, s8;
	v15 =	vld [tilespmem:s11+$0x3000]  }
0x661: {  	v23 =	vor.u32 $0x300, v14;
	v13 =	vor.u32 v17, v11;
	v11 =	vor.u32 $0x300, v12;
	v21 =	vld [tilespmem:s9+$0x3000]  }
.Ltmp81:
0x662: {  	v10 =	vadd.s32 $0x40, v10;
	v13 =	vor.u32 $0x300, v13;
	v16 =	vld [tilespmem:s10+$0x3000];
	[tilespmem:v18+s18+$0x0] =	vst.idx.msk $0xffff, v1;
	(pc) =	sbr.rel @p3 .LBB2_155-.Ltmp81, $4  }
0x663: {  	v14 =	vadd.s32 $0x10, v10;
	v22 =	vadd.s32 $0x30, v10;
	v12 =	vadd.s32 $0x20, v10;
	v17 =	vld [tilespmem:s8+$0x3000]  }
0x664: {  	v20 =	vshll.u32 v14, $0x3;
	v24 =	vshll.u32 v22, $0x3;
	v18 =	vshll.u32 v12, $0x3  }
0x665: {  	v19 =	vshll.u32 v10, $0x3;
	v24 =	vand.u32 $0xFFFFFC00, v24;
	v25 =	vshll.u32 v15, $0xC  }
0x666: {  	p2 =	por !p2, !p2;
	v22 =	vand.u32 $0x7F, v22;
	v15 =	vshll.u32 v21, $0xC;
	v21 =	vadd.s32 v24, v25;
	[tilespmem:v23+s18+$0x0] =	vst.idx.msk $0xffff, v1  }
.LBB2_156:
0x667: {  	v20 =	vand.u32 $0xFFFFFC00, v20  }
0x668: {  	v21 =	vor.u32 v22, v21;
	v18 =	vand.u32 $0xFFFFFC00, v18;
	v19 =	vand.u32 $0xFFFFFC00, v19  }
0x669: {  	v14 =	vand.u32 $0x7F, v14;
	v10 =	vand.u32 $0x7F, v10;
	v12 =	vand.u32 $0x7F, v12  }
0x66a: {  	v16 =	vshll.u32 v16, $0xC;
	v21 =	vor.u32 $0x300, v21;
	v15 =	vadd.s32 v19, v15  }
0x66b: {  	v17 =	vshll.u32 v17, $0xC;
	v16 =	vadd.s32 v20, v16;
	v10 =	vor.u32 v10, v15  }
0x66c: {  	v17 =	vadd.s32 v18, v17;
	v14 =	vor.u32 v14, v16;
	v10 =	vor.u32 $0x300, v10  }
0x66d: {  	v14 =	vor.u32 $0x300, v14;
	v12 =	vor.u32 v12, v17  }
0x66e: {  	[tilespmem:v13+s18+$0x0] =	vst.idx.msk @p1 $0xffff, v1;
	v12 =	vor.u32 $0x300, v12  }
0x66f: {  	[tilespmem:v11+s18+$0x0] =	vst.idx.msk @p1 $0xffff, v1  }
0x670: {  	[tilespmem:v21+s18+$0x0] =	vst.idx.msk $0xffff, v1  }
0x671: {  	[tilespmem:v10+s18+$0x0] =	vst.idx.msk $0xffff, v1  }
0x672: {  	[tilespmem:v14+s18+$0x0] =	vst.idx.msk $0xffff, v1  }
0x673: {  	s2 =	sor.u32 $0x3B0, s0;
	[tilespmem:v12+s18+$0x0] =	vst.idx.msk $0xffff, v1  }
0x674: {  	s7 =	sor.u32 $0x380, s0;
	v10 =	vld [tilespmem:s2+$0x3000]  }
0x675: {  	s11 =	sor.u32 $0x390, s0;
	v11 =	vld [tilespmem:s7+$0x3000]  }
0x676: {  	s31 =	sor.u32 $0x3A0, s0;
	v12 =	vld [tilespmem:s11+$0x3000]  }
0x677: {  	v13 =	vld [tilespmem:s31+$0x3000];
	_ =	sdelay $0x1  }
.Ltmp82:
0x678: {  	v62 =	vshll.u32 v10, $0xC;
	(pc) =	sbr.rel @!p0 .LBB2_158-.Ltmp82, $4  }
0x679: {  	v6 =	vand.u32 $0xFFFFFC00, v6;
	v8 =	vadd.s32 v8, v62  }
0x67a: {  	v63 =	vand.u32 $0xFFFFFC00, v5;
	v10 =	vshll.u32 v11, $0xC;
	v8 =	vor.u32 v9, v8  }
0x67b: {  	v11 =	vshll.u32 v12, $0xC;
	v9 =	vshll.u32 v13, $0xC;
	v5 =	vor.u32 $0x380, v8  }
0x67c: {  	s0 =	simm.s32 $0x240;
	v8 =	vand.u32 $0xFFFFFC00, v7;
	v7 =	vadd.s32 v6, v11;
	v6 =	vadd.s32 v63, v9  }
.LBB2_157:
0x67d: {  	s2 =	sor.u32 $0x390, s0;
	s7 =	sor.u32 $0x3B0, s0;
	s30 =	sadd.s32 $0x4, s30;
	v8 =	vadd.s32 v8, v10;
	v4 =	vand.u32 $0x7F, v4;
	v3 =	vand.u32 $0x7F, v3  }
0x67e: {  	s8 =	sor.u32 $0x380, s0;
	s9 =	sor.u32 $0x3A0, s0;
	v10 =	vand.u32 $0x7F, v2;
	v9 =	vld [tilespmem:s7+$0x3000];
	p0 =	slt.u32 s30, $0x1C;
	v4 =	vor.u32 v4, v7;
	v3 =	vor.u32 v3, v6  }
0x67f: {  	v7 =	vor.u32 v10, v8;
	v6 =	vld [tilespmem:s8+$0x3000];
	v8 =	vor.u32 $0x380, v4;
	v11 =	vor.u32 $0x380, v3  }
0x680: {  	v2 =	vadd.s32 $0x40, v2;
	v7 =	vor.u32 $0x380, v7;
	v12 =	vld [tilespmem:s2+$0x3000];
	[tilespmem:v5+s18+$0x0] =	vst.idx.msk $0xffff, v1  }
0x681: {  	v13 =	vadd.s32 $0x30, v2;
	v4 =	vadd.s32 $0x10, v2;
	v3 =	vadd.s32 $0x20, v2;
	v5 =	vld [tilespmem:s9+$0x3000]  }
0x682: {  	v10 =	vshll.u32 v13, $0x3;
	v14 =	vshll.u32 v4, $0x3;
	v15 =	vshll.u32 v3, $0x3  }
.Ltmp83:
0x683: {  	v16 =	vshll.u32 v2, $0x3;
	v17 =	vand.u32 $0xFFFFFC00, v10;
	v9 =	vshll.u32 v9, $0xC;
	(pc) =	sbr.rel @p0 .LBB2_157-.Ltmp83, $4  }
0x684: {  	v10 =	vshll.u32 v6, $0xC;
	v6 =	vand.u32 $0x7F, v13;
	v9 =	vadd.s32 v17, v9;
	[tilespmem:v8+s18+$0x0] =	vst.idx.msk $0xffff, v1  }
0x685: {  	v13 =	vand.u32 $0xFFFFFC00, v14;
	v12 =	vshll.u32 v12, $0xC;
	v6 =	vor.u32 v6, v9;
	[tilespmem:v7+s18+$0x0] =	vst.idx.msk $0xffff, v1  }
0x686: {  	v14 =	vand.u32 $0xFFFFFC00, v15;
	v9 =	vshll.u32 v5, $0xC;
	v5 =	vor.u32 $0x380, v6;
	[tilespmem:v11+s18+$0x0] =	vst.idx.msk $0xffff, v1  }
0x687: {  	s0 =	sadd.s32 $0x240, s0;
	v8 =	vand.u32 $0xFFFFFC00, v16;
	v7 =	vadd.s32 v13, v12;
	v6 =	vadd.s32 v14, v9  }
.LBB2_158:
0x688: {  	v4 =	vand.u32 $0x7F, v4  }
0x689: {  	v8 =	vadd.s32 v8, v10;
	v2 =	vand.u32 $0x7F, v2;
	v4 =	vor.u32 v4, v7  }
0x68a: {  	v3 =	vand.u32 $0x7F, v3;
	v2 =	vor.u32 v2, v8;
	v4 =	vor.u32 $0x380, v4  }
0x68b: {  	v3 =	vor.u32 v3, v6;
	v2 =	vor.u32 $0x380, v2  }
0x68c: {  	v3 =	vor.u32 $0x380, v3;
	_ =	sdelay $0x1  }
0x68d: {  	[tilespmem:v5+s18+$0x0] =	vst.idx.msk $0xffff, v1  }
0x68e: {  	[tilespmem:v4+s18+$0x0] =	vst.idx.msk $0xffff, v1  }
0x68f: {  	[tilespmem:v2+s18+$0x0] =	vst.idx.msk $0xffff, v1  }
0x690: {  	[tilespmem:v3+s18+$0x0] =	vst.idx.msk $0xffff, v1  }
0x691: {  	s0 =	simm.s32 $0x0;
	_ =	swait.ge [sflag:s23], $0x1000  }
0x692: {  	s2 =	sand.u32 $0x40, s0;
	s0 =	sand.u32 $0xC00, s0;
	[sflag:s23] =	ssyncset.done $0x0  }
0x693: {  	s31 =	sor.u32 s2, s0;
	[sflag:s23] =	ssyncadd.s32 $0xFFFFF000  }
0x694: {  	v18 =	vld [tilespmem:s31+$0x1030]  }
0x695: {  	v2 =	vlaneseq.u32;
	v9 =	vld [tilespmem:s31+$0x1000]  }
0x696: {  	v10 =	vadd.s32 $0x10, v2;
	v11 =	vld [tilespmem:s31+$0x1010]  }
0x697: {  	v12 =	vadd.s32 $0x20, v2;
	v3 =	vadd.s32 $0x30, v2;
	v6 =	vshll.u32 v2, $0x3  }
0x698: {  	s10 =	simm.s32 $0x200;
	s11 =	simm.s32 $0x40;
	v5 =	vshll.u32 v10, $0x3;
	v4 =	vshll.u32 v3, $0x3;
	v3 =	vand.u32 $0x7F, v3  }
0x699: {  	s2 =	sand.u32 $0x40, s11;
	s0 =	sand.u32 $0xC00, s10;
	v6 =	vand.u32 $0xFFFFFC00, v6;
	v4 =	vand.u32 $0xFFFFFC00, v4;
	v8 =	vshll.u32 v18, $0xC  }
0x69a: {  	s30 =	sor.u32 s2, s0;
	v5 =	vand.u32 $0xFFFFFC00, v5;
	v13 =	vshll.u32 v9, $0xC;
	v8 =	vadd.s32 v4, v8  }
0x69b: {  	v14 =	vshll.u32 v11, $0xC;
	v17 =	vadd.s32 v6, v13;
	v13 =	vld [tilespmem:s30+$0x1030];
	v19 =	vor.u32 v3, v8  }
0x69c: {  	v7 =	vshll.u32 v12, $0x3;
	v10 =	vand.u32 $0x7F, v10;
	v15 =	vld [tilespmem:s31+$0x1020];
	v14 =	vadd.s32 v5, v14  }
0x69d: {  	v21 =	vld [tilespmem:s30+$0x1000];
	[tilespmem:s31+$0x3000] =	vst v9;
	v9 =	vand.u32 $0x7F, v12;
	v12 =	vor.u32 v10, v14;
	v14 =	vadd.s32 $0x40, v2  }
0x69e: {  	v23 =	vadd.s32 $0x30, v14  }
0x69f: {  	[tilespmem:s31+$0x3030] =	vst v18;
	v8 =	vand.u32 $0xFFFFFC00, v7;
	v7 =	vand.u32 $0x7F, v2;
	v24 =	vshll.u32 v23, $0x3  }
0x6a0: {  	v25 =	vor.u32 v7, v17;
	v17 =	vld [tilespmem:s30+$0x1010];
	v24 =	vand.u32 $0xFFFFFC00, v24;
	[tilespmem:v19+s18+$0x0] =	vst.idx.msk $0xffff, v0;
	v19 =	vshll.u32 v13, $0xC  }
0x6a1: {  	v16 =	vshll.u32 v15, $0xC;
	[tilespmem:s31+$0x3020] =	vst v15;
	v27 =	vadd.s32 v24, v19;
	v19 =	vld [tilespmem:s30+$0x1020]  }
0x6a2: {  	[tilespmem:s30+$0x3000] =	vst v21;
	v21 =	vshll.u32 v21, $0xC;
	v16 =	vadd.s32 v8, v16;
	v15 =	vadd.s32 $0x20, v14  }
0x6a3: {  	[tilespmem:s31+$0x3010] =	vst v11;
	v22 =	vshll.u32 v14, $0x3;
	v11 =	vor.u32 v9, v16;
	v16 =	vadd.s32 $0x10, v14  }
0x6a4: {  	s7 =	simm.s32 $0x400;
	v20 =	vshll.u32 v15, $0x3;
	v26 =	vand.u32 $0x7F, v23;
	v18 =	vshll.u32 v16, $0x3  }
0x6a5: {  	s8 =	simm.s32 $0x80;
	s2 =	simm.s32 $0x4;
	s0 =	smov.u32 s30;
	v23 =	vshll.u32 v17, $0xC;
	v24 =	vand.u32 $0xFFFFFC00, v18;
	[tilespmem:v25+s18+$0x0] =	vst.idx.msk $0xffff, v0;
	v18 =	vor.u32 v26, v27  }
.LBB2_159:
0x6a6: {  	s9 =	sand.u32 $0x40, s8;
	s10 =	sand.u32 $0xC00, s7;
	s2 =	sadd.s32 $0x4, s2;
	v22 =	vand.u32 $0xFFFFFC00, v22;
	[tilespmem:s0+$0x3010] =	vst v17;
	v17 =	vshll.u32 v19, $0xC;
	v20 =	vand.u32 $0xFFFFFC00, v20  }
0x6a7: {  	s9 =	sor.u32 s9, s10;
	p0 =	slt.u32 s2, $0x1C;
	v21 =	vadd.s32 v22, v21;
	v22 =	vadd.s32 v24, v23;
	[tilespmem:s0+$0x3020] =	vst v19;
	v17 =	vadd.s32 v20, v17  }
0x6a8: {  	v16 =	vand.u32 $0x7F, v16;
	v15 =	vand.u32 $0x7F, v15;
	v19 =	vand.u32 $0x7F, v14;
	v23 =	vld [tilespmem:s9+$0x1030];
	[tilespmem:v12+s18+$0x0] =	vst.idx.msk $0xffff, v0  }
0x6a9: {  	v25 =	vor.u32 v19, v21;
	v12 =	vor.u32 v16, v22;
	v20 =	vor.u32 v15, v17;
	v24 =	vld [tilespmem:s9+$0x1000];
	[tilespmem:s0+$0x3030] =	vst v13;
	s0 =	smov.u32 s9  }
0x6aa: {  	v14 =	vadd.s32 $0x40, v14;
	v17 =	vld [tilespmem:s0+$0x1010];
	[tilespmem:v18+s18+$0x0] =	vst.idx.msk $0xffff, v0  }
.Ltmp84:
0x6ab: {  	v16 =	vadd.s32 $0x10, v14;
	v15 =	vadd.s32 $0x20, v14;
	v18 =	vadd.s32 $0x30, v14;
	v19 =	vld [tilespmem:s0+$0x1020];
	[tilespmem:v11+s18+$0x0] =	vst.idx.msk $0xffff, v0;
	v11 =	vmovc v20;
	(pc) =	sbr.rel @p0 .LBB2_159-.Ltmp84, $4  }
0x6ac: {  	v26 =	vshll.u32 v16, $0x3;
	v20 =	vshll.u32 v15, $0x3;
	v21 =	vshll.u32 v18, $0x3  }
0x6ad: {  	v22 =	vshll.u32 v14, $0x3;
	v28 =	vand.u32 $0xFFFFFC00, v21;
	v27 =	vshll.u32 v23, $0xC;
	v13 =	vmovc v23  }
0x6ae: {  	v18 =	vand.u32 $0x7F, v18;
	[tilespmem:s0+$0x3000] =	vst v24;
	v21 =	vshll.u32 v24, $0xC;
	v27 =	vadd.s32 v28, v27  }
0x6af: {  	s7 =	sadd.s32 $0x200, s7;
	s8 =	sadd.s32 $0x40, s8;
	v24 =	vand.u32 $0xFFFFFC00, v26;
	v23 =	vshll.u32 v17, $0xC;
	v18 =	vor.u32 v18, v27;
	[tilespmem:v25+s18+$0x0] =	vst.idx.msk $0xffff, v0  }
0x6b0: {  	_ =	sdelay $0x1  }
0x6b1: {  	v22 =	vand.u32 $0xFFFFFC00, v22;
	v25 =	vshll.u32 v19, $0xC  }
0x6b2: {  	[tilespmem:s0+$0x3010] =	vst v17;
	v17 =	vand.u32 $0xFFFFFC00, v20;
	v62 =	vadd.s32 v24, v23;
	v16 =	vand.u32 $0x7F, v16  }
0x6b3: {  	v14 =	vand.u32 $0x7F, v14;
	[tilespmem:v12+s18+$0x0] =	vst.idx.msk $0xffff, v0;
	v61 =	vadd.s32 v22, v21;
	v12 =	vor.u32 v16, v62  }
0x6b4: {  	[tilespmem:s0+$0x3020] =	vst v19;
	v15 =	vand.u32 $0x7F, v15;
	v17 =	vadd.s32 v17, v25;
	v14 =	vor.u32 v14, v61  }
0x6b5: {  	[tilespmem:s0+$0x3030] =	vst v13;
	v15 =	vor.u32 v15, v17  }
0x6b6: {  	[tilespmem:v11+s18+$0x0] =	vst.idx.msk $0xffff, v0  }
0x6b7: {  	[tilespmem:v18+s18+$0x0] =	vst.idx.msk $0xffff, v0  }
0x6b8: {  	[tilespmem:v12+s18+$0x0] =	vst.idx.msk $0xffff, v0  }
0x6b9: {  	[tilespmem:v14+s18+$0x0] =	vst.idx.msk $0xffff, v0  }
0x6ba: {  	[tilespmem:v15+s18+$0x0] =	vst.idx.msk $0xffff, v0  }
0x6bb: {  	v11 =	vld [tilespmem:s31+$0x10B0]  }
0x6bc: {  	v12 =	vld [tilespmem:s31+$0x1080]  }
0x6bd: {  	v13 =	vld [tilespmem:s31+$0x1090]  }
0x6be: {  	v14 =	vld [tilespmem:s31+$0x10A0];
	_ =	sdelay $0x2  }
0x6bf: {  	v2 =	vadd.s32 $0x40, v2;
	v15 =	vshll.u32 v11, $0xC  }
0x6c0: {  	v16 =	vshll.u32 v13, $0xC;
	v4 =	vadd.s32 v4, v15;
	v15 =	vshll.u32 v12, $0xC  }
0x6c1: {  	[tilespmem:s31+$0x3080] =	vst v12;
	v12 =	vadd.s32 $0x30, v2;
	v3 =	vor.u32 v3, v4;
	v4 =	vshll.u32 v14, $0xC  }
0x6c2: {  	v17 =	vor.u32 $0x80, v3;
	v3 =	vadd.s32 v5, v16;
	v5 =	vadd.s32 v8, v4;
	v4 =	vld [tilespmem:s30+$0x10B0]  }
0x6c3: {  	[tilespmem:s31+$0x30B0] =	vst v11;
	v6 =	vadd.s32 v6, v15;
	v11 =	vshll.u32 v12, $0x3;
	v8 =	vor.u32 v9, v5;
	v9 =	vld [tilespmem:s30+$0x1080]  }
0x6c4: {  	v15 =	vld [tilespmem:s30+$0x1090];
	v6 =	vor.u32 v7, v6;
	v7 =	vadd.s32 $0x20, v2;
	v3 =	vor.u32 v10, v3  }
0x6c5: {  	[tilespmem:s31+$0x3090] =	vst v13;
	v16 =	vor.u32 $0x80, v6;
	v6 =	vld [tilespmem:s30+$0x10A0];
	v63 =	vshll.u32 v7, $0x3;
	v10 =	vshll.u32 v2, $0x3  }
0x6c6: {  	[tilespmem:s31+$0x30A0] =	vst v14;
	v5 =	vor.u32 $0x80, v3;
	v3 =	vor.u32 $0x80, v8;
	v8 =	vadd.s32 $0x10, v2  }
0x6c7: {  	v13 =	vshll.u32 v8, $0x3;
	[tilespmem:v17+s18+$0x0] =	vst.idx.msk $0xffff, v0;
	v14 =	vshll.u32 v4, $0xC;
	v17 =	vand.u32 $0xFFFFFC00, v11  }
0x6c8: {  	[tilespmem:s30+$0x3080] =	vst v9;
	v11 =	vshll.u32 v9, $0xC;
	v9 =	vand.u32 $0x7F, v12;
	v14 =	vadd.s32 v17, v14  }
0x6c9: {  	v13 =	vand.u32 $0xFFFFFC00, v13;
	[tilespmem:s30+$0x3090] =	vst v15;
	v12 =	vshll.u32 v15, $0xC;
	v9 =	vor.u32 v9, v14  }
0x6ca: {  	s0 =	simm.s32 $0x4;
	s2 =	simm.s32 $0x400;
	s7 =	simm.s32 $0x80;
	[tilespmem:v16+s18+$0x0] =	vst.idx.msk $0xffff, v0;
	v15 =	vand.u32 $0xFFFFFC00, v63;
	v14 =	vshll.u32 v6, $0xC;
	v9 =	vor.u32 $0x80, v9  }
.LBB2_161:
0x6cb: {  	s8 =	sand.u32 $0x40, s7;
	s9 =	sand.u32 $0xC00, s2;
	s0 =	sadd.s32 $0x4, s0;
	v10 =	vand.u32 $0xFFFFFC00, v10;
	v12 =	vadd.s32 v13, v12;
	v13 =	vadd.s32 v15, v14;
	[tilespmem:v5+s18+$0x0] =	vst.idx.msk $0xffff, v0  }
0x6cc: {  	v8 =	vand.u32 $0x7F, v8;
	s8 =	sor.u32 s8, s9;
	p0 =	slt.u32 s0, $0x1C;
	v5 =	vadd.s32 v10, v11;
	[tilespmem:s30+$0x30A0] =	vst v6;
	v6 =	vand.u32 $0x7F, v7  }
0x6cd: {  	v7 =	vand.u32 $0x7F, v2;
	v8 =	vor.u32 v8, v12;
	v11 =	vld [tilespmem:s8+$0x10B0];
	v6 =	vor.u32 v6, v13;
	[tilespmem:v3+s18+$0x0] =	vst.idx.msk $0xffff, v0  }
0x6ce: {  	v7 =	vor.u32 v7, v5;
	v5 =	vor.u32 $0x80, v8;
	v12 =	vld [tilespmem:s8+$0x1080];
	v3 =	vor.u32 $0x80, v6;
	[tilespmem:s30+$0x30B0] =	vst v4;
	s30 =	smov.u32 s8  }
0x6cf: {  	v2 =	vadd.s32 $0x40, v2;
	v15 =	vor.u32 $0x80, v7;
	v14 =	vld [tilespmem:s30+$0x1090];
	[tilespmem:v9+s18+$0x0] =	vst.idx.msk $0xffff, v0  }
0x6d0: {  	v8 =	vadd.s32 $0x10, v2;
	v7 =	vadd.s32 $0x20, v2;
	v9 =	vadd.s32 $0x30, v2;
	v6 =	vld [tilespmem:s30+$0x10A0]  }
.Ltmp85:
0x6d1: {  	v13 =	vshll.u32 v8, $0x3;
	v16 =	vshll.u32 v7, $0x3;
	v19 =	vshll.u32 v9, $0x3;
	(pc) =	sbr.rel @p0 .LBB2_161-.Ltmp85, $4  }
0x6d2: {  	v10 =	vshll.u32 v2, $0x3;
	v18 =	vand.u32 $0xFFFFFC00, v19;
	v17 =	vshll.u32 v11, $0xC;
	v4 =	vmovc v11  }
0x6d3: {  	v9 =	vand.u32 $0x7F, v9;
	[tilespmem:s30+$0x3080] =	vst v12;
	v11 =	vshll.u32 v12, $0xC;
	v17 =	vadd.s32 v18, v17  }
0x6d4: {  	v13 =	vand.u32 $0xFFFFFC00, v13;
	v12 =	vshll.u32 v14, $0xC;
	v9 =	vor.u32 v9, v17;
	[tilespmem:v15+s18+$0x0] =	vst.idx.msk $0xffff, v0  }
0x6d5: {  	s2 =	sadd.s32 $0x200, s2;
	s7 =	sadd.s32 $0x40, s7;
	v15 =	vand.u32 $0xFFFFFC00, v16;
	[tilespmem:s30+$0x3090] =	vst v14;
	v14 =	vshll.u32 v6, $0xC;
	v9 =	vor.u32 $0x80, v9  }
0x6d6: {  	_ =	sdelay $0x1  }
0x6d7: {  	v10 =	vand.u32 $0xFFFFFC00, v10  }
0x6d8: {  	v12 =	vadd.s32 v13, v12;
	v2 =	vand.u32 $0x7F, v2;
	v8 =	vand.u32 $0x7F, v8  }
0x6d9: {  	[tilespmem:v5+s18+$0x0] =	vst.idx.msk $0xffff, v0;
	v5 =	vand.u32 $0x7F, v7;
	v10 =	vadd.s32 v10, v11;
	v7 =	vor.u32 v8, v12  }
0x6da: {  	[tilespmem:s30+$0x30A0] =	vst v6;
	v11 =	vadd.s32 v15, v14;
	v2 =	vor.u32 v2, v10;
	v6 =	vor.u32 $0x80, v7  }
0x6db: {  	v5 =	vor.u32 v5, v11;
	v2 =	vor.u32 $0x80, v2  }
0x6dc: {  	[tilespmem:v3+s18+$0x0] =	vst.idx.msk $0xffff, v0;
	v3 =	vor.u32 $0x80, v5  }
0x6dd: {  	[tilespmem:s30+$0x30B0] =	vst v4  }
0x6de: {  	[tilespmem:v9+s18+$0x0] =	vst.idx.msk $0xffff, v0  }
0x6df: {  	s31 =	simm.s32 $0x0;
	[tilespmem:v6+s18+$0x0] =	vst.idx.msk $0xffff, v0  }
0x6e0: {  	s0 =	sand.u32 $0x40, s31;
	s2 =	sand.u32 $0xC00, s31;
	[tilespmem:v2+s18+$0x0] =	vst.idx.msk $0xffff, v0  }
0x6e1: {  	s7 =	sor.u32 s0, s2;
	[tilespmem:v3+s18+$0x0] =	vst.idx.msk $0xffff, v0  }
0x6e2: {  	v19 =	vld [tilespmem:s7+$0x1130]  }
0x6e3: {  	v7 =	vld [tilespmem:s7+$0x1100]  }
0x6e4: {  	v2 =	vlaneseq.u32;
	v11 =	vld [tilespmem:s7+$0x1110]  }
0x6e5: {  	p1 =	por $0x1, $0x1;
	v4 =	vadd.s32 $0x10, v2;
	v3 =	vadd.s32 $0x20, v2;
	v10 =	vld [tilespmem:s7+$0x1120];
	v8 =	vadd.s32 $0x30, v2  }
.Ltmp86:
0x6e6: {  	v5 =	vshll.u32 v2, $0x3;
	v12 =	vshll.u32 v4, $0x3;
	v9 =	vshll.u32 v8, $0x3;
	(pc) =	sbr.rel @!p1 .LBB2_163-.Ltmp86, $4  }
0x6e7: {  	v6 =	vshll.u32 v3, $0x3;
	v9 =	vand.u32 $0xFFFFFC00, v9;
	v13 =	vshll.u32 v19, $0xC  }
0x6e8: {  	v8 =	vand.u32 $0x7F, v8;
	v23 =	vand.u32 $0xFFFFFC00, v6;
	v13 =	vadd.s32 v9, v13  }
0x6e9: {  	v18 =	vshll.u32 v7, $0xC;
	[tilespmem:s7+$0x3100] =	vst v7;
	v7 =	vand.u32 $0xFFFFFC00, v12;
	v12 =	vor.u32 v8, v13  }
0x6ea: {  	s30 =	simm.s32 $0x40;
	p0 =	por $0x0, $0x0;
	s0 =	simm.s32 $0x200;
	v21 =	vshll.u32 v11, $0xC;
	[tilespmem:s7+$0x3110] =	vst v11;
	v22 =	vshll.u32 v10, $0xC;
	v13 =	vor.u32 $0x100, v12  }
0x6eb: {  	s2 =	sand.u32 $0x40, s30;
	s8 =	sand.u32 $0xC00, s0;
	v11 =	vand.u32 $0xFFFFFC00, v5;
	v12 =	vadd.s32 v7, v21  }
0x6ec: {  	v14 =	vadd.s32 v23, v22;
	v15 =	vand.u32 $0x7F, v4;
	v16 =	vand.u32 $0x7F, v3;
	s2 =	sor.u32 s2, s8  }
0x6ed: {  	v11 =	vadd.s32 v11, v18;
	v18 =	vand.u32 $0x7F, v2;
	v12 =	vor.u32 v15, v12;
	v17 =	vld [tilespmem:s2+$0x1130]  }
0x6ee: {  	v15 =	vor.u32 v16, v14;
	v21 =	vld [tilespmem:s2+$0x1100];
	v16 =	vor.u32 v18, v11;
	v14 =	vor.u32 $0x100, v12  }
0x6ef: {  	v11 =	vor.u32 $0x100, v15;
	v22 =	vld [tilespmem:s2+$0x1110];
	v12 =	vadd.s32 $0x40, v2;
	v23 =	vor.u32 $0x100, v16  }
0x6f0: {  	[tilespmem:s7+$0x3120] =	vst v10;
	p3 =	por $0x1, $0x1;
	v10 =	vld [tilespmem:s2+$0x1120];
	v16 =	vadd.s32 $0x10, v12;
	v15 =	vadd.s32 $0x20, v12;
	v24 =	vadd.s32 $0x30, v12  }
.Ltmp87:
0x6f1: {  	[tilespmem:s7+$0x3130] =	vst v19;
	v20 =	vshll.u32 v12, $0x3;
	v19 =	vshll.u32 v16, $0x3;
	v18 =	vshll.u32 v24, $0x3;
	(pc) =	sbr.rel @!p3 .LBB2_165-.Ltmp87, $4  }
0x6f2: {  	[tilespmem:v13+s18+$0x0] =	vst.idx.msk $0xffff, v0;
	v25 =	vshll.u32 v15, $0x3;
	v26 =	vand.u32 $0xFFFFFC00, v18;
	v13 =	vshll.u32 v17, $0xC  }
0x6f3: {  	v27 =	vand.u32 $0x7F, v24;
	v24 =	vand.u32 $0xFFFFFC00, v19;
	[tilespmem:s2+$0x3100] =	vst v21;
	v13 =	vadd.s32 v26, v13  }
0x6f4: {  	s7 =	simm.s32 $0x4;
	v18 =	vshll.u32 v21, $0xC;
	v21 =	vshll.u32 v22, $0xC;
	[tilespmem:s2+$0x3110] =	vst v22;
	v13 =	vor.u32 v27, v13  }
0x6f5: {  	s9 =	simm.s32 $0x80;
	p2 =	por $0x1, $0x1;
	s8 =	simm.s32 $0x400;
	v22 =	vshll.u32 v10, $0xC;
	[tilespmem:v23+s18+$0x0] =	vst.idx.msk $0xffff, v0;
	v23 =	vand.u32 $0xFFFFFC00, v25;
	v13 =	vor.u32 $0x100, v13  }
.LBB2_166:
0x6f6: {  	s10 =	sand.u32 $0x40, s9;
	s11 =	sand.u32 $0xC00, s8;
	s7 =	sadd.s32 $0x4, s7;
	v19 =	vand.u32 $0xFFFFFC00, v20;
	v20 =	vadd.s32 v24, v21;
	v21 =	vadd.s32 v23, v22;
	[tilespmem:v14+s18+$0x0] =	vst.idx.msk $0xffff, v0  }
0x6f7: {  	v16 =	vand.u32 $0x7F, v16;
	s10 =	sor.u32 s10, s11;
	p3 =	slt.u32 s7, $0x1C;
	v14 =	vadd.s32 v19, v18;
	[tilespmem:s2+$0x3120] =	vst v10;
	v10 =	vand.u32 $0x7F, v15  }
0x6f8: {  	v15 =	vand.u32 $0x7F, v12;
	v16 =	vor.u32 v16, v20;
	v18 =	vld [tilespmem:s10+$0x1130];
	v10 =	vor.u32 v10, v21;
	[tilespmem:v11+s18+$0x0] =	vst.idx.msk $0xffff, v0  }
0x6f9: {  	v15 =	vor.u32 v15, v14;
	v14 =	vor.u32 $0x100, v16;
	v19 =	vld [tilespmem:s10+$0x1100];
	v11 =	vor.u32 $0x100, v10;
	[tilespmem:s2+$0x3130] =	vst v17;
	s2 =	smov.u32 s10  }
0x6fa: {  	v12 =	vadd.s32 $0x40, v12;
	v23 =	vor.u32 $0x100, v15;
	v22 =	vld [tilespmem:s2+$0x1110];
	[tilespmem:v13+s18+$0x0] =	vst.idx.msk $0xffff, v0  }
0x6fb: {  	v16 =	vadd.s32 $0x10, v12;
	v15 =	vadd.s32 $0x20, v12;
	v13 =	vadd.s32 $0x30, v12;
	v10 =	vld [tilespmem:s2+$0x1120]  }
.Ltmp88:
0x6fc: {  	v24 =	vshll.u32 v16, $0x3;
	v25 =	vshll.u32 v15, $0x3;
	v27 =	vshll.u32 v13, $0x3;
	(pc) =	sbr.rel @p3 .LBB2_166-.Ltmp88, $4  }
0x6fd: {  	v20 =	vshll.u32 v12, $0x3;
	v26 =	vand.u32 $0xFFFFFC00, v27;
	v21 =	vshll.u32 v18, $0xC;
	v17 =	vmovc v18  }
0x6fe: {  	v13 =	vand.u32 $0x7F, v13;
	[tilespmem:s2+$0x3100] =	vst v19;
	v18 =	vshll.u32 v19, $0xC;
	v19 =	vadd.s32 v26, v21  }
0x6ff: {  	v24 =	vand.u32 $0xFFFFFC00, v24;
	v21 =	vshll.u32 v22, $0xC;
	v13 =	vor.u32 v13, v19;
	[tilespmem:v23+s18+$0x0] =	vst.idx.msk $0xffff, v0  }
0x700: {  	s8 =	sadd.s32 $0x200, s8;
	s9 =	sadd.s32 $0x40, s9;
	v23 =	vand.u32 $0xFFFFFC00, v25;
	[tilespmem:s2+$0x3110] =	vst v22;
	v22 =	vshll.u32 v10, $0xC;
	v13 =	vor.u32 $0x100, v13  }
0x701: {  	s7 =	smov.u32 s2;
	v19 =	vmov v17  }
.LBB2_168:
0x702: {  	_ =	sdelay $0x2  }
0x703: {  	v17 =	vand.u32 $0xFFFFFC00, v20;
	v63 =	vadd.s32 v24, v21  }
0x704: {  	v12 =	vand.u32 $0x7F, v12;
	v16 =	vand.u32 $0x7F, v16;
	[tilespmem:v14+s18+$0x0] =	vst.idx.msk @p2 $0xffff, v0;
	v14 =	vand.u32 $0x7F, v15  }
0x705: {  	v17 =	vadd.s32 v17, v18;
	v18 =	vadd.s32 v23, v22;
	v15 =	vor.u32 v16, v63  }
0x706: {  	[tilespmem:s7+$0x3120] =	vst v10;
	v12 =	vor.u32 v12, v17;
	v10 =	vor.u32 v14, v18;
	v14 =	vor.u32 $0x100, v15  }
0x707: {  	v12 =	vor.u32 $0x100, v12  }
0x708: {  	[tilespmem:v11+s18+$0x0] =	vst.idx.msk @p2 $0xffff, v0;
	v10 =	vor.u32 $0x100, v10  }
0x709: {  	[tilespmem:s7+$0x3130] =	vst v19  }
0x70a: {  	[tilespmem:v13+s18+$0x0] =	vst.idx.msk $0xffff, v0  }
0x70b: {  	s2 =	sand.u32 $0xFFFFFC00, s31;
	[tilespmem:v14+s18+$0x0] =	vst.idx.msk $0xffff, v0  }
0x70c: {  	s9 =	sadd.s32 $0x0, s2;
	[tilespmem:v12+s18+$0x0] =	vst.idx.msk $0xffff, v0  }
0x70d: {  	s8 =	sor.u32 $0x1B0, s9;
	[tilespmem:v10+s18+$0x0] =	vst.idx.msk $0xffff, v0  }
0x70e: {  	s2 =	sor.u32 $0x180, s9;
	v14 =	vld [tilespmem:s8+$0x1000]  }
0x70f: {  	s7 =	sor.u32 $0x190, s9;
	v10 =	vld [tilespmem:s2+$0x1000]  }
0x710: {  	v11 =	vld [tilespmem:s7+$0x1000]  }
.Ltmp89:
0x711: {  	_ = 	snop;
	(pc) =	sbr.rel @!p1 .LBB2_169-.Ltmp89, $4  }
0x712: {  	_ = 	snop  }
0x713: {  	v12 =	vshll.u32 v14, $0xC  }
0x714: {  	s31 =	sor.u32 $0x1A0, s9;
	v12 =	vadd.s32 v9, v12  }
0x715: {  	v13 =	vshll.u32 v10, $0xC;
	v15 =	vshll.u32 v11, $0xC;
	v9 =	vld [tilespmem:s31+$0x1000];
	v16 =	vor.u32 v8, v12  }
0x716: {  	_ =	sdelay $0x1  }
0x717: {  	s0 =	sand.u32 $0xFFFFFC00, s0;
	v6 =	vand.u32 $0xFFFFFC00, v6;
	v16 =	vor.u32 $0x180, v16  }
0x718: {  	v5 =	vand.u32 $0xFFFFFC00, v5;
	v7 =	vadd.s32 v7, v15;
	v4 =	vand.u32 $0x7F, v4;
	s9 =	sadd.s32 $0x40, s0  }
0x719: {  	v3 =	vand.u32 $0x7F, v3;
	v5 =	vadd.s32 v5, v13;
	s0 =	sor.u32 $0x1B0, s9;
	v8 =	vshll.u32 v9, $0xC  }
0x71a: {  	[tilespmem:s2+$0x3000] =	vst v10;
	v4 =	vor.u32 v4, v7;
	s2 =	sor.u32 $0x180, s9;
	v12 =	vld [tilespmem:s0+$0x1000];
	v6 =	vadd.s32 v6, v8;
	v8 =	vand.u32 $0x7F, v2  }
0x71b: {  	[tilespmem:s7+$0x3000] =	vst v11;
	s7 =	sor.u32 $0x190, s9;
	v7 =	vor.u32 $0x180, v4;
	v10 =	vld [tilespmem:s2+$0x1000];
	v2 =	vadd.s32 $0x40, v2;
	v5 =	vor.u32 v8, v5  }
0x71c: {  	p1 =	por $0x1, $0x1;
	v11 =	vld [tilespmem:s7+$0x1000];
	[tilespmem:s31+$0x3000] =	vst v9;
	s31 =	sor.u32 $0x1A0, s9;
	v3 =	vor.u32 v3, v6;
	v9 =	vadd.s32 $0x30, v2;
	v17 =	vor.u32 $0x180, v5  }
.Ltmp90:
0x71d: {  	v4 =	vadd.s32 $0x10, v2;
	v13 =	vshll.u32 v9, $0x3;
	v18 =	vand.u32 $0x7F, v9;
	v9 =	vld [tilespmem:s31+$0x1000];
	(pc) =	sbr.rel @!p1 .LBB2_171-.Ltmp90, $4  }
0x71e: {  	[tilespmem:s8+$0x3000] =	vst v14;
	v8 =	vor.u32 $0x180, v3;
	v3 =	vadd.s32 $0x20, v2;
	v14 =	vshll.u32 v4, $0x3  }
0x71f: {  	[tilespmem:v16+s18+$0x0] =	vst.idx.msk $0xffff, v0;
	v5 =	vshll.u32 v2, $0x3;
	v15 =	vshll.u32 v12, $0xC;
	v16 =	vand.u32 $0xFFFFFC00, v13  }
0x720: {  	[tilespmem:v7+s18+$0x0] =	vst.idx.msk $0xffff, v0;
	v6 =	vshll.u32 v3, $0x3;
	v13 =	vshll.u32 v10, $0xC;
	v16 =	vadd.s32 v16, v15  }
0x721: {  	s8 =	simm.s32 $0x4;
	p0 =	por $0x1, $0x1;
	s9 =	simm.s32 $0x400;
	v7 =	vand.u32 $0xFFFFFC00, v14;
	v15 =	vshll.u32 v11, $0xC;
	v16 =	vor.u32 v18, v16;
	[tilespmem:v17+s18+$0x0] =	vst.idx.msk $0xffff, v0  }
.LBB2_172:
0x722: {  	s10 =	sand.u32 $0xFFFFFC00, s9;
	s8 =	sadd.s32 $0x4, s8;
	[tilespmem:s7+$0x3000] =	vst v11;
	v11 =	vshll.u32 v9, $0xC;
	v6 =	vand.u32 $0xFFFFFC00, v6;
	v14 =	vor.u32 $0x180, v16;
	s30 =	sadd.s32 $0x40, s30  }
0x723: {  	v5 =	vand.u32 $0xFFFFFC00, v5;
	v7 =	vadd.s32 v7, v15;
	s10 =	sadd.s32 s10, s30;
	p1 =	slt.u32 s8, $0x1C;
	[tilespmem:s2+$0x3000] =	vst v10;
	v6 =	vadd.s32 v6, v11  }
0x724: {  	v4 =	vand.u32 $0x7F, v4;
	v3 =	vand.u32 $0x7F, v3;
	v5 =	vadd.s32 v5, v13;
	s2 =	sor.u32 $0x180, s10;
	s7 =	sor.u32 $0x190, s10;
	s11 =	sor.u32 $0x1B0, s10;
	[tilespmem:s31+$0x3000] =	vst v9  }
0x725: {  	v4 =	vor.u32 v4, v7;
	s31 =	sor.u32 $0x1A0, s10;
	v9 =	vand.u32 $0x7F, v2;
	v3 =	vor.u32 v3, v6;
	v13 =	vld [tilespmem:s11+$0x1000];
	[tilespmem:v8+s18+$0x0] =	vst.idx.msk $0xffff, v0  }
0x726: {  	v7 =	vor.u32 $0x180, v4;
	v5 =	vor.u32 v9, v5;
	v8 =	vor.u32 $0x180, v3;
	v10 =	vld [tilespmem:s2+$0x1000];
	[tilespmem:s0+$0x3000] =	vst v12;
	s0 =	smov.u32 s11  }
0x727: {  	v2 =	vadd.s32 $0x40, v2;
	v17 =	vor.u32 $0x180, v5;
	v11 =	vld [tilespmem:s7+$0x1000];
	[tilespmem:v14+s18+$0x0] =	vst.idx.msk $0xffff, v0  }
.Ltmp91:
0x728: {  	v4 =	vadd.s32 $0x10, v2;
	v3 =	vadd.s32 $0x20, v2;
	v14 =	vadd.s32 $0x30, v2;
	v9 =	vld [tilespmem:s31+$0x1000];
	(pc) =	sbr.rel @p1 .LBB2_172-.Ltmp91, $4  }
0x729: {  	v16 =	vshll.u32 v4, $0x3;
	v6 =	vshll.u32 v3, $0x3;
	v19 =	vshll.u32 v14, $0x3  }
0x72a: {  	v5 =	vshll.u32 v2, $0x3;
	v18 =	vand.u32 $0xFFFFFC00, v19;
	v15 =	vshll.u32 v13, $0xC;
	v12 =	vmovc v13  }
0x72b: {  	v14 =	vand.u32 $0x7F, v14;
	v13 =	vshll.u32 v10, $0xC;
	v18 =	vadd.s32 v18, v15;
	[tilespmem:v7+s18+$0x0] =	vst.idx.msk $0xffff, v0  }
0x72c: {  	s9 =	sadd.s32 $0x200, s9;
	v7 =	vand.u32 $0xFFFFFC00, v16;
	v15 =	vshll.u32 v11, $0xC;
	v16 =	vor.u32 v14, v18;
	[tilespmem:v17+s18+$0x0] =	vst.idx.msk $0xffff, v0  }
0x72d: {  	v14 =	vmov v12;
	s8 =	smov.u32 s0  }
.LBB2_174:
0x72e: {  	v7 =	vadd.s32 v7, v15  }
0x72f: {  	v12 =	vshll.u32 v9, $0xC;
	v6 =	vand.u32 $0xFFFFFC00, v6;
	v15 =	vor.u32 $0x180, v16  }
0x730: {  	v5 =	vand.u32 $0xFFFFFC00, v5;
	v4 =	vand.u32 $0x7F, v4;
	v2 =	vand.u32 $0x7F, v2  }
0x731: {  	[tilespmem:s7+$0x3000] =	vst v11;
	v3 =	vand.u32 $0x7F, v3;
	v5 =	vadd.s32 v5, v13;
	v4 =	vor.u32 v4, v7  }
0x732: {  	[tilespmem:s2+$0x3000] =	vst v10;
	v6 =	vadd.s32 v6, v12;
	v2 =	vor.u32 v2, v5;
	v4 =	vor.u32 $0x180, v4  }
0x733: {  	[tilespmem:s31+$0x3000] =	vst v9;
	v3 =	vor.u32 v3, v6;
	v2 =	vor.u32 $0x180, v2  }
0x734: {  	[tilespmem:v8+s18+$0x0] =	vst.idx.msk @p0 $0xffff, v0;
	v3 =	vor.u32 $0x180, v3  }
0x735: {  	[tilespmem:s8+$0x3000] =	vst v14;
	p0 =	por $0x0, $0x0;
	s0 =	simm.s32 $0x1  }
0x736: {  	s0 =	simm.s32 @!p0 $0x0;
	[tilespmem:v15+s18+$0x0] =	vst.idx.msk $0xffff, v0  }
0x737: {  	s0 =	sshll.u32 s0, $0x6;
	[tilespmem:v4+s18+$0x0] =	vst.idx.msk $0xffff, v0  }
0x738: {  	s30 =	sadd.s32 $0x0, s0;
	[tilespmem:v2+s18+$0x0] =	vst.idx.msk $0xffff, v0  }
0x739: {  	s8 =	sor.u32 $0x230, s30;
	[tilespmem:v3+s18+$0x0] =	vst.idx.msk $0xffff, v0  }
0x73a: {  	s0 =	sor.u32 $0x200, s30;
	v16 =	vld [tilespmem:s8+$0x1000]  }
0x73b: {  	p2 =	por $0x1, $0x1;
	v10 =	vld [tilespmem:s0+$0x1000]  }
.Ltmp92:
0x73c: {  	v2 =	vlaneseq.u32;
	(pc) =	sbr.rel @!p2 .LBB2_175-.Ltmp92, $4  }
0x73d: {  	v4 =	vadd.s32 $0x10, v2;
	v3 =	vadd.s32 $0x20, v2;
	v8 =	vadd.s32 $0x30, v2  }
0x73e: {  	s2 =	sor.u32 $0x210, s30;
	v6 =	vshll.u32 v2, $0x3;
	v7 =	vshll.u32 v4, $0x3;
	v9 =	vshll.u32 v8, $0x3  }
0x73f: {  	s31 =	sor.u32 $0x220, s30;
	v14 =	vld [tilespmem:s2+$0x1000];
	v5 =	vshll.u32 v3, $0x3;
	v9 =	vand.u32 $0xFFFFFC00, v9;
	v12 =	vshll.u32 v16, $0xC  }
0x740: {  	p1 =	por !p0, !p0;
	v11 =	vld [tilespmem:s31+$0x1000];
	v8 =	vand.u32 $0x7F, v8;
	v18 =	vshll.u32 v10, $0xC;
	v24 =	vadd.s32 v9, v12  }
0x741: {  	_ =	sdelay $0x1  }
0x742: {  	s7 =	simm.s32 $0x1;
	v15 =	vor.u32 v8, v24  }
0x743: {  	v13 =	vand.u32 $0xFFFFFC00, v7;
	v19 =	vand.u32 $0xFFFFFC00, v5;
	s7 =	simm.s32 @!p1 $0x0;
	v22 =	vor.u32 $0x200, v15  }
0x744: {  	v15 =	vand.u32 $0xFFFFFC00, v6;
	s7 =	sshll.u32 s7, $0x6;
	v12 =	vshll.u32 v14, $0xC;
	v17 =	vshll.u32 v11, $0xC  }
0x745: {  	s9 =	sadd.s32 $0x200, s7;
	v12 =	vadd.s32 v13, v12;
	v13 =	vadd.s32 v15, v18;
	v15 =	vand.u32 $0x7F, v4  }
0x746: {  	[tilespmem:s0+$0x3000] =	vst v10;
	s7 =	sor.u32 $0x230, s9;
	v18 =	vand.u32 $0x7F, v2;
	v10 =	vadd.s32 v19, v17;
	v17 =	vand.u32 $0x7F, v3  }
0x747: {  	s0 =	sor.u32 $0x200, s9;
	v19 =	vld [tilespmem:s7+$0x1000];
	v12 =	vor.u32 v15, v12;
	v13 =	vor.u32 v18, v13;
	v15 =	vor.u32 v17, v10  }
0x748: {  	[tilespmem:s8+$0x3000] =	vst v16;
	p5 =	por $0x1, $0x1;
	v10 =	vld [tilespmem:s0+$0x1000];
	v26 =	vor.u32 $0x200, v12;
	v20 =	vor.u32 $0x200, v13;
	v13 =	vadd.s32 $0x40, v2  }
.Ltmp93:
0x749: {  	[tilespmem:s2+$0x3000] =	vst v14;
	s2 =	sor.u32 $0x210, s9;
	v24 =	vadd.s32 $0x30, v13;
	(pc) =	sbr.rel @!p5 .LBB2_177-.Ltmp93, $4  }
0x74a: {  	[tilespmem:s31+$0x3000] =	vst v11;
	s31 =	sor.u32 $0x220, s9;
	v14 =	vld [tilespmem:s2+$0x1000];
	v12 =	vor.u32 $0x200, v15;
	v17 =	vadd.s32 $0x10, v13;
	v11 =	vshll.u32 v24, $0x3  }
0x74b: {  	[tilespmem:v22+s18+$0x0] =	vst.idx.msk $0xffff, v0;
	v15 =	vadd.s32 $0x20, v13;
	v22 =	vshll.u32 v13, $0x3;
	v27 =	vand.u32 $0xFFFFFC00, v11;
	v11 =	vld [tilespmem:s31+$0x1000]  }
0x74c: {  	s8 =	simm.s32 $0x4;
	v23 =	vshll.u32 v17, $0x3;
	v21 =	vshll.u32 v15, $0x3;
	v16 =	vshll.u32 v19, $0xC  }
0x74d: {  	p4 =	por !p1, !p1;
	p3 =	por $0x1, $0x1;
	s9 =	simm.s32 $0x200;
	v25 =	vand.u32 $0x7F, v24;
	v18 =	vshll.u32 v10, $0xC;
	v24 =	vadd.s32 v27, v16;
	[tilespmem:v26+s18+$0x0] =	vst.idx.msk $0xffff, v0  }
.LBB2_178:
0x74e: {  	s10 =	simm.s32 $0x1  }
0x74f: {  	s8 =	sadd.s32 $0x4, s8;
	v16 =	vshll.u32 v14, $0xC;
	v23 =	vand.u32 $0xFFFFFC00, v23;
	v24 =	vor.u32 v25, v24;
	[tilespmem:v20+s18+$0x0] =	vst.idx.msk $0xffff, v0;
	s10 =	simm.s32 @!p4 $0x0  }
0x750: {  	v20 =	vand.u32 $0xFFFFFC00, v21;
	s9 =	sadd.s32 $0x200, s9;
	p5 =	slt.u32 s8, $0x1C;
	v21 =	vor.u32 $0x200, v24;
	s10 =	sshll.u32 s10, $0x6;
	[tilespmem:s2+$0x3000] =	vst v14;
	v14 =	vshll.u32 v11, $0xC  }
0x751: {  	v16 =	vadd.s32 v23, v16;
	s10 =	sadd.s32 s10, s9;
	[tilespmem:s0+$0x3000] =	vst v10;
	v10 =	vand.u32 $0xFFFFFC00, v22;
	v14 =	vadd.s32 v20, v14  }
0x752: {  	s0 =	sor.u32 $0x200, s10;
	s2 =	sor.u32 $0x210, s10;
	s11 =	sor.u32 $0x230, s10;
	v18 =	vadd.s32 v10, v18;
	v10 =	vand.u32 $0x7F, v17;
	[tilespmem:s31+$0x3000] =	vst v11;
	v11 =	vand.u32 $0x7F, v15  }
0x753: {  	s31 =	sor.u32 $0x220, s10;
	v15 =	vand.u32 $0x7F, v13;
	v24 =	vld [tilespmem:s11+$0x1000];
	v16 =	vor.u32 v10, v16;
	v11 =	vor.u32 v11, v14;
	[tilespmem:v12+s18+$0x0] =	vst.idx.msk $0xffff, v0  }
0x754: {  	v15 =	vor.u32 v15, v18;
	v10 =	vld [tilespmem:s0+$0x1000];
	v16 =	vor.u32 $0x200, v16;
	v12 =	vor.u32 $0x200, v11;
	[tilespmem:s7+$0x3000] =	vst v19;
	s7 =	smov.u32 s11  }
.Ltmp94:
0x755: {  	v13 =	vadd.s32 $0x40, v13;
	v20 =	vor.u32 $0x200, v15;
	v14 =	vld [tilespmem:s2+$0x1000];
	[tilespmem:v21+s18+$0x0] =	vst.idx.msk $0xffff, v0;
	(pc) =	sbr.rel @p5 .LBB2_178-.Ltmp94, $4  }
0x756: {  	v17 =	vadd.s32 $0x10, v13;
	v25 =	vadd.s32 $0x30, v13;
	v15 =	vadd.s32 $0x20, v13;
	v11 =	vld [tilespmem:s31+$0x1000]  }
0x757: {  	v23 =	vshll.u32 v17, $0x3;
	v18 =	vshll.u32 v25, $0x3;
	v21 =	vshll.u32 v15, $0x3  }
0x758: {  	v22 =	vshll.u32 v13, $0x3;
	v27 =	vand.u32 $0xFFFFFC00, v18;
	v26 =	vshll.u32 v24, $0xC;
	v19 =	vmovc v24  }
0x759: {  	p4 =	por !p4, !p4;
	v25 =	vand.u32 $0x7F, v25;
	v18 =	vshll.u32 v10, $0xC;
	v24 =	vadd.s32 v27, v26;
	[tilespmem:v16+s18+$0x0] =	vst.idx.msk $0xffff, v0  }
0x75a: {  	v16 =	vmov v19;
	s8 =	smov.u32 s7  }
.LBB2_180:
0x75b: {  	v19 =	vshll.u32 v14, $0xC  }
0x75c: {  	v23 =	vand.u32 $0xFFFFFC00, v23;
	v24 =	vor.u32 v25, v24;
	v62 =	vshll.u32 v11, $0xC  }
0x75d: {  	v21 =	vand.u32 $0xFFFFFC00, v21;
	v22 =	vand.u32 $0xFFFFFC00, v22;
	v17 =	vand.u32 $0x7F, v17  }
0x75e: {  	v13 =	vand.u32 $0x7F, v13;
	[tilespmem:s0+$0x3000] =	vst v10;
	v10 =	vand.u32 $0x7F, v15;
	v19 =	vadd.s32 v23, v19  }
0x75f: {  	[tilespmem:s2+$0x3000] =	vst v14;
	v24 =	vor.u32 $0x200, v24;
	v14 =	vadd.s32 v22, v18;
	v17 =	vor.u32 v17, v19  }
0x760: {  	[tilespmem:v20+s18+$0x0] =	vst.idx.msk @p3 $0xffff, v0;
	v63 =	vadd.s32 v21, v62;
	v13 =	vor.u32 v13, v14;
	v14 =	vor.u32 $0x200, v17  }
0x761: {  	[tilespmem:s31+$0x3000] =	vst v11;
	v10 =	vor.u32 v10, v63;
	v11 =	vor.u32 $0x200, v13  }
0x762: {  	[tilespmem:v12+s18+$0x0] =	vst.idx.msk @p3 $0xffff, v0;
	v10 =	vor.u32 $0x200, v10  }
0x763: {  	[tilespmem:s8+$0x3000] =	vst v16  }
0x764: {  	[tilespmem:v24+s18+$0x0] =	vst.idx.msk $0xffff, v0  }
0x765: {  	[tilespmem:v14+s18+$0x0] =	vst.idx.msk $0xffff, v0  }
0x766: {  	[tilespmem:v11+s18+$0x0] =	vst.idx.msk $0xffff, v0  }
0x767: {  	s8 =	sor.u32 $0x2B0, s30;
	[tilespmem:v10+s18+$0x0] =	vst.idx.msk $0xffff, v0  }
0x768: {  	s0 =	sor.u32 $0x280, s30;
	v15 =	vld [tilespmem:s8+$0x1000]  }
0x769: {  	v10 =	vld [tilespmem:s0+$0x1000]  }
.Ltmp95:
0x76a: {  	_ = 	snop;
	(pc) =	sbr.rel @!p2 .LBB2_181-.Ltmp95, $4  }
0x76b: {  	_ = 	snop  }
0x76c: {  	s31 =	sor.u32 $0x290, s30  }
0x76d: {  	s2 =	sor.u32 $0x2A0, s30;
	v12 =	vld [tilespmem:s31+$0x1000];
	v13 =	vshll.u32 v15, $0xC  }
0x76e: {  	v11 =	vld [tilespmem:s2+$0x1000];
	v14 =	vshll.u32 v10, $0xC;
	v17 =	vadd.s32 v9, v13  }
0x76f: {  	s7 =	simm.s32 $0x1  }
0x770: {  	v7 =	vand.u32 $0xFFFFFC00, v7;
	v8 =	vor.u32 v8, v17;
	s7 =	simm.s32 @!p1 $0x0  }
0x771: {  	v5 =	vand.u32 $0xFFFFFC00, v5;
	v6 =	vand.u32 $0xFFFFFC00, v6;
	v4 =	vand.u32 $0x7F, v4;
	s7 =	sshll.u32 s7, $0x6  }
0x772: {  	v3 =	vand.u32 $0x7F, v3;
	v8 =	vor.u32 $0x280, v8;
	v9 =	vshll.u32 v12, $0xC;
	s9 =	sadd.s32 $0x200, s7  }
0x773: {  	v13 =	vshll.u32 v11, $0xC;
	v7 =	vadd.s32 v7, v9;
	s7 =	sor.u32 $0x2B0, s9;
	v9 =	vand.u32 $0x7F, v2  }
0x774: {  	[tilespmem:s0+$0x3000] =	vst v10;
	s0 =	sor.u32 $0x280, s9;
	v2 =	vadd.s32 $0x40, v2;
	v5 =	vadd.s32 v5, v13;
	v13 =	vld [tilespmem:s7+$0x1000];
	v4 =	vor.u32 v4, v7  }
0x775: {  	[tilespmem:s8+$0x3000] =	vst v15;
	p2 =	por $0x1, $0x1;
	v6 =	vadd.s32 v6, v14;
	v10 =	vld [tilespmem:s0+$0x1000];
	v17 =	vadd.s32 $0x30, v2;
	v18 =	vor.u32 $0x280, v4  }
.Ltmp96:
0x776: {  	[tilespmem:s31+$0x3000] =	vst v12;
	s31 =	sor.u32 $0x290, s9;
	v3 =	vor.u32 v3, v5;
	v5 =	vor.u32 v9, v6;
	v4 =	vadd.s32 $0x10, v2;
	(pc) =	sbr.rel @!p2 .LBB2_183-.Ltmp96, $4  }
0x777: {  	[tilespmem:s2+$0x3000] =	vst v11;
	s2 =	sor.u32 $0x2A0, s9;
	v12 =	vld [tilespmem:s31+$0x1000];
	v11 =	vshll.u32 v17, $0x3;
	v6 =	vshll.u32 v2, $0x3;
	v16 =	vor.u32 $0x280, v5  }
0x778: {  	[tilespmem:v8+s18+$0x0] =	vst.idx.msk $0xffff, v0;
	v8 =	vand.u32 $0x7F, v17;
	v9 =	vor.u32 $0x280, v3;
	v19 =	vand.u32 $0xFFFFFC00, v11;
	v11 =	vld [tilespmem:s2+$0x1000]  }
0x779: {  	s8 =	simm.s32 $0x4;
	v3 =	vadd.s32 $0x20, v2;
	v7 =	vshll.u32 v4, $0x3;
	v15 =	vshll.u32 v13, $0xC  }
0x77a: {  	p0 =	por $0x1, $0x1;
	p1 =	por !p1, !p1;
	s9 =	simm.s32 $0x200;
	v5 =	vshll.u32 v3, $0x3;
	v14 =	vshll.u32 v10, $0xC;
	v17 =	vadd.s32 v19, v15;
	[tilespmem:v18+s18+$0x0] =	vst.idx.msk $0xffff, v0  }
.LBB2_184:
0x77b: {  	s10 =	simm.s32 $0x1  }
0x77c: {  	s8 =	sadd.s32 $0x4, s8;
	v15 =	vshll.u32 v12, $0xC;
	v7 =	vand.u32 $0xFFFFFC00, v7;
	v8 =	vor.u32 v8, v17;
	[tilespmem:v16+s18+$0x0] =	vst.idx.msk $0xffff, v0;
	s10 =	simm.s32 @!p1 $0x0  }
0x77d: {  	v5 =	vand.u32 $0xFFFFFC00, v5;
	s9 =	sadd.s32 $0x200, s9;
	p2 =	slt.u32 s8, $0x1C;
	v8 =	vor.u32 $0x280, v8;
	s10 =	sshll.u32 s10, $0x6;
	[tilespmem:s31+$0x3000] =	vst v12;
	v12 =	vshll.u32 v11, $0xC  }
0x77e: {  	v6 =	vand.u32 $0xFFFFFC00, v6;
	v7 =	vadd.s32 v7, v15;
	s10 =	sadd.s32 s10, s9;
	[tilespmem:s0+$0x3000] =	vst v10;
	v5 =	vadd.s32 v5, v12  }
0x77f: {  	v4 =	vand.u32 $0x7F, v4;
	v3 =	vand.u32 $0x7F, v3;
	v6 =	vadd.s32 v6, v14;
	s0 =	sor.u32 $0x280, s10;
	s31 =	sor.u32 $0x290, s10;
	s11 =	sor.u32 $0x2B0, s10;
	[tilespmem:s2+$0x3000] =	vst v11  }
0x780: {  	v4 =	vor.u32 v4, v7;
	s2 =	sor.u32 $0x2A0, s10;
	v11 =	vand.u32 $0x7F, v2;
	v3 =	vor.u32 v3, v5;
	v14 =	vld [tilespmem:s11+$0x1000];
	[tilespmem:v9+s18+$0x0] =	vst.idx.msk $0xffff, v0  }
0x781: {  	v15 =	vor.u32 $0x280, v4;
	v5 =	vor.u32 v11, v6;
	v9 =	vor.u32 $0x280, v3;
	v10 =	vld [tilespmem:s0+$0x1000];
	[tilespmem:s7+$0x3000] =	vst v13;
	s7 =	smov.u32 s11  }
.Ltmp97:
0x782: {  	v2 =	vadd.s32 $0x40, v2;
	v16 =	vor.u32 $0x280, v5;
	v12 =	vld [tilespmem:s31+$0x1000];
	[tilespmem:v8+s18+$0x0] =	vst.idx.msk $0xffff, v0;
	(pc) =	sbr.rel @p2 .LBB2_184-.Ltmp97, $4  }
0x783: {  	v4 =	vadd.s32 $0x10, v2;
	v3 =	vadd.s32 $0x20, v2;
	v8 =	vadd.s32 $0x30, v2;
	v11 =	vld [tilespmem:s2+$0x1000]  }
0x784: {  	v7 =	vshll.u32 v4, $0x3;
	v5 =	vshll.u32 v3, $0x3;
	v19 =	vshll.u32 v8, $0x3  }
0x785: {  	v6 =	vshll.u32 v2, $0x3;
	v18 =	vand.u32 $0xFFFFFC00, v19;
	v17 =	vshll.u32 v14, $0xC;
	v13 =	vmovc v14  }
0x786: {  	p1 =	por !p1, !p1;
	v8 =	vand.u32 $0x7F, v8;
	v14 =	vshll.u32 v10, $0xC;
	v17 =	vadd.s32 v18, v17;
	[tilespmem:v15+s18+$0x0] =	vst.idx.msk $0xffff, v0  }
0x787: {  	v15 =	vmov v13;
	s8 =	smov.u32 s7  }
.LBB2_186:
0x788: {  	_ = 	snop  }
0x789: {  	v13 =	vshll.u32 v12, $0xC  }
0x78a: {  	v7 =	vand.u32 $0xFFFFFC00, v7;
	v8 =	vor.u32 v8, v17;
	v17 =	vshll.u32 v11, $0xC  }
0x78b: {  	v5 =	vand.u32 $0xFFFFFC00, v5;
	v6 =	vand.u32 $0xFFFFFC00, v6;
	v4 =	vand.u32 $0x7F, v4  }
0x78c: {  	[tilespmem:v16+s18+$0x0] =	vst.idx.msk @p0 $0xffff, v0;
	v2 =	vand.u32 $0x7F, v2;
	v3 =	vand.u32 $0x7F, v3;
	v7 =	vadd.s32 v7, v13  }
0x78d: {  	[tilespmem:s31+$0x3000] =	vst v12;
	v8 =	vor.u32 $0x280, v8;
	v6 =	vadd.s32 v6, v14;
	v4 =	vor.u32 v4, v7  }
0x78e: {  	[tilespmem:s0+$0x3000] =	vst v10;
	v5 =	vadd.s32 v5, v17;
	v2 =	vor.u32 v2, v6;
	v4 =	vor.u32 $0x280, v4  }
0x78f: {  	[tilespmem:s2+$0x3000] =	vst v11;
	v3 =	vor.u32 v3, v5;
	v2 =	vor.u32 $0x280, v2  }
0x790: {  	[tilespmem:v9+s18+$0x0] =	vst.idx.msk @p0 $0xffff, v0;
	v3 =	vor.u32 $0x280, v3  }
0x791: {  	[tilespmem:s8+$0x3000] =	vst v15;
	p0 =	por $0x0, $0x0;
	s0 =	simm.s32 $0x1  }
0x792: {  	s0 =	simm.s32 @!p0 $0x0;
	[tilespmem:v8+s18+$0x0] =	vst.idx.msk $0xffff, v0  }
0x793: {  	s0 =	sshll.u32 s0, $0x6;
	[tilespmem:v4+s18+$0x0] =	vst.idx.msk $0xffff, v0  }
0x794: {  	s7 =	sadd.s32 $0x0, s0;
	[tilespmem:v2+s18+$0x0] =	vst.idx.msk $0xffff, v0  }
0x795: {  	s8 =	sor.u32 $0x330, s7;
	[tilespmem:v3+s18+$0x0] =	vst.idx.msk $0xffff, v0  }
0x796: {  	s0 =	sor.u32 $0x300, s7;
	v16 =	vld [tilespmem:s8+$0x1000]  }
0x797: {  	p1 =	por $0x1, $0x1;
	v10 =	vld [tilespmem:s0+$0x1000]  }
.Ltmp98:
0x798: {  	v2 =	vlaneseq.u32;
	(pc) =	sbr.rel @!p1 .LBB2_187-.Ltmp98, $4  }
0x799: {  	v3 =	vadd.s32 $0x10, v2;
	v4 =	vadd.s32 $0x20, v2;
	v9 =	vadd.s32 $0x30, v2  }
0x79a: {  	s2 =	sor.u32 $0x310, s7;
	v7 =	vshll.u32 v2, $0x3;
	v6 =	vshll.u32 v3, $0x3;
	v8 =	vshll.u32 v9, $0x3  }
0x79b: {  	s31 =	sor.u32 $0x320, s7;
	v14 =	vld [tilespmem:s2+$0x1000];
	v5 =	vshll.u32 v4, $0x3;
	v8 =	vand.u32 $0xFFFFFC00, v8;
	v12 =	vshll.u32 v16, $0xC  }
0x79c: {  	s30 =	simm.s32 $0x0;
	p2 =	por !p0, !p0;
	v11 =	vld [tilespmem:s31+$0x1000];
	v9 =	vand.u32 $0x7F, v9;
	v18 =	vshll.u32 v10, $0xC;
	v24 =	vadd.s32 v8, v12  }
0x79d: {  	_ =	sdelay $0x1  }
0x79e: {  	s7 =	simm.s32 $0x1;
	v15 =	vor.u32 v9, v24  }
0x79f: {  	v13 =	vand.u32 $0xFFFFFC00, v6;
	v19 =	vand.u32 $0xFFFFFC00, v5;
	s7 =	simm.s32 @!p2 $0x0;
	v22 =	vor.u32 $0x300, v15  }
0x7a0: {  	v15 =	vand.u32 $0xFFFFFC00, v7;
	s7 =	sshll.u32 s7, $0x6;
	v12 =	vshll.u32 v14, $0xC;
	v17 =	vshll.u32 v11, $0xC  }
0x7a1: {  	s9 =	sadd.s32 $0x200, s7;
	v12 =	vadd.s32 v13, v12;
	v13 =	vadd.s32 v15, v18;
	v15 =	vand.u32 $0x7F, v3  }
0x7a2: {  	[tilespmem:s0+$0x3000] =	vst v10;
	s7 =	sor.u32 $0x330, s9;
	v18 =	vand.u32 $0x7F, v2;
	v10 =	vadd.s32 v19, v17;
	v17 =	vand.u32 $0x7F, v4  }
0x7a3: {  	s0 =	sor.u32 $0x300, s9;
	v19 =	vld [tilespmem:s7+$0x1000];
	v12 =	vor.u32 v15, v12;
	v13 =	vor.u32 v18, v13;
	v15 =	vor.u32 v17, v10  }
0x7a4: {  	[tilespmem:s8+$0x3000] =	vst v16;
	p4 =	por $0x1, $0x1;
	v10 =	vld [tilespmem:s0+$0x1000];
	v26 =	vor.u32 $0x300, v12;
	v20 =	vor.u32 $0x300, v13;
	v13 =	vadd.s32 $0x40, v2  }
.Ltmp99:
0x7a5: {  	[tilespmem:s2+$0x3000] =	vst v14;
	s2 =	sor.u32 $0x310, s9;
	v24 =	vadd.s32 $0x30, v13;
	(pc) =	sbr.rel @!p4 .LBB2_189-.Ltmp99, $4  }
0x7a6: {  	[tilespmem:s31+$0x3000] =	vst v11;
	s31 =	sor.u32 $0x320, s9;
	v14 =	vld [tilespmem:s2+$0x1000];
	v12 =	vor.u32 $0x300, v15;
	v17 =	vadd.s32 $0x10, v13;
	v11 =	vshll.u32 v24, $0x3  }
0x7a7: {  	[tilespmem:v22+s18+$0x0] =	vst.idx.msk $0xffff, v0;
	v15 =	vadd.s32 $0x20, v13;
	v22 =	vshll.u32 v13, $0x3;
	v27 =	vand.u32 $0xFFFFFC00, v11;
	v11 =	vld [tilespmem:s31+$0x1000]  }
0x7a8: {  	s8 =	simm.s32 $0x4;
	v23 =	vshll.u32 v17, $0x3;
	v21 =	vshll.u32 v15, $0x3;
	v16 =	vshll.u32 v19, $0xC  }
0x7a9: {  	p3 =	por !p2, !p2;
	p2 =	por $0x1, $0x1;
	s9 =	simm.s32 $0x200;
	v25 =	vand.u32 $0x7F, v24;
	v18 =	vshll.u32 v10, $0xC;
	v24 =	vadd.s32 v27, v16;
	[tilespmem:v26+s18+$0x0] =	vst.idx.msk $0xffff, v0  }
.LBB2_190:
0x7aa: {  	s10 =	simm.s32 $0x1  }
0x7ab: {  	s8 =	sadd.s32 $0x4, s8;
	v16 =	vshll.u32 v14, $0xC;
	v23 =	vand.u32 $0xFFFFFC00, v23;
	v24 =	vor.u32 v25, v24;
	[tilespmem:v20+s18+$0x0] =	vst.idx.msk $0xffff, v0;
	s10 =	simm.s32 @!p3 $0x0  }
0x7ac: {  	v20 =	vand.u32 $0xFFFFFC00, v21;
	s9 =	sadd.s32 $0x200, s9;
	p4 =	slt.u32 s8, $0x1C;
	v21 =	vor.u32 $0x300, v24;
	s10 =	sshll.u32 s10, $0x6;
	[tilespmem:s2+$0x3000] =	vst v14;
	v14 =	vshll.u32 v11, $0xC  }
0x7ad: {  	v16 =	vadd.s32 v23, v16;
	s10 =	sadd.s32 s10, s9;
	[tilespmem:s0+$0x3000] =	vst v10;
	v10 =	vand.u32 $0xFFFFFC00, v22;
	v14 =	vadd.s32 v20, v14  }
0x7ae: {  	s0 =	sor.u32 $0x300, s10;
	s2 =	sor.u32 $0x310, s10;
	s11 =	sor.u32 $0x330, s10;
	v18 =	vadd.s32 v10, v18;
	v10 =	vand.u32 $0x7F, v17;
	[tilespmem:s31+$0x3000] =	vst v11;
	v11 =	vand.u32 $0x7F, v15  }
0x7af: {  	s31 =	sor.u32 $0x320, s10;
	v15 =	vand.u32 $0x7F, v13;
	v24 =	vld [tilespmem:s11+$0x1000];
	v16 =	vor.u32 v10, v16;
	v11 =	vor.u32 v11, v14;
	[tilespmem:v12+s18+$0x0] =	vst.idx.msk $0xffff, v0  }
0x7b0: {  	v15 =	vor.u32 v15, v18;
	v10 =	vld [tilespmem:s0+$0x1000];
	v16 =	vor.u32 $0x300, v16;
	v12 =	vor.u32 $0x300, v11;
	[tilespmem:s7+$0x3000] =	vst v19;
	s7 =	smov.u32 s11  }
.Ltmp100:
0x7b1: {  	v13 =	vadd.s32 $0x40, v13;
	v20 =	vor.u32 $0x300, v15;
	v14 =	vld [tilespmem:s2+$0x1000];
	[tilespmem:v21+s18+$0x0] =	vst.idx.msk $0xffff, v0;
	(pc) =	sbr.rel @p4 .LBB2_190-.Ltmp100, $4  }
0x7b2: {  	v17 =	vadd.s32 $0x10, v13;
	v25 =	vadd.s32 $0x30, v13;
	v15 =	vadd.s32 $0x20, v13;
	v11 =	vld [tilespmem:s31+$0x1000]  }
0x7b3: {  	v23 =	vshll.u32 v17, $0x3;
	v18 =	vshll.u32 v25, $0x3;
	v21 =	vshll.u32 v15, $0x3  }
0x7b4: {  	v22 =	vshll.u32 v13, $0x3;
	v27 =	vand.u32 $0xFFFFFC00, v18;
	v26 =	vshll.u32 v24, $0xC;
	v19 =	vmovc v24  }
0x7b5: {  	p3 =	por !p3, !p3;
	v25 =	vand.u32 $0x7F, v25;
	v18 =	vshll.u32 v10, $0xC;
	v24 =	vadd.s32 v27, v26;
	[tilespmem:v16+s18+$0x0] =	vst.idx.msk $0xffff, v0  }
0x7b6: {  	v16 =	vmov v19;
	s8 =	smov.u32 s7  }
.LBB2_192:
0x7b7: {  	v19 =	vshll.u32 v14, $0xC  }
0x7b8: {  	v23 =	vand.u32 $0xFFFFFC00, v23;
	v24 =	vor.u32 v25, v24;
	v61 =	vshll.u32 v11, $0xC  }
0x7b9: {  	v21 =	vand.u32 $0xFFFFFC00, v21;
	v22 =	vand.u32 $0xFFFFFC00, v22;
	v17 =	vand.u32 $0x7F, v17  }
0x7ba: {  	v13 =	vand.u32 $0x7F, v13;
	[tilespmem:s0+$0x3000] =	vst v10;
	v10 =	vand.u32 $0x7F, v15;
	v19 =	vadd.s32 v23, v19  }
0x7bb: {  	[tilespmem:s2+$0x3000] =	vst v14;
	v24 =	vor.u32 $0x300, v24;
	v14 =	vadd.s32 v22, v18;
	v17 =	vor.u32 v17, v19  }
0x7bc: {  	[tilespmem:v20+s18+$0x0] =	vst.idx.msk @p2 $0xffff, v0;
	v62 =	vadd.s32 v21, v61;
	v13 =	vor.u32 v13, v14;
	v14 =	vor.u32 $0x300, v17  }
0x7bd: {  	[tilespmem:s31+$0x3000] =	vst v11;
	v10 =	vor.u32 v10, v62;
	v11 =	vor.u32 $0x300, v13  }
0x7be: {  	[tilespmem:v12+s18+$0x0] =	vst.idx.msk @p2 $0xffff, v0;
	v10 =	vor.u32 $0x300, v10  }
0x7bf: {  	[tilespmem:s8+$0x3000] =	vst v16  }
0x7c0: {  	[tilespmem:v24+s18+$0x0] =	vst.idx.msk $0xffff, v0  }
0x7c1: {  	[tilespmem:v14+s18+$0x0] =	vst.idx.msk $0xffff, v0  }
0x7c2: {  	[tilespmem:v11+s18+$0x0] =	vst.idx.msk $0xffff, v0  }
0x7c3: {  	s7 =	sor.u32 $0x3B0, s30;
	[tilespmem:v10+s18+$0x0] =	vst.idx.msk $0xffff, v0  }
0x7c4: {  	s11 =	sor.u32 $0x380, s30;
	v12 =	vld [tilespmem:s7+$0x1000]  }
0x7c5: {  	s31 =	sor.u32 $0x390, s30;
	v13 =	vld [tilespmem:s11+$0x1000]  }
0x7c6: {  	s8 =	sor.u32 $0x3A0, s30;
	v14 =	vld [tilespmem:s31+$0x1000]  }
0x7c7: {  	v10 =	vld [tilespmem:s8+$0x1000];
	_ =	sdelay $0x1  }
.Ltmp101:
0x7c8: {  	_ = 	snop;
	(pc) =	sbr.rel @!p1 .LBB2_193-.Ltmp101, $4  }
0x7c9: {  	v63 =	vand.u32 $0xFFFFFC00, v6;
	v5 =	vand.u32 $0xFFFFFC00, v5;
	v15 =	vshll.u32 v12, $0xC  }
0x7ca: {  	v11 =	vshll.u32 v13, $0xC;
	[tilespmem:s11+$0x3000] =	vst v13;
	v13 =	vand.u32 $0xFFFFFC00, v7;
	v8 =	vadd.s32 v8, v15  }
0x7cb: {  	v15 =	vshll.u32 v14, $0xC;
	v6 =	vor.u32 v9, v8;
	v9 =	vshll.u32 v10, $0xC  }
0x7cc: {  	s2 =	simm.s32 $0x240;
	[tilespmem:s31+$0x3000] =	vst v14;
	v8 =	vadd.s32 v63, v15;
	v6 =	vor.u32 $0x380, v6;
	v9 =	vadd.s32 v5, v9  }
0x7cd: {  	s0 =	sor.u32 $0x3B0, s2;
	v5 =	vadd.s32 v13, v11;
	v3 =	vand.u32 $0x7F, v3  }
0x7ce: {  	v4 =	vand.u32 $0x7F, v4;
	s9 =	sor.u32 $0x380, s2;
	v11 =	vand.u32 $0x7F, v2;
	v2 =	vadd.s32 $0x40, v2;
	v7 =	vld [tilespmem:s0+$0x1000]  }
0x7cf: {  	s10 =	sor.u32 $0x390, s2;
	v3 =	vor.u32 v3, v8;
	v4 =	vor.u32 v4, v9;
	v8 =	vld [tilespmem:s9+$0x1000];
	v9 =	vor.u32 v11, v5  }
0x7d0: {  	s2 =	sor.u32 $0x3A0, s2;
	v14 =	vld [tilespmem:s10+$0x1000];
	v15 =	vadd.s32 $0x30, v2;
	v17 =	vshll.u32 v2, $0x3;
	v5 =	vor.u32 $0x380, v3  }
0x7d1: {  	[tilespmem:s8+$0x3000] =	vst v10;
	v10 =	vld [tilespmem:s2+$0x1000];
	v13 =	vor.u32 $0x380, v4;
	v9 =	vor.u32 $0x380, v9;
	v3 =	vadd.s32 $0x10, v2  }
0x7d2: {  	[tilespmem:s7+$0x3000] =	vst v12;
	p1 =	por $0x1, $0x1;
	v4 =	vadd.s32 $0x20, v2;
	v11 =	vshll.u32 v15, $0x3;
	v12 =	vshll.u32 v3, $0x3  }
.Ltmp102:
0x7d3: {  	[tilespmem:v6+s18+$0x0] =	vst.idx.msk $0xffff, v0;
	v16 =	vshll.u32 v4, $0x3;
	v18 =	vand.u32 $0xFFFFFC00, v11;
	v6 =	vshll.u32 v7, $0xC;
	(pc) =	sbr.rel @!p1 .LBB2_195-.Ltmp102, $4  }
0x7d4: {  	[tilespmem:s9+$0x3000] =	vst v8;
	v11 =	vshll.u32 v8, $0xC;
	v8 =	vand.u32 $0x7F, v15;
	v6 =	vadd.s32 v18, v6  }
0x7d5: {  	v12 =	vand.u32 $0xFFFFFC00, v12;
	v16 =	vand.u32 $0xFFFFFC00, v16;
	[tilespmem:s10+$0x3000] =	vst v14;
	v6 =	vor.u32 v8, v6  }
0x7d6: {  	v15 =	vshll.u32 v14, $0xC;
	[tilespmem:v9+s18+$0x0] =	vst.idx.msk $0xffff, v0;
	v9 =	vshll.u32 v10, $0xC;
	v6 =	vor.u32 $0x380, v6  }
0x7d7: {  	s7 =	simm.s32 $0x4;
	s8 =	simm.s32 $0x480;
	p0 =	por $0x1, $0x1;
	[tilespmem:v13+s18+$0x0] =	vst.idx.msk $0xffff, v0;
	v13 =	vand.u32 $0xFFFFFC00, v17;
	v8 =	vadd.s32 v12, v15;
	v9 =	vadd.s32 v16, v9  }
.LBB2_196:
0x7d8: {  	s9 =	sor.u32 $0x390, s8;
	s10 =	sor.u32 $0x3B0, s8;
	s7 =	sadd.s32 $0x4, s7;
	v11 =	vadd.s32 v13, v11;
	v3 =	vand.u32 $0x7F, v3;
	v4 =	vand.u32 $0x7F, v4;
	[tilespmem:v5+s18+$0x0] =	vst.idx.msk $0xffff, v0  }
0x7d9: {  	s11 =	sor.u32 $0x380, s8;
	v5 =	vand.u32 $0x7F, v2;
	v12 =	vld [tilespmem:s10+$0x1000];
	p1 =	slt.u32 s7, $0x1C;
	v3 =	vor.u32 v3, v8;
	[tilespmem:s2+$0x3000] =	vst v10;
	s2 =	sor.u32 $0x3A0, s8;
	v4 =	vor.u32 v4, v9  }
0x7da: {  	v9 =	vor.u32 v5, v11;
	v8 =	vld [tilespmem:s11+$0x1000];
	v5 =	vor.u32 $0x380, v3;
	v13 =	vor.u32 $0x380, v4;
	[tilespmem:s0+$0x3000] =	vst v7;
	s0 =	smov.u32 s10  }
0x7db: {  	v2 =	vadd.s32 $0x40, v2;
	v9 =	vor.u32 $0x380, v9;
	v14 =	vld [tilespmem:s9+$0x1000];
	[tilespmem:v6+s18+$0x0] =	vst.idx.msk $0xffff, v0  }
0x7dc: {  	v3 =	vadd.s32 $0x10, v2;
	v4 =	vadd.s32 $0x20, v2;
	v6 =	vadd.s32 $0x30, v2;
	v10 =	vld [tilespmem:s2+$0x1000]  }
0x7dd: {  	v15 =	vshll.u32 v3, $0x3;
	v16 =	vshll.u32 v4, $0x3;
	v11 =	vshll.u32 v6, $0x3  }
.Ltmp103:
0x7de: {  	v17 =	vshll.u32 v2, $0x3;
	v19 =	vand.u32 $0xFFFFFC00, v11;
	v18 =	vshll.u32 v12, $0xC;
	v7 =	vmovc v12;
	(pc) =	sbr.rel @p1 .LBB2_196-.Ltmp103, $4  }
0x7df: {  	v6 =	vand.u32 $0x7F, v6;
	[tilespmem:s11+$0x3000] =	vst v8;
	v11 =	vshll.u32 v8, $0xC;
	v8 =	vadd.s32 v19, v18  }
0x7e0: {  	v15 =	vand.u32 $0xFFFFFC00, v15;
	v12 =	vshll.u32 v14, $0xC;
	v6 =	vor.u32 v6, v8;
	[tilespmem:v9+s18+$0x0] =	vst.idx.msk $0xffff, v0  }
0x7e1: {  	v16 =	vand.u32 $0xFFFFFC00, v16;
	v9 =	vshll.u32 v10, $0xC;
	v6 =	vor.u32 $0x380, v6;
	[tilespmem:v13+s18+$0x0] =	vst.idx.msk $0xffff, v0  }
0x7e2: {  	s8 =	sadd.s32 $0x240, s8;
	v13 =	vand.u32 $0xFFFFFC00, v17;
	v8 =	vadd.s32 v15, v12;
	[tilespmem:s9+$0x3000] =	vst v14;
	v9 =	vadd.s32 v16, v9  }
0x7e3: {  	s8 =	smov.u32 s2;
	v12 =	vmov v7;
	s7 =	smov.u32 s0  }
.LBB2_198:
0x7e4: {  	_ = 	snop  }
0x7e5: {  	v7 =	vadd.s32 v13, v11;
	v2 =	vand.u32 $0x7F, v2  }
0x7e6: {  	v4 =	vand.u32 $0x7F, v4;
	v2 =	vor.u32 v2, v7  }
0x7e7: {  	v3 =	vand.u32 $0x7F, v3;
	v4 =	vor.u32 v4, v9;
	v2 =	vor.u32 $0x380, v2  }
0x7e8: {  	[tilespmem:v5+s18+$0x0] =	vst.idx.msk @p0 $0xffff, v0;
	v3 =	vor.u32 v3, v8;
	v4 =	vor.u32 $0x380, v4  }
0x7e9: {  	[tilespmem:s8+$0x3000] =	vst v10;
	v3 =	vor.u32 $0x380, v3  }
0x7ea: {  	[tilespmem:s7+$0x3000] =	vst v12  }
0x7eb: {  	[tilespmem:v6+s18+$0x0] =	vst.idx.msk $0xffff, v0  }
0x7ec: {  	[tilespmem:v2+s18+$0x0] =	vst.idx.msk $0xffff, v0  }
0x7ed: {  	[tilespmem:v4+s18+$0x0] =	vst.idx.msk $0xffff, v0  }
0x7ee: {  	s0 =	sadd.s32 s29, s13;
	s31 =	smin.u32 s28, $0x4;
	[tilespmem:v3+s18+$0x0] =	vst.idx.msk $0xffff, v0  }
0x7ef: {  	[hbm4b:s0+s16] =	stream.strided.scatter [tilespmem:s18], [sflag:$0x4], $0xA000, s21, s16, $0x38;
	[tilespmem:$0x18000] =	vst v63  }
0x7f0: {  	p0 =	sne.s32 s26, $0x3;
	s0 =	sadd.s32 $0x2, s31  }
.Ltmp104:
0x7f1: {  	s0 =	sshrl.u32 s0, $0x1;
	(pc) =	sbr.rel @p0 .LBB2_82-.Ltmp104, $4  }
.Ltmp105:
0x7f2: {  	s0 =	sadd.s32 s12, s0;
	(pc) =	sbr.rel @!p0 .LBB2_199-.Ltmp105, $4  }
0x7f3: {  	s0 =	sshll.u32 s0, $0xA  }
0x7f4: {  	s0 =	sadd.s32 s0, s14  }
0x7f5: {  	[tilespmem:s16], [sflag:$0x2] =	stream.linear.gather [hbm4b:s0+s4], $0x1000, $0x38;
	[tilespmem:$0x18000] =	vst v63  }
0x7f6: {  	_ = 	snop  }
.LBB2_95:
.Ltmp106:
0x7f7: {  	(pc) =	sbr.rel .LBB2_98-.Ltmp106, $3  }
0x7f8: {  	_ =	sdelay $0x1  }
0x7f9: {  	v20 =	vmov v6;
	v22 =	vmov v9  }
0x7fa: {  	v18 =	vmovc v5;
	v19 =	vmovc v7;
	v14 =	vmov v4;
	v12 =	vmov v3;
	v10 =	vlaneseq.u32  }
.LBB2_105:
.Ltmp107:
0x7fb: {  	(pc) =	sbr.rel .LBB2_110-.Ltmp107, $2  }
0x7fc: {  	_ =	sdelay $0x2  }
0x7fd: {  	v20 =	vmovc v5;
	v24 =	vmovc v7;
	v16 =	vmov v4;
	v15 =	vmov v3;
	v12 =	vlaneseq.u32;
	p2 =	por $0x0, $0x0  }
.LBB2_111:
.Ltmp108:
0x7fe: {  	(pc) =	sbr.rel .LBB2_116-.Ltmp108, $2  }
0x7ff: {  	_ =	sdelay $0x2  }
0x800: {  	_ = 	snop  }
.LBB2_117:
.Ltmp109:
0x801: {  	(pc) =	sbr.rel .LBB2_122-.Ltmp109, $3  }
0x802: {  	_ =	sdelay $0x1  }
0x803: {  	v23 =	vmov v7;
	v25 =	vmov v8  }
0x804: {  	v21 =	vmovc v5;
	v22 =	vmovc v6;
	v17 =	vmov v4;
	v15 =	vmov v3;
	v13 =	vlaneseq.u32;
	p3 =	por $0x0, $0x0  }
.LBB2_123:
.Ltmp110:
0x805: {  	(pc) =	sbr.rel .LBB2_128-.Ltmp110, $2  }
0x806: {  	_ =	sdelay $0x2  }
0x807: {  	_ = 	snop  }
.LBB2_129:
.Ltmp111:
0x808: {  	(pc) =	sbr.rel .LBB2_134-.Ltmp111, $3  }
0x809: {  	_ =	sdelay $0x1  }
0x80a: {  	v23 =	vmov v6;
	v25 =	vmov v9  }
0x80b: {  	v21 =	vmovc v5;
	v22 =	vmovc v7;
	v17 =	vmov v3;
	v15 =	vmov v4;
	v13 =	vlaneseq.u32;
	p2 =	por $0x0, $0x0  }
.LBB2_135:
.Ltmp112:
0x80c: {  	(pc) =	sbr.rel .LBB2_140-.Ltmp112, $2  }
0x80d: {  	_ =	sdelay $0x2  }
0x80e: {  	_ = 	snop  }
.LBB2_153:
.Ltmp113:
0x80f: {  	(pc) =	sbr.rel .LBB2_156-.Ltmp113, $3  }
0x810: {  	_ =	sdelay $0x1  }
0x811: {  	v20 =	vmov v6;
	v22 =	vmov v9  }
0x812: {  	v18 =	vmovc v5;
	v19 =	vmovc v7;
	v14 =	vmov v4;
	v12 =	vmov v3;
	v10 =	vlaneseq.u32  }
.LBB2_163:
.Ltmp114:
0x813: {  	(pc) =	sbr.rel .LBB2_168-.Ltmp114, $2  }
0x814: {  	_ =	sdelay $0x2  }
0x815: {  	v20 =	vmovc v5;
	v24 =	vmovc v7;
	v16 =	vmov v4;
	v15 =	vmov v3;
	v12 =	vlaneseq.u32;
	p2 =	por $0x0, $0x0  }
.LBB2_169:
.Ltmp115:
0x816: {  	(pc) =	sbr.rel .LBB2_174-.Ltmp115, $2  }
0x817: {  	_ =	sdelay $0x2  }
0x818: {  	_ = 	snop  }
.LBB2_175:
.Ltmp116:
0x819: {  	(pc) =	sbr.rel .LBB2_180-.Ltmp116, $3  }
0x81a: {  	_ =	sdelay $0x1  }
0x81b: {  	v23 =	vmov v7;
	v25 =	vmov v8  }
0x81c: {  	v21 =	vmovc v5;
	v22 =	vmovc v6;
	v17 =	vmov v4;
	v15 =	vmov v3;
	v13 =	vlaneseq.u32;
	p3 =	por $0x0, $0x0  }
.LBB2_181:
.Ltmp117:
0x81d: {  	(pc) =	sbr.rel .LBB2_186-.Ltmp117, $2  }
0x81e: {  	_ =	sdelay $0x2  }
0x81f: {  	_ = 	snop  }
.LBB2_187:
.Ltmp118:
0x820: {  	(pc) =	sbr.rel .LBB2_192-.Ltmp118, $3  }
0x821: {  	_ =	sdelay $0x1  }
0x822: {  	v23 =	vmov v6;
	v25 =	vmov v9  }
0x823: {  	v21 =	vmovc v5;
	v22 =	vmovc v7;
	v17 =	vmov v3;
	v15 =	vmov v4;
	v13 =	vlaneseq.u32;
	p2 =	por $0x0, $0x0  }
.LBB2_193:
.Ltmp119:
0x824: {  	(pc) =	sbr.rel .LBB2_198-.Ltmp119, $2  }
0x825: {  	_ =	sdelay $0x2  }
0x826: {  	_ = 	snop  }
.LBB2_107:
.Ltmp120:
0x827: {  	(pc) =	sbr.rel .LBB2_110-.Ltmp120, $2  }
0x828: {  	_ =	sdelay $0x2  }
0x829: {  	s2 =	smov.u32 s0;
	v19 =	vmov v17  }
.LBB2_113:
.Ltmp121:
0x82a: {  	(pc) =	sbr.rel .LBB2_116-.Ltmp121, $2  }
0x82b: {  	_ =	sdelay $0x2  }
0x82c: {  	v14 =	vmov v12;
	s8 =	smov.u32 s7  }
.LBB2_119:
.Ltmp122:
0x82d: {  	(pc) =	sbr.rel .LBB2_122-.Ltmp122, $2  }
0x82e: {  	_ =	sdelay $0x2  }
0x82f: {  	v16 =	vmov v19;
	s8 =	smov.u32 s7  }
.LBB2_125:
.Ltmp123:
0x830: {  	(pc) =	sbr.rel .LBB2_128-.Ltmp123, $2  }
0x831: {  	_ =	sdelay $0x2  }
0x832: {  	v15 =	vmov v13;
	s8 =	smov.u32 s7  }
.LBB2_131:
.Ltmp124:
0x833: {  	(pc) =	sbr.rel .LBB2_134-.Ltmp124, $2  }
0x834: {  	_ =	sdelay $0x2  }
0x835: {  	v16 =	vmov v19;
	s7 =	smov.u32 s2  }
.LBB2_137:
.Ltmp125:
0x836: {  	(pc) =	sbr.rel .LBB2_140-.Ltmp125, $2  }
0x837: {  	_ =	sdelay $0x2  }
0x838: {  	s8 =	smov.u32 s2;
	v12 =	vmov v7;
	s7 =	smov.u32 s0  }
.LBB2_165:
.Ltmp126:
0x839: {  	(pc) =	sbr.rel .LBB2_168-.Ltmp126, $2  }
0x83a: {  	_ =	sdelay $0x2  }
0x83b: {  	s7 =	smov.u32 s2;
	v19 =	vmov v17  }
.LBB2_171:
.Ltmp127:
0x83c: {  	(pc) =	sbr.rel .LBB2_174-.Ltmp127, $2  }
0x83d: {  	_ =	sdelay $0x2  }
0x83e: {  	v14 =	vmov v12;
	s8 =	smov.u32 s0  }
.LBB2_177:
.Ltmp128:
0x83f: {  	(pc) =	sbr.rel .LBB2_180-.Ltmp128, $2  }
0x840: {  	_ =	sdelay $0x2  }
0x841: {  	v16 =	vmov v19;
	s8 =	smov.u32 s7  }
.LBB2_183:
.Ltmp129:
0x842: {  	(pc) =	sbr.rel .LBB2_186-.Ltmp129, $2  }
0x843: {  	_ =	sdelay $0x2  }
0x844: {  	v15 =	vmov v13;
	s8 =	smov.u32 s7  }
.LBB2_189:
.Ltmp130:
0x845: {  	(pc) =	sbr.rel .LBB2_192-.Ltmp130, $2  }
0x846: {  	_ =	sdelay $0x2  }
0x847: {  	v16 =	vmov v19;
	s8 =	smov.u32 s7  }
.LBB2_195:
.Ltmp131:
0x848: {  	(pc) =	sbr.rel .LBB2_198-.Ltmp131, $2  }
0x849: {  	_ =	sdelay $0x2  }
0x84a: {  	s8 =	smov.u32 s2;
	v12 =	vmov v7;
	s7 =	smov.u32 s0  }
.LBB2_6:
.Ltmp132:
0x84b: {  	(pc) =	sbr.rel .LBB2_11-.Ltmp132, $2  }
0x84c: {  	_ =	sdelay $0x2  }
0x84d: {  	v20 =	vmovc v5;
	v24 =	vmovc v7;
	v16 =	vmov v4;
	v15 =	vmov v3;
	v12 =	vlaneseq.u32;
	p2 =	por $0x0, $0x0  }
.LBB2_12:
.Ltmp133:
0x84e: {  	(pc) =	sbr.rel .LBB2_17-.Ltmp133, $2  }
0x84f: {  	_ =	sdelay $0x2  }
0x850: {  	_ = 	snop  }
.LBB2_18:
.Ltmp134:
0x851: {  	(pc) =	sbr.rel .LBB2_23-.Ltmp134, $3  }
0x852: {  	_ =	sdelay $0x1  }
0x853: {  	v23 =	vmov v7;
	v25 =	vmov v8  }
0x854: {  	v21 =	vmovc v5;
	v22 =	vmovc v6;
	v17 =	vmov v4;
	v15 =	vmov v3;
	v13 =	vlaneseq.u32;
	p3 =	por $0x0, $0x0  }
.LBB2_24:
.Ltmp135:
0x855: {  	(pc) =	sbr.rel .LBB2_29-.Ltmp135, $2  }
0x856: {  	_ =	sdelay $0x2  }
0x857: {  	_ = 	snop  }
.LBB2_30:
.Ltmp136:
0x858: {  	(pc) =	sbr.rel .LBB2_35-.Ltmp136, $3  }
0x859: {  	_ =	sdelay $0x1  }
0x85a: {  	v23 =	vmov v6;
	v25 =	vmov v9  }
0x85b: {  	v21 =	vmovc v5;
	v22 =	vmovc v7;
	v17 =	vmov v3;
	v15 =	vmov v4;
	v13 =	vlaneseq.u32;
	p2 =	por $0x0, $0x0  }
.LBB2_36:
.Ltmp137:
0x85c: {  	(pc) =	sbr.rel .LBB2_41-.Ltmp137, $2  }
0x85d: {  	_ =	sdelay $0x2  }
0x85e: {  	_ = 	snop  }
.LBB2_46:
.Ltmp138:
0x85f: {  	(pc) =	sbr.rel .LBB2_51-.Ltmp138, $2  }
0x860: {  	_ =	sdelay $0x2  }
0x861: {  	v20 =	vmovc v5;
	v24 =	vmovc v7;
	v16 =	vmov v4;
	v15 =	vmov v3;
	v12 =	vlaneseq.u32;
	p2 =	por $0x0, $0x0  }
.LBB2_52:
.Ltmp139:
0x862: {  	(pc) =	sbr.rel .LBB2_57-.Ltmp139, $2  }
0x863: {  	_ =	sdelay $0x2  }
0x864: {  	_ = 	snop  }
.LBB2_58:
.Ltmp140:
0x865: {  	(pc) =	sbr.rel .LBB2_63-.Ltmp140, $3  }
0x866: {  	_ =	sdelay $0x1  }
0x867: {  	v23 =	vmov v7;
	v25 =	vmov v8  }
0x868: {  	v21 =	vmovc v5;
	v22 =	vmovc v6;
	v17 =	vmov v4;
	v15 =	vmov v3;
	v13 =	vlaneseq.u32;
	p3 =	por $0x0, $0x0  }
.LBB2_64:
.Ltmp141:
0x869: {  	(pc) =	sbr.rel .LBB2_69-.Ltmp141, $2  }
0x86a: {  	_ =	sdelay $0x2  }
0x86b: {  	_ = 	snop  }
.LBB2_70:
.Ltmp142:
0x86c: {  	(pc) =	sbr.rel .LBB2_75-.Ltmp142, $3  }
0x86d: {  	_ =	sdelay $0x1  }
0x86e: {  	v23 =	vmov v6;
	v25 =	vmov v9  }
0x86f: {  	v21 =	vmovc v5;
	v22 =	vmovc v7;
	v17 =	vmov v3;
	v15 =	vmov v4;
	v13 =	vlaneseq.u32;
	p2 =	por $0x0, $0x0  }
.LBB2_76:
.Ltmp143:
0x870: {  	(pc) =	sbr.rel .LBB2_81-.Ltmp143, $2  }
0x871: {  	_ =	sdelay $0x2  }
0x872: {  	_ = 	snop  }
.LBB2_8:
.Ltmp144:
0x873: {  	(pc) =	sbr.rel .LBB2_11-.Ltmp144, $2  }
0x874: {  	_ =	sdelay $0x2  }
0x875: {  	s26 =	smov.u32 s25;
	v19 =	vmov v17  }
.LBB2_14:
.Ltmp145:
0x876: {  	(pc) =	sbr.rel .LBB2_17-.Ltmp145, $2  }
0x877: {  	_ =	sdelay $0x2  }
0x878: {  	v14 =	vmov v12;
	s8 =	smov.u32 s7  }
.LBB2_20:
.Ltmp146:
0x879: {  	(pc) =	sbr.rel .LBB2_23-.Ltmp146, $2  }
0x87a: {  	_ =	sdelay $0x2  }
0x87b: {  	v16 =	vmov v19;
	s8 =	smov.u32 s7  }
.LBB2_26:
.Ltmp147:
0x87c: {  	(pc) =	sbr.rel .LBB2_29-.Ltmp147, $2  }
0x87d: {  	_ =	sdelay $0x2  }
0x87e: {  	v15 =	vmov v13;
	s8 =	smov.u32 s7  }
.LBB2_32:
.Ltmp148:
0x87f: {  	(pc) =	sbr.rel .LBB2_35-.Ltmp148, $2  }
0x880: {  	_ =	sdelay $0x2  }
0x881: {  	v16 =	vmov v19;
	s8 =	smov.u32 s7  }
.LBB2_38:
.Ltmp149:
0x882: {  	(pc) =	sbr.rel .LBB2_41-.Ltmp149, $2  }
0x883: {  	_ =	sdelay $0x2  }
0x884: {  	s8 =	smov.u32 s2;
	v12 =	vmov v7;
	s7 =	smov.u32 s0  }
.LBB2_48:
.Ltmp150:
0x885: {  	(pc) =	sbr.rel .LBB2_51-.Ltmp150, $2  }
0x886: {  	_ =	sdelay $0x2  }
0x887: {  	s2 =	smov.u32 s0;
	v19 =	vmov v17  }
.LBB2_54:
.Ltmp151:
0x888: {  	(pc) =	sbr.rel .LBB2_57-.Ltmp151, $2  }
0x889: {  	_ =	sdelay $0x2  }
0x88a: {  	v14 =	vmov v12;
	s8 =	smov.u32 s7  }
.LBB2_60:
.Ltmp152:
0x88b: {  	(pc) =	sbr.rel .LBB2_63-.Ltmp152, $2  }
0x88c: {  	_ =	sdelay $0x2  }
0x88d: {  	v16 =	vmov v19;
	s8 =	smov.u32 s7  }
.LBB2_66:
.Ltmp153:
0x88e: {  	(pc) =	sbr.rel .LBB2_69-.Ltmp153, $2  }
0x88f: {  	_ =	sdelay $0x2  }
0x890: {  	v15 =	vmov v13;
	s8 =	smov.u32 s7  }
.LBB2_72:
.Ltmp154:
0x891: {  	(pc) =	sbr.rel .LBB2_75-.Ltmp154, $2  }
0x892: {  	_ =	sdelay $0x2  }
0x893: {  	v16 =	vmov v19;
	s7 =	smov.u32 s2  }
.LBB2_78:
.Ltmp155:
0x894: {  	(pc) =	sbr.rel .LBB2_81-.Ltmp155, $2  }
0x895: {  	_ =	sdelay $0x2  }
0x896: {  	s8 =	smov.u32 s2;
	v12 =	vmov v7;
	s7 =	smov.u32 s0  }
.LBB2_200:
0x897: {  	_ =	sfence.sel $0x180000  }
0x898: {  	[bflag:$0x0] =	sbarrier.arrive $0xFFFF  }
0x899: {  	_ =	strace $0x90000047  }
0x89a: {  	s0 =	stileid.u32;
	[bflag:$0x2] =	sbarrier.arrive $0xFFFF  }
0x89b: {  	p0 =	sne.s32 s0, $0x0;
	s0 =	rddreg [dreg:$0x3]  }
0x89c: {  	s0 =	sadd.s32 @!p0 $0x100000, s0  }
0x89d: {  	[sflag:s0] =	ssyncadd.tile.s32 @!p0 $0x1;
	_ =	shalt  }
.Lfunc_end2:
_tile_overlayer_lowered:
.L_overlay_start_2:
0x89e: {  	(tag) =	ssettag $0x2  }
0x89f: {  	s0 =	rddreg [dreg:$0x0];
	s2 =	stileid.u32  }
0x8a0: {  	s1 =	rddreg [dreg:$0x1];
	p0 =	sne.s32 s2, $0x0  }
0x8a1: {  	s3 =	rddreg [dreg:$0x2];
	[bflag:$0x3] =	sbarrier.arrive $0xFFFF;
	s2 =	simm.s32 @!p0 $0x1C05  }
0x8a2: {  	[timem:s3], [sflag:s2] =	dma.local @!p0 [hbm:s0], s1  }
0x8a3: {  	s0 =	simm.s32 @!p0 $0x5  }
0x8a4: {  	_ =	swait.ge @!p0 [sflag:s0], s1  }
0x8a5: {  	s1 =	ssub.s32 @!p0 $0x0, s1;
	[sflag:s0] =	ssyncset.done @!p0 $0x0  }
0x8a6: {  	[sflag:s0] =	ssyncadd.s32 @!p0 s1  }
0x8a7: {  	[bflag:$0x3] =	sbarrier.arrive $0xFFFF  }
0x8a8: {  	_ =	shalt  }

</sc_bundles>
